<compile_context>
chip_gen: v7x
topology: tpu7x:2x2x1
jax: 0.10.2.dev20260603
libtpu: 0.0.44.dev20260713+nightly
codegen_flags: <defaults>
</compile_context>

<pallas_src>
import functools

import jax
import jax.numpy as jnp
from jax import lax
from jax.experimental import pallas as pl
from jax.experimental.pallas import tpu as pltpu
from jax.experimental.pallas import tpu_sc as plsc

NBUF = 8
CHUNK = 64
SC_NBUF = 4
SC_CHUNK = 2
TC_FRAC_NUM, TC_FRAC_DEN = 7, 8


def _creator_body(out_ref, seed_v, sem):
    pltpu.make_async_copy(seed_v, out_ref.at[pl.ds(0, 8)], sem).start()
    pltpu.make_async_copy(seed_v, out_ref.at[pl.ds(0, 8)], sem).wait()


def _make_creator(m, s, i, dtype):
    return pl.pallas_call(
        _creator_body,
        out_specs=pl.BlockSpec(memory_space=pltpu.HBM),
        scratch_shapes=[
            pltpu.VMEM((8, s, i), dtype),
            pltpu.SemaphoreType.DMA,
        ],
        out_shape=jax.ShapeDtypeStruct((m, s, i), dtype),
    )


def _tc_body(top_ref, shifted_ref, trees_hbm, target_hbm, dum_ref,
             inbuf, outbuf, in_sems, out_sems):
    s, i = trees_hbm.shape[1], trees_hbm.shape[2]
    m_tc = (trees_hbm.shape[0] * TC_FRAC_NUM) // TC_FRAC_DEN
    n_chunks = m_tc // CHUNK

    def in_copy(c, b):
        return pltpu.make_async_copy(
            trees_hbm.at[pl.ds(c * CHUNK, CHUNK)],
            inbuf.at[pl.ds(b * CHUNK, CHUNK)],
            in_sems.at[b],
        )

    def out_copy(c, b):
        return pltpu.make_async_copy(
            outbuf.at[pl.ds(b * CHUNK, CHUNK)],
            target_hbm.at[pl.ds(c * CHUNK, CHUNK)],
            out_sems.at[b],
        )

    dum_ref[...] = jnp.zeros_like(dum_ref)
    for b in range(NBUF):
        in_copy(b, b).start()

    def step(c, carry):
        b = lax.rem(c, NBUF)

        @pl.when(c >= NBUF)
        def _():
            out_copy(c - NBUF, b).wait()

        in_copy(c, b).wait()
        rows = inbuf[pl.ds(b * CHUNK, CHUNK)]
        top = top_ref[pl.ds(c * CHUNK, CHUNK)]
        shifted = shifted_ref[pl.ds(c * CHUNK, CHUNK)]
        stack_iota = lax.broadcasted_iota(jnp.int32, (CHUNK, s, i), 1)
        outbuf[pl.ds(b * CHUNK, CHUNK)] = jnp.where(
            stack_iota == top, shifted, rows
        )
        out_copy(c, b).start()

        @pl.when(c + NBUF < n_chunks)
        def _():
            in_copy(c + NBUF, b).start()

        return carry

    lax.fori_loop(0, n_chunks, step, 0)
    for b in range(NBUF):
        c = n_chunks - NBUF + b
        out_copy(c, c % NBUF).wait()


def _make_tc_call(m, s, i, dtype):
    m_tc = (m * TC_FRAC_NUM) // TC_FRAC_DEN
    return pl.pallas_call(
        _tc_body,
        in_specs=[
            pl.BlockSpec(memory_space=pltpu.VMEM),
            pl.BlockSpec(memory_space=pltpu.VMEM),
            pl.BlockSpec(memory_space=pltpu.HBM),
            pl.BlockSpec(memory_space=pltpu.HBM),
        ],
        out_specs=pl.BlockSpec(memory_space=pltpu.VMEM),
        scratch_shapes=[
            pltpu.VMEM((NBUF * CHUNK, s, i), dtype),
            pltpu.VMEM((NBUF * CHUNK, s, i), dtype),
            pltpu.SemaphoreType.DMA((NBUF,)),
            pltpu.SemaphoreType.DMA((NBUF,)),
        ],
        out_shape=jax.ShapeDtypeStruct((8, 128), dtype),
    )


def _make_sc_call(m, s, i, slots, h, dtype):
    info = plsc.get_sparse_core_info()
    nw = info.num_cores * info.num_subcores
    m_sc = m - (m * TC_FRAC_NUM) // TC_FRAC_DEN
    sc_base0 = m - m_sc
    rows_w = m_sc // nw
    g_per_w = m // nw
    n_chunks = rows_w // SC_CHUNK
    mesh = plsc.VectorSubcoreMesh(core_axis_name="c", subcore_axis_name="s")

    @functools.partial(
        pl.kernel,
        mesh=mesh,
        out_type=jax.ShapeDtypeStruct((m, h), dtype),
        scratch_types=[
            pltpu.VMEM((g_per_w,), jnp.int32),
            pltpu.VMEM((rows_w,), jnp.int32),
            pltpu.VMEM((g_per_w, h), dtype),
            pltpu.VMEM((rows_w, h), dtype),
            [pltpu.VMEM((SC_CHUNK, s, i), dtype) for _ in range(SC_NBUF)],
            [pltpu.SemaphoreType.DMA for _ in range(SC_NBUF)],
            [pltpu.SemaphoreType.DMA for _ in range(SC_NBUF)],
            pltpu.SemaphoreType.DMA,
            pltpu.SemaphoreType.DMA,
        ],
    )
    def sc_k(top_hbm, trees_hbm, shifted_hbm, hid_hbm, target_hbm, head_hbm,
             top_v, top_sv, rows_v, shifted_v, bufs, in_sems, out_sems,
             sem_g, sem_s):
        wid = lax.axis_index("s") * info.num_cores + lax.axis_index("c")
        gbase = wid * g_per_w
        gslab = pl.ds(gbase, g_per_w)
        base = sc_base0 + wid * rows_w

        def chunk(c):
            return pl.ds(base + c * SC_CHUNK, SC_CHUNK)

        pltpu.sync_copy(top_hbm.at[gslab], top_v)
        pltpu.sync_copy(top_hbm.at[pl.ds(base, rows_w)], top_sv)
        pltpu.sync_copy(shifted_hbm.at[pl.ds(base, rows_w)], shifted_v)

        for c in range(g_per_w // 16):
            tv = top_v[pl.ds(c * 16, 16)]
            for k in range(16):
                j = c * 16 + k
                pltpu.make_async_copy(
                    hid_hbm.at[gbase + j, pl.ds(tv[k] + 1, 1)],
                    rows_v.at[pl.ds(j, 1)],
                    sem_g,
                ).start()

        for b in range(SC_NBUF):
            pltpu.make_async_copy(trees_hbm.at[chunk(b)], bufs[b], in_sems[b]).start()
        for c in range(n_chunks):
            b = c % SC_NBUF
            pltpu.make_async_copy(trees_hbm.at[chunk(c)], bufs[b], in_sems[b]).wait()
            pltpu.make_async_copy(bufs[b], target_hbm.at[chunk(c)], out_sems[b]).start()
            nxt = c + SC_NBUF
            if nxt < n_chunks:
                pltpu.make_async_copy(bufs[b], target_hbm.at[chunk(c)], out_sems[b]).wait()
                pltpu.make_async_copy(trees_hbm.at[chunk(nxt)], bufs[b], in_sems[b]).start()
        for c in range(max(n_chunks - SC_NBUF, 0), n_chunks):
            b = c % SC_NBUF
            pltpu.make_async_copy(bufs[b], target_hbm.at[chunk(c)], out_sems[b]).wait()

        for c in range(rows_w // 16):
            tv = top_sv[pl.ds(c * 16, 16)]
            for k in range(16):
                j = c * 16 + k
                pltpu.make_async_copy(
                    shifted_v.at[pl.ds(j, 1)],
                    target_hbm.at[base + j, pl.ds(tv[k], 1)],
                    sem_s,
                ).start()

        pltpu.make_async_copy(head_hbm.at[gslab], rows_v, sem_g).wait()
        pltpu.sync_copy(rows_v, head_hbm.at[gslab])
        pltpu.make_async_copy(head_hbm.at[pl.ds(gbase, rows_w)], shifted_v, sem_s).wait()

    return sc_k


def kernel(trees, hiddens, shifted_embs, top_position):
    m, s, i = trees.shape
    slots = hiddens.shape[1]
    h = hiddens.shape[2]
    m_tc = (m * TC_FRAC_NUM) // TC_FRAC_DEN
    target = _make_creator(m, s, i, trees.dtype)()
    tc_dummy = _make_tc_call(m, s, i, trees.dtype)(
        top_position[:m_tc].reshape(m_tc, 1, 1),
        shifted_embs[:m_tc].reshape(m_tc, 1, i),
        trees,
        target,
    )
    hidden_head = _make_sc_call(m, s, i, slots, h, trees.dtype)(
        top_position, trees, shifted_embs, hiddens, target
    )
    new_trees, _, hidden_head = lax.optimization_barrier(
        (target, tc_dummy, hidden_head)
    )
    return (new_trees, hidden_head)

# --- scband reference (transcript-rebuilt; emitter-appended) ---
"""Pipeline reference for scband-generalized-action-fixed-stack-rnng-44083544326936 (READ-ONLY COPY).

The authoritative reference and input builder live on the scoring server;
editing this copy changes nothing except your own understanding.
"""

import jax, jax.numpy as jnp
import numpy as np

BATCH_SIZE = 256
SAMPLE_SIZE = 1
BEAM_SIZE = 16
M = BATCH_SIZE * SAMPLE_SIZE * BEAM_SIZE  # flattened parallel size 4096
STACK_SIZE = 64
INPUT_SIZE = 128
HIDDEN_SIZE = 128


def setup_inputs(seed: int = 0) -> dict:
    key = jax.random.key(seed)
    k1, k2, k3, k4 = jax.random.split(key, 4)
    # trees: the stack memory of tree embeddings (parallel_size flattened, stack_size, input_size)
    trees = jax.random.normal(k1, (M, STACK_SIZE, INPUT_SIZE), dtype=jnp.float32)
    # hiddens: stack of LSTM hidden states (stack_size + 1 slots, slot 0 holds initial_hidden)
    hiddens = jax.random.normal(k2, (M, STACK_SIZE + 1, HIDDEN_SIZE), dtype=jnp.float32)
    # shifted_embs: embeddings of shifted tokens to be pushed onto the stack
    shifted_embs = jax.random.normal(k3, (M, INPUT_SIZE), dtype=jnp.float32)
    # top_position: current stack top pointer per beam item (strictly < STACK_SIZE so SHIFT is legal)
    top_position = jax.random.randint(k4, (M,), 0, STACK_SIZE, dtype=jnp.int32)
    return {
        "trees": trees,
        "hiddens": hiddens,
        "shifted_embs": shifted_embs,
        "top_position": top_position,
    }


def reference(trees, hiddens, shifted_embs, top_position):
    # Faithful jax translation of GeneralizedActionFixedStack.do_shift followed by
    # hidden_head(): scatter-overwrite of shifted embeddings into the stack memory
    # at the per-row top_position, advance pointer/top_position, then gather the
    # new hidden head from the hidden stack.
    rows = jnp.arange(trees.shape[0])
    # self.trees[shift_batches + (self.top_position[shift_batches],)] = shifted_embs
    new_trees = trees.at[rows, top_position].set(shifted_embs)
    # self.top_position[shift_batches] = self.top_position[shift_batches] + 1
    new_top = top_position + 1
    # hidden_head(): self.hiddens[batch_index + (self.top_position - offset,)]
    hidden_head = hiddens[rows, new_top]
    return (new_trees, hidden_head)

if __name__ == "__main__":
    import jax
    _d = setup_inputs()
    print(jax.jit(kernel)(*tuple(_d.values())))

</pallas_src>

<mosaic_0001>
#map = affine_map<(d0, d1) -> (0)>
#map1 = affine_map<(d0, d1) -> (0, 0, 0)>
#map2 = affine_map<(d0, d1) -> (0, 0)>
module attributes {stable_mosaic.version = 14 : i64} {
  func.func @sc_k(%arg0: i32, %arg1: i32, %arg2: memref<4096xi32, #tpu.memory_space<hbm>>, %arg3: memref<4096x64x128xf32, #tpu.memory_space<hbm>>, %arg4: memref<4096x128xf32, #tpu.memory_space<hbm>>, %arg5: memref<4096x65x128xf32, #tpu.memory_space<hbm>>, %arg6: memref<4096x64x128xf32, #tpu.memory_space<hbm>>, %arg7: memref<4096x128xf32, #tpu.memory_space<hbm>>, %arg8: memref<128xi32, #tpu.memory_space<vmem>>, %arg9: memref<16xi32, #tpu.memory_space<vmem>>, %arg10: memref<128x128xf32, #tpu.memory_space<vmem>>, %arg11: memref<16x128xf32, #tpu.memory_space<vmem>>, %arg12: memref<2x64x128xf32, #tpu.memory_space<vmem>>, %arg13: memref<2x64x128xf32, #tpu.memory_space<vmem>>, %arg14: memref<2x64x128xf32, #tpu.memory_space<vmem>>, %arg15: memref<2x64x128xf32, #tpu.memory_space<vmem>>, %arg16: memref<!tpu.dma_semaphore, #tpu.memory_space<semaphore_mem>>, %arg17: memref<!tpu.dma_semaphore, #tpu.memory_space<semaphore_mem>>, %arg18: memref<!tpu.dma_semaphore, #tpu.memory_space<semaphore_mem>>, %arg19: memref<!tpu.dma_semaphore, #tpu.memory_space<semaphore_mem>>, %arg20: memref<!tpu.dma_semaphore, #tpu.memory_space<semaphore_mem>>, %arg21: memref<!tpu.dma_semaphore, #tpu.memory_space<semaphore_mem>>, %arg22: memref<!tpu.dma_semaphore, #tpu.memory_space<semaphore_mem>>, %arg23: memref<!tpu.dma_semaphore, #tpu.memory_space<semaphore_mem>>, %arg24: memref<!tpu.dma_semaphore, #tpu.memory_space<semaphore_mem>>, %arg25: memref<!tpu.dma_semaphore, #tpu.memory_space<semaphore_mem>>) attributes {dimension_semantics = [#tpu.dimension_semantics<core_parallel>, #tpu.dimension_semantics<subcore_parallel>], iteration_bounds = array<i64: 2, 16>, scalar_prefetch = 0 : i64, scratch_operands = 18 : i64, tpu.core_type = #tpu.core_type<sc_vector_subcore>, window_params = [{transform_indices = #map}, {transform_indices = #map1}, {transform_indices = #map2}, {transform_indices = #map1}, {transform_indices = #map1}, {transform_indices = #map2}]} {
    %mul3A = arith.constant 2 : i32
    %mul3A_0 = arith.muli %arg1, %mul3A : i32
    %add3A = arith.addi %mul3A_0, %arg0 : i32
    %mul3A_1 = arith.constant 128 : i32
    %mul3A_2 = arith.muli %add3A, %mul3A_1 : i32
    %mul3A_3 = arith.constant 16 : i32
    %mul3A_4 = arith.muli %add3A, %mul3A_3 : i32
    %add3A_5 = arith.constant 3584 : i32
    %add3A_6 = arith.addi %add3A_5, %mul3A_4 : i32
    "tpu.region"() ({
      %run_scoped3A = tpu.sem_alloc : memref<!tpu.dma_semaphore, #tpu.memory_space<semaphore_mem>>
      %dma_start3A_2853 = tpu.memref_slice %arg2[%mul3A_2] : memref<4096xi32, #tpu.memory_space<hbm>> -> memref<128xi32, #tpu.memory_space<hbm>>
      %dma_start3A_2854 = tpu.memref_slice %arg2[%mul3A_2] : memref<4096xi32, #tpu.memory_space<hbm>> -> memref<128xi32, #tpu.memory_space<hbm>>
      tpu.enqueue_dma source(%dma_start3A_2854 : memref<128xi32, #tpu.memory_space<hbm>>) target(%arg8 : memref<128xi32, #tpu.memory_space<vmem>>) target_semaphore(%run_scoped3A : memref<!tpu.dma_semaphore, #tpu.memory_space<semaphore_mem>>)
      %dma_wait3A_2855 = tpu.memref_slice %arg2[%mul3A_2] : memref<4096xi32, #tpu.memory_space<hbm>> -> memref<128xi32, #tpu.memory_space<hbm>>
      %dma_wait3A_2856 = tpu.memref_slice %arg2[%mul3A_2] : memref<4096xi32, #tpu.memory_space<hbm>> -> memref<128xi32, #tpu.memory_space<hbm>>
      tpu.wait_dma2 semaphore(%run_scoped3A : memref<!tpu.dma_semaphore, #tpu.memory_space<semaphore_mem>>) src(%dma_wait3A_2856 : memref<128xi32, #tpu.memory_space<hbm>>) dst(%arg8 : memref<128xi32, #tpu.memory_space<vmem>>)
      tpu.yield
    }) : () -> ()
    "tpu.region"() ({
      %run_scoped3A = tpu.sem_alloc : memref<!tpu.dma_semaphore, #tpu.memory_space<semaphore_mem>>
      %dma_start3A_2853 = tpu.memref_slice %arg2[%add3A_6] : memref<4096xi32, #tpu.memory_space<hbm>> -> memref<16xi32, #tpu.memory_space<hbm>>
      %dma_start3A_2854 = tpu.memref_slice %arg2[%add3A_6] : memref<4096xi32, #tpu.memory_space<hbm>> -> memref<16xi32, #tpu.memory_space<hbm>>
      tpu.enqueue_dma source(%dma_start3A_2854 : memref<16xi32, #tpu.memory_space<hbm>>) target(%arg9 : memref<16xi32, #tpu.memory_space<vmem>>) target_semaphore(%run_scoped3A : memref<!tpu.dma_semaphore, #tpu.memory_space<semaphore_mem>>)
      %dma_wait3A_2855 = tpu.memref_slice %arg2[%add3A_6] : memref<4096xi32, #tpu.memory_space<hbm>> -> memref<16xi32, #tpu.memory_space<hbm>>
      %dma_wait3A_2856 = tpu.memref_slice %arg2[%add3A_6] : memref<4096xi32, #tpu.memory_space<hbm>> -> memref<16xi32, #tpu.memory_space<hbm>>
      tpu.wait_dma2 semaphore(%run_scoped3A : memref<!tpu.dma_semaphore, #tpu.memory_space<semaphore_mem>>) src(%dma_wait3A_2856 : memref<16xi32, #tpu.memory_space<hbm>>) dst(%arg9 : memref<16xi32, #tpu.memory_space<vmem>>)
      tpu.yield
    }) : () -> ()
    "tpu.region"() ({
      %run_scoped3A = tpu.sem_alloc : memref<!tpu.dma_semaphore, #tpu.memory_space<semaphore_mem>>
      %dma_start3A_2853 = arith.constant 0 : i32
      %dma_start3A_2854 = tpu.memref_slice %arg4[%add3A_6, %dma_start3A_2853] : memref<4096x128xf32, #tpu.memory_space<hbm>> -> memref<16x128xf32, #tpu.memory_space<hbm>>
      %dma_start3A_2855 = arith.constant 0 : i32
      %dma_start3A_2856 = tpu.memref_slice %arg4[%add3A_6, %dma_start3A_2855] : memref<4096x128xf32, #tpu.memory_space<hbm>> -> memref<16x128xf32, #tpu.memory_space<hbm>>
      tpu.enqueue_dma source(%dma_start3A_2856 : memref<16x128xf32, #tpu.memory_space<hbm>>) target(%arg11 : memref<16x128xf32, #tpu.memory_space<vmem>>) target_semaphore(%run_scoped3A : memref<!tpu.dma_semaphore, #tpu.memory_space<semaphore_mem>>)
      %dma_wait3A_2857 = arith.constant 0 : i32
      %dma_wait3A_2858 = tpu.memref_slice %arg4[%add3A_6, %dma_wait3A_2857] : memref<4096x128xf32, #tpu.memory_space<hbm>> -> memref<16x128xf32, #tpu.memory_space<hbm>>
      %dma_wait3A_2859 = arith.constant 0 : i32
      %dma_wait3A_2860 = tpu.memref_slice %arg4[%add3A_6, %dma_wait3A_2859] : memref<4096x128xf32, #tpu.memory_space<hbm>> -> memref<16x128xf32, #tpu.memory_space<hbm>>
      tpu.wait_dma2 semaphore(%run_scoped3A : memref<!tpu.dma_semaphore, #tpu.memory_space<semaphore_mem>>) src(%dma_wait3A_2860 : memref<16x128xf32, #tpu.memory_space<hbm>>) dst(%arg11 : memref<16x128xf32, #tpu.memory_space<vmem>>)
      tpu.yield
    }) : () -> ()
    %get3A = arith.constant 0 : index
    %get3A_7 = tpu.vector_load %arg8[%get3A] {strides = array<i32>} : memref<128xi32, #tpu.memory_space<vmem>>, vector<16xi32>,
    %get3A_8 = vector.shape_cast %get3A_7 : vector<16xi32> to vector<16xi32>
    %add3A_9 = arith.constant 0 : i32
    %add3A_10 = arith.addi %mul3A_2, %add3A_9 : i32
    %slice3A = vector.extract_strided_slice %get3A_8 {offsets = [0], sizes = [1], strides = [1]} : vector<16xi32> to vector<1xi32>
    %squeeze3A = vector.extract %slice3A[0] : i32 from vector<1xi32>
    %add3A_11 = arith.constant 1 : i32
    %add3A_12 = arith.addi %squeeze3A, %add3A_11 : i32
    %dma_start3A = arith.constant 0 : i32
    %dma_start3A_13 = arith.constant 0 : i32
    %dma_start3A_14 = tpu.memref_slice %arg10[%dma_start3A, %dma_start3A_13] : memref<128x128xf32, #tpu.memory_space<vmem>> -> memref<1x128xf32, #tpu.memory_space<vmem>>
    %dma_start3A_15 = arith.constant 0 : i32
    %dma_start3A_16 = tpu.memref_slice %arg5[%add3A_10, %add3A_12, %dma_start3A_15] : memref<4096x65x128xf32, #tpu.memory_space<hbm>> -> memref<1x1x128xf32, #tpu.memory_space<hbm>>
    %dma_start3A_17 = tpu.memref_squeeze %dma_start3A_16 : memref<1x1x128xf32, #tpu.memory_space<hbm>> -> memref<1x128xf32, #tpu.memory_space<hbm>>
    %dma_start3A_18 = arith.constant 0 : i32
    %dma_start3A_19 = arith.constant 0 : i32
    %dma_start3A_20 = tpu.memref_slice %arg10[%dma_start3A_18, %dma_start3A_19] : memref<128x128xf32, #tpu.memory_space<vmem>> -> memref<1x128xf32, #tpu.memory_space<vmem>>
    %dma_start3A_21 = arith.constant 0 : i32
    %dma_start3A_22 = tpu.memref_slice %arg5[%add3A_10, %add3A_12, %dma_start3A_21] : memref<4096x65x128xf32, #tpu.memory_space<hbm>> -> memref<1x1x128xf32, #tpu.memory_space<hbm>>
    %dma_start3A_23 = tpu.memref_squeeze %dma_start3A_22 : memref<1x1x128xf32, #tpu.memory_space<hbm>> -> memref<1x128xf32, #tpu.memory_space<hbm>>
    tpu.enqueue_dma source(%dma_start3A_23 : memref<1x128xf32, #tpu.memory_space<hbm>>) target(%dma_start3A_20 : memref<1x128xf32, #tpu.memory_space<vmem>>) target_semaphore(%arg24 : memref<!tpu.dma_semaphore, #tpu.memory_space<semaphore_mem>>)
    %add3A_24 = arith.constant 1 : i32
    %add3A_25 = arith.addi %mul3A_2, %add3A_24 : i32
    %slice3A_26 = vector.extract_strided_slice %get3A_8 {offsets = [1], sizes = [1], strides = [1]} : vector<16xi32> to vector<1xi32>
    %squeeze3A_27 = vector.extract %slice3A_26[0] : i32 from vector<1xi32>
    %add3A_28 = arith.constant 1 : i32
    %add3A_29 = arith.addi %squeeze3A_27, %add3A_28 : i32
    %dma_start3A_30 = arith.constant 1 : i32
    %dma_start3A_31 = arith.constant 0 : i32
    %dma_start3A_32 = tpu.memref_slice %arg10[%dma_start3A_30, %dma_start3A_31] : memref<128x128xf32, #tpu.memory_space<vmem>> -> memref<1x128xf32, #tpu.memory_space<vmem>>
    %dma_start3A_33 = arith.constant 0 : i32
    %dma_start3A_34 = tpu.memref_slice %arg5[%add3A_25, %add3A_29, %dma_start3A_33] : memref<4096x65x128xf32, #tpu.memory_space<hbm>> -> memref<1x1x128xf32, #tpu.memory_space<hbm>>
    %dma_start3A_35 = tpu.memref_squeeze %dma_start3A_34 : memref<1x1x128xf32, #tpu.memory_space<hbm>> -> memref<1x128xf32, #tpu.memory_space<hbm>>
    %dma_start3A_36 = arith.constant 1 : i32
    %dma_start3A_37 = arith.constant 0 : i32
    %dma_start3A_38 = tpu.memref_slice %arg10[%dma_start3A_36, %dma_start3A_37] : memref<128x128xf32, #tpu.memory_space<vmem>> -> memref<1x128xf32, #tpu.memory_space<vmem>>
    %dma_start3A_39 = arith.constant 0 : i32
    %dma_start3A_40 = tpu.memref_slice %arg5[%add3A_25, %add3A_29, %dma_start3A_39] : memref<4096x65x128xf32, #tpu.memory_space<hbm>> -> memref<1x1x128xf32, #tpu.memory_space<hbm>>
    %dma_start3A_41 = tpu.memref_squeeze %dma_start3A_40 : memref<1x1x128xf32, #tpu.memory_space<hbm>> -> memref<1x128xf32, #tpu.memory_space<hbm>>
    tpu.enqueue_dma source(%dma_start3A_41 : memref<1x128xf32, #tpu.memory_space<hbm>>) target(%dma_start3A_38 : memref<1x128xf32, #tpu.memory_space<vmem>>) target_semaphore(%arg24 : memref<!tpu.dma_semaphore, #tpu.memory_space<semaphore_mem>>)
    %add3A_42 = arith.constant 2 : i32
    %add3A_43 = arith.addi %mul3A_2, %add3A_42 : i32
    %slice3A_44 = vector.extract_strided_slice %get3A_8 {offsets = [2], sizes = [1], strides = [1]} : vector<16xi32> to vector<1xi32>
    %squeeze3A_45 = vector.extract %slice3A_44[0] : i32 from vector<1xi32>
    %add3A_46 = arith.constant 1 : i32
    %add3A_47 = arith.addi %squeeze3A_45, %add3A_46 : i32
    %dma_start3A_48 = arith.constant 2 : i32
    %dma_start3A_49 = arith.constant 0 : i32
    %dma_start3A_50 = tpu.memref_slice %arg10[%dma_start3A_48, %dma_start3A_49] : memref<128x128xf32, #tpu.memory_space<vmem>> -> memref<1x128xf32, #tpu.memory_space<vmem>>
    %dma_start3A_51 = arith.constant 0 : i32
    %dma_start3A_52 = tpu.memref_slice %arg5[%add3A_43, %add3A_47, %dma_start3A_51] : memref<4096x65x128xf32, #tpu.memory_space<hbm>> -> memref<1x1x128xf32, #tpu.memory_space<hbm>>
    %dma_start3A_53 = tpu.memref_squeeze %dma_start3A_52 : memref<1x1x128xf32, #tpu.memory_space<hbm>> -> memref<1x128xf32, #tpu.memory_space<hbm>>
    %dma_start3A_54 = arith.constant 2 : i32
    %dma_start3A_55 = arith.constant 0 : i32
    %dma_start3A_56 = tpu.memref_slice %arg10[%dma_start3A_54, %dma_start3A_55] : memref<128x128xf32, #tpu.memory_space<vmem>> -> memref<1x128xf32, #tpu.memory_space<vmem>>
    %dma_start3A_57 = arith.constant 0 : i32
    %dma_start3A_58 = tpu.memref_slice %arg5[%add3A_43, %add3A_47, %dma_start3A_57] : memref<4096x65x128xf32, #tpu.memory_space<hbm>> -> memref<1x1x128xf32, #tpu.memory_space<hbm>>
    %dma_start3A_59 = tpu.memref_squeeze %dma_start3A_58 : memref<1x1x128xf32, #tpu.memory_space<hbm>> -> memref<1x128xf32, #tpu.memory_space<hbm>>
    tpu.enqueue_dma source(%dma_start3A_59 : memref<1x128xf32, #tpu.memory_space<hbm>>) target(%dma_start3A_56 : memref<1x128xf32, #tpu.memory_space<vmem>>) target_semaphore(%arg24 : memref<!tpu.dma_semaphore, #tpu.memory_space<semaphore_mem>>)
    %add3A_60 = arith.constant 3 : i32
    %add3A_61 = arith.addi %mul3A_2, %add3A_60 : i32
    %slice3A_62 = vector.extract_strided_slice %get3A_8 {offsets = [3], sizes = [1], strides = [1]} : vector<16xi32> to vector<1xi32>
    %squeeze3A_63 = vector.extract %slice3A_62[0] : i32 from vector<1xi32>
    %add3A_64 = arith.constant 1 : i32
    %add3A_65 = arith.addi %squeeze3A_63, %add3A_64 : i32
    %dma_start3A_66 = arith.constant 3 : i32
    %dma_start3A_67 = arith.constant 0 : i32
    %dma_start3A_68 = tpu.memref_slice %arg10[%dma_start3A_66, %dma_start3A_67] : memref<128x128xf32, #tpu.memory_space<vmem>> -> memref<1x128xf32, #tpu.memory_space<vmem>>
    %dma_start3A_69 = arith.constant 0 : i32
    %dma_start3A_70 = tpu.memref_slice %arg5[%add3A_61, %add3A_65, %dma_start3A_69] : memref<4096x65x128xf32, #tpu.memory_space<hbm>> -> memref<1x1x128xf32, #tpu.memory_space<hbm>>
    %dma_start3A_71 = tpu.memref_squeeze %dma_start3A_70 : memref<1x1x128xf32, #tpu.memory_space<hbm>> -> memref<1x128xf32, #tpu.memory_space<hbm>>
    %dma_start3A_72 = arith.constant 3 : i32
    %dma_start3A_73 = arith.constant 0 : i32
    %dma_start3A_74 = tpu.memref_slice %arg10[%dma_start3A_72, %dma_start3A_73] : memref<128x128xf32, #tpu.memory_space<vmem>> -> memref<1x128xf32, #tpu.memory_space<vmem>>
    %dma_start3A_75 = arith.constant 0 : i32
    %dma_start3A_76 = tpu.memref_slice %arg5[%add3A_61, %add3A_65, %dma_start3A_75] : memref<4096x65x128xf32, #tpu.memory_space<hbm>> -> memref<1x1x128xf32, #tpu.memory_space<hbm>>
    %dma_start3A_77 = tpu.memref_squeeze %dma_start3A_76 : memref<1x1x128xf32, #tpu.memory_space<hbm>> -> memref<1x128xf32, #tpu.memory_space<hbm>>
    tpu.enqueue_dma source(%dma_start3A_77 : memref<1x128xf32, #tpu.memory_space<hbm>>) target(%dma_start3A_74 : memref<1x128xf32, #tpu.memory_space<vmem>>) target_semaphore(%arg24 : memref<!tpu.dma_semaphore, #tpu.memory_space<semaphore_mem>>)
    %add3A_78 = arith.constant 4 : i32
    %add3A_79 = arith.addi %mul3A_2, %add3A_78 : i32
    %slice3A_80 = vector.extract_strided_slice %get3A_8 {offsets = [4], sizes = [1], strides = [1]} : vector<16xi32> to vector<1xi32>
    %squeeze3A_81 = vector.extract %slice3A_80[0] : i32 from vector<1xi32>
    %add3A_82 = arith.constant 1 : i32
    %add3A_83 = arith.addi %squeeze3A_81, %add3A_82 : i32
    %dma_start3A_84 = arith.constant 4 : i32
    %dma_start3A_85 = arith.constant 0 : i32
    %dma_start3A_86 = tpu.memref_slice %arg10[%dma_start3A_84, %dma_start3A_85] : memref<128x128xf32, #tpu.memory_space<vmem>> -> memref<1x128xf32, #tpu.memory_space<vmem>>
    %dma_start3A_87 = arith.constant 0 : i32
    %dma_start3A_88 = tpu.memref_slice %arg5[%add3A_79, %add3A_83, %dma_start3A_87] : memref<4096x65x128xf32, #tpu.memory_space<hbm>> -> memref<1x1x128xf32, #tpu.memory_space<hbm>>
    %dma_start3A_89 = tpu.memref_squeeze %dma_start3A_88 : memref<1x1x128xf32, #tpu.memory_space<hbm>> -> memref<1x128xf32, #tpu.memory_space<hbm>>
    %dma_start3A_90 = arith.constant 4 : i32
    %dma_start3A_91 = arith.constant 0 : i32
    %dma_start3A_92 = tpu.memref_slice %arg10[%dma_start3A_90, %dma_start3A_91] : memref<128x128xf32, #tpu.memory_space<vmem>> -> memref<1x128xf32, #tpu.memory_space<vmem>>
    %dma_start3A_93 = arith.constant 0 : i32
    %dma_start3A_94 = tpu.memref_slice %arg5[%add3A_79, %add3A_83, %dma_start3A_93] : memref<4096x65x128xf32, #tpu.memory_space<hbm>> -> memref<1x1x128xf32, #tpu.memory_space<hbm>>
    %dma_start3A_95 = tpu.memref_squeeze %dma_start3A_94 : memref<1x1x128xf32, #tpu.memory_space<hbm>> -> memref<1x128xf32, #tpu.memory_space<hbm>>
    tpu.enqueue_dma source(%dma_start3A_95 : memref<1x128xf32, #tpu.memory_space<hbm>>) target(%dma_start3A_92 : memref<1x128xf32, #tpu.memory_space<vmem>>) target_semaphore(%arg24 : memref<!tpu.dma_semaphore, #tpu.memory_space<semaphore_mem>>)
    %add3A_96 = arith.constant 5 : i32
    %add3A_97 = arith.addi %mul3A_2, %add3A_96 : i32
    %slice3A_98 = vector.extract_strided_slice %get3A_8 {offsets = [5], sizes = [1], strides = [1]} : vector<16xi32> to vector<1xi32>
    %squeeze3A_99 = vector.extract %slice3A_98[0] : i32 from vector<1xi32>
    %add3A_100 = arith.constant 1 : i32
    %add3A_101 = arith.addi %squeeze3A_99, %add3A_100 : i32
    %dma_start3A_102 = arith.constant 5 : i32
    %dma_start3A_103 = arith.constant 0 : i32
    %dma_start3A_104 = tpu.memref_slice %arg10[%dma_start3A_102, %dma_start3A_103] : memref<128x128xf32, #tpu.memory_space<vmem>> -> memref<1x128xf32, #tpu.memory_space<vmem>>
    %dma_start3A_105 = arith.constant 0 : i32
    %dma_start3A_106 = tpu.memref_slice %arg5[%add3A_97, %add3A_101, %dma_start3A_105] : memref<4096x65x128xf32, #tpu.memory_space<hbm>> -> memref<1x1x128xf32, #tpu.memory_space<hbm>>
    %dma_start3A_107 = tpu.memref_squeeze %dma_start3A_106 : memref<1x1x128xf32, #tpu.memory_space<hbm>> -> memref<1x128xf32, #tpu.memory_space<hbm>>
    %dma_start3A_108 = arith.constant 5 : i32
    %dma_start3A_109 = arith.constant 0 : i32
    %dma_start3A_110 = tpu.memref_slice %arg10[%dma_start3A_108, %dma_start3A_109] : memref<128x128xf32, #tpu.memory_space<vmem>> -> memref<1x128xf32, #tpu.memory_space<vmem>>
    %dma_start3A_111 = arith.constant 0 : i32
    %dma_start3A_112 = tpu.memref_slice %arg5[%add3A_97, %add3A_101, %dma_start3A_111] : memref<4096x65x128xf32, #tpu.memory_space<hbm>> -> memref<1x1x128xf32, #tpu.memory_space<hbm>>
    %dma_start3A_113 = tpu.memref_squeeze %dma_start3A_112 : memref<1x1x128xf32, #tpu.memory_space<hbm>> -> memref<1x128xf32, #tpu.memory_space<hbm>>
    tpu.enqueue_dma source(%dma_start3A_113 : memref<1x128xf32, #tpu.memory_space<hbm>>) target(%dma_start3A_110 : memref<1x128xf32, #tpu.memory_space<vmem>>) target_semaphore(%arg24 : memref<!tpu.dma_semaphore, #tpu.memory_space<semaphore_mem>>)
    %add3A_114 = arith.constant 6 : i32
    %add3A_115 = arith.addi %mul3A_2, %add3A_114 : i32
    %slice3A_116 = vector.extract_strided_slice %get3A_8 {offsets = [6], sizes = [1], strides = [1]} : vector<16xi32> to vector<1xi32>
    %squeeze3A_117 = vector.extract %slice3A_116[0] : i32 from vector<1xi32>
    %add3A_118 = arith.constant 1 : i32
    %add3A_119 = arith.addi %squeeze3A_117, %add3A_118 : i32
    %dma_start3A_120 = arith.constant 6 : i32
    %dma_start3A_121 = arith.constant 0 : i32
    %dma_start3A_122 = tpu.memref_slice %arg10[%dma_start3A_120, %dma_start3A_121] : memref<128x128xf32, #tpu.memory_space<vmem>> -> memref<1x128xf32, #tpu.memory_space<vmem>>
    %dma_start3A_123 = arith.constant 0 : i32
    %dma_start3A_124 = tpu.memref_slice %arg5[%add3A_115, %add3A_119, %dma_start3A_123] : memref<4096x65x128xf32, #tpu.memory_space<hbm>> -> memref<1x1x128xf32, #tpu.memory_space<hbm>>
    %dma_start3A_125 = tpu.memref_squeeze %dma_start3A_124 : memref<1x1x128xf32, #tpu.memory_space<hbm>> -> memref<1x128xf32, #tpu.memory_space<hbm>>
    %dma_start3A_126 = arith.constant 6 : i32
    %dma_start3A_127 = arith.constant 0 : i32
    %dma_start3A_128 = tpu.memref_slice %arg10[%dma_start3A_126, %dma_start3A_127] : memref<128x128xf32, #tpu.memory_space<vmem>> -> memref<1x128xf32, #tpu.memory_space<vmem>>
    %dma_start3A_129 = arith.constant 0 : i32
    %dma_start3A_130 = tpu.memref_slice %arg5[%add3A_115, %add3A_119, %dma_start3A_129] : memref<4096x65x128xf32, #tpu.memory_space<hbm>> -> memref<1x1x128xf32, #tpu.memory_space<hbm>>
    %dma_start3A_131 = tpu.memref_squeeze %dma_start3A_130 : memref<1x1x128xf32, #tpu.memory_space<hbm>> -> memref<1x128xf32, #tpu.memory_space<hbm>>
    tpu.enqueue_dma source(%dma_start3A_131 : memref<1x128xf32, #tpu.memory_space<hbm>>) target(%dma_start3A_128 : memref<1x128xf32, #tpu.memory_space<vmem>>) target_semaphore(%arg24 : memref<!tpu.dma_semaphore, #tpu.memory_space<semaphore_mem>>)
    %add3A_132 = arith.constant 7 : i32
    %add3A_133 = arith.addi %mul3A_2, %add3A_132 : i32
    %slice3A_134 = vector.extract_strided_slice %get3A_8 {offsets = [7], sizes = [1], strides = [1]} : vector<16xi32> to vector<1xi32>
    %squeeze3A_135 = vector.extract %slice3A_134[0] : i32 from vector<1xi32>
    %add3A_136 = arith.constant 1 : i32
    %add3A_137 = arith.addi %squeeze3A_135, %add3A_136 : i32
    %dma_start3A_138 = arith.constant 7 : i32
    %dma_start3A_139 = arith.constant 0 : i32
    %dma_start3A_140 = tpu.memref_slice %arg10[%dma_start3A_138, %dma_start3A_139] : memref<128x128xf32, #tpu.memory_space<vmem>> -> memref<1x128xf32, #tpu.memory_space<vmem>>
    %dma_start3A_141 = arith.constant 0 : i32
    %dma_start3A_142 = tpu.memref_slice %arg5[%add3A_133, %add3A_137, %dma_start3A_141] : memref<4096x65x128xf32, #tpu.memory_space<hbm>> -> memref<1x1x128xf32, #tpu.memory_space<hbm>>
    %dma_start3A_143 = tpu.memref_squeeze %dma_start3A_142 : memref<1x1x128xf32, #tpu.memory_space<hbm>> -> memref<1x128xf32, #tpu.memory_space<hbm>>
    %dma_start3A_144 = arith.constant 7 : i32
    %dma_start3A_145 = arith.constant 0 : i32
    %dma_start3A_146 = tpu.memref_slice %arg10[%dma_start3A_144, %dma_start3A_145] : memref<128x128xf32, #tpu.memory_space<vmem>> -> memref<1x128xf32, #tpu.memory_space<vmem>>
    %dma_start3A_147 = arith.constant 0 : i32
    %dma_start3A_148 = tpu.memref_slice %arg5[%add3A_133, %add3A_137, %dma_start3A_147] : memref<4096x65x128xf32, #tpu.memory_space<hbm>> -> memref<1x1x128xf32, #tpu.memory_space<hbm>>
    %dma_start3A_149 = tpu.memref_squeeze %dma_start3A_148 : memref<1x1x128xf32, #tpu.memory_space<hbm>> -> memref<1x128xf32, #tpu.memory_space<hbm>>
    tpu.enqueue_dma source(%dma_start3A_149 : memref<1x128xf32, #tpu.memory_space<hbm>>) target(%dma_start3A_146 : memref<1x128xf32, #tpu.memory_space<vmem>>) target_semaphore(%arg24 : memref<!tpu.dma_semaphore, #tpu.memory_space<semaphore_mem>>)
    %add3A_150 = arith.constant 8 : i32
    %add3A_151 = arith.addi %mul3A_2, %add3A_150 : i32
    %slice3A_152 = vector.extract_strided_slice %get3A_8 {offsets = [8], sizes = [1], strides = [1]} : vector<16xi32> to vector<1xi32>
    %squeeze3A_153 = vector.extract %slice3A_152[0] : i32 from vector<1xi32>
    %add3A_154 = arith.constant 1 : i32
    %add3A_155 = arith.addi %squeeze3A_153, %add3A_154 : i32
    %dma_start3A_156 = arith.constant 8 : i32
    %dma_start3A_157 = arith.constant 0 : i32
    %dma_start3A_158 = tpu.memref_slice %arg10[%dma_start3A_156, %dma_start3A_157] : memref<128x128xf32, #tpu.memory_space<vmem>> -> memref<1x128xf32, #tpu.memory_space<vmem>>
    %dma_start3A_159 = arith.constant 0 : i32
    %dma_start3A_160 = tpu.memref_slice %arg5[%add3A_151, %add3A_155, %dma_start3A_159] : memref<4096x65x128xf32, #tpu.memory_space<hbm>> -> memref<1x1x128xf32, #tpu.memory_space<hbm>>
    %dma_start3A_161 = tpu.memref_squeeze %dma_start3A_160 : memref<1x1x128xf32, #tpu.memory_space<hbm>> -> memref<1x128xf32, #tpu.memory_space<hbm>>
    %dma_start3A_162 = arith.constant 8 : i32
    %dma_start3A_163 = arith.constant 0 : i32
    %dma_start3A_164 = tpu.memref_slice %arg10[%dma_start3A_162, %dma_start3A_163] : memref<128x128xf32, #tpu.memory_space<vmem>> -> memref<1x128xf32, #tpu.memory_space<vmem>>
    %dma_start3A_165 = arith.constant 0 : i32
    %dma_start3A_166 = tpu.memref_slice %arg5[%add3A_151, %add3A_155, %dma_start3A_165] : memref<4096x65x128xf32, #tpu.memory_space<hbm>> -> memref<1x1x128xf32, #tpu.memory_space<hbm>>
    %dma_start3A_167 = tpu.memref_squeeze %dma_start3A_166 : memref<1x1x128xf32, #tpu.memory_space<hbm>> -> memref<1x128xf32, #tpu.memory_space<hbm>>
    tpu.enqueue_dma source(%dma_start3A_167 : memref<1x128xf32, #tpu.memory_space<hbm>>) target(%dma_start3A_164 : memref<1x128xf32, #tpu.memory_space<vmem>>) target_semaphore(%arg24 : memref<!tpu.dma_semaphore, #tpu.memory_space<semaphore_mem>>)
    %add3A_168 = arith.constant 9 : i32
    %add3A_169 = arith.addi %mul3A_2, %add3A_168 : i32
    %slice3A_170 = vector.extract_strided_slice %get3A_8 {offsets = [9], sizes = [1], strides = [1]} : vector<16xi32> to vector<1xi32>
    %squeeze3A_171 = vector.extract %slice3A_170[0] : i32 from vector<1xi32>
    %add3A_172 = arith.constant 1 : i32
    %add3A_173 = arith.addi %squeeze3A_171, %add3A_172 : i32
    %dma_start3A_174 = arith.constant 9 : i32
    %dma_start3A_175 = arith.constant 0 : i32
    %dma_start3A_176 = tpu.memref_slice %arg10[%dma_start3A_174, %dma_start3A_175] : memref<128x128xf32, #tpu.memory_space<vmem>> -> memref<1x128xf32, #tpu.memory_space<vmem>>
    %dma_start3A_177 = arith.constant 0 : i32
    %dma_start3A_178 = tpu.memref_slice %arg5[%add3A_169, %add3A_173, %dma_start3A_177] : memref<4096x65x128xf32, #tpu.memory_space<hbm>> -> memref<1x1x128xf32, #tpu.memory_space<hbm>>
    %dma_start3A_179 = tpu.memref_squeeze %dma_start3A_178 : memref<1x1x128xf32, #tpu.memory_space<hbm>> -> memref<1x128xf32, #tpu.memory_space<hbm>>
    %dma_start3A_180 = arith.constant 9 : i32
    %dma_start3A_181 = arith.constant 0 : i32
    %dma_start3A_182 = tpu.memref_slice %arg10[%dma_start3A_180, %dma_start3A_181] : memref<128x128xf32, #tpu.memory_space<vmem>> -> memref<1x128xf32, #tpu.memory_space<vmem>>
    %dma_start3A_183 = arith.constant 0 : i32
    %dma_start3A_184 = tpu.memref_slice %arg5[%add3A_169, %add3A_173, %dma_start3A_183] : memref<4096x65x128xf32, #tpu.memory_space<hbm>> -> memref<1x1x128xf32, #tpu.memory_space<hbm>>
    %dma_start3A_185 = tpu.memref_squeeze %dma_start3A_184 : memref<1x1x128xf32, #tpu.memory_space<hbm>> -> memref<1x128xf32, #tpu.memory_space<hbm>>
    tpu.enqueue_dma source(%dma_start3A_185 : memref<1x128xf32, #tpu.memory_space<hbm>>) target(%dma_start3A_182 : memref<1x128xf32, #tpu.memory_space<vmem>>) target_semaphore(%arg24 : memref<!tpu.dma_semaphore, #tpu.memory_space<semaphore_mem>>)
    %add3A_186 = arith.constant 10 : i32
    %add3A_187 = arith.addi %mul3A_2, %add3A_186 : i32
    %slice3A_188 = vector.extract_strided_slice %get3A_8 {offsets = [10], sizes = [1], strides = [1]} : vector<16xi32> to vector<1xi32>
    %squeeze3A_189 = vector.extract %slice3A_188[0] : i32 from vector<1xi32>
    %add3A_190 = arith.constant 1 : i32
    %add3A_191 = arith.addi %squeeze3A_189, %add3A_190 : i32
    %dma_start3A_192 = arith.constant 10 : i32
    %dma_start3A_193 = arith.constant 0 : i32
    %dma_start3A_194 = tpu.memref_slice %arg10[%dma_start3A_192, %dma_start3A_193] : memref<128x128xf32, #tpu.memory_space<vmem>> -> memref<1x128xf32, #tpu.memory_space<vmem>>
    %dma_start3A_195 = arith.constant 0 : i32
    %dma_start3A_196 = tpu.memref_slice %arg5[%add3A_187, %add3A_191, %dma_start3A_195] : memref<4096x65x128xf32, #tpu.memory_space<hbm>> -> memref<1x1x128xf32, #tpu.memory_space<hbm>>
    %dma_start3A_197 = tpu.memref_squeeze %dma_start3A_196 : memref<1x1x128xf32, #tpu.memory_space<hbm>> -> memref<1x128xf32, #tpu.memory_space<hbm>>
    %dma_start3A_198 = arith.constant 10 : i32
    %dma_start3A_199 = arith.constant 0 : i32
    %dma_start3A_200 = tpu.memref_slice %arg10[%dma_start3A_198, %dma_start3A_199] : memref<128x128xf32, #tpu.memory_space<vmem>> -> memref<1x128xf32, #tpu.memory_space<vmem>>
    %dma_start3A_201 = arith.constant 0 : i32
    %dma_start3A_202 = tpu.memref_slice %arg5[%add3A_187, %add3A_191, %dma_start3A_201] : memref<4096x65x128xf32, #tpu.memory_space<hbm>> -> memref<1x1x128xf32, #tpu.memory_space<hbm>>
    %dma_start3A_203 = tpu.memref_squeeze %dma_start3A_202 : memref<1x1x128xf32, #tpu.memory_space<hbm>> -> memref<1x128xf32, #tpu.memory_space<hbm>>
    tpu.enqueue_dma source(%dma_start3A_203 : memref<1x128xf32, #tpu.memory_space<hbm>>) target(%dma_start3A_200 : memref<1x128xf32, #tpu.memory_space<vmem>>) target_semaphore(%arg24 : memref<!tpu.dma_semaphore, #tpu.memory_space<semaphore_mem>>)
    %add3A_204 = arith.constant 11 : i32
    %add3A_205 = arith.addi %mul3A_2, %add3A_204 : i32
    %slice3A_206 = vector.extract_strided_slice %get3A_8 {offsets = [11], sizes = [1], strides = [1]} : vector<16xi32> to vector<1xi32>
    %squeeze3A_207 = vector.extract %slice3A_206[0] : i32 from vector<1xi32>
    %add3A_208 = arith.constant 1 : i32
    %add3A_209 = arith.addi %squeeze3A_207, %add3A_208 : i32
    %dma_start3A_210 = arith.constant 11 : i32
    %dma_start3A_211 = arith.constant 0 : i32
    %dma_start3A_212 = tpu.memref_slice %arg10[%dma_start3A_210, %dma_start3A_211] : memref<128x128xf32, #tpu.memory_space<vmem>> -> memref<1x128xf32, #tpu.memory_space<vmem>>
    %dma_start3A_213 = arith.constant 0 : i32
    %dma_start3A_214 = tpu.memref_slice %arg5[%add3A_205, %add3A_209, %dma_start3A_213] : memref<4096x65x128xf32, #tpu.memory_space<hbm>> -> memref<1x1x128xf32, #tpu.memory_space<hbm>>
    %dma_start3A_215 = tpu.memref_squeeze %dma_start3A_214 : memref<1x1x128xf32, #tpu.memory_space<hbm>> -> memref<1x128xf32, #tpu.memory_space<hbm>>
    %dma_start3A_216 = arith.constant 11 : i32
    %dma_start3A_217 = arith.constant 0 : i32
    %dma_start3A_218 = tpu.memref_slice %arg10[%dma_start3A_216, %dma_start3A_217] : memref<128x128xf32, #tpu.memory_space<vmem>> -> memref<1x128xf32, #tpu.memory_space<vmem>>
    %dma_start3A_219 = arith.constant 0 : i32
    %dma_start3A_220 = tpu.memref_slice %arg5[%add3A_205, %add3A_209, %dma_start3A_219] : memref<4096x65x128xf32, #tpu.memory_space<hbm>> -> memref<1x1x128xf32, #tpu.memory_space<hbm>>
    %dma_start3A_221 = tpu.memref_squeeze %dma_start3A_220 : memref<1x1x128xf32, #tpu.memory_space<hbm>> -> memref<1x128xf32, #tpu.memory_space<hbm>>
    tpu.enqueue_dma source(%dma_start3A_221 : memref<1x128xf32, #tpu.memory_space<hbm>>) target(%dma_start3A_218 : memref<1x128xf32, #tpu.memory_space<vmem>>) target_semaphore(%arg24 : memref<!tpu.dma_semaphore, #tpu.memory_space<semaphore_mem>>)
    %add3A_222 = arith.constant 12 : i32
    %add3A_223 = arith.addi %mul3A_2, %add3A_222 : i32
    %slice3A_224 = vector.extract_strided_slice %get3A_8 {offsets = [12], sizes = [1], strides = [1]} : vector<16xi32> to vector<1xi32>
    %squeeze3A_225 = vector.extract %slice3A_224[0] : i32 from vector<1xi32>
    %add3A_226 = arith.constant 1 : i32
    %add3A_227 = arith.addi %squeeze3A_225, %add3A_226 : i32
    %dma_start3A_228 = arith.constant 12 : i32
    %dma_start3A_229 = arith.constant 0 : i32
    %dma_start3A_230 = tpu.memref_slice %arg10[%dma_start3A_228, %dma_start3A_229] : memref<128x128xf32, #tpu.memory_space<vmem>> -> memref<1x128xf32, #tpu.memory_space<vmem>>
    %dma_start3A_231 = arith.constant 0 : i32
    %dma_start3A_232 = tpu.memref_slice %arg5[%add3A_223, %add3A_227, %dma_start3A_231] : memref<4096x65x128xf32, #tpu.memory_space<hbm>> -> memref<1x1x128xf32, #tpu.memory_space<hbm>>
    %dma_start3A_233 = tpu.memref_squeeze %dma_start3A_232 : memref<1x1x128xf32, #tpu.memory_space<hbm>> -> memref<1x128xf32, #tpu.memory_space<hbm>>
    %dma_start3A_234 = arith.constant 12 : i32
    %dma_start3A_235 = arith.constant 0 : i32
    %dma_start3A_236 = tpu.memref_slice %arg10[%dma_start3A_234, %dma_start3A_235] : memref<128x128xf32, #tpu.memory_space<vmem>> -> memref<1x128xf32, #tpu.memory_space<vmem>>
    %dma_start3A_237 = arith.constant 0 : i32
    %dma_start3A_238 = tpu.memref_slice %arg5[%add3A_223, %add3A_227, %dma_start3A_237] : memref<4096x65x128xf32, #tpu.memory_space<hbm>> -> memref<1x1x128xf32, #tpu.memory_space<hbm>>
    %dma_start3A_239 = tpu.memref_squeeze %dma_start3A_238 : memref<1x1x128xf32, #tpu.memory_space<hbm>> -> memref<1x128xf32, #tpu.memory_space<hbm>>
    tpu.enqueue_dma source(%dma_start3A_239 : memref<1x128xf32, #tpu.memory_space<hbm>>) target(%dma_start3A_236 : memref<1x128xf32, #tpu.memory_space<vmem>>) target_semaphore(%arg24 : memref<!tpu.dma_semaphore, #tpu.memory_space<semaphore_mem>>)
    %add3A_240 = arith.constant 13 : i32
    %add3A_241 = arith.addi %mul3A_2, %add3A_240 : i32
    %slice3A_242 = vector.extract_strided_slice %get3A_8 {offsets = [13], sizes = [1], strides = [1]} : vector<16xi32> to vector<1xi32>
    %squeeze3A_243 = vector.extract %slice3A_242[0] : i32 from vector<1xi32>
    %add3A_244 = arith.constant 1 : i32
    %add3A_245 = arith.addi %squeeze3A_243, %add3A_244 : i32
    %dma_start3A_246 = arith.constant 13 : i32
    %dma_start3A_247 = arith.constant 0 : i32
    %dma_start3A_248 = tpu.memref_slice %arg10[%dma_start3A_246, %dma_start3A_247] : memref<128x128xf32, #tpu.memory_space<vmem>> -> memref<1x128xf32, #tpu.memory_space<vmem>>
    %dma_start3A_249 = arith.constant 0 : i32
    %dma_start3A_250 = tpu.memref_slice %arg5[%add3A_241, %add3A_245, %dma_start3A_249] : memref<4096x65x128xf32, #tpu.memory_space<hbm>> -> memref<1x1x128xf32, #tpu.memory_space<hbm>>
    %dma_start3A_251 = tpu.memref_squeeze %dma_start3A_250 : memref<1x1x128xf32, #tpu.memory_space<hbm>> -> memref<1x128xf32, #tpu.memory_space<hbm>>
    %dma_start3A_252 = arith.constant 13 : i32
    %dma_start3A_253 = arith.constant 0 : i32
    %dma_start3A_254 = tpu.memref_slice %arg10[%dma_start3A_252, %dma_start3A_253] : memref<128x128xf32, #tpu.memory_space<vmem>> -> memref<1x128xf32, #tpu.memory_space<vmem>>
    %dma_start3A_255 = arith.constant 0 : i32
    %dma_start3A_256 = tpu.memref_slice %arg5[%add3A_241, %add3A_245, %dma_start3A_255] : memref<4096x65x128xf32, #tpu.memory_space<hbm>> -> memref<1x1x128xf32, #tpu.memory_space<hbm>>
    %dma_start3A_257 = tpu.memref_squeeze %dma_start3A_256 : memref<1x1x128xf32, #tpu.memory_space<hbm>> -> memref<1x128xf32, #tpu.memory_space<hbm>>
    tpu.enqueue_dma source(%dma_start3A_257 : memref<1x128xf32, #tpu.memory_space<hbm>>) target(%dma_start3A_254 : memref<1x128xf32, #tpu.memory_space<vmem>>) target_semaphore(%arg24 : memref<!tpu.dma_semaphore, #tpu.memory_space<semaphore_mem>>)
    %add3A_258 = arith.constant 14 : i32
    %add3A_259 = arith.addi %mul3A_2, %add3A_258 : i32
    %slice3A_260 = vector.extract_strided_slice %get3A_8 {offsets = [14], sizes = [1], strides = [1]} : vector<16xi32> to vector<1xi32>
    %squeeze3A_261 = vector.extract %slice3A_260[0] : i32 from vector<1xi32>
    %add3A_262 = arith.constant 1 : i32
    %add3A_263 = arith.addi %squeeze3A_261, %add3A_262 : i32
    %dma_start3A_264 = arith.constant 14 : i32
    %dma_start3A_265 = arith.constant 0 : i32
    %dma_start3A_266 = tpu.memref_slice %arg10[%dma_start3A_264, %dma_start3A_265] : memref<128x128xf32, #tpu.memory_space<vmem>> -> memref<1x128xf32, #tpu.memory_space<vmem>>
    %dma_start3A_267 = arith.constant 0 : i32
    %dma_start3A_268 = tpu.memref_slice %arg5[%add3A_259, %add3A_263, %dma_start3A_267] : memref<4096x65x128xf32, #tpu.memory_space<hbm>> -> memref<1x1x128xf32, #tpu.memory_space<hbm>>
    %dma_start3A_269 = tpu.memref_squeeze %dma_start3A_268 : memref<1x1x128xf32, #tpu.memory_space<hbm>> -> memref<1x128xf32, #tpu.memory_space<hbm>>
    %dma_start3A_270 = arith.constant 14 : i32
    %dma_start3A_271 = arith.constant 0 : i32
    %dma_start3A_272 = tpu.memref_slice %arg10[%dma_start3A_270, %dma_start3A_271] : memref<128x128xf32, #tpu.memory_space<vmem>> -> memref<1x128xf32, #tpu.memory_space<vmem>>
    %dma_start3A_273 = arith.constant 0 : i32
    %dma_start3A_274 = tpu.memref_slice %arg5[%add3A_259, %add3A_263, %dma_start3A_273] : memref<4096x65x128xf32, #tpu.memory_space<hbm>> -> memref<1x1x128xf32, #tpu.memory_space<hbm>>
    %dma_start3A_275 = tpu.memref_squeeze %dma_start3A_274 : memref<1x1x128xf32, #tpu.memory_space<hbm>> -> memref<1x128xf32, #tpu.memory_space<hbm>>
    tpu.enqueue_dma source(%dma_start3A_275 : memref<1x128xf32, #tpu.memory_space<hbm>>) target(%dma_start3A_272 : memref<1x128xf32, #tpu.memory_space<vmem>>) target_semaphore(%arg24 : memref<!tpu.dma_semaphore, #tpu.memory_space<semaphore_mem>>)
    %add3A_276 = arith.constant 15 : i32
    %add3A_277 = arith.addi %mul3A_2, %add3A_276 : i32
    %slice3A_278 = vector.extract_strided_slice %get3A_8 {offsets = [15], sizes = [1], strides = [1]} : vector<16xi32> to vector<1xi32>
    %squeeze3A_279 = vector.extract %slice3A_278[0] : i32 from vector<1xi32>
    %add3A_280 = arith.constant 1 : i32
    %add3A_281 = arith.addi %squeeze3A_279, %add3A_280 : i32
    %dma_start3A_282 = arith.constant 15 : i32
    %dma_start3A_283 = arith.constant 0 : i32
    %dma_start3A_284 = tpu.memref_slice %arg10[%dma_start3A_282, %dma_start3A_283] : memref<128x128xf32, #tpu.memory_space<vmem>> -> memref<1x128xf32, #tpu.memory_space<vmem>>
    %dma_start3A_285 = arith.constant 0 : i32
    %dma_start3A_286 = tpu.memref_slice %arg5[%add3A_277, %add3A_281, %dma_start3A_285] : memref<4096x65x128xf32, #tpu.memory_space<hbm>> -> memref<1x1x128xf32, #tpu.memory_space<hbm>>
    %dma_start3A_287 = tpu.memref_squeeze %dma_start3A_286 : memref<1x1x128xf32, #tpu.memory_space<hbm>> -> memref<1x128xf32, #tpu.memory_space<hbm>>
    %dma_start3A_288 = arith.constant 15 : i32
    %dma_start3A_289 = arith.constant 0 : i32
    %dma_start3A_290 = tpu.memref_slice %arg10[%dma_start3A_288, %dma_start3A_289] : memref<128x128xf32, #tpu.memory_space<vmem>> -> memref<1x128xf32, #tpu.memory_space<vmem>>
    %dma_start3A_291 = arith.constant 0 : i32
    %dma_start3A_292 = tpu.memref_slice %arg5[%add3A_277, %add3A_281, %dma_start3A_291] : memref<4096x65x128xf32, #tpu.memory_space<hbm>> -> memref<1x1x128xf32, #tpu.memory_space<hbm>>
    %dma_start3A_293 = tpu.memref_squeeze %dma_start3A_292 : memref<1x1x128xf32, #tpu.memory_space<hbm>> -> memref<1x128xf32, #tpu.memory_space<hbm>>
    tpu.enqueue_dma source(%dma_start3A_293 : memref<1x128xf32, #tpu.memory_space<hbm>>) target(%dma_start3A_290 : memref<1x128xf32, #tpu.memory_space<vmem>>) target_semaphore(%arg24 : memref<!tpu.dma_semaphore, #tpu.memory_space<semaphore_mem>>)
    %get3A_294 = arith.constant 16 : index
    %get3A_295 = tpu.vector_load %arg8[%get3A_294] {strides = array<i32>} : memref<128xi32, #tpu.memory_space<vmem>>, vector<16xi32>,
    %get3A_296 = vector.shape_cast %get3A_295 : vector<16xi32> to vector<16xi32>
    %add3A_297 = arith.constant 16 : i32
    %add3A_298 = arith.addi %mul3A_2, %add3A_297 : i32
    %slice3A_299 = vector.extract_strided_slice %get3A_296 {offsets = [0], sizes = [1], strides = [1]} : vector<16xi32> to vector<1xi32>
    %squeeze3A_300 = vector.extract %slice3A_299[0] : i32 from vector<1xi32>
    %add3A_301 = arith.constant 1 : i32
    %add3A_302 = arith.addi %squeeze3A_300, %add3A_301 : i32
    %dma_start3A_303 = arith.constant 16 : i32
    %dma_start3A_304 = arith.constant 0 : i32
    %dma_start3A_305 = tpu.memref_slice %arg10[%dma_start3A_303, %dma_start3A_304] : memref<128x128xf32, #tpu.memory_space<vmem>> -> memref<1x128xf32, #tpu.memory_space<vmem>>
    %dma_start3A_306 = arith.constant 0 : i32
    %dma_start3A_307 = tpu.memref_slice %arg5[%add3A_298, %add3A_302, %dma_start3A_306] : memref<4096x65x128xf32, #tpu.memory_space<hbm>> -> memref<1x1x128xf32, #tpu.memory_space<hbm>>
    %dma_start3A_308 = tpu.memref_squeeze %dma_start3A_307 : memref<1x1x128xf32, #tpu.memory_space<hbm>> -> memref<1x128xf32, #tpu.memory_space<hbm>>
    %dma_start3A_309 = arith.constant 16 : i32
    %dma_start3A_310 = arith.constant 0 : i32
    %dma_start3A_311 = tpu.memref_slice %arg10[%dma_start3A_309, %dma_start3A_310] : memref<128x128xf32, #tpu.memory_space<vmem>> -> memref<1x128xf32, #tpu.memory_space<vmem>>
    %dma_start3A_312 = arith.constant 0 : i32
    %dma_start3A_313 = tpu.memref_slice %arg5[%add3A_298, %add3A_302, %dma_start3A_312] : memref<4096x65x128xf32, #tpu.memory_space<hbm>> -> memref<1x1x128xf32, #tpu.memory_space<hbm>>
    %dma_start3A_314 = tpu.memref_squeeze %dma_start3A_313 : memref<1x1x128xf32, #tpu.memory_space<hbm>> -> memref<1x128xf32, #tpu.memory_space<hbm>>
    tpu.enqueue_dma source(%dma_start3A_314 : memref<1x128xf32, #tpu.memory_space<hbm>>) target(%dma_start3A_311 : memref<1x128xf32, #tpu.memory_space<vmem>>) target_semaphore(%arg24 : memref<!tpu.dma_semaphore, #tpu.memory_space<semaphore_mem>>)
    %add3A_315 = arith.constant 17 : i32
    %add3A_316 = arith.addi %mul3A_2, %add3A_315 : i32
    %slice3A_317 = vector.extract_strided_slice %get3A_296 {offsets = [1], sizes = [1], strides = [1]} : vector<16xi32> to vector<1xi32>
    %squeeze3A_318 = vector.extract %slice3A_317[0] : i32 from vector<1xi32>
    %add3A_319 = arith.constant 1 : i32
    %add3A_320 = arith.addi %squeeze3A_318, %add3A_319 : i32
    %dma_start3A_321 = arith.constant 17 : i32
    %dma_start3A_322 = arith.constant 0 : i32
    %dma_start3A_323 = tpu.memref_slice %arg10[%dma_start3A_321, %dma_start3A_322] : memref<128x128xf32, #tpu.memory_space<vmem>> -> memref<1x128xf32, #tpu.memory_space<vmem>>
    %dma_start3A_324 = arith.constant 0 : i32
    %dma_start3A_325 = tpu.memref_slice %arg5[%add3A_316, %add3A_320, %dma_start3A_324] : memref<4096x65x128xf32, #tpu.memory_space<hbm>> -> memref<1x1x128xf32, #tpu.memory_space<hbm>>
    %dma_start3A_326 = tpu.memref_squeeze %dma_start3A_325 : memref<1x1x128xf32, #tpu.memory_space<hbm>> -> memref<1x128xf32, #tpu.memory_space<hbm>>
    %dma_start3A_327 = arith.constant 17 : i32
    %dma_start3A_328 = arith.constant 0 : i32
    %dma_start3A_329 = tpu.memref_slice %arg10[%dma_start3A_327, %dma_start3A_328] : memref<128x128xf32, #tpu.memory_space<vmem>> -> memref<1x128xf32, #tpu.memory_space<vmem>>
    %dma_start3A_330 = arith.constant 0 : i32
    %dma_start3A_331 = tpu.memref_slice %arg5[%add3A_316, %add3A_320, %dma_start3A_330] : memref<4096x65x128xf32, #tpu.memory_space<hbm>> -> memref<1x1x128xf32, #tpu.memory_space<hbm>>
    %dma_start3A_332 = tpu.memref_squeeze %dma_start3A_331 : memref<1x1x128xf32, #tpu.memory_space<hbm>> -> memref<1x128xf32, #tpu.memory_space<hbm>>
    tpu.enqueue_dma source(%dma_start3A_332 : memref<1x128xf32, #tpu.memory_space<hbm>>) target(%dma_start3A_329 : memref<1x128xf32, #tpu.memory_space<vmem>>) target_semaphore(%arg24 : memref<!tpu.dma_semaphore, #tpu.memory_space<semaphore_mem>>)
    %add3A_333 = arith.constant 18 : i32
    %add3A_334 = arith.addi %mul3A_2, %add3A_333 : i32
    %slice3A_335 = vector.extract_strided_slice %get3A_296 {offsets = [2], sizes = [1], strides = [1]} : vector<16xi32> to vector<1xi32>
    %squeeze3A_336 = vector.extract %slice3A_335[0] : i32 from vector<1xi32>
    %add3A_337 = arith.constant 1 : i32
    %add3A_338 = arith.addi %squeeze3A_336, %add3A_337 : i32
    %dma_start3A_339 = arith.constant 18 : i32
    %dma_start3A_340 = arith.constant 0 : i32
    %dma_start3A_341 = tpu.memref_slice %arg10[%dma_start3A_339, %dma_start3A_340] : memref<128x128xf32, #tpu.memory_space<vmem>> -> memref<1x128xf32, #tpu.memory_space<vmem>>
    %dma_start3A_342 = arith.constant 0 : i32
    %dma_start3A_343 = tpu.memref_slice %arg5[%add3A_334, %add3A_338, %dma_start3A_342] : memref<4096x65x128xf32, #tpu.memory_space<hbm>> -> memref<1x1x128xf32, #tpu.memory_space<hbm>>
    %dma_start3A_344 = tpu.memref_squeeze %dma_start3A_343 : memref<1x1x128xf32, #tpu.memory_space<hbm>> -> memref<1x128xf32, #tpu.memory_space<hbm>>
    %dma_start3A_345 = arith.constant 18 : i32
    %dma_start3A_346 = arith.constant 0 : i32
    %dma_start3A_347 = tpu.memref_slice %arg10[%dma_start3A_345, %dma_start3A_346] : memref<128x128xf32, #tpu.memory_space<vmem>> -> memref<1x128xf32, #tpu.memory_space<vmem>>
    %dma_start3A_348 = arith.constant 0 : i32
    %dma_start3A_349 = tpu.memref_slice %arg5[%add3A_334, %add3A_338, %dma_start3A_348] : memref<4096x65x128xf32, #tpu.memory_space<hbm>> -> memref<1x1x128xf32, #tpu.memory_space<hbm>>
    %dma_start3A_350 = tpu.memref_squeeze %dma_start3A_349 : memref<1x1x128xf32, #tpu.memory_space<hbm>> -> memref<1x128xf32, #tpu.memory_space<hbm>>
    tpu.enqueue_dma source(%dma_start3A_350 : memref<1x128xf32, #tpu.memory_space<hbm>>) target(%dma_start3A_347 : memref<1x128xf32, #tpu.memory_space<vmem>>) target_semaphore(%arg24 : memref<!tpu.dma_semaphore, #tpu.memory_space<semaphore_mem>>)
    %add3A_351 = arith.constant 19 : i32
    %add3A_352 = arith.addi %mul3A_2, %add3A_351 : i32
    %slice3A_353 = vector.extract_strided_slice %get3A_296 {offsets = [3], sizes = [1], strides = [1]} : vector<16xi32> to vector<1xi32>
    %squeeze3A_354 = vector.extract %slice3A_353[0] : i32 from vector<1xi32>
    %add3A_355 = arith.constant 1 : i32
    %add3A_356 = arith.addi %squeeze3A_354, %add3A_355 : i32
    %dma_start3A_357 = arith.constant 19 : i32
    %dma_start3A_358 = arith.constant 0 : i32
    %dma_start3A_359 = tpu.memref_slice %arg10[%dma_start3A_357, %dma_start3A_358] : memref<128x128xf32, #tpu.memory_space<vmem>> -> memref<1x128xf32, #tpu.memory_space<vmem>>
    %dma_start3A_360 = arith.constant 0 : i32
    %dma_start3A_361 = tpu.memref_slice %arg5[%add3A_352, %add3A_356, %dma_start3A_360] : memref<4096x65x128xf32, #tpu.memory_space<hbm>> -> memref<1x1x128xf32, #tpu.memory_space<hbm>>
    %dma_start3A_362 = tpu.memref_squeeze %dma_start3A_361 : memref<1x1x128xf32, #tpu.memory_space<hbm>> -> memref<1x128xf32, #tpu.memory_space<hbm>>
    %dma_start3A_363 = arith.constant 19 : i32
    %dma_start3A_364 = arith.constant 0 : i32
    %dma_start3A_365 = tpu.memref_slice %arg10[%dma_start3A_363, %dma_start3A_364] : memref<128x128xf32, #tpu.memory_space<vmem>> -> memref<1x128xf32, #tpu.memory_space<vmem>>
    %dma_start3A_366 = arith.constant 0 : i32
    %dma_start3A_367 = tpu.memref_slice %arg5[%add3A_352, %add3A_356, %dma_start3A_366] : memref<4096x65x128xf32, #tpu.memory_space<hbm>> -> memref<1x1x128xf32, #tpu.memory_space<hbm>>
    %dma_start3A_368 = tpu.memref_squeeze %dma_start3A_367 : memref<1x1x128xf32, #tpu.memory_space<hbm>> -> memref<1x128xf32, #tpu.memory_space<hbm>>
    tpu.enqueue_dma source(%dma_start3A_368 : memref<1x128xf32, #tpu.memory_space<hbm>>) target(%dma_start3A_365 : memref<1x128xf32, #tpu.memory_space<vmem>>) target_semaphore(%arg24 : memref<!tpu.dma_semaphore, #tpu.memory_space<semaphore_mem>>)
    %add3A_369 = arith.constant 20 : i32
    %add3A_370 = arith.addi %mul3A_2, %add3A_369 : i32
    %slice3A_371 = vector.extract_strided_slice %get3A_296 {offsets = [4], sizes = [1], strides = [1]} : vector<16xi32> to vector<1xi32>
    %squeeze3A_372 = vector.extract %slice3A_371[0] : i32 from vector<1xi32>
    %add3A_373 = arith.constant 1 : i32
    %add3A_374 = arith.addi %squeeze3A_372, %add3A_373 : i32
    %dma_start3A_375 = arith.constant 20 : i32
    %dma_start3A_376 = arith.constant 0 : i32
    %dma_start3A_377 = tpu.memref_slice %arg10[%dma_start3A_375, %dma_start3A_376] : memref<128x128xf32, #tpu.memory_space<vmem>> -> memref<1x128xf32, #tpu.memory_space<vmem>>
    %dma_start3A_378 = arith.constant 0 : i32
    %dma_start3A_379 = tpu.memref_slice %arg5[%add3A_370, %add3A_374, %dma_start3A_378] : memref<4096x65x128xf32, #tpu.memory_space<hbm>> -> memref<1x1x128xf32, #tpu.memory_space<hbm>>
    %dma_start3A_380 = tpu.memref_squeeze %dma_start3A_379 : memref<1x1x128xf32, #tpu.memory_space<hbm>> -> memref<1x128xf32, #tpu.memory_space<hbm>>
    %dma_start3A_381 = arith.constant 20 : i32
    %dma_start3A_382 = arith.constant 0 : i32
    %dma_start3A_383 = tpu.memref_slice %arg10[%dma_start3A_381, %dma_start3A_382] : memref<128x128xf32, #tpu.memory_space<vmem>> -> memref<1x128xf32, #tpu.memory_space<vmem>>
    %dma_start3A_384 = arith.constant 0 : i32
    %dma_start3A_385 = tpu.memref_slice %arg5[%add3A_370, %add3A_374, %dma_start3A_384] : memref<4096x65x128xf32, #tpu.memory_space<hbm>> -> memref<1x1x128xf32, #tpu.memory_space<hbm>>
    %dma_start3A_386 = tpu.memref_squeeze %dma_start3A_385 : memref<1x1x128xf32, #tpu.memory_space<hbm>> -> memref<1x128xf32, #tpu.memory_space<hbm>>
    tpu.enqueue_dma source(%dma_start3A_386 : memref<1x128xf32, #tpu.memory_space<hbm>>) target(%dma_start3A_383 : memref<1x128xf32, #tpu.memory_space<vmem>>) target_semaphore(%arg24 : memref<!tpu.dma_semaphore, #tpu.memory_space<semaphore_mem>>)
    %add3A_387 = arith.constant 21 : i32
    %add3A_388 = arith.addi %mul3A_2, %add3A_387 : i32
    %slice3A_389 = vector.extract_strided_slice %get3A_296 {offsets = [5], sizes = [1], strides = [1]} : vector<16xi32> to vector<1xi32>
    %squeeze3A_390 = vector.extract %slice3A_389[0] : i32 from vector<1xi32>
    %add3A_391 = arith.constant 1 : i32
    %add3A_392 = arith.addi %squeeze3A_390, %add3A_391 : i32
    %dma_start3A_393 = arith.constant 21 : i32
    %dma_start3A_394 = arith.constant 0 : i32
    %dma_start3A_395 = tpu.memref_slice %arg10[%dma_start3A_393, %dma_start3A_394] : memref<128x128xf32, #tpu.memory_space<vmem>> -> memref<1x128xf32, #tpu.memory_space<vmem>>
    %dma_start3A_396 = arith.constant 0 : i32
    %dma_start3A_397 = tpu.memref_slice %arg5[%add3A_388, %add3A_392, %dma_start3A_396] : memref<4096x65x128xf32, #tpu.memory_space<hbm>> -> memref<1x1x128xf32, #tpu.memory_space<hbm>>
    %dma_start3A_398 = tpu.memref_squeeze %dma_start3A_397 : memref<1x1x128xf32, #tpu.memory_space<hbm>> -> memref<1x128xf32, #tpu.memory_space<hbm>>
    %dma_start3A_399 = arith.constant 21 : i32
    %dma_start3A_400 = arith.constant 0 : i32
    %dma_start3A_401 = tpu.memref_slice %arg10[%dma_start3A_399, %dma_start3A_400] : memref<128x128xf32, #tpu.memory_space<vmem>> -> memref<1x128xf32, #tpu.memory_space<vmem>>
    %dma_start3A_402 = arith.constant 0 : i32
    %dma_start3A_403 = tpu.memref_slice %arg5[%add3A_388, %add3A_392, %dma_start3A_402] : memref<4096x65x128xf32, #tpu.memory_space<hbm>> -> memref<1x1x128xf32, #tpu.memory_space<hbm>>
    %dma_start3A_404 = tpu.memref_squeeze %dma_start3A_403 : memref<1x1x128xf32, #tpu.memory_space<hbm>> -> memref<1x128xf32, #tpu.memory_space<hbm>>
    tpu.enqueue_dma source(%dma_start3A_404 : memref<1x128xf32, #tpu.memory_space<hbm>>) target(%dma_start3A_401 : memref<1x128xf32, #tpu.memory_space<vmem>>) target_semaphore(%arg24 : memref<!tpu.dma_semaphore, #tpu.memory_space<semaphore_mem>>)
    %add3A_405 = arith.constant 22 : i32
    %add3A_406 = arith.addi %mul3A_2, %add3A_405 : i32
    %slice3A_407 = vector.extract_strided_slice %get3A_296 {offsets = [6], sizes = [1], strides = [1]} : vector<16xi32> to vector<1xi32>
    %squeeze3A_408 = vector.extract %slice3A_407[0] : i32 from vector<1xi32>
    %add3A_409 = arith.constant 1 : i32
    %add3A_410 = arith.addi %squeeze3A_408, %add3A_409 : i32
    %dma_start3A_411 = arith.constant 22 : i32
    %dma_start3A_412 = arith.constant 0 : i32
    %dma_start3A_413 = tpu.memref_slice %arg10[%dma_start3A_411, %dma_start3A_412] : memref<128x128xf32, #tpu.memory_space<vmem>> -> memref<1x128xf32, #tpu.memory_space<vmem>>
    %dma_start3A_414 = arith.constant 0 : i32
    %dma_start3A_415 = tpu.memref_slice %arg5[%add3A_406, %add3A_410, %dma_start3A_414] : memref<4096x65x128xf32, #tpu.memory_space<hbm>> -> memref<1x1x128xf32, #tpu.memory_space<hbm>>
    %dma_start3A_416 = tpu.memref_squeeze %dma_start3A_415 : memref<1x1x128xf32, #tpu.memory_space<hbm>> -> memref<1x128xf32, #tpu.memory_space<hbm>>
    %dma_start3A_417 = arith.constant 22 : i32
    %dma_start3A_418 = arith.constant 0 : i32
    %dma_start3A_419 = tpu.memref_slice %arg10[%dma_start3A_417, %dma_start3A_418] : memref<128x128xf32, #tpu.memory_space<vmem>> -> memref<1x128xf32, #tpu.memory_space<vmem>>
    %dma_start3A_420 = arith.constant 0 : i32
    %dma_start3A_421 = tpu.memref_slice %arg5[%add3A_406, %add3A_410, %dma_start3A_420] : memref<4096x65x128xf32, #tpu.memory_space<hbm>> -> memref<1x1x128xf32, #tpu.memory_space<hbm>>
    %dma_start3A_422 = tpu.memref_squeeze %dma_start3A_421 : memref<1x1x128xf32, #tpu.memory_space<hbm>> -> memref<1x128xf32, #tpu.memory_space<hbm>>
    tpu.enqueue_dma source(%dma_start3A_422 : memref<1x128xf32, #tpu.memory_space<hbm>>) target(%dma_start3A_419 : memref<1x128xf32, #tpu.memory_space<vmem>>) target_semaphore(%arg24 : memref<!tpu.dma_semaphore, #tpu.memory_space<semaphore_mem>>)
    %add3A_423 = arith.constant 23 : i32
    %add3A_424 = arith.addi %mul3A_2, %add3A_423 : i32
    %slice3A_425 = vector.extract_strided_slice %get3A_296 {offsets = [7], sizes = [1], strides = [1]} : vector<16xi32> to vector<1xi32>
    %squeeze3A_426 = vector.extract %slice3A_425[0] : i32 from vector<1xi32>
    %add3A_427 = arith.constant 1 : i32
    %add3A_428 = arith.addi %squeeze3A_426, %add3A_427 : i32
    %dma_start3A_429 = arith.constant 23 : i32
    %dma_start3A_430 = arith.constant 0 : i32
    %dma_start3A_431 = tpu.memref_slice %arg10[%dma_start3A_429, %dma_start3A_430] : memref<128x128xf32, #tpu.memory_space<vmem>> -> memref<1x128xf32, #tpu.memory_space<vmem>>
    %dma_start3A_432 = arith.constant 0 : i32
    %dma_start3A_433 = tpu.memref_slice %arg5[%add3A_424, %add3A_428, %dma_start3A_432] : memref<4096x65x128xf32, #tpu.memory_space<hbm>> -> memref<1x1x128xf32, #tpu.memory_space<hbm>>
    %dma_start3A_434 = tpu.memref_squeeze %dma_start3A_433 : memref<1x1x128xf32, #tpu.memory_space<hbm>> -> memref<1x128xf32, #tpu.memory_space<hbm>>
    %dma_start3A_435 = arith.constant 23 : i32
    %dma_start3A_436 = arith.constant 0 : i32
    %dma_start3A_437 = tpu.memref_slice %arg10[%dma_start3A_435, %dma_start3A_436] : memref<128x128xf32, #tpu.memory_space<vmem>> -> memref<1x128xf32, #tpu.memory_space<vmem>>
    %dma_start3A_438 = arith.constant 0 : i32
    %dma_start3A_439 = tpu.memref_slice %arg5[%add3A_424, %add3A_428, %dma_start3A_438] : memref<4096x65x128xf32, #tpu.memory_space<hbm>> -> memref<1x1x128xf32, #tpu.memory_space<hbm>>
    %dma_start3A_440 = tpu.memref_squeeze %dma_start3A_439 : memref<1x1x128xf32, #tpu.memory_space<hbm>> -> memref<1x128xf32, #tpu.memory_space<hbm>>
    tpu.enqueue_dma source(%dma_start3A_440 : memref<1x128xf32, #tpu.memory_space<hbm>>) target(%dma_start3A_437 : memref<1x128xf32, #tpu.memory_space<vmem>>) target_semaphore(%arg24 : memref<!tpu.dma_semaphore, #tpu.memory_space<semaphore_mem>>)
    %add3A_441 = arith.constant 24 : i32
    %add3A_442 = arith.addi %mul3A_2, %add3A_441 : i32
    %slice3A_443 = vector.extract_strided_slice %get3A_296 {offsets = [8], sizes = [1], strides = [1]} : vector<16xi32> to vector<1xi32>
    %squeeze3A_444 = vector.extract %slice3A_443[0] : i32 from vector<1xi32>
    %add3A_445 = arith.constant 1 : i32
    %add3A_446 = arith.addi %squeeze3A_444, %add3A_445 : i32
    %dma_start3A_447 = arith.constant 24 : i32
    %dma_start3A_448 = arith.constant 0 : i32
    %dma_start3A_449 = tpu.memref_slice %arg10[%dma_start3A_447, %dma_start3A_448] : memref<128x128xf32, #tpu.memory_space<vmem>> -> memref<1x128xf32, #tpu.memory_space<vmem>>
    %dma_start3A_450 = arith.constant 0 : i32
    %dma_start3A_451 = tpu.memref_slice %arg5[%add3A_442, %add3A_446, %dma_start3A_450] : memref<4096x65x128xf32, #tpu.memory_space<hbm>> -> memref<1x1x128xf32, #tpu.memory_space<hbm>>
    %dma_start3A_452 = tpu.memref_squeeze %dma_start3A_451 : memref<1x1x128xf32, #tpu.memory_space<hbm>> -> memref<1x128xf32, #tpu.memory_space<hbm>>
    %dma_start3A_453 = arith.constant 24 : i32
    %dma_start3A_454 = arith.constant 0 : i32
    %dma_start3A_455 = tpu.memref_slice %arg10[%dma_start3A_453, %dma_start3A_454] : memref<128x128xf32, #tpu.memory_space<vmem>> -> memref<1x128xf32, #tpu.memory_space<vmem>>
    %dma_start3A_456 = arith.constant 0 : i32
    %dma_start3A_457 = tpu.memref_slice %arg5[%add3A_442, %add3A_446, %dma_start3A_456] : memref<4096x65x128xf32, #tpu.memory_space<hbm>> -> memref<1x1x128xf32, #tpu.memory_space<hbm>>
    %dma_start3A_458 = tpu.memref_squeeze %dma_start3A_457 : memref<1x1x128xf32, #tpu.memory_space<hbm>> -> memref<1x128xf32, #tpu.memory_space<hbm>>
    tpu.enqueue_dma source(%dma_start3A_458 : memref<1x128xf32, #tpu.memory_space<hbm>>) target(%dma_start3A_455 : memref<1x128xf32, #tpu.memory_space<vmem>>) target_semaphore(%arg24 : memref<!tpu.dma_semaphore, #tpu.memory_space<semaphore_mem>>)
    %add3A_459 = arith.constant 25 : i32
    %add3A_460 = arith.addi %mul3A_2, %add3A_459 : i32
    %slice3A_461 = vector.extract_strided_slice %get3A_296 {offsets = [9], sizes = [1], strides = [1]} : vector<16xi32> to vector<1xi32>
    %squeeze3A_462 = vector.extract %slice3A_461[0] : i32 from vector<1xi32>
    %add3A_463 = arith.constant 1 : i32
    %add3A_464 = arith.addi %squeeze3A_462, %add3A_463 : i32
    %dma_start3A_465 = arith.constant 25 : i32
    %dma_start3A_466 = arith.constant 0 : i32
    %dma_start3A_467 = tpu.memref_slice %arg10[%dma_start3A_465, %dma_start3A_466] : memref<128x128xf32, #tpu.memory_space<vmem>> -> memref<1x128xf32, #tpu.memory_space<vmem>>
    %dma_start3A_468 = arith.constant 0 : i32
    %dma_start3A_469 = tpu.memref_slice %arg5[%add3A_460, %add3A_464, %dma_start3A_468] : memref<4096x65x128xf32, #tpu.memory_space<hbm>> -> memref<1x1x128xf32, #tpu.memory_space<hbm>>
    %dma_start3A_470 = tpu.memref_squeeze %dma_start3A_469 : memref<1x1x128xf32, #tpu.memory_space<hbm>> -> memref<1x128xf32, #tpu.memory_space<hbm>>
    %dma_start3A_471 = arith.constant 25 : i32
    %dma_start3A_472 = arith.constant 0 : i32
    %dma_start3A_473 = tpu.memref_slice %arg10[%dma_start3A_471, %dma_start3A_472] : memref<128x128xf32, #tpu.memory_space<vmem>> -> memref<1x128xf32, #tpu.memory_space<vmem>>
    %dma_start3A_474 = arith.constant 0 : i32
    %dma_start3A_475 = tpu.memref_slice %arg5[%add3A_460, %add3A_464, %dma_start3A_474] : memref<4096x65x128xf32, #tpu.memory_space<hbm>> -> memref<1x1x128xf32, #tpu.memory_space<hbm>>
    %dma_start3A_476 = tpu.memref_squeeze %dma_start3A_475 : memref<1x1x128xf32, #tpu.memory_space<hbm>> -> memref<1x128xf32, #tpu.memory_space<hbm>>
    tpu.enqueue_dma source(%dma_start3A_476 : memref<1x128xf32, #tpu.memory_space<hbm>>) target(%dma_start3A_473 : memref<1x128xf32, #tpu.memory_space<vmem>>) target_semaphore(%arg24 : memref<!tpu.dma_semaphore, #tpu.memory_space<semaphore_mem>>)
    %add3A_477 = arith.constant 26 : i32
    %add3A_478 = arith.addi %mul3A_2, %add3A_477 : i32
    %slice3A_479 = vector.extract_strided_slice %get3A_296 {offsets = [10], sizes = [1], strides = [1]} : vector<16xi32> to vector<1xi32>
    %squeeze3A_480 = vector.extract %slice3A_479[0] : i32 from vector<1xi32>
    %add3A_481 = arith.constant 1 : i32
    %add3A_482 = arith.addi %squeeze3A_480, %add3A_481 : i32
    %dma_start3A_483 = arith.constant 26 : i32
    %dma_start3A_484 = arith.constant 0 : i32
    %dma_start3A_485 = tpu.memref_slice %arg10[%dma_start3A_483, %dma_start3A_484] : memref<128x128xf32, #tpu.memory_space<vmem>> -> memref<1x128xf32, #tpu.memory_space<vmem>>
    %dma_start3A_486 = arith.constant 0 : i32
    %dma_start3A_487 = tpu.memref_slice %arg5[%add3A_478, %add3A_482, %dma_start3A_486] : memref<4096x65x128xf32, #tpu.memory_space<hbm>> -> memref<1x1x128xf32, #tpu.memory_space<hbm>>
    %dma_start3A_488 = tpu.memref_squeeze %dma_start3A_487 : memref<1x1x128xf32, #tpu.memory_space<hbm>> -> memref<1x128xf32, #tpu.memory_space<hbm>>
    %dma_start3A_489 = arith.constant 26 : i32
    %dma_start3A_490 = arith.constant 0 : i32
    %dma_start3A_491 = tpu.memref_slice %arg10[%dma_start3A_489, %dma_start3A_490] : memref<128x128xf32, #tpu.memory_space<vmem>> -> memref<1x128xf32, #tpu.memory_space<vmem>>
    %dma_start3A_492 = arith.constant 0 : i32
    %dma_start3A_493 = tpu.memref_slice %arg5[%add3A_478, %add3A_482, %dma_start3A_492] : memref<4096x65x128xf32, #tpu.memory_space<hbm>> -> memref<1x1x128xf32, #tpu.memory_space<hbm>>
    %dma_start3A_494 = tpu.memref_squeeze %dma_start3A_493 : memref<1x1x128xf32, #tpu.memory_space<hbm>> -> memref<1x128xf32, #tpu.memory_space<hbm>>
    tpu.enqueue_dma source(%dma_start3A_494 : memref<1x128xf32, #tpu.memory_space<hbm>>) target(%dma_start3A_491 : memref<1x128xf32, #tpu.memory_space<vmem>>) target_semaphore(%arg24 : memref<!tpu.dma_semaphore, #tpu.memory_space<semaphore_mem>>)
    %add3A_495 = arith.constant 27 : i32
    %add3A_496 = arith.addi %mul3A_2, %add3A_495 : i32
    %slice3A_497 = vector.extract_strided_slice %get3A_296 {offsets = [11], sizes = [1], strides = [1]} : vector<16xi32> to vector<1xi32>
    %squeeze3A_498 = vector.extract %slice3A_497[0] : i32 from vector<1xi32>
    %add3A_499 = arith.constant 1 : i32
    %add3A_500 = arith.addi %squeeze3A_498, %add3A_499 : i32
    %dma_start3A_501 = arith.constant 27 : i32
    %dma_start3A_502 = arith.constant 0 : i32
    %dma_start3A_503 = tpu.memref_slice %arg10[%dma_start3A_501, %dma_start3A_502] : memref<128x128xf32, #tpu.memory_space<vmem>> -> memref<1x128xf32, #tpu.memory_space<vmem>>
    %dma_start3A_504 = arith.constant 0 : i32
    %dma_start3A_505 = tpu.memref_slice %arg5[%add3A_496, %add3A_500, %dma_start3A_504] : memref<4096x65x128xf32, #tpu.memory_space<hbm>> -> memref<1x1x128xf32, #tpu.memory_space<hbm>>
    %dma_start3A_506 = tpu.memref_squeeze %dma_start3A_505 : memref<1x1x128xf32, #tpu.memory_space<hbm>> -> memref<1x128xf32, #tpu.memory_space<hbm>>
    %dma_start3A_507 = arith.constant 27 : i32
    %dma_start3A_508 = arith.constant 0 : i32
    %dma_start3A_509 = tpu.memref_slice %arg10[%dma_start3A_507, %dma_start3A_508] : memref<128x128xf32, #tpu.memory_space<vmem>> -> memref<1x128xf32, #tpu.memory_space<vmem>>
    %dma_start3A_510 = arith.constant 0 : i32
    %dma_start3A_511 = tpu.memref_slice %arg5[%add3A_496, %add3A_500, %dma_start3A_510] : memref<4096x65x128xf32, #tpu.memory_space<hbm>> -> memref<1x1x128xf32, #tpu.memory_space<hbm>>
    %dma_start3A_512 = tpu.memref_squeeze %dma_start3A_511 : memref<1x1x128xf32, #tpu.memory_space<hbm>> -> memref<1x128xf32, #tpu.memory_space<hbm>>
    tpu.enqueue_dma source(%dma_start3A_512 : memref<1x128xf32, #tpu.memory_space<hbm>>) target(%dma_start3A_509 : memref<1x128xf32, #tpu.memory_space<vmem>>) target_semaphore(%arg24 : memref<!tpu.dma_semaphore, #tpu.memory_space<semaphore_mem>>)
    %add3A_513 = arith.constant 28 : i32
    %add3A_514 = arith.addi %mul3A_2, %add3A_513 : i32
    %slice3A_515 = vector.extract_strided_slice %get3A_296 {offsets = [12], sizes = [1], strides = [1]} : vector<16xi32> to vector<1xi32>
    %squeeze3A_516 = vector.extract %slice3A_515[0] : i32 from vector<1xi32>
    %add3A_517 = arith.constant 1 : i32
    %add3A_518 = arith.addi %squeeze3A_516, %add3A_517 : i32
    %dma_start3A_519 = arith.constant 28 : i32
    %dma_start3A_520 = arith.constant 0 : i32
    %dma_start3A_521 = tpu.memref_slice %arg10[%dma_start3A_519, %dma_start3A_520] : memref<128x128xf32, #tpu.memory_space<vmem>> -> memref<1x128xf32, #tpu.memory_space<vmem>>
    %dma_start3A_522 = arith.constant 0 : i32
    %dma_start3A_523 = tpu.memref_slice %arg5[%add3A_514, %add3A_518, %dma_start3A_522] : memref<4096x65x128xf32, #tpu.memory_space<hbm>> -> memref<1x1x128xf32, #tpu.memory_space<hbm>>
    %dma_start3A_524 = tpu.memref_squeeze %dma_start3A_523 : memref<1x1x128xf32, #tpu.memory_space<hbm>> -> memref<1x128xf32, #tpu.memory_space<hbm>>
    %dma_start3A_525 = arith.constant 28 : i32
    %dma_start3A_526 = arith.constant 0 : i32
    %dma_start3A_527 = tpu.memref_slice %arg10[%dma_start3A_525, %dma_start3A_526] : memref<128x128xf32, #tpu.memory_space<vmem>> -> memref<1x128xf32, #tpu.memory_space<vmem>>
    %dma_start3A_528 = arith.constant 0 : i32
    %dma_start3A_529 = tpu.memref_slice %arg5[%add3A_514, %add3A_518, %dma_start3A_528] : memref<4096x65x128xf32, #tpu.memory_space<hbm>> -> memref<1x1x128xf32, #tpu.memory_space<hbm>>
    %dma_start3A_530 = tpu.memref_squeeze %dma_start3A_529 : memref<1x1x128xf32, #tpu.memory_space<hbm>> -> memref<1x128xf32, #tpu.memory_space<hbm>>
    tpu.enqueue_dma source(%dma_start3A_530 : memref<1x128xf32, #tpu.memory_space<hbm>>) target(%dma_start3A_527 : memref<1x128xf32, #tpu.memory_space<vmem>>) target_semaphore(%arg24 : memref<!tpu.dma_semaphore, #tpu.memory_space<semaphore_mem>>)
    %add3A_531 = arith.constant 29 : i32
    %add3A_532 = arith.addi %mul3A_2, %add3A_531 : i32
    %slice3A_533 = vector.extract_strided_slice %get3A_296 {offsets = [13], sizes = [1], strides = [1]} : vector<16xi32> to vector<1xi32>
    %squeeze3A_534 = vector.extract %slice3A_533[0] : i32 from vector<1xi32>
    %add3A_535 = arith.constant 1 : i32
    %add3A_536 = arith.addi %squeeze3A_534, %add3A_535 : i32
    %dma_start3A_537 = arith.constant 29 : i32
    %dma_start3A_538 = arith.constant 0 : i32
    %dma_start3A_539 = tpu.memref_slice %arg10[%dma_start3A_537, %dma_start3A_538] : memref<128x128xf32, #tpu.memory_space<vmem>> -> memref<1x128xf32, #tpu.memory_space<vmem>>
    %dma_start3A_540 = arith.constant 0 : i32
    %dma_start3A_541 = tpu.memref_slice %arg5[%add3A_532, %add3A_536, %dma_start3A_540] : memref<4096x65x128xf32, #tpu.memory_space<hbm>> -> memref<1x1x128xf32, #tpu.memory_space<hbm>>
    %dma_start3A_542 = tpu.memref_squeeze %dma_start3A_541 : memref<1x1x128xf32, #tpu.memory_space<hbm>> -> memref<1x128xf32, #tpu.memory_space<hbm>>
    %dma_start3A_543 = arith.constant 29 : i32
    %dma_start3A_544 = arith.constant 0 : i32
    %dma_start3A_545 = tpu.memref_slice %arg10[%dma_start3A_543, %dma_start3A_544] : memref<128x128xf32, #tpu.memory_space<vmem>> -> memref<1x128xf32, #tpu.memory_space<vmem>>
    %dma_start3A_546 = arith.constant 0 : i32
    %dma_start3A_547 = tpu.memref_slice %arg5[%add3A_532, %add3A_536, %dma_start3A_546] : memref<4096x65x128xf32, #tpu.memory_space<hbm>> -> memref<1x1x128xf32, #tpu.memory_space<hbm>>
    %dma_start3A_548 = tpu.memref_squeeze %dma_start3A_547 : memref<1x1x128xf32, #tpu.memory_space<hbm>> -> memref<1x128xf32, #tpu.memory_space<hbm>>
    tpu.enqueue_dma source(%dma_start3A_548 : memref<1x128xf32, #tpu.memory_space<hbm>>) target(%dma_start3A_545 : memref<1x128xf32, #tpu.memory_space<vmem>>) target_semaphore(%arg24 : memref<!tpu.dma_semaphore, #tpu.memory_space<semaphore_mem>>)
    %add3A_549 = arith.constant 30 : i32
    %add3A_550 = arith.addi %mul3A_2, %add3A_549 : i32
    %slice3A_551 = vector.extract_strided_slice %get3A_296 {offsets = [14], sizes = [1], strides = [1]} : vector<16xi32> to vector<1xi32>
    %squeeze3A_552 = vector.extract %slice3A_551[0] : i32 from vector<1xi32>
    %add3A_553 = arith.constant 1 : i32
    %add3A_554 = arith.addi %squeeze3A_552, %add3A_553 : i32
    %dma_start3A_555 = arith.constant 30 : i32
    %dma_start3A_556 = arith.constant 0 : i32
    %dma_start3A_557 = tpu.memref_slice %arg10[%dma_start3A_555, %dma_start3A_556] : memref<128x128xf32, #tpu.memory_space<vmem>> -> memref<1x128xf32, #tpu.memory_space<vmem>>
    %dma_start3A_558 = arith.constant 0 : i32
    %dma_start3A_559 = tpu.memref_slice %arg5[%add3A_550, %add3A_554, %dma_start3A_558] : memref<4096x65x128xf32, #tpu.memory_space<hbm>> -> memref<1x1x128xf32, #tpu.memory_space<hbm>>
    %dma_start3A_560 = tpu.memref_squeeze %dma_start3A_559 : memref<1x1x128xf32, #tpu.memory_space<hbm>> -> memref<1x128xf32, #tpu.memory_space<hbm>>
    %dma_start3A_561 = arith.constant 30 : i32
    %dma_start3A_562 = arith.constant 0 : i32
    %dma_start3A_563 = tpu.memref_slice %arg10[%dma_start3A_561, %dma_start3A_562] : memref<128x128xf32, #tpu.memory_space<vmem>> -> memref<1x128xf32, #tpu.memory_space<vmem>>
    %dma_start3A_564 = arith.constant 0 : i32
    %dma_start3A_565 = tpu.memref_slice %arg5[%add3A_550, %add3A_554, %dma_start3A_564] : memref<4096x65x128xf32, #tpu.memory_space<hbm>> -> memref<1x1x128xf32, #tpu.memory_space<hbm>>
    %dma_start3A_566 = tpu.memref_squeeze %dma_start3A_565 : memref<1x1x128xf32, #tpu.memory_space<hbm>> -> memref<1x128xf32, #tpu.memory_space<hbm>>
    tpu.enqueue_dma source(%dma_start3A_566 : memref<1x128xf32, #tpu.memory_space<hbm>>) target(%dma_start3A_563 : memref<1x128xf32, #tpu.memory_space<vmem>>) target_semaphore(%arg24 : memref<!tpu.dma_semaphore, #tpu.memory_space<semaphore_mem>>)
    %add3A_567 = arith.constant 31 : i32
    %add3A_568 = arith.addi %mul3A_2, %add3A_567 : i32
    %slice3A_569 = vector.extract_strided_slice %get3A_296 {offsets = [15], sizes = [1], strides = [1]} : vector<16xi32> to vector<1xi32>
    %squeeze3A_570 = vector.extract %slice3A_569[0] : i32 from vector<1xi32>
    %add3A_571 = arith.constant 1 : i32
    %add3A_572 = arith.addi %squeeze3A_570, %add3A_571 : i32
    %dma_start3A_573 = arith.constant 31 : i32
    %dma_start3A_574 = arith.constant 0 : i32
    %dma_start3A_575 = tpu.memref_slice %arg10[%dma_start3A_573, %dma_start3A_574] : memref<128x128xf32, #tpu.memory_space<vmem>> -> memref<1x128xf32, #tpu.memory_space<vmem>>
    %dma_start3A_576 = arith.constant 0 : i32
    %dma_start3A_577 = tpu.memref_slice %arg5[%add3A_568, %add3A_572, %dma_start3A_576] : memref<4096x65x128xf32, #tpu.memory_space<hbm>> -> memref<1x1x128xf32, #tpu.memory_space<hbm>>
    %dma_start3A_578 = tpu.memref_squeeze %dma_start3A_577 : memref<1x1x128xf32, #tpu.memory_space<hbm>> -> memref<1x128xf32, #tpu.memory_space<hbm>>
    %dma_start3A_579 = arith.constant 31 : i32
    %dma_start3A_580 = arith.constant 0 : i32
    %dma_start3A_581 = tpu.memref_slice %arg10[%dma_start3A_579, %dma_start3A_580] : memref<128x128xf32, #tpu.memory_space<vmem>> -> memref<1x128xf32, #tpu.memory_space<vmem>>
    %dma_start3A_582 = arith.constant 0 : i32
    %dma_start3A_583 = tpu.memref_slice %arg5[%add3A_568, %add3A_572, %dma_start3A_582] : memref<4096x65x128xf32, #tpu.memory_space<hbm>> -> memref<1x1x128xf32, #tpu.memory_space<hbm>>
    %dma_start3A_584 = tpu.memref_squeeze %dma_start3A_583 : memref<1x1x128xf32, #tpu.memory_space<hbm>> -> memref<1x128xf32, #tpu.memory_space<hbm>>
    tpu.enqueue_dma source(%dma_start3A_584 : memref<1x128xf32, #tpu.memory_space<hbm>>) target(%dma_start3A_581 : memref<1x128xf32, #tpu.memory_space<vmem>>) target_semaphore(%arg24 : memref<!tpu.dma_semaphore, #tpu.memory_space<semaphore_mem>>)
    %get3A_585 = arith.constant 32 : index
    %get3A_586 = tpu.vector_load %arg8[%get3A_585] {strides = array<i32>} : memref<128xi32, #tpu.memory_space<vmem>>, vector<16xi32>,
    %get3A_587 = vector.shape_cast %get3A_586 : vector<16xi32> to vector<16xi32>
    %add3A_588 = arith.constant 32 : i32
    %add3A_589 = arith.addi %mul3A_2, %add3A_588 : i32
    %slice3A_590 = vector.extract_strided_slice %get3A_587 {offsets = [0], sizes = [1], strides = [1]} : vector<16xi32> to vector<1xi32>
    %squeeze3A_591 = vector.extract %slice3A_590[0] : i32 from vector<1xi32>
    %add3A_592 = arith.constant 1 : i32
    %add3A_593 = arith.addi %squeeze3A_591, %add3A_592 : i32
    %dma_start3A_594 = arith.constant 32 : i32
    %dma_start3A_595 = arith.constant 0 : i32
    %dma_start3A_596 = tpu.memref_slice %arg10[%dma_start3A_594, %dma_start3A_595] : memref<128x128xf32, #tpu.memory_space<vmem>> -> memref<1x128xf32, #tpu.memory_space<vmem>>
    %dma_start3A_597 = arith.constant 0 : i32
    %dma_start3A_598 = tpu.memref_slice %arg5[%add3A_589, %add3A_593, %dma_start3A_597] : memref<4096x65x128xf32, #tpu.memory_space<hbm>> -> memref<1x1x128xf32, #tpu.memory_space<hbm>>
    %dma_start3A_599 = tpu.memref_squeeze %dma_start3A_598 : memref<1x1x128xf32, #tpu.memory_space<hbm>> -> memref<1x128xf32, #tpu.memory_space<hbm>>
    %dma_start3A_600 = arith.constant 32 : i32
    %dma_start3A_601 = arith.constant 0 : i32
    %dma_start3A_602 = tpu.memref_slice %arg10[%dma_start3A_600, %dma_start3A_601] : memref<128x128xf32, #tpu.memory_space<vmem>> -> memref<1x128xf32, #tpu.memory_space<vmem>>
    %dma_start3A_603 = arith.constant 0 : i32
    %dma_start3A_604 = tpu.memref_slice %arg5[%add3A_589, %add3A_593, %dma_start3A_603] : memref<4096x65x128xf32, #tpu.memory_space<hbm>> -> memref<1x1x128xf32, #tpu.memory_space<hbm>>
    %dma_start3A_605 = tpu.memref_squeeze %dma_start3A_604 : memref<1x1x128xf32, #tpu.memory_space<hbm>> -> memref<1x128xf32, #tpu.memory_space<hbm>>
    tpu.enqueue_dma source(%dma_start3A_605 : memref<1x128xf32, #tpu.memory_space<hbm>>) target(%dma_start3A_602 : memref<1x128xf32, #tpu.memory_space<vmem>>) target_semaphore(%arg24 : memref<!tpu.dma_semaphore, #tpu.memory_space<semaphore_mem>>)
    %add3A_606 = arith.constant 33 : i32
    %add3A_607 = arith.addi %mul3A_2, %add3A_606 : i32
    %slice3A_608 = vector.extract_strided_slice %get3A_587 {offsets = [1], sizes = [1], strides = [1]} : vector<16xi32> to vector<1xi32>
    %squeeze3A_609 = vector.extract %slice3A_608[0] : i32 from vector<1xi32>
    %add3A_610 = arith.constant 1 : i32
    %add3A_611 = arith.addi %squeeze3A_609, %add3A_610 : i32
    %dma_start3A_612 = arith.constant 33 : i32
    %dma_start3A_613 = arith.constant 0 : i32
    %dma_start3A_614 = tpu.memref_slice %arg10[%dma_start3A_612, %dma_start3A_613] : memref<128x128xf32, #tpu.memory_space<vmem>> -> memref<1x128xf32, #tpu.memory_space<vmem>>
    %dma_start3A_615 = arith.constant 0 : i32
    %dma_start3A_616 = tpu.memref_slice %arg5[%add3A_607, %add3A_611, %dma_start3A_615] : memref<4096x65x128xf32, #tpu.memory_space<hbm>> -> memref<1x1x128xf32, #tpu.memory_space<hbm>>
    %dma_start3A_617 = tpu.memref_squeeze %dma_start3A_616 : memref<1x1x128xf32, #tpu.memory_space<hbm>> -> memref<1x128xf32, #tpu.memory_space<hbm>>
    %dma_start3A_618 = arith.constant 33 : i32
    %dma_start3A_619 = arith.constant 0 : i32
    %dma_start3A_620 = tpu.memref_slice %arg10[%dma_start3A_618, %dma_start3A_619] : memref<128x128xf32, #tpu.memory_space<vmem>> -> memref<1x128xf32, #tpu.memory_space<vmem>>
    %dma_start3A_621 = arith.constant 0 : i32
    %dma_start3A_622 = tpu.memref_slice %arg5[%add3A_607, %add3A_611, %dma_start3A_621] : memref<4096x65x128xf32, #tpu.memory_space<hbm>> -> memref<1x1x128xf32, #tpu.memory_space<hbm>>
    %dma_start3A_623 = tpu.memref_squeeze %dma_start3A_622 : memref<1x1x128xf32, #tpu.memory_space<hbm>> -> memref<1x128xf32, #tpu.memory_space<hbm>>
    tpu.enqueue_dma source(%dma_start3A_623 : memref<1x128xf32, #tpu.memory_space<hbm>>) target(%dma_start3A_620 : memref<1x128xf32, #tpu.memory_space<vmem>>) target_semaphore(%arg24 : memref<!tpu.dma_semaphore, #tpu.memory_space<semaphore_mem>>)
    %add3A_624 = arith.constant 34 : i32
    %add3A_625 = arith.addi %mul3A_2, %add3A_624 : i32
    %slice3A_626 = vector.extract_strided_slice %get3A_587 {offsets = [2], sizes = [1], strides = [1]} : vector<16xi32> to vector<1xi32>
    %squeeze3A_627 = vector.extract %slice3A_626[0] : i32 from vector<1xi32>
    %add3A_628 = arith.constant 1 : i32
    %add3A_629 = arith.addi %squeeze3A_627, %add3A_628 : i32
    %dma_start3A_630 = arith.constant 34 : i32
    %dma_start3A_631 = arith.constant 0 : i32
    %dma_start3A_632 = tpu.memref_slice %arg10[%dma_start3A_630, %dma_start3A_631] : memref<128x128xf32, #tpu.memory_space<vmem>> -> memref<1x128xf32, #tpu.memory_space<vmem>>
    %dma_start3A_633 = arith.constant 0 : i32
    %dma_start3A_634 = tpu.memref_slice %arg5[%add3A_625, %add3A_629, %dma_start3A_633] : memref<4096x65x128xf32, #tpu.memory_space<hbm>> -> memref<1x1x128xf32, #tpu.memory_space<hbm>>
    %dma_start3A_635 = tpu.memref_squeeze %dma_start3A_634 : memref<1x1x128xf32, #tpu.memory_space<hbm>> -> memref<1x128xf32, #tpu.memory_space<hbm>>
    %dma_start3A_636 = arith.constant 34 : i32
    %dma_start3A_637 = arith.constant 0 : i32
    %dma_start3A_638 = tpu.memref_slice %arg10[%dma_start3A_636, %dma_start3A_637] : memref<128x128xf32, #tpu.memory_space<vmem>> -> memref<1x128xf32, #tpu.memory_space<vmem>>
    %dma_start3A_639 = arith.constant 0 : i32
    %dma_start3A_640 = tpu.memref_slice %arg5[%add3A_625, %add3A_629, %dma_start3A_639] : memref<4096x65x128xf32, #tpu.memory_space<hbm>> -> memref<1x1x128xf32, #tpu.memory_space<hbm>>
    %dma_start3A_641 = tpu.memref_squeeze %dma_start3A_640 : memref<1x1x128xf32, #tpu.memory_space<hbm>> -> memref<1x128xf32, #tpu.memory_space<hbm>>
    tpu.enqueue_dma source(%dma_start3A_641 : memref<1x128xf32, #tpu.memory_space<hbm>>) target(%dma_start3A_638 : memref<1x128xf32, #tpu.memory_space<vmem>>) target_semaphore(%arg24 : memref<!tpu.dma_semaphore, #tpu.memory_space<semaphore_mem>>)
    %add3A_642 = arith.constant 35 : i32
    %add3A_643 = arith.addi %mul3A_2, %add3A_642 : i32
    %slice3A_644 = vector.extract_strided_slice %get3A_587 {offsets = [3], sizes = [1], strides = [1]} : vector<16xi32> to vector<1xi32>
    %squeeze3A_645 = vector.extract %slice3A_644[0] : i32 from vector<1xi32>
    %add3A_646 = arith.constant 1 : i32
    %add3A_647 = arith.addi %squeeze3A_645, %add3A_646 : i32
    %dma_start3A_648 = arith.constant 35 : i32
    %dma_start3A_649 = arith.constant 0 : i32
    %dma_start3A_650 = tpu.memref_slice %arg10[%dma_start3A_648, %dma_start3A_649] : memref<128x128xf32, #tpu.memory_space<vmem>> -> memref<1x128xf32, #tpu.memory_space<vmem>>
    %dma_start3A_651 = arith.constant 0 : i32
    %dma_start3A_652 = tpu.memref_slice %arg5[%add3A_643, %add3A_647, %dma_start3A_651] : memref<4096x65x128xf32, #tpu.memory_space<hbm>> -> memref<1x1x128xf32, #tpu.memory_space<hbm>>
    %dma_start3A_653 = tpu.memref_squeeze %dma_start3A_652 : memref<1x1x128xf32, #tpu.memory_space<hbm>> -> memref<1x128xf32, #tpu.memory_space<hbm>>
    %dma_start3A_654 = arith.constant 35 : i32
    %dma_start3A_655 = arith.constant 0 : i32
    %dma_start3A_656 = tpu.memref_slice %arg10[%dma_start3A_654, %dma_start3A_655] : memref<128x128xf32, #tpu.memory_space<vmem>> -> memref<1x128xf32, #tpu.memory_space<vmem>>
    %dma_start3A_657 = arith.constant 0 : i32
    %dma_start3A_658 = tpu.memref_slice %arg5[%add3A_643, %add3A_647, %dma_start3A_657] : memref<4096x65x128xf32, #tpu.memory_space<hbm>> -> memref<1x1x128xf32, #tpu.memory_space<hbm>>
    %dma_start3A_659 = tpu.memref_squeeze %dma_start3A_658 : memref<1x1x128xf32, #tpu.memory_space<hbm>> -> memref<1x128xf32, #tpu.memory_space<hbm>>
    tpu.enqueue_dma source(%dma_start3A_659 : memref<1x128xf32, #tpu.memory_space<hbm>>) target(%dma_start3A_656 : memref<1x128xf32, #tpu.memory_space<vmem>>) target_semaphore(%arg24 : memref<!tpu.dma_semaphore, #tpu.memory_space<semaphore_mem>>)
    %add3A_660 = arith.constant 36 : i32
    %add3A_661 = arith.addi %mul3A_2, %add3A_660 : i32
    %slice3A_662 = vector.extract_strided_slice %get3A_587 {offsets = [4], sizes = [1], strides = [1]} : vector<16xi32> to vector<1xi32>
    %squeeze3A_663 = vector.extract %slice3A_662[0] : i32 from vector<1xi32>
    %add3A_664 = arith.constant 1 : i32
    %add3A_665 = arith.addi %squeeze3A_663, %add3A_664 : i32
    %dma_start3A_666 = arith.constant 36 : i32
    %dma_start3A_667 = arith.constant 0 : i32
    %dma_start3A_668 = tpu.memref_slice %arg10[%dma_start3A_666, %dma_start3A_667] : memref<128x128xf32, #tpu.memory_space<vmem>> -> memref<1x128xf32, #tpu.memory_space<vmem>>
    %dma_start3A_669 = arith.constant 0 : i32
    %dma_start3A_670 = tpu.memref_slice %arg5[%add3A_661, %add3A_665, %dma_start3A_669] : memref<4096x65x128xf32, #tpu.memory_space<hbm>> -> memref<1x1x128xf32, #tpu.memory_space<hbm>>
    %dma_start3A_671 = tpu.memref_squeeze %dma_start3A_670 : memref<1x1x128xf32, #tpu.memory_space<hbm>> -> memref<1x128xf32, #tpu.memory_space<hbm>>
    %dma_start3A_672 = arith.constant 36 : i32
    %dma_start3A_673 = arith.constant 0 : i32
    %dma_start3A_674 = tpu.memref_slice %arg10[%dma_start3A_672, %dma_start3A_673] : memref<128x128xf32, #tpu.memory_space<vmem>> -> memref<1x128xf32, #tpu.memory_space<vmem>>
    %dma_start3A_675 = arith.constant 0 : i32
    %dma_start3A_676 = tpu.memref_slice %arg5[%add3A_661, %add3A_665, %dma_start3A_675] : memref<4096x65x128xf32, #tpu.memory_space<hbm>> -> memref<1x1x128xf32, #tpu.memory_space<hbm>>
    %dma_start3A_677 = tpu.memref_squeeze %dma_start3A_676 : memref<1x1x128xf32, #tpu.memory_space<hbm>> -> memref<1x128xf32, #tpu.memory_space<hbm>>
    tpu.enqueue_dma source(%dma_start3A_677 : memref<1x128xf32, #tpu.memory_space<hbm>>) target(%dma_start3A_674 : memref<1x128xf32, #tpu.memory_space<vmem>>) target_semaphore(%arg24 : memref<!tpu.dma_semaphore, #tpu.memory_space<semaphore_mem>>)
    %add3A_678 = arith.constant 37 : i32
    %add3A_679 = arith.addi %mul3A_2, %add3A_678 : i32
    %slice3A_680 = vector.extract_strided_slice %get3A_587 {offsets = [5], sizes = [1], strides = [1]} : vector<16xi32> to vector<1xi32>
    %squeeze3A_681 = vector.extract %slice3A_680[0] : i32 from vector<1xi32>
    %add3A_682 = arith.constant 1 : i32
    %add3A_683 = arith.addi %squeeze3A_681, %add3A_682 : i32
    %dma_start3A_684 = arith.constant 37 : i32
    %dma_start3A_685 = arith.constant 0 : i32
    %dma_start3A_686 = tpu.memref_slice %arg10[%dma_start3A_684, %dma_start3A_685] : memref<128x128xf32, #tpu.memory_space<vmem>> -> memref<1x128xf32, #tpu.memory_space<vmem>>
    %dma_start3A_687 = arith.constant 0 : i32
    %dma_start3A_688 = tpu.memref_slice %arg5[%add3A_679, %add3A_683, %dma_start3A_687] : memref<4096x65x128xf32, #tpu.memory_space<hbm>> -> memref<1x1x128xf32, #tpu.memory_space<hbm>>
    %dma_start3A_689 = tpu.memref_squeeze %dma_start3A_688 : memref<1x1x128xf32, #tpu.memory_space<hbm>> -> memref<1x128xf32, #tpu.memory_space<hbm>>
    %dma_start3A_690 = arith.constant 37 : i32
    %dma_start3A_691 = arith.constant 0 : i32
    %dma_start3A_692 = tpu.memref_slice %arg10[%dma_start3A_690, %dma_start3A_691] : memref<128x128xf32, #tpu.memory_space<vmem>> -> memref<1x128xf32, #tpu.memory_space<vmem>>
    %dma_start3A_693 = arith.constant 0 : i32
    %dma_start3A_694 = tpu.memref_slice %arg5[%add3A_679, %add3A_683, %dma_start3A_693] : memref<4096x65x128xf32, #tpu.memory_space<hbm>> -> memref<1x1x128xf32, #tpu.memory_space<hbm>>
    %dma_start3A_695 = tpu.memref_squeeze %dma_start3A_694 : memref<1x1x128xf32, #tpu.memory_space<hbm>> -> memref<1x128xf32, #tpu.memory_space<hbm>>
    tpu.enqueue_dma source(%dma_start3A_695 : memref<1x128xf32, #tpu.memory_space<hbm>>) target(%dma_start3A_692 : memref<1x128xf32, #tpu.memory_space<vmem>>) target_semaphore(%arg24 : memref<!tpu.dma_semaphore, #tpu.memory_space<semaphore_mem>>)
    %add3A_696 = arith.constant 38 : i32
    %add3A_697 = arith.addi %mul3A_2, %add3A_696 : i32
    %slice3A_698 = vector.extract_strided_slice %get3A_587 {offsets = [6], sizes = [1], strides = [1]} : vector<16xi32> to vector<1xi32>
    %squeeze3A_699 = vector.extract %slice3A_698[0] : i32 from vector<1xi32>
    %add3A_700 = arith.constant 1 : i32
    %add3A_701 = arith.addi %squeeze3A_699, %add3A_700 : i32
    %dma_start3A_702 = arith.constant 38 : i32
    %dma_start3A_703 = arith.constant 0 : i32
    %dma_start3A_704 = tpu.memref_slice %arg10[%dma_start3A_702, %dma_start3A_703] : memref<128x128xf32, #tpu.memory_space<vmem>> -> memref<1x128xf32, #tpu.memory_space<vmem>>
    %dma_start3A_705 = arith.constant 0 : i32
    %dma_start3A_706 = tpu.memref_slice %arg5[%add3A_697, %add3A_701, %dma_start3A_705] : memref<4096x65x128xf32, #tpu.memory_space<hbm>> -> memref<1x1x128xf32, #tpu.memory_space<hbm>>
    %dma_start3A_707 = tpu.memref_squeeze %dma_start3A_706 : memref<1x1x128xf32, #tpu.memory_space<hbm>> -> memref<1x128xf32, #tpu.memory_space<hbm>>
    %dma_start3A_708 = arith.constant 38 : i32
    %dma_start3A_709 = arith.constant 0 : i32
    %dma_start3A_710 = tpu.memref_slice %arg10[%dma_start3A_708, %dma_start3A_709] : memref<128x128xf32, #tpu.memory_space<vmem>> -> memref<1x128xf32, #tpu.memory_space<vmem>>
    %dma_start3A_711 = arith.constant 0 : i32
    %dma_start3A_712 = tpu.memref_slice %arg5[%add3A_697, %add3A_701, %dma_start3A_711] : memref<4096x65x128xf32, #tpu.memory_space<hbm>> -> memref<1x1x128xf32, #tpu.memory_space<hbm>>
    %dma_start3A_713 = tpu.memref_squeeze %dma_start3A_712 : memref<1x1x128xf32, #tpu.memory_space<hbm>> -> memref<1x128xf32, #tpu.memory_space<hbm>>
    tpu.enqueue_dma source(%dma_start3A_713 : memref<1x128xf32, #tpu.memory_space<hbm>>) target(%dma_start3A_710 : memref<1x128xf32, #tpu.memory_space<vmem>>) target_semaphore(%arg24 : memref<!tpu.dma_semaphore, #tpu.memory_space<semaphore_mem>>)
    %add3A_714 = arith.constant 39 : i32
    %add3A_715 = arith.addi %mul3A_2, %add3A_714 : i32
    %slice3A_716 = vector.extract_strided_slice %get3A_587 {offsets = [7], sizes = [1], strides = [1]} : vector<16xi32> to vector<1xi32>
    %squeeze3A_717 = vector.extract %slice3A_716[0] : i32 from vector<1xi32>
    %add3A_718 = arith.constant 1 : i32
    %add3A_719 = arith.addi %squeeze3A_717, %add3A_718 : i32
    %dma_start3A_720 = arith.constant 39 : i32
    %dma_start3A_721 = arith.constant 0 : i32
    %dma_start3A_722 = tpu.memref_slice %arg10[%dma_start3A_720, %dma_start3A_721] : memref<128x128xf32, #tpu.memory_space<vmem>> -> memref<1x128xf32, #tpu.memory_space<vmem>>
    %dma_start3A_723 = arith.constant 0 : i32
    %dma_start3A_724 = tpu.memref_slice %arg5[%add3A_715, %add3A_719, %dma_start3A_723] : memref<4096x65x128xf32, #tpu.memory_space<hbm>> -> memref<1x1x128xf32, #tpu.memory_space<hbm>>
    %dma_start3A_725 = tpu.memref_squeeze %dma_start3A_724 : memref<1x1x128xf32, #tpu.memory_space<hbm>> -> memref<1x128xf32, #tpu.memory_space<hbm>>
    %dma_start3A_726 = arith.constant 39 : i32
    %dma_start3A_727 = arith.constant 0 : i32
    %dma_start3A_728 = tpu.memref_slice %arg10[%dma_start3A_726, %dma_start3A_727] : memref<128x128xf32, #tpu.memory_space<vmem>> -> memref<1x128xf32, #tpu.memory_space<vmem>>
    %dma_start3A_729 = arith.constant 0 : i32
    %dma_start3A_730 = tpu.memref_slice %arg5[%add3A_715, %add3A_719, %dma_start3A_729] : memref<4096x65x128xf32, #tpu.memory_space<hbm>> -> memref<1x1x128xf32, #tpu.memory_space<hbm>>
    %dma_start3A_731 = tpu.memref_squeeze %dma_start3A_730 : memref<1x1x128xf32, #tpu.memory_space<hbm>> -> memref<1x128xf32, #tpu.memory_space<hbm>>
    tpu.enqueue_dma source(%dma_start3A_731 : memref<1x128xf32, #tpu.memory_space<hbm>>) target(%dma_start3A_728 : memref<1x128xf32, #tpu.memory_space<vmem>>) target_semaphore(%arg24 : memref<!tpu.dma_semaphore, #tpu.memory_space<semaphore_mem>>)
    %add3A_732 = arith.constant 40 : i32
    %add3A_733 = arith.addi %mul3A_2, %add3A_732 : i32
    %slice3A_734 = vector.extract_strided_slice %get3A_587 {offsets = [8], sizes = [1], strides = [1]} : vector<16xi32> to vector<1xi32>
    %squeeze3A_735 = vector.extract %slice3A_734[0] : i32 from vector<1xi32>
    %add3A_736 = arith.constant 1 : i32
    %add3A_737 = arith.addi %squeeze3A_735, %add3A_736 : i32
    %dma_start3A_738 = arith.constant 40 : i32
    %dma_start3A_739 = arith.constant 0 : i32
    %dma_start3A_740 = tpu.memref_slice %arg10[%dma_start3A_738, %dma_start3A_739] : memref<128x128xf32, #tpu.memory_space<vmem>> -> memref<1x128xf32, #tpu.memory_space<vmem>>
    %dma_start3A_741 = arith.constant 0 : i32
    %dma_start3A_742 = tpu.memref_slice %arg5[%add3A_733, %add3A_737, %dma_start3A_741] : memref<4096x65x128xf32, #tpu.memory_space<hbm>> -> memref<1x1x128xf32, #tpu.memory_space<hbm>>
    %dma_start3A_743 = tpu.memref_squeeze %dma_start3A_742 : memref<1x1x128xf32, #tpu.memory_space<hbm>> -> memref<1x128xf32, #tpu.memory_space<hbm>>
    %dma_start3A_744 = arith.constant 40 : i32
    %dma_start3A_745 = arith.constant 0 : i32
    %dma_start3A_746 = tpu.memref_slice %arg10[%dma_start3A_744, %dma_start3A_745] : memref<128x128xf32, #tpu.memory_space<vmem>> -> memref<1x128xf32, #tpu.memory_space<vmem>>
    %dma_start3A_747 = arith.constant 0 : i32
    %dma_start3A_748 = tpu.memref_slice %arg5[%add3A_733, %add3A_737, %dma_start3A_747] : memref<4096x65x128xf32, #tpu.memory_space<hbm>> -> memref<1x1x128xf32, #tpu.memory_space<hbm>>
    %dma_start3A_749 = tpu.memref_squeeze %dma_start3A_748 : memref<1x1x128xf32, #tpu.memory_space<hbm>> -> memref<1x128xf32, #tpu.memory_space<hbm>>
    tpu.enqueue_dma source(%dma_start3A_749 : memref<1x128xf32, #tpu.memory_space<hbm>>) target(%dma_start3A_746 : memref<1x128xf32, #tpu.memory_space<vmem>>) target_semaphore(%arg24 : memref<!tpu.dma_semaphore, #tpu.memory_space<semaphore_mem>>)
    %add3A_750 = arith.constant 41 : i32
    %add3A_751 = arith.addi %mul3A_2, %add3A_750 : i32
    %slice3A_752 = vector.extract_strided_slice %get3A_587 {offsets = [9], sizes = [1], strides = [1]} : vector<16xi32> to vector<1xi32>
    %squeeze3A_753 = vector.extract %slice3A_752[0] : i32 from vector<1xi32>
    %add3A_754 = arith.constant 1 : i32
    %add3A_755 = arith.addi %squeeze3A_753, %add3A_754 : i32
    %dma_start3A_756 = arith.constant 41 : i32
    %dma_start3A_757 = arith.constant 0 : i32
    %dma_start3A_758 = tpu.memref_slice %arg10[%dma_start3A_756, %dma_start3A_757] : memref<128x128xf32, #tpu.memory_space<vmem>> -> memref<1x128xf32, #tpu.memory_space<vmem>>
    %dma_start3A_759 = arith.constant 0 : i32
    %dma_start3A_760 = tpu.memref_slice %arg5[%add3A_751, %add3A_755, %dma_start3A_759] : memref<4096x65x128xf32, #tpu.memory_space<hbm>> -> memref<1x1x128xf32, #tpu.memory_space<hbm>>
    %dma_start3A_761 = tpu.memref_squeeze %dma_start3A_760 : memref<1x1x128xf32, #tpu.memory_space<hbm>> -> memref<1x128xf32, #tpu.memory_space<hbm>>
    %dma_start3A_762 = arith.constant 41 : i32
    %dma_start3A_763 = arith.constant 0 : i32
    %dma_start3A_764 = tpu.memref_slice %arg10[%dma_start3A_762, %dma_start3A_763] : memref<128x128xf32, #tpu.memory_space<vmem>> -> memref<1x128xf32, #tpu.memory_space<vmem>>
    %dma_start3A_765 = arith.constant 0 : i32
    %dma_start3A_766 = tpu.memref_slice %arg5[%add3A_751, %add3A_755, %dma_start3A_765] : memref<4096x65x128xf32, #tpu.memory_space<hbm>> -> memref<1x1x128xf32, #tpu.memory_space<hbm>>
    %dma_start3A_767 = tpu.memref_squeeze %dma_start3A_766 : memref<1x1x128xf32, #tpu.memory_space<hbm>> -> memref<1x128xf32, #tpu.memory_space<hbm>>
    tpu.enqueue_dma source(%dma_start3A_767 : memref<1x128xf32, #tpu.memory_space<hbm>>) target(%dma_start3A_764 : memref<1x128xf32, #tpu.memory_space<vmem>>) target_semaphore(%arg24 : memref<!tpu.dma_semaphore, #tpu.memory_space<semaphore_mem>>)
    %add3A_768 = arith.constant 42 : i32
    %add3A_769 = arith.addi %mul3A_2, %add3A_768 : i32
    %slice3A_770 = vector.extract_strided_slice %get3A_587 {offsets = [10], sizes = [1], strides = [1]} : vector<16xi32> to vector<1xi32>
    %squeeze3A_771 = vector.extract %slice3A_770[0] : i32 from vector<1xi32>
    %add3A_772 = arith.constant 1 : i32
    %add3A_773 = arith.addi %squeeze3A_771, %add3A_772 : i32
    %dma_start3A_774 = arith.constant 42 : i32
    %dma_start3A_775 = arith.constant 0 : i32
    %dma_start3A_776 = tpu.memref_slice %arg10[%dma_start3A_774, %dma_start3A_775] : memref<128x128xf32, #tpu.memory_space<vmem>> -> memref<1x128xf32, #tpu.memory_space<vmem>>
    %dma_start3A_777 = arith.constant 0 : i32
    %dma_start3A_778 = tpu.memref_slice %arg5[%add3A_769, %add3A_773, %dma_start3A_777] : memref<4096x65x128xf32, #tpu.memory_space<hbm>> -> memref<1x1x128xf32, #tpu.memory_space<hbm>>
    %dma_start3A_779 = tpu.memref_squeeze %dma_start3A_778 : memref<1x1x128xf32, #tpu.memory_space<hbm>> -> memref<1x128xf32, #tpu.memory_space<hbm>>
    %dma_start3A_780 = arith.constant 42 : i32
    %dma_start3A_781 = arith.constant 0 : i32
    %dma_start3A_782 = tpu.memref_slice %arg10[%dma_start3A_780, %dma_start3A_781] : memref<128x128xf32, #tpu.memory_space<vmem>> -> memref<1x128xf32, #tpu.memory_space<vmem>>
    %dma_start3A_783 = arith.constant 0 : i32
    %dma_start3A_784 = tpu.memref_slice %arg5[%add3A_769, %add3A_773, %dma_start3A_783] : memref<4096x65x128xf32, #tpu.memory_space<hbm>> -> memref<1x1x128xf32, #tpu.memory_space<hbm>>
    %dma_start3A_785 = tpu.memref_squeeze %dma_start3A_784 : memref<1x1x128xf32, #tpu.memory_space<hbm>> -> memref<1x128xf32, #tpu.memory_space<hbm>>
    tpu.enqueue_dma source(%dma_start3A_785 : memref<1x128xf32, #tpu.memory_space<hbm>>) target(%dma_start3A_782 : memref<1x128xf32, #tpu.memory_space<vmem>>) target_semaphore(%arg24 : memref<!tpu.dma_semaphore, #tpu.memory_space<semaphore_mem>>)
    %add3A_786 = arith.constant 43 : i32
    %add3A_787 = arith.addi %mul3A_2, %add3A_786 : i32
    %slice3A_788 = vector.extract_strided_slice %get3A_587 {offsets = [11], sizes = [1], strides = [1]} : vector<16xi32> to vector<1xi32>
    %squeeze3A_789 = vector.extract %slice3A_788[0] : i32 from vector<1xi32>
    %add3A_790 = arith.constant 1 : i32
    %add3A_791 = arith.addi %squeeze3A_789, %add3A_790 : i32
    %dma_start3A_792 = arith.constant 43 : i32
    %dma_start3A_793 = arith.constant 0 : i32
    %dma_start3A_794 = tpu.memref_slice %arg10[%dma_start3A_792, %dma_start3A_793] : memref<128x128xf32, #tpu.memory_space<vmem>> -> memref<1x128xf32, #tpu.memory_space<vmem>>
    %dma_start3A_795 = arith.constant 0 : i32
    %dma_start3A_796 = tpu.memref_slice %arg5[%add3A_787, %add3A_791, %dma_start3A_795] : memref<4096x65x128xf32, #tpu.memory_space<hbm>> -> memref<1x1x128xf32, #tpu.memory_space<hbm>>
    %dma_start3A_797 = tpu.memref_squeeze %dma_start3A_796 : memref<1x1x128xf32, #tpu.memory_space<hbm>> -> memref<1x128xf32, #tpu.memory_space<hbm>>
    %dma_start3A_798 = arith.constant 43 : i32
    %dma_start3A_799 = arith.constant 0 : i32
    %dma_start3A_800 = tpu.memref_slice %arg10[%dma_start3A_798, %dma_start3A_799] : memref<128x128xf32, #tpu.memory_space<vmem>> -> memref<1x128xf32, #tpu.memory_space<vmem>>
    %dma_start3A_801 = arith.constant 0 : i32
    %dma_start3A_802 = tpu.memref_slice %arg5[%add3A_787, %add3A_791, %dma_start3A_801] : memref<4096x65x128xf32, #tpu.memory_space<hbm>> -> memref<1x1x128xf32, #tpu.memory_space<hbm>>
    %dma_start3A_803 = tpu.memref_squeeze %dma_start3A_802 : memref<1x1x128xf32, #tpu.memory_space<hbm>> -> memref<1x128xf32, #tpu.memory_space<hbm>>
    tpu.enqueue_dma source(%dma_start3A_803 : memref<1x128xf32, #tpu.memory_space<hbm>>) target(%dma_start3A_800 : memref<1x128xf32, #tpu.memory_space<vmem>>) target_semaphore(%arg24 : memref<!tpu.dma_semaphore, #tpu.memory_space<semaphore_mem>>)
    %add3A_804 = arith.constant 44 : i32
    %add3A_805 = arith.addi %mul3A_2, %add3A_804 : i32
    %slice3A_806 = vector.extract_strided_slice %get3A_587 {offsets = [12], sizes = [1], strides = [1]} : vector<16xi32> to vector<1xi32>
    %squeeze3A_807 = vector.extract %slice3A_806[0] : i32 from vector<1xi32>
    %add3A_808 = arith.constant 1 : i32
    %add3A_809 = arith.addi %squeeze3A_807, %add3A_808 : i32
    %dma_start3A_810 = arith.constant 44 : i32
    %dma_start3A_811 = arith.constant 0 : i32
    %dma_start3A_812 = tpu.memref_slice %arg10[%dma_start3A_810, %dma_start3A_811] : memref<128x128xf32, #tpu.memory_space<vmem>> -> memref<1x128xf32, #tpu.memory_space<vmem>>
    %dma_start3A_813 = arith.constant 0 : i32
    %dma_start3A_814 = tpu.memref_slice %arg5[%add3A_805, %add3A_809, %dma_start3A_813] : memref<4096x65x128xf32, #tpu.memory_space<hbm>> -> memref<1x1x128xf32, #tpu.memory_space<hbm>>
    %dma_start3A_815 = tpu.memref_squeeze %dma_start3A_814 : memref<1x1x128xf32, #tpu.memory_space<hbm>> -> memref<1x128xf32, #tpu.memory_space<hbm>>
    %dma_start3A_816 = arith.constant 44 : i32
    %dma_start3A_817 = arith.constant 0 : i32
    %dma_start3A_818 = tpu.memref_slice %arg10[%dma_start3A_816, %dma_start3A_817] : memref<128x128xf32, #tpu.memory_space<vmem>> -> memref<1x128xf32, #tpu.memory_space<vmem>>
    %dma_start3A_819 = arith.constant 0 : i32
    %dma_start3A_820 = tpu.memref_slice %arg5[%add3A_805, %add3A_809, %dma_start3A_819] : memref<4096x65x128xf32, #tpu.memory_space<hbm>> -> memref<1x1x128xf32, #tpu.memory_space<hbm>>
    %dma_start3A_821 = tpu.memref_squeeze %dma_start3A_820 : memref<1x1x128xf32, #tpu.memory_space<hbm>> -> memref<1x128xf32, #tpu.memory_space<hbm>>
    tpu.enqueue_dma source(%dma_start3A_821 : memref<1x128xf32, #tpu.memory_space<hbm>>) target(%dma_start3A_818 : memref<1x128xf32, #tpu.memory_space<vmem>>) target_semaphore(%arg24 : memref<!tpu.dma_semaphore, #tpu.memory_space<semaphore_mem>>)
    %add3A_822 = arith.constant 45 : i32
    %add3A_823 = arith.addi %mul3A_2, %add3A_822 : i32
    %slice3A_824 = vector.extract_strided_slice %get3A_587 {offsets = [13], sizes = [1], strides = [1]} : vector<16xi32> to vector<1xi32>
    %squeeze3A_825 = vector.extract %slice3A_824[0] : i32 from vector<1xi32>
    %add3A_826 = arith.constant 1 : i32
    %add3A_827 = arith.addi %squeeze3A_825, %add3A_826 : i32
    %dma_start3A_828 = arith.constant 45 : i32
    %dma_start3A_829 = arith.constant 0 : i32
    %dma_start3A_830 = tpu.memref_slice %arg10[%dma_start3A_828, %dma_start3A_829] : memref<128x128xf32, #tpu.memory_space<vmem>> -> memref<1x128xf32, #tpu.memory_space<vmem>>
    %dma_start3A_831 = arith.constant 0 : i32
    %dma_start3A_832 = tpu.memref_slice %arg5[%add3A_823, %add3A_827, %dma_start3A_831] : memref<4096x65x128xf32, #tpu.memory_space<hbm>> -> memref<1x1x128xf32, #tpu.memory_space<hbm>>
    %dma_start3A_833 = tpu.memref_squeeze %dma_start3A_832 : memref<1x1x128xf32, #tpu.memory_space<hbm>> -> memref<1x128xf32, #tpu.memory_space<hbm>>
    %dma_start3A_834 = arith.constant 45 : i32
    %dma_start3A_835 = arith.constant 0 : i32
    %dma_start3A_836 = tpu.memref_slice %arg10[%dma_start3A_834, %dma_start3A_835] : memref<128x128xf32, #tpu.memory_space<vmem>> -> memref<1x128xf32, #tpu.memory_space<vmem>>
    %dma_start3A_837 = arith.constant 0 : i32
    %dma_start3A_838 = tpu.memref_slice %arg5[%add3A_823, %add3A_827, %dma_start3A_837] : memref<4096x65x128xf32, #tpu.memory_space<hbm>> -> memref<1x1x128xf32, #tpu.memory_space<hbm>>
    %dma_start3A_839 = tpu.memref_squeeze %dma_start3A_838 : memref<1x1x128xf32, #tpu.memory_space<hbm>> -> memref<1x128xf32, #tpu.memory_space<hbm>>
    tpu.enqueue_dma source(%dma_start3A_839 : memref<1x128xf32, #tpu.memory_space<hbm>>) target(%dma_start3A_836 : memref<1x128xf32, #tpu.memory_space<vmem>>) target_semaphore(%arg24 : memref<!tpu.dma_semaphore, #tpu.memory_space<semaphore_mem>>)
    %add3A_840 = arith.constant 46 : i32
    %add3A_841 = arith.addi %mul3A_2, %add3A_840 : i32
    %slice3A_842 = vector.extract_strided_slice %get3A_587 {offsets = [14], sizes = [1], strides = [1]} : vector<16xi32> to vector<1xi32>
    %squeeze3A_843 = vector.extract %slice3A_842[0] : i32 from vector<1xi32>
    %add3A_844 = arith.constant 1 : i32
    %add3A_845 = arith.addi %squeeze3A_843, %add3A_844 : i32
    %dma_start3A_846 = arith.constant 46 : i32
    %dma_start3A_847 = arith.constant 0 : i32
    %dma_start3A_848 = tpu.memref_slice %arg10[%dma_start3A_846, %dma_start3A_847] : memref<128x128xf32, #tpu.memory_space<vmem>> -> memref<1x128xf32, #tpu.memory_space<vmem>>
    %dma_start3A_849 = arith.constant 0 : i32
    %dma_start3A_850 = tpu.memref_slice %arg5[%add3A_841, %add3A_845, %dma_start3A_849] : memref<4096x65x128xf32, #tpu.memory_space<hbm>> -> memref<1x1x128xf32, #tpu.memory_space<hbm>>
    %dma_start3A_851 = tpu.memref_squeeze %dma_start3A_850 : memref<1x1x128xf32, #tpu.memory_space<hbm>> -> memref<1x128xf32, #tpu.memory_space<hbm>>
    %dma_start3A_852 = arith.constant 46 : i32
    %dma_start3A_853 = arith.constant 0 : i32
    %dma_start3A_854 = tpu.memref_slice %arg10[%dma_start3A_852, %dma_start3A_853] : memref<128x128xf32, #tpu.memory_space<vmem>> -> memref<1x128xf32, #tpu.memory_space<vmem>>
    %dma_start3A_855 = arith.constant 0 : i32
    %dma_start3A_856 = tpu.memref_slice %arg5[%add3A_841, %add3A_845, %dma_start3A_855] : memref<4096x65x128xf32, #tpu.memory_space<hbm>> -> memref<1x1x128xf32, #tpu.memory_space<hbm>>
    %dma_start3A_857 = tpu.memref_squeeze %dma_start3A_856 : memref<1x1x128xf32, #tpu.memory_space<hbm>> -> memref<1x128xf32, #tpu.memory_space<hbm>>
    tpu.enqueue_dma source(%dma_start3A_857 : memref<1x128xf32, #tpu.memory_space<hbm>>) target(%dma_start3A_854 : memref<1x128xf32, #tpu.memory_space<vmem>>) target_semaphore(%arg24 : memref<!tpu.dma_semaphore, #tpu.memory_space<semaphore_mem>>)
    %add3A_858 = arith.constant 47 : i32
    %add3A_859 = arith.addi %mul3A_2, %add3A_858 : i32
    %slice3A_860 = vector.extract_strided_slice %get3A_587 {offsets = [15], sizes = [1], strides = [1]} : vector<16xi32> to vector<1xi32>
    %squeeze3A_861 = vector.extract %slice3A_860[0] : i32 from vector<1xi32>
    %add3A_862 = arith.constant 1 : i32
    %add3A_863 = arith.addi %squeeze3A_861, %add3A_862 : i32
    %dma_start3A_864 = arith.constant 47 : i32
    %dma_start3A_865 = arith.constant 0 : i32
    %dma_start3A_866 = tpu.memref_slice %arg10[%dma_start3A_864, %dma_start3A_865] : memref<128x128xf32, #tpu.memory_space<vmem>> -> memref<1x128xf32, #tpu.memory_space<vmem>>
    %dma_start3A_867 = arith.constant 0 : i32
    %dma_start3A_868 = tpu.memref_slice %arg5[%add3A_859, %add3A_863, %dma_start3A_867] : memref<4096x65x128xf32, #tpu.memory_space<hbm>> -> memref<1x1x128xf32, #tpu.memory_space<hbm>>
    %dma_start3A_869 = tpu.memref_squeeze %dma_start3A_868 : memref<1x1x128xf32, #tpu.memory_space<hbm>> -> memref<1x128xf32, #tpu.memory_space<hbm>>
    %dma_start3A_870 = arith.constant 47 : i32
    %dma_start3A_871 = arith.constant 0 : i32
    %dma_start3A_872 = tpu.memref_slice %arg10[%dma_start3A_870, %dma_start3A_871] : memref<128x128xf32, #tpu.memory_space<vmem>> -> memref<1x128xf32, #tpu.memory_space<vmem>>
    %dma_start3A_873 = arith.constant 0 : i32
    %dma_start3A_874 = tpu.memref_slice %arg5[%add3A_859, %add3A_863, %dma_start3A_873] : memref<4096x65x128xf32, #tpu.memory_space<hbm>> -> memref<1x1x128xf32, #tpu.memory_space<hbm>>
    %dma_start3A_875 = tpu.memref_squeeze %dma_start3A_874 : memref<1x1x128xf32, #tpu.memory_space<hbm>> -> memref<1x128xf32, #tpu.memory_space<hbm>>
    tpu.enqueue_dma source(%dma_start3A_875 : memref<1x128xf32, #tpu.memory_space<hbm>>) target(%dma_start3A_872 : memref<1x128xf32, #tpu.memory_space<vmem>>) target_semaphore(%arg24 : memref<!tpu.dma_semaphore, #tpu.memory_space<semaphore_mem>>)
    %get3A_876 = arith.constant 48 : index
    %get3A_877 = tpu.vector_load %arg8[%get3A_876] {strides = array<i32>} : memref<128xi32, #tpu.memory_space<vmem>>, vector<16xi32>,
    %get3A_878 = vector.shape_cast %get3A_877 : vector<16xi32> to vector<16xi32>
    %add3A_879 = arith.constant 48 : i32
    %add3A_880 = arith.addi %mul3A_2, %add3A_879 : i32
    %slice3A_881 = vector.extract_strided_slice %get3A_878 {offsets = [0], sizes = [1], strides = [1]} : vector<16xi32> to vector<1xi32>
    %squeeze3A_882 = vector.extract %slice3A_881[0] : i32 from vector<1xi32>
    %add3A_883 = arith.constant 1 : i32
    %add3A_884 = arith.addi %squeeze3A_882, %add3A_883 : i32
    %dma_start3A_885 = arith.constant 48 : i32
    %dma_start3A_886 = arith.constant 0 : i32
    %dma_start3A_887 = tpu.memref_slice %arg10[%dma_start3A_885, %dma_start3A_886] : memref<128x128xf32, #tpu.memory_space<vmem>> -> memref<1x128xf32, #tpu.memory_space<vmem>>
    %dma_start3A_888 = arith.constant 0 : i32
    %dma_start3A_889 = tpu.memref_slice %arg5[%add3A_880, %add3A_884, %dma_start3A_888] : memref<4096x65x128xf32, #tpu.memory_space<hbm>> -> memref<1x1x128xf32, #tpu.memory_space<hbm>>
    %dma_start3A_890 = tpu.memref_squeeze %dma_start3A_889 : memref<1x1x128xf32, #tpu.memory_space<hbm>> -> memref<1x128xf32, #tpu.memory_space<hbm>>
    %dma_start3A_891 = arith.constant 48 : i32
    %dma_start3A_892 = arith.constant 0 : i32
    %dma_start3A_893 = tpu.memref_slice %arg10[%dma_start3A_891, %dma_start3A_892] : memref<128x128xf32, #tpu.memory_space<vmem>> -> memref<1x128xf32, #tpu.memory_space<vmem>>
    %dma_start3A_894 = arith.constant 0 : i32
    %dma_start3A_895 = tpu.memref_slice %arg5[%add3A_880, %add3A_884, %dma_start3A_894] : memref<4096x65x128xf32, #tpu.memory_space<hbm>> -> memref<1x1x128xf32, #tpu.memory_space<hbm>>
    %dma_start3A_896 = tpu.memref_squeeze %dma_start3A_895 : memref<1x1x128xf32, #tpu.memory_space<hbm>> -> memref<1x128xf32, #tpu.memory_space<hbm>>
    tpu.enqueue_dma source(%dma_start3A_896 : memref<1x128xf32, #tpu.memory_space<hbm>>) target(%dma_start3A_893 : memref<1x128xf32, #tpu.memory_space<vmem>>) target_semaphore(%arg24 : memref<!tpu.dma_semaphore, #tpu.memory_space<semaphore_mem>>)
    %add3A_897 = arith.constant 49 : i32
    %add3A_898 = arith.addi %mul3A_2, %add3A_897 : i32
    %slice3A_899 = vector.extract_strided_slice %get3A_878 {offsets = [1], sizes = [1], strides = [1]} : vector<16xi32> to vector<1xi32>
    %squeeze3A_900 = vector.extract %slice3A_899[0] : i32 from vector<1xi32>
    %add3A_901 = arith.constant 1 : i32
    %add3A_902 = arith.addi %squeeze3A_900, %add3A_901 : i32
    %dma_start3A_903 = arith.constant 49 : i32
    %dma_start3A_904 = arith.constant 0 : i32
    %dma_start3A_905 = tpu.memref_slice %arg10[%dma_start3A_903, %dma_start3A_904] : memref<128x128xf32, #tpu.memory_space<vmem>> -> memref<1x128xf32, #tpu.memory_space<vmem>>
    %dma_start3A_906 = arith.constant 0 : i32
    %dma_start3A_907 = tpu.memref_slice %arg5[%add3A_898, %add3A_902, %dma_start3A_906] : memref<4096x65x128xf32, #tpu.memory_space<hbm>> -> memref<1x1x128xf32, #tpu.memory_space<hbm>>
    %dma_start3A_908 = tpu.memref_squeeze %dma_start3A_907 : memref<1x1x128xf32, #tpu.memory_space<hbm>> -> memref<1x128xf32, #tpu.memory_space<hbm>>
    %dma_start3A_909 = arith.constant 49 : i32
    %dma_start3A_910 = arith.constant 0 : i32
    %dma_start3A_911 = tpu.memref_slice %arg10[%dma_start3A_909, %dma_start3A_910] : memref<128x128xf32, #tpu.memory_space<vmem>> -> memref<1x128xf32, #tpu.memory_space<vmem>>
    %dma_start3A_912 = arith.constant 0 : i32
    %dma_start3A_913 = tpu.memref_slice %arg5[%add3A_898, %add3A_902, %dma_start3A_912] : memref<4096x65x128xf32, #tpu.memory_space<hbm>> -> memref<1x1x128xf32, #tpu.memory_space<hbm>>
    %dma_start3A_914 = tpu.memref_squeeze %dma_start3A_913 : memref<1x1x128xf32, #tpu.memory_space<hbm>> -> memref<1x128xf32, #tpu.memory_space<hbm>>
    tpu.enqueue_dma source(%dma_start3A_914 : memref<1x128xf32, #tpu.memory_space<hbm>>) target(%dma_start3A_911 : memref<1x128xf32, #tpu.memory_space<vmem>>) target_semaphore(%arg24 : memref<!tpu.dma_semaphore, #tpu.memory_space<semaphore_mem>>)
    %add3A_915 = arith.constant 50 : i32
    %add3A_916 = arith.addi %mul3A_2, %add3A_915 : i32
    %slice3A_917 = vector.extract_strided_slice %get3A_878 {offsets = [2], sizes = [1], strides = [1]} : vector<16xi32> to vector<1xi32>
    %squeeze3A_918 = vector.extract %slice3A_917[0] : i32 from vector<1xi32>
    %add3A_919 = arith.constant 1 : i32
    %add3A_920 = arith.addi %squeeze3A_918, %add3A_919 : i32
    %dma_start3A_921 = arith.constant 50 : i32
    %dma_start3A_922 = arith.constant 0 : i32
    %dma_start3A_923 = tpu.memref_slice %arg10[%dma_start3A_921, %dma_start3A_922] : memref<128x128xf32, #tpu.memory_space<vmem>> -> memref<1x128xf32, #tpu.memory_space<vmem>>
    %dma_start3A_924 = arith.constant 0 : i32
    %dma_start3A_925 = tpu.memref_slice %arg5[%add3A_916, %add3A_920, %dma_start3A_924] : memref<4096x65x128xf32, #tpu.memory_space<hbm>> -> memref<1x1x128xf32, #tpu.memory_space<hbm>>
    %dma_start3A_926 = tpu.memref_squeeze %dma_start3A_925 : memref<1x1x128xf32, #tpu.memory_space<hbm>> -> memref<1x128xf32, #tpu.memory_space<hbm>>
    %dma_start3A_927 = arith.constant 50 : i32
    %dma_start3A_928 = arith.constant 0 : i32
    %dma_start3A_929 = tpu.memref_slice %arg10[%dma_start3A_927, %dma_start3A_928] : memref<128x128xf32, #tpu.memory_space<vmem>> -> memref<1x128xf32, #tpu.memory_space<vmem>>
    %dma_start3A_930 = arith.constant 0 : i32
    %dma_start3A_931 = tpu.memref_slice %arg5[%add3A_916, %add3A_920, %dma_start3A_930] : memref<4096x65x128xf32, #tpu.memory_space<hbm>> -> memref<1x1x128xf32, #tpu.memory_space<hbm>>
    %dma_start3A_932 = tpu.memref_squeeze %dma_start3A_931 : memref<1x1x128xf32, #tpu.memory_space<hbm>> -> memref<1x128xf32, #tpu.memory_space<hbm>>
    tpu.enqueue_dma source(%dma_start3A_932 : memref<1x128xf32, #tpu.memory_space<hbm>>) target(%dma_start3A_929 : memref<1x128xf32, #tpu.memory_space<vmem>>) target_semaphore(%arg24 : memref<!tpu.dma_semaphore, #tpu.memory_space<semaphore_mem>>)
    %add3A_933 = arith.constant 51 : i32
    %add3A_934 = arith.addi %mul3A_2, %add3A_933 : i32
    %slice3A_935 = vector.extract_strided_slice %get3A_878 {offsets = [3], sizes = [1], strides = [1]} : vector<16xi32> to vector<1xi32>
    %squeeze3A_936 = vector.extract %slice3A_935[0] : i32 from vector<1xi32>
    %add3A_937 = arith.constant 1 : i32
    %add3A_938 = arith.addi %squeeze3A_936, %add3A_937 : i32
    %dma_start3A_939 = arith.constant 51 : i32
    %dma_start3A_940 = arith.constant 0 : i32
    %dma_start3A_941 = tpu.memref_slice %arg10[%dma_start3A_939, %dma_start3A_940] : memref<128x128xf32, #tpu.memory_space<vmem>> -> memref<1x128xf32, #tpu.memory_space<vmem>>
    %dma_start3A_942 = arith.constant 0 : i32
    %dma_start3A_943 = tpu.memref_slice %arg5[%add3A_934, %add3A_938, %dma_start3A_942] : memref<4096x65x128xf32, #tpu.memory_space<hbm>> -> memref<1x1x128xf32, #tpu.memory_space<hbm>>
    %dma_start3A_944 = tpu.memref_squeeze %dma_start3A_943 : memref<1x1x128xf32, #tpu.memory_space<hbm>> -> memref<1x128xf32, #tpu.memory_space<hbm>>
    %dma_start3A_945 = arith.constant 51 : i32
    %dma_start3A_946 = arith.constant 0 : i32
    %dma_start3A_947 = tpu.memref_slice %arg10[%dma_start3A_945, %dma_start3A_946] : memref<128x128xf32, #tpu.memory_space<vmem>> -> memref<1x128xf32, #tpu.memory_space<vmem>>
    %dma_start3A_948 = arith.constant 0 : i32
    %dma_start3A_949 = tpu.memref_slice %arg5[%add3A_934, %add3A_938, %dma_start3A_948] : memref<4096x65x128xf32, #tpu.memory_space<hbm>> -> memref<1x1x128xf32, #tpu.memory_space<hbm>>
    %dma_start3A_950 = tpu.memref_squeeze %dma_start3A_949 : memref<1x1x128xf32, #tpu.memory_space<hbm>> -> memref<1x128xf32, #tpu.memory_space<hbm>>
    tpu.enqueue_dma source(%dma_start3A_950 : memref<1x128xf32, #tpu.memory_space<hbm>>) target(%dma_start3A_947 : memref<1x128xf32, #tpu.memory_space<vmem>>) target_semaphore(%arg24 : memref<!tpu.dma_semaphore, #tpu.memory_space<semaphore_mem>>)
    %add3A_951 = arith.constant 52 : i32
    %add3A_952 = arith.addi %mul3A_2, %add3A_951 : i32
    %slice3A_953 = vector.extract_strided_slice %get3A_878 {offsets = [4], sizes = [1], strides = [1]} : vector<16xi32> to vector<1xi32>
    %squeeze3A_954 = vector.extract %slice3A_953[0] : i32 from vector<1xi32>
    %add3A_955 = arith.constant 1 : i32
    %add3A_956 = arith.addi %squeeze3A_954, %add3A_955 : i32
    %dma_start3A_957 = arith.constant 52 : i32
    %dma_start3A_958 = arith.constant 0 : i32
    %dma_start3A_959 = tpu.memref_slice %arg10[%dma_start3A_957, %dma_start3A_958] : memref<128x128xf32, #tpu.memory_space<vmem>> -> memref<1x128xf32, #tpu.memory_space<vmem>>
    %dma_start3A_960 = arith.constant 0 : i32
    %dma_start3A_961 = tpu.memref_slice %arg5[%add3A_952, %add3A_956, %dma_start3A_960] : memref<4096x65x128xf32, #tpu.memory_space<hbm>> -> memref<1x1x128xf32, #tpu.memory_space<hbm>>
    %dma_start3A_962 = tpu.memref_squeeze %dma_start3A_961 : memref<1x1x128xf32, #tpu.memory_space<hbm>> -> memref<1x128xf32, #tpu.memory_space<hbm>>
    %dma_start3A_963 = arith.constant 52 : i32
    %dma_start3A_964 = arith.constant 0 : i32
    %dma_start3A_965 = tpu.memref_slice %arg10[%dma_start3A_963, %dma_start3A_964] : memref<128x128xf32, #tpu.memory_space<vmem>> -> memref<1x128xf32, #tpu.memory_space<vmem>>
    %dma_start3A_966 = arith.constant 0 : i32
    %dma_start3A_967 = tpu.memref_slice %arg5[%add3A_952, %add3A_956, %dma_start3A_966] : memref<4096x65x128xf32, #tpu.memory_space<hbm>> -> memref<1x1x128xf32, #tpu.memory_space<hbm>>
    %dma_start3A_968 = tpu.memref_squeeze %dma_start3A_967 : memref<1x1x128xf32, #tpu.memory_space<hbm>> -> memref<1x128xf32, #tpu.memory_space<hbm>>
    tpu.enqueue_dma source(%dma_start3A_968 : memref<1x128xf32, #tpu.memory_space<hbm>>) target(%dma_start3A_965 : memref<1x128xf32, #tpu.memory_space<vmem>>) target_semaphore(%arg24 : memref<!tpu.dma_semaphore, #tpu.memory_space<semaphore_mem>>)
    %add3A_969 = arith.constant 53 : i32
    %add3A_970 = arith.addi %mul3A_2, %add3A_969 : i32
    %slice3A_971 = vector.extract_strided_slice %get3A_878 {offsets = [5], sizes = [1], strides = [1]} : vector<16xi32> to vector<1xi32>
    %squeeze3A_972 = vector.extract %slice3A_971[0] : i32 from vector<1xi32>
    %add3A_973 = arith.constant 1 : i32
    %add3A_974 = arith.addi %squeeze3A_972, %add3A_973 : i32
    %dma_start3A_975 = arith.constant 53 : i32
    %dma_start3A_976 = arith.constant 0 : i32
    %dma_start3A_977 = tpu.memref_slice %arg10[%dma_start3A_975, %dma_start3A_976] : memref<128x128xf32, #tpu.memory_space<vmem>> -> memref<1x128xf32, #tpu.memory_space<vmem>>
    %dma_start3A_978 = arith.constant 0 : i32
    %dma_start3A_979 = tpu.memref_slice %arg5[%add3A_970, %add3A_974, %dma_start3A_978] : memref<4096x65x128xf32, #tpu.memory_space<hbm>> -> memref<1x1x128xf32, #tpu.memory_space<hbm>>
    %dma_start3A_980 = tpu.memref_squeeze %dma_start3A_979 : memref<1x1x128xf32, #tpu.memory_space<hbm>> -> memref<1x128xf32, #tpu.memory_space<hbm>>
    %dma_start3A_981 = arith.constant 53 : i32
    %dma_start3A_982 = arith.constant 0 : i32
    %dma_start3A_983 = tpu.memref_slice %arg10[%dma_start3A_981, %dma_start3A_982] : memref<128x128xf32, #tpu.memory_space<vmem>> -> memref<1x128xf32, #tpu.memory_space<vmem>>
    %dma_start3A_984 = arith.constant 0 : i32
    %dma_start3A_985 = tpu.memref_slice %arg5[%add3A_970, %add3A_974, %dma_start3A_984] : memref<4096x65x128xf32, #tpu.memory_space<hbm>> -> memref<1x1x128xf32, #tpu.memory_space<hbm>>
    %dma_start3A_986 = tpu.memref_squeeze %dma_start3A_985 : memref<1x1x128xf32, #tpu.memory_space<hbm>> -> memref<1x128xf32, #tpu.memory_space<hbm>>
    tpu.enqueue_dma source(%dma_start3A_986 : memref<1x128xf32, #tpu.memory_space<hbm>>) target(%dma_start3A_983 : memref<1x128xf32, #tpu.memory_space<vmem>>) target_semaphore(%arg24 : memref<!tpu.dma_semaphore, #tpu.memory_space<semaphore_mem>>)
    %add3A_987 = arith.constant 54 : i32
    %add3A_988 = arith.addi %mul3A_2, %add3A_987 : i32
    %slice3A_989 = vector.extract_strided_slice %get3A_878 {offsets = [6], sizes = [1], strides = [1]} : vector<16xi32> to vector<1xi32>
    %squeeze3A_990 = vector.extract %slice3A_989[0] : i32 from vector<1xi32>
    %add3A_991 = arith.constant 1 : i32
    %add3A_992 = arith.addi %squeeze3A_990, %add3A_991 : i32
    %dma_start3A_993 = arith.constant 54 : i32
    %dma_start3A_994 = arith.constant 0 : i32
    %dma_start3A_995 = tpu.memref_slice %arg10[%dma_start3A_993, %dma_start3A_994] : memref<128x128xf32, #tpu.memory_space<vmem>> -> memref<1x128xf32, #tpu.memory_space<vmem>>
    %dma_start3A_996 = arith.constant 0 : i32
    %dma_start3A_997 = tpu.memref_slice %arg5[%add3A_988, %add3A_992, %dma_start3A_996] : memref<4096x65x128xf32, #tpu.memory_space<hbm>> -> memref<1x1x128xf32, #tpu.memory_space<hbm>>
    %dma_start3A_998 = tpu.memref_squeeze %dma_start3A_997 : memref<1x1x128xf32, #tpu.memory_space<hbm>> -> memref<1x128xf32, #tpu.memory_space<hbm>>
    %dma_start3A_999 = arith.constant 54 : i32
    %dma_start3A_1000 = arith.constant 0 : i32
    %dma_start3A_1001 = tpu.memref_slice %arg10[%dma_start3A_999, %dma_start3A_1000] : memref<128x128xf32, #tpu.memory_space<vmem>> -> memref<1x128xf32, #tpu.memory_space<vmem>>
    %dma_start3A_1002 = arith.constant 0 : i32
    %dma_start3A_1003 = tpu.memref_slice %arg5[%add3A_988, %add3A_992, %dma_start3A_1002] : memref<4096x65x128xf32, #tpu.memory_space<hbm>> -> memref<1x1x128xf32, #tpu.memory_space<hbm>>
    %dma_start3A_1004 = tpu.memref_squeeze %dma_start3A_1003 : memref<1x1x128xf32, #tpu.memory_space<hbm>> -> memref<1x128xf32, #tpu.memory_space<hbm>>
    tpu.enqueue_dma source(%dma_start3A_1004 : memref<1x128xf32, #tpu.memory_space<hbm>>) target(%dma_start3A_1001 : memref<1x128xf32, #tpu.memory_space<vmem>>) target_semaphore(%arg24 : memref<!tpu.dma_semaphore, #tpu.memory_space<semaphore_mem>>)
    %add3A_1005 = arith.constant 55 : i32
    %add3A_1006 = arith.addi %mul3A_2, %add3A_1005 : i32
    %slice3A_1007 = vector.extract_strided_slice %get3A_878 {offsets = [7], sizes = [1], strides = [1]} : vector<16xi32> to vector<1xi32>
    %squeeze3A_1008 = vector.extract %slice3A_1007[0] : i32 from vector<1xi32>
    %add3A_1009 = arith.constant 1 : i32
    %add3A_1010 = arith.addi %squeeze3A_1008, %add3A_1009 : i32
    %dma_start3A_1011 = arith.constant 55 : i32
    %dma_start3A_1012 = arith.constant 0 : i32
    %dma_start3A_1013 = tpu.memref_slice %arg10[%dma_start3A_1011, %dma_start3A_1012] : memref<128x128xf32, #tpu.memory_space<vmem>> -> memref<1x128xf32, #tpu.memory_space<vmem>>
    %dma_start3A_1014 = arith.constant 0 : i32
    %dma_start3A_1015 = tpu.memref_slice %arg5[%add3A_1006, %add3A_1010, %dma_start3A_1014] : memref<4096x65x128xf32, #tpu.memory_space<hbm>> -> memref<1x1x128xf32, #tpu.memory_space<hbm>>
    %dma_start3A_1016 = tpu.memref_squeeze %dma_start3A_1015 : memref<1x1x128xf32, #tpu.memory_space<hbm>> -> memref<1x128xf32, #tpu.memory_space<hbm>>
    %dma_start3A_1017 = arith.constant 55 : i32
    %dma_start3A_1018 = arith.constant 0 : i32
    %dma_start3A_1019 = tpu.memref_slice %arg10[%dma_start3A_1017, %dma_start3A_1018] : memref<128x128xf32, #tpu.memory_space<vmem>> -> memref<1x128xf32, #tpu.memory_space<vmem>>
    %dma_start3A_1020 = arith.constant 0 : i32
    %dma_start3A_1021 = tpu.memref_slice %arg5[%add3A_1006, %add3A_1010, %dma_start3A_1020] : memref<4096x65x128xf32, #tpu.memory_space<hbm>> -> memref<1x1x128xf32, #tpu.memory_space<hbm>>
    %dma_start3A_1022 = tpu.memref_squeeze %dma_start3A_1021 : memref<1x1x128xf32, #tpu.memory_space<hbm>> -> memref<1x128xf32, #tpu.memory_space<hbm>>
    tpu.enqueue_dma source(%dma_start3A_1022 : memref<1x128xf32, #tpu.memory_space<hbm>>) target(%dma_start3A_1019 : memref<1x128xf32, #tpu.memory_space<vmem>>) target_semaphore(%arg24 : memref<!tpu.dma_semaphore, #tpu.memory_space<semaphore_mem>>)
    %add3A_1023 = arith.constant 56 : i32
    %add3A_1024 = arith.addi %mul3A_2, %add3A_1023 : i32
    %slice3A_1025 = vector.extract_strided_slice %get3A_878 {offsets = [8], sizes = [1], strides = [1]} : vector<16xi32> to vector<1xi32>
    %squeeze3A_1026 = vector.extract %slice3A_1025[0] : i32 from vector<1xi32>
    %add3A_1027 = arith.constant 1 : i32
    %add3A_1028 = arith.addi %squeeze3A_1026, %add3A_1027 : i32
    %dma_start3A_1029 = arith.constant 56 : i32
    %dma_start3A_1030 = arith.constant 0 : i32
    %dma_start3A_1031 = tpu.memref_slice %arg10[%dma_start3A_1029, %dma_start3A_1030] : memref<128x128xf32, #tpu.memory_space<vmem>> -> memref<1x128xf32, #tpu.memory_space<vmem>>
    %dma_start3A_1032 = arith.constant 0 : i32
    %dma_start3A_1033 = tpu.memref_slice %arg5[%add3A_1024, %add3A_1028, %dma_start3A_1032] : memref<4096x65x128xf32, #tpu.memory_space<hbm>> -> memref<1x1x128xf32, #tpu.memory_space<hbm>>
    %dma_start3A_1034 = tpu.memref_squeeze %dma_start3A_1033 : memref<1x1x128xf32, #tpu.memory_space<hbm>> -> memref<1x128xf32, #tpu.memory_space<hbm>>
    %dma_start3A_1035 = arith.constant 56 : i32
    %dma_start3A_1036 = arith.constant 0 : i32
    %dma_start3A_1037 = tpu.memref_slice %arg10[%dma_start3A_1035, %dma_start3A_1036] : memref<128x128xf32, #tpu.memory_space<vmem>> -> memref<1x128xf32, #tpu.memory_space<vmem>>
    %dma_start3A_1038 = arith.constant 0 : i32
    %dma_start3A_1039 = tpu.memref_slice %arg5[%add3A_1024, %add3A_1028, %dma_start3A_1038] : memref<4096x65x128xf32, #tpu.memory_space<hbm>> -> memref<1x1x128xf32, #tpu.memory_space<hbm>>
    %dma_start3A_1040 = tpu.memref_squeeze %dma_start3A_1039 : memref<1x1x128xf32, #tpu.memory_space<hbm>> -> memref<1x128xf32, #tpu.memory_space<hbm>>
    tpu.enqueue_dma source(%dma_start3A_1040 : memref<1x128xf32, #tpu.memory_space<hbm>>) target(%dma_start3A_1037 : memref<1x128xf32, #tpu.memory_space<vmem>>) target_semaphore(%arg24 : memref<!tpu.dma_semaphore, #tpu.memory_space<semaphore_mem>>)
    %add3A_1041 = arith.constant 57 : i32
    %add3A_1042 = arith.addi %mul3A_2, %add3A_1041 : i32
    %slice3A_1043 = vector.extract_strided_slice %get3A_878 {offsets = [9], sizes = [1], strides = [1]} : vector<16xi32> to vector<1xi32>
    %squeeze3A_1044 = vector.extract %slice3A_1043[0] : i32 from vector<1xi32>
    %add3A_1045 = arith.constant 1 : i32
    %add3A_1046 = arith.addi %squeeze3A_1044, %add3A_1045 : i32
    %dma_start3A_1047 = arith.constant 57 : i32
    %dma_start3A_1048 = arith.constant 0 : i32
    %dma_start3A_1049 = tpu.memref_slice %arg10[%dma_start3A_1047, %dma_start3A_1048] : memref<128x128xf32, #tpu.memory_space<vmem>> -> memref<1x128xf32, #tpu.memory_space<vmem>>
    %dma_start3A_1050 = arith.constant 0 : i32
    %dma_start3A_1051 = tpu.memref_slice %arg5[%add3A_1042, %add3A_1046, %dma_start3A_1050] : memref<4096x65x128xf32, #tpu.memory_space<hbm>> -> memref<1x1x128xf32, #tpu.memory_space<hbm>>
    %dma_start3A_1052 = tpu.memref_squeeze %dma_start3A_1051 : memref<1x1x128xf32, #tpu.memory_space<hbm>> -> memref<1x128xf32, #tpu.memory_space<hbm>>
    %dma_start3A_1053 = arith.constant 57 : i32
    %dma_start3A_1054 = arith.constant 0 : i32
    %dma_start3A_1055 = tpu.memref_slice %arg10[%dma_start3A_1053, %dma_start3A_1054] : memref<128x128xf32, #tpu.memory_space<vmem>> -> memref<1x128xf32, #tpu.memory_space<vmem>>
    %dma_start3A_1056 = arith.constant 0 : i32
    %dma_start3A_1057 = tpu.memref_slice %arg5[%add3A_1042, %add3A_1046, %dma_start3A_1056] : memref<4096x65x128xf32, #tpu.memory_space<hbm>> -> memref<1x1x128xf32, #tpu.memory_space<hbm>>
    %dma_start3A_1058 = tpu.memref_squeeze %dma_start3A_1057 : memref<1x1x128xf32, #tpu.memory_space<hbm>> -> memref<1x128xf32, #tpu.memory_space<hbm>>
    tpu.enqueue_dma source(%dma_start3A_1058 : memref<1x128xf32, #tpu.memory_space<hbm>>) target(%dma_start3A_1055 : memref<1x128xf32, #tpu.memory_space<vmem>>) target_semaphore(%arg24 : memref<!tpu.dma_semaphore, #tpu.memory_space<semaphore_mem>>)
    %add3A_1059 = arith.constant 58 : i32
    %add3A_1060 = arith.addi %mul3A_2, %add3A_1059 : i32
    %slice3A_1061 = vector.extract_strided_slice %get3A_878 {offsets = [10], sizes = [1], strides = [1]} : vector<16xi32> to vector<1xi32>
    %squeeze3A_1062 = vector.extract %slice3A_1061[0] : i32 from vector<1xi32>
    %add3A_1063 = arith.constant 1 : i32
    %add3A_1064 = arith.addi %squeeze3A_1062, %add3A_1063 : i32
    %dma_start3A_1065 = arith.constant 58 : i32
    %dma_start3A_1066 = arith.constant 0 : i32
    %dma_start3A_1067 = tpu.memref_slice %arg10[%dma_start3A_1065, %dma_start3A_1066] : memref<128x128xf32, #tpu.memory_space<vmem>> -> memref<1x128xf32, #tpu.memory_space<vmem>>
    %dma_start3A_1068 = arith.constant 0 : i32
    %dma_start3A_1069 = tpu.memref_slice %arg5[%add3A_1060, %add3A_1064, %dma_start3A_1068] : memref<4096x65x128xf32, #tpu.memory_space<hbm>> -> memref<1x1x128xf32, #tpu.memory_space<hbm>>
    %dma_start3A_1070 = tpu.memref_squeeze %dma_start3A_1069 : memref<1x1x128xf32, #tpu.memory_space<hbm>> -> memref<1x128xf32, #tpu.memory_space<hbm>>
    %dma_start3A_1071 = arith.constant 58 : i32
    %dma_start3A_1072 = arith.constant 0 : i32
    %dma_start3A_1073 = tpu.memref_slice %arg10[%dma_start3A_1071, %dma_start3A_1072] : memref<128x128xf32, #tpu.memory_space<vmem>> -> memref<1x128xf32, #tpu.memory_space<vmem>>
    %dma_start3A_1074 = arith.constant 0 : i32
    %dma_start3A_1075 = tpu.memref_slice %arg5[%add3A_1060, %add3A_1064, %dma_start3A_1074] : memref<4096x65x128xf32, #tpu.memory_space<hbm>> -> memref<1x1x128xf32, #tpu.memory_space<hbm>>
    %dma_start3A_1076 = tpu.memref_squeeze %dma_start3A_1075 : memref<1x1x128xf32, #tpu.memory_space<hbm>> -> memref<1x128xf32, #tpu.memory_space<hbm>>
    tpu.enqueue_dma source(%dma_start3A_1076 : memref<1x128xf32, #tpu.memory_space<hbm>>) target(%dma_start3A_1073 : memref<1x128xf32, #tpu.memory_space<vmem>>) target_semaphore(%arg24 : memref<!tpu.dma_semaphore, #tpu.memory_space<semaphore_mem>>)
    %add3A_1077 = arith.constant 59 : i32
    %add3A_1078 = arith.addi %mul3A_2, %add3A_1077 : i32
    %slice3A_1079 = vector.extract_strided_slice %get3A_878 {offsets = [11], sizes = [1], strides = [1]} : vector<16xi32> to vector<1xi32>
    %squeeze3A_1080 = vector.extract %slice3A_1079[0] : i32 from vector<1xi32>
    %add3A_1081 = arith.constant 1 : i32
    %add3A_1082 = arith.addi %squeeze3A_1080, %add3A_1081 : i32
    %dma_start3A_1083 = arith.constant 59 : i32
    %dma_start3A_1084 = arith.constant 0 : i32
    %dma_start3A_1085 = tpu.memref_slice %arg10[%dma_start3A_1083, %dma_start3A_1084] : memref<128x128xf32, #tpu.memory_space<vmem>> -> memref<1x128xf32, #tpu.memory_space<vmem>>
    %dma_start3A_1086 = arith.constant 0 : i32
    %dma_start3A_1087 = tpu.memref_slice %arg5[%add3A_1078, %add3A_1082, %dma_start3A_1086] : memref<4096x65x128xf32, #tpu.memory_space<hbm>> -> memref<1x1x128xf32, #tpu.memory_space<hbm>>
    %dma_start3A_1088 = tpu.memref_squeeze %dma_start3A_1087 : memref<1x1x128xf32, #tpu.memory_space<hbm>> -> memref<1x128xf32, #tpu.memory_space<hbm>>
    %dma_start3A_1089 = arith.constant 59 : i32
    %dma_start3A_1090 = arith.constant 0 : i32
    %dma_start3A_1091 = tpu.memref_slice %arg10[%dma_start3A_1089, %dma_start3A_1090] : memref<128x128xf32, #tpu.memory_space<vmem>> -> memref<1x128xf32, #tpu.memory_space<vmem>>
    %dma_start3A_1092 = arith.constant 0 : i32
    %dma_start3A_1093 = tpu.memref_slice %arg5[%add3A_1078, %add3A_1082, %dma_start3A_1092] : memref<4096x65x128xf32, #tpu.memory_space<hbm>> -> memref<1x1x128xf32, #tpu.memory_space<hbm>>
    %dma_start3A_1094 = tpu.memref_squeeze %dma_start3A_1093 : memref<1x1x128xf32, #tpu.memory_space<hbm>> -> memref<1x128xf32, #tpu.memory_space<hbm>>
    tpu.enqueue_dma source(%dma_start3A_1094 : memref<1x128xf32, #tpu.memory_space<hbm>>) target(%dma_start3A_1091 : memref<1x128xf32, #tpu.memory_space<vmem>>) target_semaphore(%arg24 : memref<!tpu.dma_semaphore, #tpu.memory_space<semaphore_mem>>)
    %add3A_1095 = arith.constant 60 : i32
    %add3A_1096 = arith.addi %mul3A_2, %add3A_1095 : i32
    %slice3A_1097 = vector.extract_strided_slice %get3A_878 {offsets = [12], sizes = [1], strides = [1]} : vector<16xi32> to vector<1xi32>
    %squeeze3A_1098 = vector.extract %slice3A_1097[0] : i32 from vector<1xi32>
    %add3A_1099 = arith.constant 1 : i32
    %add3A_1100 = arith.addi %squeeze3A_1098, %add3A_1099 : i32
    %dma_start3A_1101 = arith.constant 60 : i32
    %dma_start3A_1102 = arith.constant 0 : i32
    %dma_start3A_1103 = tpu.memref_slice %arg10[%dma_start3A_1101, %dma_start3A_1102] : memref<128x128xf32, #tpu.memory_space<vmem>> -> memref<1x128xf32, #tpu.memory_space<vmem>>
    %dma_start3A_1104 = arith.constant 0 : i32
    %dma_start3A_1105 = tpu.memref_slice %arg5[%add3A_1096, %add3A_1100, %dma_start3A_1104] : memref<4096x65x128xf32, #tpu.memory_space<hbm>> -> memref<1x1x128xf32, #tpu.memory_space<hbm>>
    %dma_start3A_1106 = tpu.memref_squeeze %dma_start3A_1105 : memref<1x1x128xf32, #tpu.memory_space<hbm>> -> memref<1x128xf32, #tpu.memory_space<hbm>>
    %dma_start3A_1107 = arith.constant 60 : i32
    %dma_start3A_1108 = arith.constant 0 : i32
    %dma_start3A_1109 = tpu.memref_slice %arg10[%dma_start3A_1107, %dma_start3A_1108] : memref<128x128xf32, #tpu.memory_space<vmem>> -> memref<1x128xf32, #tpu.memory_space<vmem>>
    %dma_start3A_1110 = arith.constant 0 : i32
    %dma_start3A_1111 = tpu.memref_slice %arg5[%add3A_1096, %add3A_1100, %dma_start3A_1110] : memref<4096x65x128xf32, #tpu.memory_space<hbm>> -> memref<1x1x128xf32, #tpu.memory_space<hbm>>
    %dma_start3A_1112 = tpu.memref_squeeze %dma_start3A_1111 : memref<1x1x128xf32, #tpu.memory_space<hbm>> -> memref<1x128xf32, #tpu.memory_space<hbm>>
    tpu.enqueue_dma source(%dma_start3A_1112 : memref<1x128xf32, #tpu.memory_space<hbm>>) target(%dma_start3A_1109 : memref<1x128xf32, #tpu.memory_space<vmem>>) target_semaphore(%arg24 : memref<!tpu.dma_semaphore, #tpu.memory_space<semaphore_mem>>)
    %add3A_1113 = arith.constant 61 : i32
    %add3A_1114 = arith.addi %mul3A_2, %add3A_1113 : i32
    %slice3A_1115 = vector.extract_strided_slice %get3A_878 {offsets = [13], sizes = [1], strides = [1]} : vector<16xi32> to vector<1xi32>
    %squeeze3A_1116 = vector.extract %slice3A_1115[0] : i32 from vector<1xi32>
    %add3A_1117 = arith.constant 1 : i32
    %add3A_1118 = arith.addi %squeeze3A_1116, %add3A_1117 : i32
    %dma_start3A_1119 = arith.constant 61 : i32
    %dma_start3A_1120 = arith.constant 0 : i32
    %dma_start3A_1121 = tpu.memref_slice %arg10[%dma_start3A_1119, %dma_start3A_1120] : memref<128x128xf32, #tpu.memory_space<vmem>> -> memref<1x128xf32, #tpu.memory_space<vmem>>
    %dma_start3A_1122 = arith.constant 0 : i32
    %dma_start3A_1123 = tpu.memref_slice %arg5[%add3A_1114, %add3A_1118, %dma_start3A_1122] : memref<4096x65x128xf32, #tpu.memory_space<hbm>> -> memref<1x1x128xf32, #tpu.memory_space<hbm>>
    %dma_start3A_1124 = tpu.memref_squeeze %dma_start3A_1123 : memref<1x1x128xf32, #tpu.memory_space<hbm>> -> memref<1x128xf32, #tpu.memory_space<hbm>>
    %dma_start3A_1125 = arith.constant 61 : i32
    %dma_start3A_1126 = arith.constant 0 : i32
    %dma_start3A_1127 = tpu.memref_slice %arg10[%dma_start3A_1125, %dma_start3A_1126] : memref<128x128xf32, #tpu.memory_space<vmem>> -> memref<1x128xf32, #tpu.memory_space<vmem>>
    %dma_start3A_1128 = arith.constant 0 : i32
    %dma_start3A_1129 = tpu.memref_slice %arg5[%add3A_1114, %add3A_1118, %dma_start3A_1128] : memref<4096x65x128xf32, #tpu.memory_space<hbm>> -> memref<1x1x128xf32, #tpu.memory_space<hbm>>
    %dma_start3A_1130 = tpu.memref_squeeze %dma_start3A_1129 : memref<1x1x128xf32, #tpu.memory_space<hbm>> -> memref<1x128xf32, #tpu.memory_space<hbm>>
    tpu.enqueue_dma source(%dma_start3A_1130 : memref<1x128xf32, #tpu.memory_space<hbm>>) target(%dma_start3A_1127 : memref<1x128xf32, #tpu.memory_space<vmem>>) target_semaphore(%arg24 : memref<!tpu.dma_semaphore, #tpu.memory_space<semaphore_mem>>)
    %add3A_1131 = arith.constant 62 : i32
    %add3A_1132 = arith.addi %mul3A_2, %add3A_1131 : i32
    %slice3A_1133 = vector.extract_strided_slice %get3A_878 {offsets = [14], sizes = [1], strides = [1]} : vector<16xi32> to vector<1xi32>
    %squeeze3A_1134 = vector.extract %slice3A_1133[0] : i32 from vector<1xi32>
    %add3A_1135 = arith.constant 1 : i32
    %add3A_1136 = arith.addi %squeeze3A_1134, %add3A_1135 : i32
    %dma_start3A_1137 = arith.constant 62 : i32
    %dma_start3A_1138 = arith.constant 0 : i32
    %dma_start3A_1139 = tpu.memref_slice %arg10[%dma_start3A_1137, %dma_start3A_1138] : memref<128x128xf32, #tpu.memory_space<vmem>> -> memref<1x128xf32, #tpu.memory_space<vmem>>
    %dma_start3A_1140 = arith.constant 0 : i32
    %dma_start3A_1141 = tpu.memref_slice %arg5[%add3A_1132, %add3A_1136, %dma_start3A_1140] : memref<4096x65x128xf32, #tpu.memory_space<hbm>> -> memref<1x1x128xf32, #tpu.memory_space<hbm>>
    %dma_start3A_1142 = tpu.memref_squeeze %dma_start3A_1141 : memref<1x1x128xf32, #tpu.memory_space<hbm>> -> memref<1x128xf32, #tpu.memory_space<hbm>>
    %dma_start3A_1143 = arith.constant 62 : i32
    %dma_start3A_1144 = arith.constant 0 : i32
    %dma_start3A_1145 = tpu.memref_slice %arg10[%dma_start3A_1143, %dma_start3A_1144] : memref<128x128xf32, #tpu.memory_space<vmem>> -> memref<1x128xf32, #tpu.memory_space<vmem>>
    %dma_start3A_1146 = arith.constant 0 : i32
    %dma_start3A_1147 = tpu.memref_slice %arg5[%add3A_1132, %add3A_1136, %dma_start3A_1146] : memref<4096x65x128xf32, #tpu.memory_space<hbm>> -> memref<1x1x128xf32, #tpu.memory_space<hbm>>
    %dma_start3A_1148 = tpu.memref_squeeze %dma_start3A_1147 : memref<1x1x128xf32, #tpu.memory_space<hbm>> -> memref<1x128xf32, #tpu.memory_space<hbm>>
    tpu.enqueue_dma source(%dma_start3A_1148 : memref<1x128xf32, #tpu.memory_space<hbm>>) target(%dma_start3A_1145 : memref<1x128xf32, #tpu.memory_space<vmem>>) target_semaphore(%arg24 : memref<!tpu.dma_semaphore, #tpu.memory_space<semaphore_mem>>)
    %add3A_1149 = arith.constant 63 : i32
    %add3A_1150 = arith.addi %mul3A_2, %add3A_1149 : i32
    %slice3A_1151 = vector.extract_strided_slice %get3A_878 {offsets = [15], sizes = [1], strides = [1]} : vector<16xi32> to vector<1xi32>
    %squeeze3A_1152 = vector.extract %slice3A_1151[0] : i32 from vector<1xi32>
    %add3A_1153 = arith.constant 1 : i32
    %add3A_1154 = arith.addi %squeeze3A_1152, %add3A_1153 : i32
    %dma_start3A_1155 = arith.constant 63 : i32
    %dma_start3A_1156 = arith.constant 0 : i32
    %dma_start3A_1157 = tpu.memref_slice %arg10[%dma_start3A_1155, %dma_start3A_1156] : memref<128x128xf32, #tpu.memory_space<vmem>> -> memref<1x128xf32, #tpu.memory_space<vmem>>
    %dma_start3A_1158 = arith.constant 0 : i32
    %dma_start3A_1159 = tpu.memref_slice %arg5[%add3A_1150, %add3A_1154, %dma_start3A_1158] : memref<4096x65x128xf32, #tpu.memory_space<hbm>> -> memref<1x1x128xf32, #tpu.memory_space<hbm>>
    %dma_start3A_1160 = tpu.memref_squeeze %dma_start3A_1159 : memref<1x1x128xf32, #tpu.memory_space<hbm>> -> memref<1x128xf32, #tpu.memory_space<hbm>>
    %dma_start3A_1161 = arith.constant 63 : i32
    %dma_start3A_1162 = arith.constant 0 : i32
    %dma_start3A_1163 = tpu.memref_slice %arg10[%dma_start3A_1161, %dma_start3A_1162] : memref<128x128xf32, #tpu.memory_space<vmem>> -> memref<1x128xf32, #tpu.memory_space<vmem>>
    %dma_start3A_1164 = arith.constant 0 : i32
    %dma_start3A_1165 = tpu.memref_slice %arg5[%add3A_1150, %add3A_1154, %dma_start3A_1164] : memref<4096x65x128xf32, #tpu.memory_space<hbm>> -> memref<1x1x128xf32, #tpu.memory_space<hbm>>
    %dma_start3A_1166 = tpu.memref_squeeze %dma_start3A_1165 : memref<1x1x128xf32, #tpu.memory_space<hbm>> -> memref<1x128xf32, #tpu.memory_space<hbm>>
    tpu.enqueue_dma source(%dma_start3A_1166 : memref<1x128xf32, #tpu.memory_space<hbm>>) target(%dma_start3A_1163 : memref<1x128xf32, #tpu.memory_space<vmem>>) target_semaphore(%arg24 : memref<!tpu.dma_semaphore, #tpu.memory_space<semaphore_mem>>)
    %get3A_1167 = arith.constant 64 : index
    %get3A_1168 = tpu.vector_load %arg8[%get3A_1167] {strides = array<i32>} : memref<128xi32, #tpu.memory_space<vmem>>, vector<16xi32>,
    %get3A_1169 = vector.shape_cast %get3A_1168 : vector<16xi32> to vector<16xi32>
    %add3A_1170 = arith.constant 64 : i32
    %add3A_1171 = arith.addi %mul3A_2, %add3A_1170 : i32
    %slice3A_1172 = vector.extract_strided_slice %get3A_1169 {offsets = [0], sizes = [1], strides = [1]} : vector<16xi32> to vector<1xi32>
    %squeeze3A_1173 = vector.extract %slice3A_1172[0] : i32 from vector<1xi32>
    %add3A_1174 = arith.constant 1 : i32
    %add3A_1175 = arith.addi %squeeze3A_1173, %add3A_1174 : i32
    %dma_start3A_1176 = arith.constant 64 : i32
    %dma_start3A_1177 = arith.constant 0 : i32
    %dma_start3A_1178 = tpu.memref_slice %arg10[%dma_start3A_1176, %dma_start3A_1177] : memref<128x128xf32, #tpu.memory_space<vmem>> -> memref<1x128xf32, #tpu.memory_space<vmem>>
    %dma_start3A_1179 = arith.constant 0 : i32
    %dma_start3A_1180 = tpu.memref_slice %arg5[%add3A_1171, %add3A_1175, %dma_start3A_1179] : memref<4096x65x128xf32, #tpu.memory_space<hbm>> -> memref<1x1x128xf32, #tpu.memory_space<hbm>>
    %dma_start3A_1181 = tpu.memref_squeeze %dma_start3A_1180 : memref<1x1x128xf32, #tpu.memory_space<hbm>> -> memref<1x128xf32, #tpu.memory_space<hbm>>
    %dma_start3A_1182 = arith.constant 64 : i32
    %dma_start3A_1183 = arith.constant 0 : i32
    %dma_start3A_1184 = tpu.memref_slice %arg10[%dma_start3A_1182, %dma_start3A_1183] : memref<128x128xf32, #tpu.memory_space<vmem>> -> memref<1x128xf32, #tpu.memory_space<vmem>>
    %dma_start3A_1185 = arith.constant 0 : i32
    %dma_start3A_1186 = tpu.memref_slice %arg5[%add3A_1171, %add3A_1175, %dma_start3A_1185] : memref<4096x65x128xf32, #tpu.memory_space<hbm>> -> memref<1x1x128xf32, #tpu.memory_space<hbm>>
    %dma_start3A_1187 = tpu.memref_squeeze %dma_start3A_1186 : memref<1x1x128xf32, #tpu.memory_space<hbm>> -> memref<1x128xf32, #tpu.memory_space<hbm>>
    tpu.enqueue_dma source(%dma_start3A_1187 : memref<1x128xf32, #tpu.memory_space<hbm>>) target(%dma_start3A_1184 : memref<1x128xf32, #tpu.memory_space<vmem>>) target_semaphore(%arg24 : memref<!tpu.dma_semaphore, #tpu.memory_space<semaphore_mem>>)
    %add3A_1188 = arith.constant 65 : i32
    %add3A_1189 = arith.addi %mul3A_2, %add3A_1188 : i32
    %slice3A_1190 = vector.extract_strided_slice %get3A_1169 {offsets = [1], sizes = [1], strides = [1]} : vector<16xi32> to vector<1xi32>
    %squeeze3A_1191 = vector.extract %slice3A_1190[0] : i32 from vector<1xi32>
    %add3A_1192 = arith.constant 1 : i32
    %add3A_1193 = arith.addi %squeeze3A_1191, %add3A_1192 : i32
    %dma_start3A_1194 = arith.constant 65 : i32
    %dma_start3A_1195 = arith.constant 0 : i32
    %dma_start3A_1196 = tpu.memref_slice %arg10[%dma_start3A_1194, %dma_start3A_1195] : memref<128x128xf32, #tpu.memory_space<vmem>> -> memref<1x128xf32, #tpu.memory_space<vmem>>
    %dma_start3A_1197 = arith.constant 0 : i32
    %dma_start3A_1198 = tpu.memref_slice %arg5[%add3A_1189, %add3A_1193, %dma_start3A_1197] : memref<4096x65x128xf32, #tpu.memory_space<hbm>> -> memref<1x1x128xf32, #tpu.memory_space<hbm>>
    %dma_start3A_1199 = tpu.memref_squeeze %dma_start3A_1198 : memref<1x1x128xf32, #tpu.memory_space<hbm>> -> memref<1x128xf32, #tpu.memory_space<hbm>>
    %dma_start3A_1200 = arith.constant 65 : i32
    %dma_start3A_1201 = arith.constant 0 : i32
    %dma_start3A_1202 = tpu.memref_slice %arg10[%dma_start3A_1200, %dma_start3A_1201] : memref<128x128xf32, #tpu.memory_space<vmem>> -> memref<1x128xf32, #tpu.memory_space<vmem>>
    %dma_start3A_1203 = arith.constant 0 : i32
    %dma_start3A_1204 = tpu.memref_slice %arg5[%add3A_1189, %add3A_1193, %dma_start3A_1203] : memref<4096x65x128xf32, #tpu.memory_space<hbm>> -> memref<1x1x128xf32, #tpu.memory_space<hbm>>
    %dma_start3A_1205 = tpu.memref_squeeze %dma_start3A_1204 : memref<1x1x128xf32, #tpu.memory_space<hbm>> -> memref<1x128xf32, #tpu.memory_space<hbm>>
    tpu.enqueue_dma source(%dma_start3A_1205 : memref<1x128xf32, #tpu.memory_space<hbm>>) target(%dma_start3A_1202 : memref<1x128xf32, #tpu.memory_space<vmem>>) target_semaphore(%arg24 : memref<!tpu.dma_semaphore, #tpu.memory_space<semaphore_mem>>)
    %add3A_1206 = arith.constant 66 : i32
    %add3A_1207 = arith.addi %mul3A_2, %add3A_1206 : i32
    %slice3A_1208 = vector.extract_strided_slice %get3A_1169 {offsets = [2], sizes = [1], strides = [1]} : vector<16xi32> to vector<1xi32>
    %squeeze3A_1209 = vector.extract %slice3A_1208[0] : i32 from vector<1xi32>
    %add3A_1210 = arith.constant 1 : i32
    %add3A_1211 = arith.addi %squeeze3A_1209, %add3A_1210 : i32
    %dma_start3A_1212 = arith.constant 66 : i32
    %dma_start3A_1213 = arith.constant 0 : i32
    %dma_start3A_1214 = tpu.memref_slice %arg10[%dma_start3A_1212, %dma_start3A_1213] : memref<128x128xf32, #tpu.memory_space<vmem>> -> memref<1x128xf32, #tpu.memory_space<vmem>>
    %dma_start3A_1215 = arith.constant 0 : i32
    %dma_start3A_1216 = tpu.memref_slice %arg5[%add3A_1207, %add3A_1211, %dma_start3A_1215] : memref<4096x65x128xf32, #tpu.memory_space<hbm>> -> memref<1x1x128xf32, #tpu.memory_space<hbm>>
    %dma_start3A_1217 = tpu.memref_squeeze %dma_start3A_1216 : memref<1x1x128xf32, #tpu.memory_space<hbm>> -> memref<1x128xf32, #tpu.memory_space<hbm>>
    %dma_start3A_1218 = arith.constant 66 : i32
    %dma_start3A_1219 = arith.constant 0 : i32
    %dma_start3A_1220 = tpu.memref_slice %arg10[%dma_start3A_1218, %dma_start3A_1219] : memref<128x128xf32, #tpu.memory_space<vmem>> -> memref<1x128xf32, #tpu.memory_space<vmem>>
    %dma_start3A_1221 = arith.constant 0 : i32
    %dma_start3A_1222 = tpu.memref_slice %arg5[%add3A_1207, %add3A_1211, %dma_start3A_1221] : memref<4096x65x128xf32, #tpu.memory_space<hbm>> -> memref<1x1x128xf32, #tpu.memory_space<hbm>>
    %dma_start3A_1223 = tpu.memref_squeeze %dma_start3A_1222 : memref<1x1x128xf32, #tpu.memory_space<hbm>> -> memref<1x128xf32, #tpu.memory_space<hbm>>
    tpu.enqueue_dma source(%dma_start3A_1223 : memref<1x128xf32, #tpu.memory_space<hbm>>) target(%dma_start3A_1220 : memref<1x128xf32, #tpu.memory_space<vmem>>) target_semaphore(%arg24 : memref<!tpu.dma_semaphore, #tpu.memory_space<semaphore_mem>>)
    %add3A_1224 = arith.constant 67 : i32
    %add3A_1225 = arith.addi %mul3A_2, %add3A_1224 : i32
    %slice3A_1226 = vector.extract_strided_slice %get3A_1169 {offsets = [3], sizes = [1], strides = [1]} : vector<16xi32> to vector<1xi32>
    %squeeze3A_1227 = vector.extract %slice3A_1226[0] : i32 from vector<1xi32>
    %add3A_1228 = arith.constant 1 : i32
    %add3A_1229 = arith.addi %squeeze3A_1227, %add3A_1228 : i32
    %dma_start3A_1230 = arith.constant 67 : i32
    %dma_start3A_1231 = arith.constant 0 : i32
    %dma_start3A_1232 = tpu.memref_slice %arg10[%dma_start3A_1230, %dma_start3A_1231] : memref<128x128xf32, #tpu.memory_space<vmem>> -> memref<1x128xf32, #tpu.memory_space<vmem>>
    %dma_start3A_1233 = arith.constant 0 : i32
    %dma_start3A_1234 = tpu.memref_slice %arg5[%add3A_1225, %add3A_1229, %dma_start3A_1233] : memref<4096x65x128xf32, #tpu.memory_space<hbm>> -> memref<1x1x128xf32, #tpu.memory_space<hbm>>
    %dma_start3A_1235 = tpu.memref_squeeze %dma_start3A_1234 : memref<1x1x128xf32, #tpu.memory_space<hbm>> -> memref<1x128xf32, #tpu.memory_space<hbm>>
    %dma_start3A_1236 = arith.constant 67 : i32
    %dma_start3A_1237 = arith.constant 0 : i32
    %dma_start3A_1238 = tpu.memref_slice %arg10[%dma_start3A_1236, %dma_start3A_1237] : memref<128x128xf32, #tpu.memory_space<vmem>> -> memref<1x128xf32, #tpu.memory_space<vmem>>
    %dma_start3A_1239 = arith.constant 0 : i32
    %dma_start3A_1240 = tpu.memref_slice %arg5[%add3A_1225, %add3A_1229, %dma_start3A_1239] : memref<4096x65x128xf32, #tpu.memory_space<hbm>> -> memref<1x1x128xf32, #tpu.memory_space<hbm>>
    %dma_start3A_1241 = tpu.memref_squeeze %dma_start3A_1240 : memref<1x1x128xf32, #tpu.memory_space<hbm>> -> memref<1x128xf32, #tpu.memory_space<hbm>>
    tpu.enqueue_dma source(%dma_start3A_1241 : memref<1x128xf32, #tpu.memory_space<hbm>>) target(%dma_start3A_1238 : memref<1x128xf32, #tpu.memory_space<vmem>>) target_semaphore(%arg24 : memref<!tpu.dma_semaphore, #tpu.memory_space<semaphore_mem>>)
    %add3A_1242 = arith.constant 68 : i32
    %add3A_1243 = arith.addi %mul3A_2, %add3A_1242 : i32
    %slice3A_1244 = vector.extract_strided_slice %get3A_1169 {offsets = [4], sizes = [1], strides = [1]} : vector<16xi32> to vector<1xi32>
    %squeeze3A_1245 = vector.extract %slice3A_1244[0] : i32 from vector<1xi32>
    %add3A_1246 = arith.constant 1 : i32
    %add3A_1247 = arith.addi %squeeze3A_1245, %add3A_1246 : i32
    %dma_start3A_1248 = arith.constant 68 : i32
    %dma_start3A_1249 = arith.constant 0 : i32
    %dma_start3A_1250 = tpu.memref_slice %arg10[%dma_start3A_1248, %dma_start3A_1249] : memref<128x128xf32, #tpu.memory_space<vmem>> -> memref<1x128xf32, #tpu.memory_space<vmem>>
    %dma_start3A_1251 = arith.constant 0 : i32
    %dma_start3A_1252 = tpu.memref_slice %arg5[%add3A_1243, %add3A_1247, %dma_start3A_1251] : memref<4096x65x128xf32, #tpu.memory_space<hbm>> -> memref<1x1x128xf32, #tpu.memory_space<hbm>>
    %dma_start3A_1253 = tpu.memref_squeeze %dma_start3A_1252 : memref<1x1x128xf32, #tpu.memory_space<hbm>> -> memref<1x128xf32, #tpu.memory_space<hbm>>
    %dma_start3A_1254 = arith.constant 68 : i32
    %dma_start3A_1255 = arith.constant 0 : i32
    %dma_start3A_1256 = tpu.memref_slice %arg10[%dma_start3A_1254, %dma_start3A_1255] : memref<128x128xf32, #tpu.memory_space<vmem>> -> memref<1x128xf32, #tpu.memory_space<vmem>>
    %dma_start3A_1257 = arith.constant 0 : i32
    %dma_start3A_1258 = tpu.memref_slice %arg5[%add3A_1243, %add3A_1247, %dma_start3A_1257] : memref<4096x65x128xf32, #tpu.memory_space<hbm>> -> memref<1x1x128xf32, #tpu.memory_space<hbm>>
    %dma_start3A_1259 = tpu.memref_squeeze %dma_start3A_1258 : memref<1x1x128xf32, #tpu.memory_space<hbm>> -> memref<1x128xf32, #tpu.memory_space<hbm>>
    tpu.enqueue_dma source(%dma_start3A_1259 : memref<1x128xf32, #tpu.memory_space<hbm>>) target(%dma_start3A_1256 : memref<1x128xf32, #tpu.memory_space<vmem>>) target_semaphore(%arg24 : memref<!tpu.dma_semaphore, #tpu.memory_space<semaphore_mem>>)
    %add3A_1260 = arith.constant 69 : i32
    %add3A_1261 = arith.addi %mul3A_2, %add3A_1260 : i32
    %slice3A_1262 = vector.extract_strided_slice %get3A_1169 {offsets = [5], sizes = [1], strides = [1]} : vector<16xi32> to vector<1xi32>
    %squeeze3A_1263 = vector.extract %slice3A_1262[0] : i32 from vector<1xi32>
    %add3A_1264 = arith.constant 1 : i32
    %add3A_1265 = arith.addi %squeeze3A_1263, %add3A_1264 : i32
    %dma_start3A_1266 = arith.constant 69 : i32
    %dma_start3A_1267 = arith.constant 0 : i32
    %dma_start3A_1268 = tpu.memref_slice %arg10[%dma_start3A_1266, %dma_start3A_1267] : memref<128x128xf32, #tpu.memory_space<vmem>> -> memref<1x128xf32, #tpu.memory_space<vmem>>
    %dma_start3A_1269 = arith.constant 0 : i32
    %dma_start3A_1270 = tpu.memref_slice %arg5[%add3A_1261, %add3A_1265, %dma_start3A_1269] : memref<4096x65x128xf32, #tpu.memory_space<hbm>> -> memref<1x1x128xf32, #tpu.memory_space<hbm>>
    %dma_start3A_1271 = tpu.memref_squeeze %dma_start3A_1270 : memref<1x1x128xf32, #tpu.memory_space<hbm>> -> memref<1x128xf32, #tpu.memory_space<hbm>>
    %dma_start3A_1272 = arith.constant 69 : i32
    %dma_start3A_1273 = arith.constant 0 : i32
    %dma_start3A_1274 = tpu.memref_slice %arg10[%dma_start3A_1272, %dma_start3A_1273] : memref<128x128xf32, #tpu.memory_space<vmem>> -> memref<1x128xf32, #tpu.memory_space<vmem>>
    %dma_start3A_1275 = arith.constant 0 : i32
    %dma_start3A_1276 = tpu.memref_slice %arg5[%add3A_1261, %add3A_1265, %dma_start3A_1275] : memref<4096x65x128xf32, #tpu.memory_space<hbm>> -> memref<1x1x128xf32, #tpu.memory_space<hbm>>
    %dma_start3A_1277 = tpu.memref_squeeze %dma_start3A_1276 : memref<1x1x128xf32, #tpu.memory_space<hbm>> -> memref<1x128xf32, #tpu.memory_space<hbm>>
    tpu.enqueue_dma source(%dma_start3A_1277 : memref<1x128xf32, #tpu.memory_space<hbm>>) target(%dma_start3A_1274 : memref<1x128xf32, #tpu.memory_space<vmem>>) target_semaphore(%arg24 : memref<!tpu.dma_semaphore, #tpu.memory_space<semaphore_mem>>)
    %add3A_1278 = arith.constant 70 : i32
    %add3A_1279 = arith.addi %mul3A_2, %add3A_1278 : i32
    %slice3A_1280 = vector.extract_strided_slice %get3A_1169 {offsets = [6], sizes = [1], strides = [1]} : vector<16xi32> to vector<1xi32>
    %squeeze3A_1281 = vector.extract %slice3A_1280[0] : i32 from vector<1xi32>
    %add3A_1282 = arith.constant 1 : i32
    %add3A_1283 = arith.addi %squeeze3A_1281, %add3A_1282 : i32
    %dma_start3A_1284 = arith.constant 70 : i32
    %dma_start3A_1285 = arith.constant 0 : i32
    %dma_start3A_1286 = tpu.memref_slice %arg10[%dma_start3A_1284, %dma_start3A_1285] : memref<128x128xf32, #tpu.memory_space<vmem>> -> memref<1x128xf32, #tpu.memory_space<vmem>>
    %dma_start3A_1287 = arith.constant 0 : i32
    %dma_start3A_1288 = tpu.memref_slice %arg5[%add3A_1279, %add3A_1283, %dma_start3A_1287] : memref<4096x65x128xf32, #tpu.memory_space<hbm>> -> memref<1x1x128xf32, #tpu.memory_space<hbm>>
    %dma_start3A_1289 = tpu.memref_squeeze %dma_start3A_1288 : memref<1x1x128xf32, #tpu.memory_space<hbm>> -> memref<1x128xf32, #tpu.memory_space<hbm>>
    %dma_start3A_1290 = arith.constant 70 : i32
    %dma_start3A_1291 = arith.constant 0 : i32
    %dma_start3A_1292 = tpu.memref_slice %arg10[%dma_start3A_1290, %dma_start3A_1291] : memref<128x128xf32, #tpu.memory_space<vmem>> -> memref<1x128xf32, #tpu.memory_space<vmem>>
    %dma_start3A_1293 = arith.constant 0 : i32
    %dma_start3A_1294 = tpu.memref_slice %arg5[%add3A_1279, %add3A_1283, %dma_start3A_1293] : memref<4096x65x128xf32, #tpu.memory_space<hbm>> -> memref<1x1x128xf32, #tpu.memory_space<hbm>>
    %dma_start3A_1295 = tpu.memref_squeeze %dma_start3A_1294 : memref<1x1x128xf32, #tpu.memory_space<hbm>> -> memref<1x128xf32, #tpu.memory_space<hbm>>
    tpu.enqueue_dma source(%dma_start3A_1295 : memref<1x128xf32, #tpu.memory_space<hbm>>) target(%dma_start3A_1292 : memref<1x128xf32, #tpu.memory_space<vmem>>) target_semaphore(%arg24 : memref<!tpu.dma_semaphore, #tpu.memory_space<semaphore_mem>>)
    %add3A_1296 = arith.constant 71 : i32
    %add3A_1297 = arith.addi %mul3A_2, %add3A_1296 : i32
    %slice3A_1298 = vector.extract_strided_slice %get3A_1169 {offsets = [7], sizes = [1], strides = [1]} : vector<16xi32> to vector<1xi32>
    %squeeze3A_1299 = vector.extract %slice3A_1298[0] : i32 from vector<1xi32>
    %add3A_1300 = arith.constant 1 : i32
    %add3A_1301 = arith.addi %squeeze3A_1299, %add3A_1300 : i32
    %dma_start3A_1302 = arith.constant 71 : i32
    %dma_start3A_1303 = arith.constant 0 : i32
    %dma_start3A_1304 = tpu.memref_slice %arg10[%dma_start3A_1302, %dma_start3A_1303] : memref<128x128xf32, #tpu.memory_space<vmem>> -> memref<1x128xf32, #tpu.memory_space<vmem>>
    %dma_start3A_1305 = arith.constant 0 : i32
    %dma_start3A_1306 = tpu.memref_slice %arg5[%add3A_1297, %add3A_1301, %dma_start3A_1305] : memref<4096x65x128xf32, #tpu.memory_space<hbm>> -> memref<1x1x128xf32, #tpu.memory_space<hbm>>
    %dma_start3A_1307 = tpu.memref_squeeze %dma_start3A_1306 : memref<1x1x128xf32, #tpu.memory_space<hbm>> -> memref<1x128xf32, #tpu.memory_space<hbm>>
    %dma_start3A_1308 = arith.constant 71 : i32
    %dma_start3A_1309 = arith.constant 0 : i32
    %dma_start3A_1310 = tpu.memref_slice %arg10[%dma_start3A_1308, %dma_start3A_1309] : memref<128x128xf32, #tpu.memory_space<vmem>> -> memref<1x128xf32, #tpu.memory_space<vmem>>
    %dma_start3A_1311 = arith.constant 0 : i32
    %dma_start3A_1312 = tpu.memref_slice %arg5[%add3A_1297, %add3A_1301, %dma_start3A_1311] : memref<4096x65x128xf32, #tpu.memory_space<hbm>> -> memref<1x1x128xf32, #tpu.memory_space<hbm>>
    %dma_start3A_1313 = tpu.memref_squeeze %dma_start3A_1312 : memref<1x1x128xf32, #tpu.memory_space<hbm>> -> memref<1x128xf32, #tpu.memory_space<hbm>>
    tpu.enqueue_dma source(%dma_start3A_1313 : memref<1x128xf32, #tpu.memory_space<hbm>>) target(%dma_start3A_1310 : memref<1x128xf32, #tpu.memory_space<vmem>>) target_semaphore(%arg24 : memref<!tpu.dma_semaphore, #tpu.memory_space<semaphore_mem>>)
    %add3A_1314 = arith.constant 72 : i32
    %add3A_1315 = arith.addi %mul3A_2, %add3A_1314 : i32
    %slice3A_1316 = vector.extract_strided_slice %get3A_1169 {offsets = [8], sizes = [1], strides = [1]} : vector<16xi32> to vector<1xi32>
    %squeeze3A_1317 = vector.extract %slice3A_1316[0] : i32 from vector<1xi32>
    %add3A_1318 = arith.constant 1 : i32
    %add3A_1319 = arith.addi %squeeze3A_1317, %add3A_1318 : i32
    %dma_start3A_1320 = arith.constant 72 : i32
    %dma_start3A_1321 = arith.constant 0 : i32
    %dma_start3A_1322 = tpu.memref_slice %arg10[%dma_start3A_1320, %dma_start3A_1321] : memref<128x128xf32, #tpu.memory_space<vmem>> -> memref<1x128xf32, #tpu.memory_space<vmem>>
    %dma_start3A_1323 = arith.constant 0 : i32
    %dma_start3A_1324 = tpu.memref_slice %arg5[%add3A_1315, %add3A_1319, %dma_start3A_1323] : memref<4096x65x128xf32, #tpu.memory_space<hbm>> -> memref<1x1x128xf32, #tpu.memory_space<hbm>>
    %dma_start3A_1325 = tpu.memref_squeeze %dma_start3A_1324 : memref<1x1x128xf32, #tpu.memory_space<hbm>> -> memref<1x128xf32, #tpu.memory_space<hbm>>
    %dma_start3A_1326 = arith.constant 72 : i32
    %dma_start3A_1327 = arith.constant 0 : i32
    %dma_start3A_1328 = tpu.memref_slice %arg10[%dma_start3A_1326, %dma_start3A_1327] : memref<128x128xf32, #tpu.memory_space<vmem>> -> memref<1x128xf32, #tpu.memory_space<vmem>>
    %dma_start3A_1329 = arith.constant 0 : i32
    %dma_start3A_1330 = tpu.memref_slice %arg5[%add3A_1315, %add3A_1319, %dma_start3A_1329] : memref<4096x65x128xf32, #tpu.memory_space<hbm>> -> memref<1x1x128xf32, #tpu.memory_space<hbm>>
    %dma_start3A_1331 = tpu.memref_squeeze %dma_start3A_1330 : memref<1x1x128xf32, #tpu.memory_space<hbm>> -> memref<1x128xf32, #tpu.memory_space<hbm>>
    tpu.enqueue_dma source(%dma_start3A_1331 : memref<1x128xf32, #tpu.memory_space<hbm>>) target(%dma_start3A_1328 : memref<1x128xf32, #tpu.memory_space<vmem>>) target_semaphore(%arg24 : memref<!tpu.dma_semaphore, #tpu.memory_space<semaphore_mem>>)
    %add3A_1332 = arith.constant 73 : i32
    %add3A_1333 = arith.addi %mul3A_2, %add3A_1332 : i32
    %slice3A_1334 = vector.extract_strided_slice %get3A_1169 {offsets = [9], sizes = [1], strides = [1]} : vector<16xi32> to vector<1xi32>
    %squeeze3A_1335 = vector.extract %slice3A_1334[0] : i32 from vector<1xi32>
    %add3A_1336 = arith.constant 1 : i32
    %add3A_1337 = arith.addi %squeeze3A_1335, %add3A_1336 : i32
    %dma_start3A_1338 = arith.constant 73 : i32
    %dma_start3A_1339 = arith.constant 0 : i32
    %dma_start3A_1340 = tpu.memref_slice %arg10[%dma_start3A_1338, %dma_start3A_1339] : memref<128x128xf32, #tpu.memory_space<vmem>> -> memref<1x128xf32, #tpu.memory_space<vmem>>
    %dma_start3A_1341 = arith.constant 0 : i32
    %dma_start3A_1342 = tpu.memref_slice %arg5[%add3A_1333, %add3A_1337, %dma_start3A_1341] : memref<4096x65x128xf32, #tpu.memory_space<hbm>> -> memref<1x1x128xf32, #tpu.memory_space<hbm>>
    %dma_start3A_1343 = tpu.memref_squeeze %dma_start3A_1342 : memref<1x1x128xf32, #tpu.memory_space<hbm>> -> memref<1x128xf32, #tpu.memory_space<hbm>>
    %dma_start3A_1344 = arith.constant 73 : i32
    %dma_start3A_1345 = arith.constant 0 : i32
    %dma_start3A_1346 = tpu.memref_slice %arg10[%dma_start3A_1344, %dma_start3A_1345] : memref<128x128xf32, #tpu.memory_space<vmem>> -> memref<1x128xf32, #tpu.memory_space<vmem>>
    %dma_start3A_1347 = arith.constant 0 : i32
    %dma_start3A_1348 = tpu.memref_slice %arg5[%add3A_1333, %add3A_1337, %dma_start3A_1347] : memref<4096x65x128xf32, #tpu.memory_space<hbm>> -> memref<1x1x128xf32, #tpu.memory_space<hbm>>
    %dma_start3A_1349 = tpu.memref_squeeze %dma_start3A_1348 : memref<1x1x128xf32, #tpu.memory_space<hbm>> -> memref<1x128xf32, #tpu.memory_space<hbm>>
    tpu.enqueue_dma source(%dma_start3A_1349 : memref<1x128xf32, #tpu.memory_space<hbm>>) target(%dma_start3A_1346 : memref<1x128xf32, #tpu.memory_space<vmem>>) target_semaphore(%arg24 : memref<!tpu.dma_semaphore, #tpu.memory_space<semaphore_mem>>)
    %add3A_1350 = arith.constant 74 : i32
    %add3A_1351 = arith.addi %mul3A_2, %add3A_1350 : i32
    %slice3A_1352 = vector.extract_strided_slice %get3A_1169 {offsets = [10], sizes = [1], strides = [1]} : vector<16xi32> to vector<1xi32>
    %squeeze3A_1353 = vector.extract %slice3A_1352[0] : i32 from vector<1xi32>
    %add3A_1354 = arith.constant 1 : i32
    %add3A_1355 = arith.addi %squeeze3A_1353, %add3A_1354 : i32
    %dma_start3A_1356 = arith.constant 74 : i32
    %dma_start3A_1357 = arith.constant 0 : i32
    %dma_start3A_1358 = tpu.memref_slice %arg10[%dma_start3A_1356, %dma_start3A_1357] : memref<128x128xf32, #tpu.memory_space<vmem>> -> memref<1x128xf32, #tpu.memory_space<vmem>>
    %dma_start3A_1359 = arith.constant 0 : i32
    %dma_start3A_1360 = tpu.memref_slice %arg5[%add3A_1351, %add3A_1355, %dma_start3A_1359] : memref<4096x65x128xf32, #tpu.memory_space<hbm>> -> memref<1x1x128xf32, #tpu.memory_space<hbm>>
    %dma_start3A_1361 = tpu.memref_squeeze %dma_start3A_1360 : memref<1x1x128xf32, #tpu.memory_space<hbm>> -> memref<1x128xf32, #tpu.memory_space<hbm>>
    %dma_start3A_1362 = arith.constant 74 : i32
    %dma_start3A_1363 = arith.constant 0 : i32
    %dma_start3A_1364 = tpu.memref_slice %arg10[%dma_start3A_1362, %dma_start3A_1363] : memref<128x128xf32, #tpu.memory_space<vmem>> -> memref<1x128xf32, #tpu.memory_space<vmem>>
    %dma_start3A_1365 = arith.constant 0 : i32
    %dma_start3A_1366 = tpu.memref_slice %arg5[%add3A_1351, %add3A_1355, %dma_start3A_1365] : memref<4096x65x128xf32, #tpu.memory_space<hbm>> -> memref<1x1x128xf32, #tpu.memory_space<hbm>>
    %dma_start3A_1367 = tpu.memref_squeeze %dma_start3A_1366 : memref<1x1x128xf32, #tpu.memory_space<hbm>> -> memref<1x128xf32, #tpu.memory_space<hbm>>
    tpu.enqueue_dma source(%dma_start3A_1367 : memref<1x128xf32, #tpu.memory_space<hbm>>) target(%dma_start3A_1364 : memref<1x128xf32, #tpu.memory_space<vmem>>) target_semaphore(%arg24 : memref<!tpu.dma_semaphore, #tpu.memory_space<semaphore_mem>>)
    %add3A_1368 = arith.constant 75 : i32
    %add3A_1369 = arith.addi %mul3A_2, %add3A_1368 : i32
    %slice3A_1370 = vector.extract_strided_slice %get3A_1169 {offsets = [11], sizes = [1], strides = [1]} : vector<16xi32> to vector<1xi32>
    %squeeze3A_1371 = vector.extract %slice3A_1370[0] : i32 from vector<1xi32>
    %add3A_1372 = arith.constant 1 : i32
    %add3A_1373 = arith.addi %squeeze3A_1371, %add3A_1372 : i32
    %dma_start3A_1374 = arith.constant 75 : i32
    %dma_start3A_1375 = arith.constant 0 : i32
    %dma_start3A_1376 = tpu.memref_slice %arg10[%dma_start3A_1374, %dma_start3A_1375] : memref<128x128xf32, #tpu.memory_space<vmem>> -> memref<1x128xf32, #tpu.memory_space<vmem>>
    %dma_start3A_1377 = arith.constant 0 : i32
    %dma_start3A_1378 = tpu.memref_slice %arg5[%add3A_1369, %add3A_1373, %dma_start3A_1377] : memref<4096x65x128xf32, #tpu.memory_space<hbm>> -> memref<1x1x128xf32, #tpu.memory_space<hbm>>
    %dma_start3A_1379 = tpu.memref_squeeze %dma_start3A_1378 : memref<1x1x128xf32, #tpu.memory_space<hbm>> -> memref<1x128xf32, #tpu.memory_space<hbm>>
    %dma_start3A_1380 = arith.constant 75 : i32
    %dma_start3A_1381 = arith.constant 0 : i32
    %dma_start3A_1382 = tpu.memref_slice %arg10[%dma_start3A_1380, %dma_start3A_1381] : memref<128x128xf32, #tpu.memory_space<vmem>> -> memref<1x128xf32, #tpu.memory_space<vmem>>
    %dma_start3A_1383 = arith.constant 0 : i32
    %dma_start3A_1384 = tpu.memref_slice %arg5[%add3A_1369, %add3A_1373, %dma_start3A_1383] : memref<4096x65x128xf32, #tpu.memory_space<hbm>> -> memref<1x1x128xf32, #tpu.memory_space<hbm>>
    %dma_start3A_1385 = tpu.memref_squeeze %dma_start3A_1384 : memref<1x1x128xf32, #tpu.memory_space<hbm>> -> memref<1x128xf32, #tpu.memory_space<hbm>>
    tpu.enqueue_dma source(%dma_start3A_1385 : memref<1x128xf32, #tpu.memory_space<hbm>>) target(%dma_start3A_1382 : memref<1x128xf32, #tpu.memory_space<vmem>>) target_semaphore(%arg24 : memref<!tpu.dma_semaphore, #tpu.memory_space<semaphore_mem>>)
    %add3A_1386 = arith.constant 76 : i32
    %add3A_1387 = arith.addi %mul3A_2, %add3A_1386 : i32
    %slice3A_1388 = vector.extract_strided_slice %get3A_1169 {offsets = [12], sizes = [1], strides = [1]} : vector<16xi32> to vector<1xi32>
    %squeeze3A_1389 = vector.extract %slice3A_1388[0] : i32 from vector<1xi32>
    %add3A_1390 = arith.constant 1 : i32
    %add3A_1391 = arith.addi %squeeze3A_1389, %add3A_1390 : i32
    %dma_start3A_1392 = arith.constant 76 : i32
    %dma_start3A_1393 = arith.constant 0 : i32
    %dma_start3A_1394 = tpu.memref_slice %arg10[%dma_start3A_1392, %dma_start3A_1393] : memref<128x128xf32, #tpu.memory_space<vmem>> -> memref<1x128xf32, #tpu.memory_space<vmem>>
    %dma_start3A_1395 = arith.constant 0 : i32
    %dma_start3A_1396 = tpu.memref_slice %arg5[%add3A_1387, %add3A_1391, %dma_start3A_1395] : memref<4096x65x128xf32, #tpu.memory_space<hbm>> -> memref<1x1x128xf32, #tpu.memory_space<hbm>>
    %dma_start3A_1397 = tpu.memref_squeeze %dma_start3A_1396 : memref<1x1x128xf32, #tpu.memory_space<hbm>> -> memref<1x128xf32, #tpu.memory_space<hbm>>
    %dma_start3A_1398 = arith.constant 76 : i32
    %dma_start3A_1399 = arith.constant 0 : i32
    %dma_start3A_1400 = tpu.memref_slice %arg10[%dma_start3A_1398, %dma_start3A_1399] : memref<128x128xf32, #tpu.memory_space<vmem>> -> memref<1x128xf32, #tpu.memory_space<vmem>>
    %dma_start3A_1401 = arith.constant 0 : i32
    %dma_start3A_1402 = tpu.memref_slice %arg5[%add3A_1387, %add3A_1391, %dma_start3A_1401] : memref<4096x65x128xf32, #tpu.memory_space<hbm>> -> memref<1x1x128xf32, #tpu.memory_space<hbm>>
    %dma_start3A_1403 = tpu.memref_squeeze %dma_start3A_1402 : memref<1x1x128xf32, #tpu.memory_space<hbm>> -> memref<1x128xf32, #tpu.memory_space<hbm>>
    tpu.enqueue_dma source(%dma_start3A_1403 : memref<1x128xf32, #tpu.memory_space<hbm>>) target(%dma_start3A_1400 : memref<1x128xf32, #tpu.memory_space<vmem>>) target_semaphore(%arg24 : memref<!tpu.dma_semaphore, #tpu.memory_space<semaphore_mem>>)
    %add3A_1404 = arith.constant 77 : i32
    %add3A_1405 = arith.addi %mul3A_2, %add3A_1404 : i32
    %slice3A_1406 = vector.extract_strided_slice %get3A_1169 {offsets = [13], sizes = [1], strides = [1]} : vector<16xi32> to vector<1xi32>
    %squeeze3A_1407 = vector.extract %slice3A_1406[0] : i32 from vector<1xi32>
    %add3A_1408 = arith.constant 1 : i32
    %add3A_1409 = arith.addi %squeeze3A_1407, %add3A_1408 : i32
    %dma_start3A_1410 = arith.constant 77 : i32
    %dma_start3A_1411 = arith.constant 0 : i32
    %dma_start3A_1412 = tpu.memref_slice %arg10[%dma_start3A_1410, %dma_start3A_1411] : memref<128x128xf32, #tpu.memory_space<vmem>> -> memref<1x128xf32, #tpu.memory_space<vmem>>
    %dma_start3A_1413 = arith.constant 0 : i32
    %dma_start3A_1414 = tpu.memref_slice %arg5[%add3A_1405, %add3A_1409, %dma_start3A_1413] : memref<4096x65x128xf32, #tpu.memory_space<hbm>> -> memref<1x1x128xf32, #tpu.memory_space<hbm>>
    %dma_start3A_1415 = tpu.memref_squeeze %dma_start3A_1414 : memref<1x1x128xf32, #tpu.memory_space<hbm>> -> memref<1x128xf32, #tpu.memory_space<hbm>>
    %dma_start3A_1416 = arith.constant 77 : i32
    %dma_start3A_1417 = arith.constant 0 : i32
    %dma_start3A_1418 = tpu.memref_slice %arg10[%dma_start3A_1416, %dma_start3A_1417] : memref<128x128xf32, #tpu.memory_space<vmem>> -> memref<1x128xf32, #tpu.memory_space<vmem>>
    %dma_start3A_1419 = arith.constant 0 : i32
    %dma_start3A_1420 = tpu.memref_slice %arg5[%add3A_1405, %add3A_1409, %dma_start3A_1419] : memref<4096x65x128xf32, #tpu.memory_space<hbm>> -> memref<1x1x128xf32, #tpu.memory_space<hbm>>
    %dma_start3A_1421 = tpu.memref_squeeze %dma_start3A_1420 : memref<1x1x128xf32, #tpu.memory_space<hbm>> -> memref<1x128xf32, #tpu.memory_space<hbm>>
    tpu.enqueue_dma source(%dma_start3A_1421 : memref<1x128xf32, #tpu.memory_space<hbm>>) target(%dma_start3A_1418 : memref<1x128xf32, #tpu.memory_space<vmem>>) target_semaphore(%arg24 : memref<!tpu.dma_semaphore, #tpu.memory_space<semaphore_mem>>)
    %add3A_1422 = arith.constant 78 : i32
    %add3A_1423 = arith.addi %mul3A_2, %add3A_1422 : i32
    %slice3A_1424 = vector.extract_strided_slice %get3A_1169 {offsets = [14], sizes = [1], strides = [1]} : vector<16xi32> to vector<1xi32>
    %squeeze3A_1425 = vector.extract %slice3A_1424[0] : i32 from vector<1xi32>
    %add3A_1426 = arith.constant 1 : i32
    %add3A_1427 = arith.addi %squeeze3A_1425, %add3A_1426 : i32
    %dma_start3A_1428 = arith.constant 78 : i32
    %dma_start3A_1429 = arith.constant 0 : i32
    %dma_start3A_1430 = tpu.memref_slice %arg10[%dma_start3A_1428, %dma_start3A_1429] : memref<128x128xf32, #tpu.memory_space<vmem>> -> memref<1x128xf32, #tpu.memory_space<vmem>>
    %dma_start3A_1431 = arith.constant 0 : i32
    %dma_start3A_1432 = tpu.memref_slice %arg5[%add3A_1423, %add3A_1427, %dma_start3A_1431] : memref<4096x65x128xf32, #tpu.memory_space<hbm>> -> memref<1x1x128xf32, #tpu.memory_space<hbm>>
    %dma_start3A_1433 = tpu.memref_squeeze %dma_start3A_1432 : memref<1x1x128xf32, #tpu.memory_space<hbm>> -> memref<1x128xf32, #tpu.memory_space<hbm>>
    %dma_start3A_1434 = arith.constant 78 : i32
    %dma_start3A_1435 = arith.constant 0 : i32
    %dma_start3A_1436 = tpu.memref_slice %arg10[%dma_start3A_1434, %dma_start3A_1435] : memref<128x128xf32, #tpu.memory_space<vmem>> -> memref<1x128xf32, #tpu.memory_space<vmem>>
    %dma_start3A_1437 = arith.constant 0 : i32
    %dma_start3A_1438 = tpu.memref_slice %arg5[%add3A_1423, %add3A_1427, %dma_start3A_1437] : memref<4096x65x128xf32, #tpu.memory_space<hbm>> -> memref<1x1x128xf32, #tpu.memory_space<hbm>>
    %dma_start3A_1439 = tpu.memref_squeeze %dma_start3A_1438 : memref<1x1x128xf32, #tpu.memory_space<hbm>> -> memref<1x128xf32, #tpu.memory_space<hbm>>
    tpu.enqueue_dma source(%dma_start3A_1439 : memref<1x128xf32, #tpu.memory_space<hbm>>) target(%dma_start3A_1436 : memref<1x128xf32, #tpu.memory_space<vmem>>) target_semaphore(%arg24 : memref<!tpu.dma_semaphore, #tpu.memory_space<semaphore_mem>>)
    %add3A_1440 = arith.constant 79 : i32
    %add3A_1441 = arith.addi %mul3A_2, %add3A_1440 : i32
    %slice3A_1442 = vector.extract_strided_slice %get3A_1169 {offsets = [15], sizes = [1], strides = [1]} : vector<16xi32> to vector<1xi32>
    %squeeze3A_1443 = vector.extract %slice3A_1442[0] : i32 from vector<1xi32>
    %add3A_1444 = arith.constant 1 : i32
    %add3A_1445 = arith.addi %squeeze3A_1443, %add3A_1444 : i32
    %dma_start3A_1446 = arith.constant 79 : i32
    %dma_start3A_1447 = arith.constant 0 : i32
    %dma_start3A_1448 = tpu.memref_slice %arg10[%dma_start3A_1446, %dma_start3A_1447] : memref<128x128xf32, #tpu.memory_space<vmem>> -> memref<1x128xf32, #tpu.memory_space<vmem>>
    %dma_start3A_1449 = arith.constant 0 : i32
    %dma_start3A_1450 = tpu.memref_slice %arg5[%add3A_1441, %add3A_1445, %dma_start3A_1449] : memref<4096x65x128xf32, #tpu.memory_space<hbm>> -> memref<1x1x128xf32, #tpu.memory_space<hbm>>
    %dma_start3A_1451 = tpu.memref_squeeze %dma_start3A_1450 : memref<1x1x128xf32, #tpu.memory_space<hbm>> -> memref<1x128xf32, #tpu.memory_space<hbm>>
    %dma_start3A_1452 = arith.constant 79 : i32
    %dma_start3A_1453 = arith.constant 0 : i32
    %dma_start3A_1454 = tpu.memref_slice %arg10[%dma_start3A_1452, %dma_start3A_1453] : memref<128x128xf32, #tpu.memory_space<vmem>> -> memref<1x128xf32, #tpu.memory_space<vmem>>
    %dma_start3A_1455 = arith.constant 0 : i32
    %dma_start3A_1456 = tpu.memref_slice %arg5[%add3A_1441, %add3A_1445, %dma_start3A_1455] : memref<4096x65x128xf32, #tpu.memory_space<hbm>> -> memref<1x1x128xf32, #tpu.memory_space<hbm>>
    %dma_start3A_1457 = tpu.memref_squeeze %dma_start3A_1456 : memref<1x1x128xf32, #tpu.memory_space<hbm>> -> memref<1x128xf32, #tpu.memory_space<hbm>>
    tpu.enqueue_dma source(%dma_start3A_1457 : memref<1x128xf32, #tpu.memory_space<hbm>>) target(%dma_start3A_1454 : memref<1x128xf32, #tpu.memory_space<vmem>>) target_semaphore(%arg24 : memref<!tpu.dma_semaphore, #tpu.memory_space<semaphore_mem>>)
    %get3A_1458 = arith.constant 80 : index
    %get3A_1459 = tpu.vector_load %arg8[%get3A_1458] {strides = array<i32>} : memref<128xi32, #tpu.memory_space<vmem>>, vector<16xi32>,
    %get3A_1460 = vector.shape_cast %get3A_1459 : vector<16xi32> to vector<16xi32>
    %add3A_1461 = arith.constant 80 : i32
    %add3A_1462 = arith.addi %mul3A_2, %add3A_1461 : i32
    %slice3A_1463 = vector.extract_strided_slice %get3A_1460 {offsets = [0], sizes = [1], strides = [1]} : vector<16xi32> to vector<1xi32>
    %squeeze3A_1464 = vector.extract %slice3A_1463[0] : i32 from vector<1xi32>
    %add3A_1465 = arith.constant 1 : i32
    %add3A_1466 = arith.addi %squeeze3A_1464, %add3A_1465 : i32
    %dma_start3A_1467 = arith.constant 80 : i32
    %dma_start3A_1468 = arith.constant 0 : i32
    %dma_start3A_1469 = tpu.memref_slice %arg10[%dma_start3A_1467, %dma_start3A_1468] : memref<128x128xf32, #tpu.memory_space<vmem>> -> memref<1x128xf32, #tpu.memory_space<vmem>>
    %dma_start3A_1470 = arith.constant 0 : i32
    %dma_start3A_1471 = tpu.memref_slice %arg5[%add3A_1462, %add3A_1466, %dma_start3A_1470] : memref<4096x65x128xf32, #tpu.memory_space<hbm>> -> memref<1x1x128xf32, #tpu.memory_space<hbm>>
    %dma_start3A_1472 = tpu.memref_squeeze %dma_start3A_1471 : memref<1x1x128xf32, #tpu.memory_space<hbm>> -> memref<1x128xf32, #tpu.memory_space<hbm>>
    %dma_start3A_1473 = arith.constant 80 : i32
    %dma_start3A_1474 = arith.constant 0 : i32
    %dma_start3A_1475 = tpu.memref_slice %arg10[%dma_start3A_1473, %dma_start3A_1474] : memref<128x128xf32, #tpu.memory_space<vmem>> -> memref<1x128xf32, #tpu.memory_space<vmem>>
    %dma_start3A_1476 = arith.constant 0 : i32
    %dma_start3A_1477 = tpu.memref_slice %arg5[%add3A_1462, %add3A_1466, %dma_start3A_1476] : memref<4096x65x128xf32, #tpu.memory_space<hbm>> -> memref<1x1x128xf32, #tpu.memory_space<hbm>>
    %dma_start3A_1478 = tpu.memref_squeeze %dma_start3A_1477 : memref<1x1x128xf32, #tpu.memory_space<hbm>> -> memref<1x128xf32, #tpu.memory_space<hbm>>
    tpu.enqueue_dma source(%dma_start3A_1478 : memref<1x128xf32, #tpu.memory_space<hbm>>) target(%dma_start3A_1475 : memref<1x128xf32, #tpu.memory_space<vmem>>) target_semaphore(%arg24 : memref<!tpu.dma_semaphore, #tpu.memory_space<semaphore_mem>>)
    %add3A_1479 = arith.constant 81 : i32
    %add3A_1480 = arith.addi %mul3A_2, %add3A_1479 : i32
    %slice3A_1481 = vector.extract_strided_slice %get3A_1460 {offsets = [1], sizes = [1], strides = [1]} : vector<16xi32> to vector<1xi32>
    %squeeze3A_1482 = vector.extract %slice3A_1481[0] : i32 from vector<1xi32>
    %add3A_1483 = arith.constant 1 : i32
    %add3A_1484 = arith.addi %squeeze3A_1482, %add3A_1483 : i32
    %dma_start3A_1485 = arith.constant 81 : i32
    %dma_start3A_1486 = arith.constant 0 : i32
    %dma_start3A_1487 = tpu.memref_slice %arg10[%dma_start3A_1485, %dma_start3A_1486] : memref<128x128xf32, #tpu.memory_space<vmem>> -> memref<1x128xf32, #tpu.memory_space<vmem>>
    %dma_start3A_1488 = arith.constant 0 : i32
    %dma_start3A_1489 = tpu.memref_slice %arg5[%add3A_1480, %add3A_1484, %dma_start3A_1488] : memref<4096x65x128xf32, #tpu.memory_space<hbm>> -> memref<1x1x128xf32, #tpu.memory_space<hbm>>
    %dma_start3A_1490 = tpu.memref_squeeze %dma_start3A_1489 : memref<1x1x128xf32, #tpu.memory_space<hbm>> -> memref<1x128xf32, #tpu.memory_space<hbm>>
    %dma_start3A_1491 = arith.constant 81 : i32
    %dma_start3A_1492 = arith.constant 0 : i32
    %dma_start3A_1493 = tpu.memref_slice %arg10[%dma_start3A_1491, %dma_start3A_1492] : memref<128x128xf32, #tpu.memory_space<vmem>> -> memref<1x128xf32, #tpu.memory_space<vmem>>
    %dma_start3A_1494 = arith.constant 0 : i32
    %dma_start3A_1495 = tpu.memref_slice %arg5[%add3A_1480, %add3A_1484, %dma_start3A_1494] : memref<4096x65x128xf32, #tpu.memory_space<hbm>> -> memref<1x1x128xf32, #tpu.memory_space<hbm>>
    %dma_start3A_1496 = tpu.memref_squeeze %dma_start3A_1495 : memref<1x1x128xf32, #tpu.memory_space<hbm>> -> memref<1x128xf32, #tpu.memory_space<hbm>>
    tpu.enqueue_dma source(%dma_start3A_1496 : memref<1x128xf32, #tpu.memory_space<hbm>>) target(%dma_start3A_1493 : memref<1x128xf32, #tpu.memory_space<vmem>>) target_semaphore(%arg24 : memref<!tpu.dma_semaphore, #tpu.memory_space<semaphore_mem>>)
    %add3A_1497 = arith.constant 82 : i32
    %add3A_1498 = arith.addi %mul3A_2, %add3A_1497 : i32
    %slice3A_1499 = vector.extract_strided_slice %get3A_1460 {offsets = [2], sizes = [1], strides = [1]} : vector<16xi32> to vector<1xi32>
    %squeeze3A_1500 = vector.extract %slice3A_1499[0] : i32 from vector<1xi32>
    %add3A_1501 = arith.constant 1 : i32
    %add3A_1502 = arith.addi %squeeze3A_1500, %add3A_1501 : i32
    %dma_start3A_1503 = arith.constant 82 : i32
    %dma_start3A_1504 = arith.constant 0 : i32
    %dma_start3A_1505 = tpu.memref_slice %arg10[%dma_start3A_1503, %dma_start3A_1504] : memref<128x128xf32, #tpu.memory_space<vmem>> -> memref<1x128xf32, #tpu.memory_space<vmem>>
    %dma_start3A_1506 = arith.constant 0 : i32
    %dma_start3A_1507 = tpu.memref_slice %arg5[%add3A_1498, %add3A_1502, %dma_start3A_1506] : memref<4096x65x128xf32, #tpu.memory_space<hbm>> -> memref<1x1x128xf32, #tpu.memory_space<hbm>>
    %dma_start3A_1508 = tpu.memref_squeeze %dma_start3A_1507 : memref<1x1x128xf32, #tpu.memory_space<hbm>> -> memref<1x128xf32, #tpu.memory_space<hbm>>
    %dma_start3A_1509 = arith.constant 82 : i32
    %dma_start3A_1510 = arith.constant 0 : i32
    %dma_start3A_1511 = tpu.memref_slice %arg10[%dma_start3A_1509, %dma_start3A_1510] : memref<128x128xf32, #tpu.memory_space<vmem>> -> memref<1x128xf32, #tpu.memory_space<vmem>>
    %dma_start3A_1512 = arith.constant 0 : i32
    %dma_start3A_1513 = tpu.memref_slice %arg5[%add3A_1498, %add3A_1502, %dma_start3A_1512] : memref<4096x65x128xf32, #tpu.memory_space<hbm>> -> memref<1x1x128xf32, #tpu.memory_space<hbm>>
    %dma_start3A_1514 = tpu.memref_squeeze %dma_start3A_1513 : memref<1x1x128xf32, #tpu.memory_space<hbm>> -> memref<1x128xf32, #tpu.memory_space<hbm>>
    tpu.enqueue_dma source(%dma_start3A_1514 : memref<1x128xf32, #tpu.memory_space<hbm>>) target(%dma_start3A_1511 : memref<1x128xf32, #tpu.memory_space<vmem>>) target_semaphore(%arg24 : memref<!tpu.dma_semaphore, #tpu.memory_space<semaphore_mem>>)
    %add3A_1515 = arith.constant 83 : i32
    %add3A_1516 = arith.addi %mul3A_2, %add3A_1515 : i32
    %slice3A_1517 = vector.extract_strided_slice %get3A_1460 {offsets = [3], sizes = [1], strides = [1]} : vector<16xi32> to vector<1xi32>
    %squeeze3A_1518 = vector.extract %slice3A_1517[0] : i32 from vector<1xi32>
    %add3A_1519 = arith.constant 1 : i32
    %add3A_1520 = arith.addi %squeeze3A_1518, %add3A_1519 : i32
    %dma_start3A_1521 = arith.constant 83 : i32
    %dma_start3A_1522 = arith.constant 0 : i32
    %dma_start3A_1523 = tpu.memref_slice %arg10[%dma_start3A_1521, %dma_start3A_1522] : memref<128x128xf32, #tpu.memory_space<vmem>> -> memref<1x128xf32, #tpu.memory_space<vmem>>
    %dma_start3A_1524 = arith.constant 0 : i32
    %dma_start3A_1525 = tpu.memref_slice %arg5[%add3A_1516, %add3A_1520, %dma_start3A_1524] : memref<4096x65x128xf32, #tpu.memory_space<hbm>> -> memref<1x1x128xf32, #tpu.memory_space<hbm>>
    %dma_start3A_1526 = tpu.memref_squeeze %dma_start3A_1525 : memref<1x1x128xf32, #tpu.memory_space<hbm>> -> memref<1x128xf32, #tpu.memory_space<hbm>>
    %dma_start3A_1527 = arith.constant 83 : i32
    %dma_start3A_1528 = arith.constant 0 : i32
    %dma_start3A_1529 = tpu.memref_slice %arg10[%dma_start3A_1527, %dma_start3A_1528] : memref<128x128xf32, #tpu.memory_space<vmem>> -> memref<1x128xf32, #tpu.memory_space<vmem>>
    %dma_start3A_1530 = arith.constant 0 : i32
    %dma_start3A_1531 = tpu.memref_slice %arg5[%add3A_1516, %add3A_1520, %dma_start3A_1530] : memref<4096x65x128xf32, #tpu.memory_space<hbm>> -> memref<1x1x128xf32, #tpu.memory_space<hbm>>
    %dma_start3A_1532 = tpu.memref_squeeze %dma_start3A_1531 : memref<1x1x128xf32, #tpu.memory_space<hbm>> -> memref<1x128xf32, #tpu.memory_space<hbm>>
    tpu.enqueue_dma source(%dma_start3A_1532 : memref<1x128xf32, #tpu.memory_space<hbm>>) target(%dma_start3A_1529 : memref<1x128xf32, #tpu.memory_space<vmem>>) target_semaphore(%arg24 : memref<!tpu.dma_semaphore, #tpu.memory_space<semaphore_mem>>)
    %add3A_1533 = arith.constant 84 : i32
    %add3A_1534 = arith.addi %mul3A_2, %add3A_1533 : i32
    %slice3A_1535 = vector.extract_strided_slice %get3A_1460 {offsets = [4], sizes = [1], strides = [1]} : vector<16xi32> to vector<1xi32>
    %squeeze3A_1536 = vector.extract %slice3A_1535[0] : i32 from vector<1xi32>
    %add3A_1537 = arith.constant 1 : i32
    %add3A_1538 = arith.addi %squeeze3A_1536, %add3A_1537 : i32
    %dma_start3A_1539 = arith.constant 84 : i32
    %dma_start3A_1540 = arith.constant 0 : i32
    %dma_start3A_1541 = tpu.memref_slice %arg10[%dma_start3A_1539, %dma_start3A_1540] : memref<128x128xf32, #tpu.memory_space<vmem>> -> memref<1x128xf32, #tpu.memory_space<vmem>>
    %dma_start3A_1542 = arith.constant 0 : i32
    %dma_start3A_1543 = tpu.memref_slice %arg5[%add3A_1534, %add3A_1538, %dma_start3A_1542] : memref<4096x65x128xf32, #tpu.memory_space<hbm>> -> memref<1x1x128xf32, #tpu.memory_space<hbm>>
    %dma_start3A_1544 = tpu.memref_squeeze %dma_start3A_1543 : memref<1x1x128xf32, #tpu.memory_space<hbm>> -> memref<1x128xf32, #tpu.memory_space<hbm>>
    %dma_start3A_1545 = arith.constant 84 : i32
    %dma_start3A_1546 = arith.constant 0 : i32
    %dma_start3A_1547 = tpu.memref_slice %arg10[%dma_start3A_1545, %dma_start3A_1546] : memref<128x128xf32, #tpu.memory_space<vmem>> -> memref<1x128xf32, #tpu.memory_space<vmem>>
    %dma_start3A_1548 = arith.constant 0 : i32
    %dma_start3A_1549 = tpu.memref_slice %arg5[%add3A_1534, %add3A_1538, %dma_start3A_1548] : memref<4096x65x128xf32, #tpu.memory_space<hbm>> -> memref<1x1x128xf32, #tpu.memory_space<hbm>>
    %dma_start3A_1550 = tpu.memref_squeeze %dma_start3A_1549 : memref<1x1x128xf32, #tpu.memory_space<hbm>> -> memref<1x128xf32, #tpu.memory_space<hbm>>
    tpu.enqueue_dma source(%dma_start3A_1550 : memref<1x128xf32, #tpu.memory_space<hbm>>) target(%dma_start3A_1547 : memref<1x128xf32, #tpu.memory_space<vmem>>) target_semaphore(%arg24 : memref<!tpu.dma_semaphore, #tpu.memory_space<semaphore_mem>>)
    %add3A_1551 = arith.constant 85 : i32
    %add3A_1552 = arith.addi %mul3A_2, %add3A_1551 : i32
    %slice3A_1553 = vector.extract_strided_slice %get3A_1460 {offsets = [5], sizes = [1], strides = [1]} : vector<16xi32> to vector<1xi32>
    %squeeze3A_1554 = vector.extract %slice3A_1553[0] : i32 from vector<1xi32>
    %add3A_1555 = arith.constant 1 : i32
    %add3A_1556 = arith.addi %squeeze3A_1554, %add3A_1555 : i32
    %dma_start3A_1557 = arith.constant 85 : i32
    %dma_start3A_1558 = arith.constant 0 : i32
    %dma_start3A_1559 = tpu.memref_slice %arg10[%dma_start3A_1557, %dma_start3A_1558] : memref<128x128xf32, #tpu.memory_space<vmem>> -> memref<1x128xf32, #tpu.memory_space<vmem>>
    %dma_start3A_1560 = arith.constant 0 : i32
    %dma_start3A_1561 = tpu.memref_slice %arg5[%add3A_1552, %add3A_1556, %dma_start3A_1560] : memref<4096x65x128xf32, #tpu.memory_space<hbm>> -> memref<1x1x128xf32, #tpu.memory_space<hbm>>
    %dma_start3A_1562 = tpu.memref_squeeze %dma_start3A_1561 : memref<1x1x128xf32, #tpu.memory_space<hbm>> -> memref<1x128xf32, #tpu.memory_space<hbm>>
    %dma_start3A_1563 = arith.constant 85 : i32
    %dma_start3A_1564 = arith.constant 0 : i32
    %dma_start3A_1565 = tpu.memref_slice %arg10[%dma_start3A_1563, %dma_start3A_1564] : memref<128x128xf32, #tpu.memory_space<vmem>> -> memref<1x128xf32, #tpu.memory_space<vmem>>
    %dma_start3A_1566 = arith.constant 0 : i32
    %dma_start3A_1567 = tpu.memref_slice %arg5[%add3A_1552, %add3A_1556, %dma_start3A_1566] : memref<4096x65x128xf32, #tpu.memory_space<hbm>> -> memref<1x1x128xf32, #tpu.memory_space<hbm>>
    %dma_start3A_1568 = tpu.memref_squeeze %dma_start3A_1567 : memref<1x1x128xf32, #tpu.memory_space<hbm>> -> memref<1x128xf32, #tpu.memory_space<hbm>>
    tpu.enqueue_dma source(%dma_start3A_1568 : memref<1x128xf32, #tpu.memory_space<hbm>>) target(%dma_start3A_1565 : memref<1x128xf32, #tpu.memory_space<vmem>>) target_semaphore(%arg24 : memref<!tpu.dma_semaphore, #tpu.memory_space<semaphore_mem>>)
    %add3A_1569 = arith.constant 86 : i32
    %add3A_1570 = arith.addi %mul3A_2, %add3A_1569 : i32
    %slice3A_1571 = vector.extract_strided_slice %get3A_1460 {offsets = [6], sizes = [1], strides = [1]} : vector<16xi32> to vector<1xi32>
    %squeeze3A_1572 = vector.extract %slice3A_1571[0] : i32 from vector<1xi32>
    %add3A_1573 = arith.constant 1 : i32
    %add3A_1574 = arith.addi %squeeze3A_1572, %add3A_1573 : i32
    %dma_start3A_1575 = arith.constant 86 : i32
    %dma_start3A_1576 = arith.constant 0 : i32
    %dma_start3A_1577 = tpu.memref_slice %arg10[%dma_start3A_1575, %dma_start3A_1576] : memref<128x128xf32, #tpu.memory_space<vmem>> -> memref<1x128xf32, #tpu.memory_space<vmem>>
    %dma_start3A_1578 = arith.constant 0 : i32
    %dma_start3A_1579 = tpu.memref_slice %arg5[%add3A_1570, %add3A_1574, %dma_start3A_1578] : memref<4096x65x128xf32, #tpu.memory_space<hbm>> -> memref<1x1x128xf32, #tpu.memory_space<hbm>>
    %dma_start3A_1580 = tpu.memref_squeeze %dma_start3A_1579 : memref<1x1x128xf32, #tpu.memory_space<hbm>> -> memref<1x128xf32, #tpu.memory_space<hbm>>
    %dma_start3A_1581 = arith.constant 86 : i32
    %dma_start3A_1582 = arith.constant 0 : i32
    %dma_start3A_1583 = tpu.memref_slice %arg10[%dma_start3A_1581, %dma_start3A_1582] : memref<128x128xf32, #tpu.memory_space<vmem>> -> memref<1x128xf32, #tpu.memory_space<vmem>>
    %dma_start3A_1584 = arith.constant 0 : i32
    %dma_start3A_1585 = tpu.memref_slice %arg5[%add3A_1570, %add3A_1574, %dma_start3A_1584] : memref<4096x65x128xf32, #tpu.memory_space<hbm>> -> memref<1x1x128xf32, #tpu.memory_space<hbm>>
    %dma_start3A_1586 = tpu.memref_squeeze %dma_start3A_1585 : memref<1x1x128xf32, #tpu.memory_space<hbm>> -> memref<1x128xf32, #tpu.memory_space<hbm>>
    tpu.enqueue_dma source(%dma_start3A_1586 : memref<1x128xf32, #tpu.memory_space<hbm>>) target(%dma_start3A_1583 : memref<1x128xf32, #tpu.memory_space<vmem>>) target_semaphore(%arg24 : memref<!tpu.dma_semaphore, #tpu.memory_space<semaphore_mem>>)
    %add3A_1587 = arith.constant 87 : i32
    %add3A_1588 = arith.addi %mul3A_2, %add3A_1587 : i32
    %slice3A_1589 = vector.extract_strided_slice %get3A_1460 {offsets = [7], sizes = [1], strides = [1]} : vector<16xi32> to vector<1xi32>
    %squeeze3A_1590 = vector.extract %slice3A_1589[0] : i32 from vector<1xi32>
    %add3A_1591 = arith.constant 1 : i32
    %add3A_1592 = arith.addi %squeeze3A_1590, %add3A_1591 : i32
    %dma_start3A_1593 = arith.constant 87 : i32
    %dma_start3A_1594 = arith.constant 0 : i32
    %dma_start3A_1595 = tpu.memref_slice %arg10[%dma_start3A_1593, %dma_start3A_1594] : memref<128x128xf32, #tpu.memory_space<vmem>> -> memref<1x128xf32, #tpu.memory_space<vmem>>
    %dma_start3A_1596 = arith.constant 0 : i32
    %dma_start3A_1597 = tpu.memref_slice %arg5[%add3A_1588, %add3A_1592, %dma_start3A_1596] : memref<4096x65x128xf32, #tpu.memory_space<hbm>> -> memref<1x1x128xf32, #tpu.memory_space<hbm>>
    %dma_start3A_1598 = tpu.memref_squeeze %dma_start3A_1597 : memref<1x1x128xf32, #tpu.memory_space<hbm>> -> memref<1x128xf32, #tpu.memory_space<hbm>>
    %dma_start3A_1599 = arith.constant 87 : i32
    %dma_start3A_1600 = arith.constant 0 : i32
    %dma_start3A_1601 = tpu.memref_slice %arg10[%dma_start3A_1599, %dma_start3A_1600] : memref<128x128xf32, #tpu.memory_space<vmem>> -> memref<1x128xf32, #tpu.memory_space<vmem>>
    %dma_start3A_1602 = arith.constant 0 : i32
    %dma_start3A_1603 = tpu.memref_slice %arg5[%add3A_1588, %add3A_1592, %dma_start3A_1602] : memref<4096x65x128xf32, #tpu.memory_space<hbm>> -> memref<1x1x128xf32, #tpu.memory_space<hbm>>
    %dma_start3A_1604 = tpu.memref_squeeze %dma_start3A_1603 : memref<1x1x128xf32, #tpu.memory_space<hbm>> -> memref<1x128xf32, #tpu.memory_space<hbm>>
    tpu.enqueue_dma source(%dma_start3A_1604 : memref<1x128xf32, #tpu.memory_space<hbm>>) target(%dma_start3A_1601 : memref<1x128xf32, #tpu.memory_space<vmem>>) target_semaphore(%arg24 : memref<!tpu.dma_semaphore, #tpu.memory_space<semaphore_mem>>)
    %add3A_1605 = arith.constant 88 : i32
    %add3A_1606 = arith.addi %mul3A_2, %add3A_1605 : i32
    %slice3A_1607 = vector.extract_strided_slice %get3A_1460 {offsets = [8], sizes = [1], strides = [1]} : vector<16xi32> to vector<1xi32>
    %squeeze3A_1608 = vector.extract %slice3A_1607[0] : i32 from vector<1xi32>
    %add3A_1609 = arith.constant 1 : i32
    %add3A_1610 = arith.addi %squeeze3A_1608, %add3A_1609 : i32
    %dma_start3A_1611 = arith.constant 88 : i32
    %dma_start3A_1612 = arith.constant 0 : i32
    %dma_start3A_1613 = tpu.memref_slice %arg10[%dma_start3A_1611, %dma_start3A_1612] : memref<128x128xf32, #tpu.memory_space<vmem>> -> memref<1x128xf32, #tpu.memory_space<vmem>>
    %dma_start3A_1614 = arith.constant 0 : i32
    %dma_start3A_1615 = tpu.memref_slice %arg5[%add3A_1606, %add3A_1610, %dma_start3A_1614] : memref<4096x65x128xf32, #tpu.memory_space<hbm>> -> memref<1x1x128xf32, #tpu.memory_space<hbm>>
    %dma_start3A_1616 = tpu.memref_squeeze %dma_start3A_1615 : memref<1x1x128xf32, #tpu.memory_space<hbm>> -> memref<1x128xf32, #tpu.memory_space<hbm>>
    %dma_start3A_1617 = arith.constant 88 : i32
    %dma_start3A_1618 = arith.constant 0 : i32
    %dma_start3A_1619 = tpu.memref_slice %arg10[%dma_start3A_1617, %dma_start3A_1618] : memref<128x128xf32, #tpu.memory_space<vmem>> -> memref<1x128xf32, #tpu.memory_space<vmem>>
    %dma_start3A_1620 = arith.constant 0 : i32
    %dma_start3A_1621 = tpu.memref_slice %arg5[%add3A_1606, %add3A_1610, %dma_start3A_1620] : memref<4096x65x128xf32, #tpu.memory_space<hbm>> -> memref<1x1x128xf32, #tpu.memory_space<hbm>>
    %dma_start3A_1622 = tpu.memref_squeeze %dma_start3A_1621 : memref<1x1x128xf32, #tpu.memory_space<hbm>> -> memref<1x128xf32, #tpu.memory_space<hbm>>
    tpu.enqueue_dma source(%dma_start3A_1622 : memref<1x128xf32, #tpu.memory_space<hbm>>) target(%dma_start3A_1619 : memref<1x128xf32, #tpu.memory_space<vmem>>) target_semaphore(%arg24 : memref<!tpu.dma_semaphore, #tpu.memory_space<semaphore_mem>>)
    %add3A_1623 = arith.constant 89 : i32
    %add3A_1624 = arith.addi %mul3A_2, %add3A_1623 : i32
    %slice3A_1625 = vector.extract_strided_slice %get3A_1460 {offsets = [9], sizes = [1], strides = [1]} : vector<16xi32> to vector<1xi32>
    %squeeze3A_1626 = vector.extract %slice3A_1625[0] : i32 from vector<1xi32>
    %add3A_1627 = arith.constant 1 : i32
    %add3A_1628 = arith.addi %squeeze3A_1626, %add3A_1627 : i32
    %dma_start3A_1629 = arith.constant 89 : i32
    %dma_start3A_1630 = arith.constant 0 : i32
    %dma_start3A_1631 = tpu.memref_slice %arg10[%dma_start3A_1629, %dma_start3A_1630] : memref<128x128xf32, #tpu.memory_space<vmem>> -> memref<1x128xf32, #tpu.memory_space<vmem>>
    %dma_start3A_1632 = arith.constant 0 : i32
    %dma_start3A_1633 = tpu.memref_slice %arg5[%add3A_1624, %add3A_1628, %dma_start3A_1632] : memref<4096x65x128xf32, #tpu.memory_space<hbm>> -> memref<1x1x128xf32, #tpu.memory_space<hbm>>
    %dma_start3A_1634 = tpu.memref_squeeze %dma_start3A_1633 : memref<1x1x128xf32, #tpu.memory_space<hbm>> -> memref<1x128xf32, #tpu.memory_space<hbm>>
    %dma_start3A_1635 = arith.constant 89 : i32
    %dma_start3A_1636 = arith.constant 0 : i32
    %dma_start3A_1637 = tpu.memref_slice %arg10[%dma_start3A_1635, %dma_start3A_1636] : memref<128x128xf32, #tpu.memory_space<vmem>> -> memref<1x128xf32, #tpu.memory_space<vmem>>
    %dma_start3A_1638 = arith.constant 0 : i32
    %dma_start3A_1639 = tpu.memref_slice %arg5[%add3A_1624, %add3A_1628, %dma_start3A_1638] : memref<4096x65x128xf32, #tpu.memory_space<hbm>> -> memref<1x1x128xf32, #tpu.memory_space<hbm>>
    %dma_start3A_1640 = tpu.memref_squeeze %dma_start3A_1639 : memref<1x1x128xf32, #tpu.memory_space<hbm>> -> memref<1x128xf32, #tpu.memory_space<hbm>>
    tpu.enqueue_dma source(%dma_start3A_1640 : memref<1x128xf32, #tpu.memory_space<hbm>>) target(%dma_start3A_1637 : memref<1x128xf32, #tpu.memory_space<vmem>>) target_semaphore(%arg24 : memref<!tpu.dma_semaphore, #tpu.memory_space<semaphore_mem>>)
    %add3A_1641 = arith.constant 90 : i32
    %add3A_1642 = arith.addi %mul3A_2, %add3A_1641 : i32
    %slice3A_1643 = vector.extract_strided_slice %get3A_1460 {offsets = [10], sizes = [1], strides = [1]} : vector<16xi32> to vector<1xi32>
    %squeeze3A_1644 = vector.extract %slice3A_1643[0] : i32 from vector<1xi32>
    %add3A_1645 = arith.constant 1 : i32
    %add3A_1646 = arith.addi %squeeze3A_1644, %add3A_1645 : i32
    %dma_start3A_1647 = arith.constant 90 : i32
    %dma_start3A_1648 = arith.constant 0 : i32
    %dma_start3A_1649 = tpu.memref_slice %arg10[%dma_start3A_1647, %dma_start3A_1648] : memref<128x128xf32, #tpu.memory_space<vmem>> -> memref<1x128xf32, #tpu.memory_space<vmem>>
    %dma_start3A_1650 = arith.constant 0 : i32
    %dma_start3A_1651 = tpu.memref_slice %arg5[%add3A_1642, %add3A_1646, %dma_start3A_1650] : memref<4096x65x128xf32, #tpu.memory_space<hbm>> -> memref<1x1x128xf32, #tpu.memory_space<hbm>>
    %dma_start3A_1652 = tpu.memref_squeeze %dma_start3A_1651 : memref<1x1x128xf32, #tpu.memory_space<hbm>> -> memref<1x128xf32, #tpu.memory_space<hbm>>
    %dma_start3A_1653 = arith.constant 90 : i32
    %dma_start3A_1654 = arith.constant 0 : i32
    %dma_start3A_1655 = tpu.memref_slice %arg10[%dma_start3A_1653, %dma_start3A_1654] : memref<128x128xf32, #tpu.memory_space<vmem>> -> memref<1x128xf32, #tpu.memory_space<vmem>>
    %dma_start3A_1656 = arith.constant 0 : i32
    %dma_start3A_1657 = tpu.memref_slice %arg5[%add3A_1642, %add3A_1646, %dma_start3A_1656] : memref<4096x65x128xf32, #tpu.memory_space<hbm>> -> memref<1x1x128xf32, #tpu.memory_space<hbm>>
    %dma_start3A_1658 = tpu.memref_squeeze %dma_start3A_1657 : memref<1x1x128xf32, #tpu.memory_space<hbm>> -> memref<1x128xf32, #tpu.memory_space<hbm>>
    tpu.enqueue_dma source(%dma_start3A_1658 : memref<1x128xf32, #tpu.memory_space<hbm>>) target(%dma_start3A_1655 : memref<1x128xf32, #tpu.memory_space<vmem>>) target_semaphore(%arg24 : memref<!tpu.dma_semaphore, #tpu.memory_space<semaphore_mem>>)
    %add3A_1659 = arith.constant 91 : i32
    %add3A_1660 = arith.addi %mul3A_2, %add3A_1659 : i32
    %slice3A_1661 = vector.extract_strided_slice %get3A_1460 {offsets = [11], sizes = [1], strides = [1]} : vector<16xi32> to vector<1xi32>
    %squeeze3A_1662 = vector.extract %slice3A_1661[0] : i32 from vector<1xi32>
    %add3A_1663 = arith.constant 1 : i32
    %add3A_1664 = arith.addi %squeeze3A_1662, %add3A_1663 : i32
    %dma_start3A_1665 = arith.constant 91 : i32
    %dma_start3A_1666 = arith.constant 0 : i32
    %dma_start3A_1667 = tpu.memref_slice %arg10[%dma_start3A_1665, %dma_start3A_1666] : memref<128x128xf32, #tpu.memory_space<vmem>> -> memref<1x128xf32, #tpu.memory_space<vmem>>
    %dma_start3A_1668 = arith.constant 0 : i32
    %dma_start3A_1669 = tpu.memref_slice %arg5[%add3A_1660, %add3A_1664, %dma_start3A_1668] : memref<4096x65x128xf32, #tpu.memory_space<hbm>> -> memref<1x1x128xf32, #tpu.memory_space<hbm>>
    %dma_start3A_1670 = tpu.memref_squeeze %dma_start3A_1669 : memref<1x1x128xf32, #tpu.memory_space<hbm>> -> memref<1x128xf32, #tpu.memory_space<hbm>>
    %dma_start3A_1671 = arith.constant 91 : i32
    %dma_start3A_1672 = arith.constant 0 : i32
    %dma_start3A_1673 = tpu.memref_slice %arg10[%dma_start3A_1671, %dma_start3A_1672] : memref<128x128xf32, #tpu.memory_space<vmem>> -> memref<1x128xf32, #tpu.memory_space<vmem>>
    %dma_start3A_1674 = arith.constant 0 : i32
    %dma_start3A_1675 = tpu.memref_slice %arg5[%add3A_1660, %add3A_1664, %dma_start3A_1674] : memref<4096x65x128xf32, #tpu.memory_space<hbm>> -> memref<1x1x128xf32, #tpu.memory_space<hbm>>
    %dma_start3A_1676 = tpu.memref_squeeze %dma_start3A_1675 : memref<1x1x128xf32, #tpu.memory_space<hbm>> -> memref<1x128xf32, #tpu.memory_space<hbm>>
    tpu.enqueue_dma source(%dma_start3A_1676 : memref<1x128xf32, #tpu.memory_space<hbm>>) target(%dma_start3A_1673 : memref<1x128xf32, #tpu.memory_space<vmem>>) target_semaphore(%arg24 : memref<!tpu.dma_semaphore, #tpu.memory_space<semaphore_mem>>)
    %add3A_1677 = arith.constant 92 : i32
    %add3A_1678 = arith.addi %mul3A_2, %add3A_1677 : i32
    %slice3A_1679 = vector.extract_strided_slice %get3A_1460 {offsets = [12], sizes = [1], strides = [1]} : vector<16xi32> to vector<1xi32>
    %squeeze3A_1680 = vector.extract %slice3A_1679[0] : i32 from vector<1xi32>
    %add3A_1681 = arith.constant 1 : i32
    %add3A_1682 = arith.addi %squeeze3A_1680, %add3A_1681 : i32
    %dma_start3A_1683 = arith.constant 92 : i32
    %dma_start3A_1684 = arith.constant 0 : i32
    %dma_start3A_1685 = tpu.memref_slice %arg10[%dma_start3A_1683, %dma_start3A_1684] : memref<128x128xf32, #tpu.memory_space<vmem>> -> memref<1x128xf32, #tpu.memory_space<vmem>>
    %dma_start3A_1686 = arith.constant 0 : i32
    %dma_start3A_1687 = tpu.memref_slice %arg5[%add3A_1678, %add3A_1682, %dma_start3A_1686] : memref<4096x65x128xf32, #tpu.memory_space<hbm>> -> memref<1x1x128xf32, #tpu.memory_space<hbm>>
    %dma_start3A_1688 = tpu.memref_squeeze %dma_start3A_1687 : memref<1x1x128xf32, #tpu.memory_space<hbm>> -> memref<1x128xf32, #tpu.memory_space<hbm>>
    %dma_start3A_1689 = arith.constant 92 : i32
    %dma_start3A_1690 = arith.constant 0 : i32
    %dma_start3A_1691 = tpu.memref_slice %arg10[%dma_start3A_1689, %dma_start3A_1690] : memref<128x128xf32, #tpu.memory_space<vmem>> -> memref<1x128xf32, #tpu.memory_space<vmem>>
    %dma_start3A_1692 = arith.constant 0 : i32
    %dma_start3A_1693 = tpu.memref_slice %arg5[%add3A_1678, %add3A_1682, %dma_start3A_1692] : memref<4096x65x128xf32, #tpu.memory_space<hbm>> -> memref<1x1x128xf32, #tpu.memory_space<hbm>>
    %dma_start3A_1694 = tpu.memref_squeeze %dma_start3A_1693 : memref<1x1x128xf32, #tpu.memory_space<hbm>> -> memref<1x128xf32, #tpu.memory_space<hbm>>
    tpu.enqueue_dma source(%dma_start3A_1694 : memref<1x128xf32, #tpu.memory_space<hbm>>) target(%dma_start3A_1691 : memref<1x128xf32, #tpu.memory_space<vmem>>) target_semaphore(%arg24 : memref<!tpu.dma_semaphore, #tpu.memory_space<semaphore_mem>>)
    %add3A_1695 = arith.constant 93 : i32
    %add3A_1696 = arith.addi %mul3A_2, %add3A_1695 : i32
    %slice3A_1697 = vector.extract_strided_slice %get3A_1460 {offsets = [13], sizes = [1], strides = [1]} : vector<16xi32> to vector<1xi32>
    %squeeze3A_1698 = vector.extract %slice3A_1697[0] : i32 from vector<1xi32>
    %add3A_1699 = arith.constant 1 : i32
    %add3A_1700 = arith.addi %squeeze3A_1698, %add3A_1699 : i32
    %dma_start3A_1701 = arith.constant 93 : i32
    %dma_start3A_1702 = arith.constant 0 : i32
    %dma_start3A_1703 = tpu.memref_slice %arg10[%dma_start3A_1701, %dma_start3A_1702] : memref<128x128xf32, #tpu.memory_space<vmem>> -> memref<1x128xf32, #tpu.memory_space<vmem>>
    %dma_start3A_1704 = arith.constant 0 : i32
    %dma_start3A_1705 = tpu.memref_slice %arg5[%add3A_1696, %add3A_1700, %dma_start3A_1704] : memref<4096x65x128xf32, #tpu.memory_space<hbm>> -> memref<1x1x128xf32, #tpu.memory_space<hbm>>
    %dma_start3A_1706 = tpu.memref_squeeze %dma_start3A_1705 : memref<1x1x128xf32, #tpu.memory_space<hbm>> -> memref<1x128xf32, #tpu.memory_space<hbm>>
    %dma_start3A_1707 = arith.constant 93 : i32
    %dma_start3A_1708 = arith.constant 0 : i32
    %dma_start3A_1709 = tpu.memref_slice %arg10[%dma_start3A_1707, %dma_start3A_1708] : memref<128x128xf32, #tpu.memory_space<vmem>> -> memref<1x128xf32, #tpu.memory_space<vmem>>
    %dma_start3A_1710 = arith.constant 0 : i32
    %dma_start3A_1711 = tpu.memref_slice %arg5[%add3A_1696, %add3A_1700, %dma_start3A_1710] : memref<4096x65x128xf32, #tpu.memory_space<hbm>> -> memref<1x1x128xf32, #tpu.memory_space<hbm>>
    %dma_start3A_1712 = tpu.memref_squeeze %dma_start3A_1711 : memref<1x1x128xf32, #tpu.memory_space<hbm>> -> memref<1x128xf32, #tpu.memory_space<hbm>>
    tpu.enqueue_dma source(%dma_start3A_1712 : memref<1x128xf32, #tpu.memory_space<hbm>>) target(%dma_start3A_1709 : memref<1x128xf32, #tpu.memory_space<vmem>>) target_semaphore(%arg24 : memref<!tpu.dma_semaphore, #tpu.memory_space<semaphore_mem>>)
    %add3A_1713 = arith.constant 94 : i32
    %add3A_1714 = arith.addi %mul3A_2, %add3A_1713 : i32
    %slice3A_1715 = vector.extract_strided_slice %get3A_1460 {offsets = [14], sizes = [1], strides = [1]} : vector<16xi32> to vector<1xi32>
    %squeeze3A_1716 = vector.extract %slice3A_1715[0] : i32 from vector<1xi32>
    %add3A_1717 = arith.constant 1 : i32
    %add3A_1718 = arith.addi %squeeze3A_1716, %add3A_1717 : i32
    %dma_start3A_1719 = arith.constant 94 : i32
    %dma_start3A_1720 = arith.constant 0 : i32
    %dma_start3A_1721 = tpu.memref_slice %arg10[%dma_start3A_1719, %dma_start3A_1720] : memref<128x128xf32, #tpu.memory_space<vmem>> -> memref<1x128xf32, #tpu.memory_space<vmem>>
    %dma_start3A_1722 = arith.constant 0 : i32
    %dma_start3A_1723 = tpu.memref_slice %arg5[%add3A_1714, %add3A_1718, %dma_start3A_1722] : memref<4096x65x128xf32, #tpu.memory_space<hbm>> -> memref<1x1x128xf32, #tpu.memory_space<hbm>>
    %dma_start3A_1724 = tpu.memref_squeeze %dma_start3A_1723 : memref<1x1x128xf32, #tpu.memory_space<hbm>> -> memref<1x128xf32, #tpu.memory_space<hbm>>
    %dma_start3A_1725 = arith.constant 94 : i32
    %dma_start3A_1726 = arith.constant 0 : i32
    %dma_start3A_1727 = tpu.memref_slice %arg10[%dma_start3A_1725, %dma_start3A_1726] : memref<128x128xf32, #tpu.memory_space<vmem>> -> memref<1x128xf32, #tpu.memory_space<vmem>>
    %dma_start3A_1728 = arith.constant 0 : i32
    %dma_start3A_1729 = tpu.memref_slice %arg5[%add3A_1714, %add3A_1718, %dma_start3A_1728] : memref<4096x65x128xf32, #tpu.memory_space<hbm>> -> memref<1x1x128xf32, #tpu.memory_space<hbm>>
    %dma_start3A_1730 = tpu.memref_squeeze %dma_start3A_1729 : memref<1x1x128xf32, #tpu.memory_space<hbm>> -> memref<1x128xf32, #tpu.memory_space<hbm>>
    tpu.enqueue_dma source(%dma_start3A_1730 : memref<1x128xf32, #tpu.memory_space<hbm>>) target(%dma_start3A_1727 : memref<1x128xf32, #tpu.memory_space<vmem>>) target_semaphore(%arg24 : memref<!tpu.dma_semaphore, #tpu.memory_space<semaphore_mem>>)
    %add3A_1731 = arith.constant 95 : i32
    %add3A_1732 = arith.addi %mul3A_2, %add3A_1731 : i32
    %slice3A_1733 = vector.extract_strided_slice %get3A_1460 {offsets = [15], sizes = [1], strides = [1]} : vector<16xi32> to vector<1xi32>
    %squeeze3A_1734 = vector.extract %slice3A_1733[0] : i32 from vector<1xi32>
    %add3A_1735 = arith.constant 1 : i32
    %add3A_1736 = arith.addi %squeeze3A_1734, %add3A_1735 : i32
    %dma_start3A_1737 = arith.constant 95 : i32
    %dma_start3A_1738 = arith.constant 0 : i32
    %dma_start3A_1739 = tpu.memref_slice %arg10[%dma_start3A_1737, %dma_start3A_1738] : memref<128x128xf32, #tpu.memory_space<vmem>> -> memref<1x128xf32, #tpu.memory_space<vmem>>
    %dma_start3A_1740 = arith.constant 0 : i32
    %dma_start3A_1741 = tpu.memref_slice %arg5[%add3A_1732, %add3A_1736, %dma_start3A_1740] : memref<4096x65x128xf32, #tpu.memory_space<hbm>> -> memref<1x1x128xf32, #tpu.memory_space<hbm>>
    %dma_start3A_1742 = tpu.memref_squeeze %dma_start3A_1741 : memref<1x1x128xf32, #tpu.memory_space<hbm>> -> memref<1x128xf32, #tpu.memory_space<hbm>>
    %dma_start3A_1743 = arith.constant 95 : i32
    %dma_start3A_1744 = arith.constant 0 : i32
    %dma_start3A_1745 = tpu.memref_slice %arg10[%dma_start3A_1743, %dma_start3A_1744] : memref<128x128xf32, #tpu.memory_space<vmem>> -> memref<1x128xf32, #tpu.memory_space<vmem>>
    %dma_start3A_1746 = arith.constant 0 : i32
    %dma_start3A_1747 = tpu.memref_slice %arg5[%add3A_1732, %add3A_1736, %dma_start3A_1746] : memref<4096x65x128xf32, #tpu.memory_space<hbm>> -> memref<1x1x128xf32, #tpu.memory_space<hbm>>
    %dma_start3A_1748 = tpu.memref_squeeze %dma_start3A_1747 : memref<1x1x128xf32, #tpu.memory_space<hbm>> -> memref<1x128xf32, #tpu.memory_space<hbm>>
    tpu.enqueue_dma source(%dma_start3A_1748 : memref<1x128xf32, #tpu.memory_space<hbm>>) target(%dma_start3A_1745 : memref<1x128xf32, #tpu.memory_space<vmem>>) target_semaphore(%arg24 : memref<!tpu.dma_semaphore, #tpu.memory_space<semaphore_mem>>)
    %get3A_1749 = arith.constant 96 : index
    %get3A_1750 = tpu.vector_load %arg8[%get3A_1749] {strides = array<i32>} : memref<128xi32, #tpu.memory_space<vmem>>, vector<16xi32>,
    %get3A_1751 = vector.shape_cast %get3A_1750 : vector<16xi32> to vector<16xi32>
    %add3A_1752 = arith.constant 96 : i32
    %add3A_1753 = arith.addi %mul3A_2, %add3A_1752 : i32
    %slice3A_1754 = vector.extract_strided_slice %get3A_1751 {offsets = [0], sizes = [1], strides = [1]} : vector<16xi32> to vector<1xi32>
    %squeeze3A_1755 = vector.extract %slice3A_1754[0] : i32 from vector<1xi32>
    %add3A_1756 = arith.constant 1 : i32
    %add3A_1757 = arith.addi %squeeze3A_1755, %add3A_1756 : i32
    %dma_start3A_1758 = arith.constant 96 : i32
    %dma_start3A_1759 = arith.constant 0 : i32
    %dma_start3A_1760 = tpu.memref_slice %arg10[%dma_start3A_1758, %dma_start3A_1759] : memref<128x128xf32, #tpu.memory_space<vmem>> -> memref<1x128xf32, #tpu.memory_space<vmem>>
    %dma_start3A_1761 = arith.constant 0 : i32
    %dma_start3A_1762 = tpu.memref_slice %arg5[%add3A_1753, %add3A_1757, %dma_start3A_1761] : memref<4096x65x128xf32, #tpu.memory_space<hbm>> -> memref<1x1x128xf32, #tpu.memory_space<hbm>>
    %dma_start3A_1763 = tpu.memref_squeeze %dma_start3A_1762 : memref<1x1x128xf32, #tpu.memory_space<hbm>> -> memref<1x128xf32, #tpu.memory_space<hbm>>
    %dma_start3A_1764 = arith.constant 96 : i32
    %dma_start3A_1765 = arith.constant 0 : i32
    %dma_start3A_1766 = tpu.memref_slice %arg10[%dma_start3A_1764, %dma_start3A_1765] : memref<128x128xf32, #tpu.memory_space<vmem>> -> memref<1x128xf32, #tpu.memory_space<vmem>>
    %dma_start3A_1767 = arith.constant 0 : i32
    %dma_start3A_1768 = tpu.memref_slice %arg5[%add3A_1753, %add3A_1757, %dma_start3A_1767] : memref<4096x65x128xf32, #tpu.memory_space<hbm>> -> memref<1x1x128xf32, #tpu.memory_space<hbm>>
    %dma_start3A_1769 = tpu.memref_squeeze %dma_start3A_1768 : memref<1x1x128xf32, #tpu.memory_space<hbm>> -> memref<1x128xf32, #tpu.memory_space<hbm>>
    tpu.enqueue_dma source(%dma_start3A_1769 : memref<1x128xf32, #tpu.memory_space<hbm>>) target(%dma_start3A_1766 : memref<1x128xf32, #tpu.memory_space<vmem>>) target_semaphore(%arg24 : memref<!tpu.dma_semaphore, #tpu.memory_space<semaphore_mem>>)
    %add3A_1770 = arith.constant 97 : i32
    %add3A_1771 = arith.addi %mul3A_2, %add3A_1770 : i32
    %slice3A_1772 = vector.extract_strided_slice %get3A_1751 {offsets = [1], sizes = [1], strides = [1]} : vector<16xi32> to vector<1xi32>
    %squeeze3A_1773 = vector.extract %slice3A_1772[0] : i32 from vector<1xi32>
    %add3A_1774 = arith.constant 1 : i32
    %add3A_1775 = arith.addi %squeeze3A_1773, %add3A_1774 : i32
    %dma_start3A_1776 = arith.constant 97 : i32
    %dma_start3A_1777 = arith.constant 0 : i32
    %dma_start3A_1778 = tpu.memref_slice %arg10[%dma_start3A_1776, %dma_start3A_1777] : memref<128x128xf32, #tpu.memory_space<vmem>> -> memref<1x128xf32, #tpu.memory_space<vmem>>
    %dma_start3A_1779 = arith.constant 0 : i32
    %dma_start3A_1780 = tpu.memref_slice %arg5[%add3A_1771, %add3A_1775, %dma_start3A_1779] : memref<4096x65x128xf32, #tpu.memory_space<hbm>> -> memref<1x1x128xf32, #tpu.memory_space<hbm>>
    %dma_start3A_1781 = tpu.memref_squeeze %dma_start3A_1780 : memref<1x1x128xf32, #tpu.memory_space<hbm>> -> memref<1x128xf32, #tpu.memory_space<hbm>>
    %dma_start3A_1782 = arith.constant 97 : i32
    %dma_start3A_1783 = arith.constant 0 : i32
    %dma_start3A_1784 = tpu.memref_slice %arg10[%dma_start3A_1782, %dma_start3A_1783] : memref<128x128xf32, #tpu.memory_space<vmem>> -> memref<1x128xf32, #tpu.memory_space<vmem>>
    %dma_start3A_1785 = arith.constant 0 : i32
    %dma_start3A_1786 = tpu.memref_slice %arg5[%add3A_1771, %add3A_1775, %dma_start3A_1785] : memref<4096x65x128xf32, #tpu.memory_space<hbm>> -> memref<1x1x128xf32, #tpu.memory_space<hbm>>
    %dma_start3A_1787 = tpu.memref_squeeze %dma_start3A_1786 : memref<1x1x128xf32, #tpu.memory_space<hbm>> -> memref<1x128xf32, #tpu.memory_space<hbm>>
    tpu.enqueue_dma source(%dma_start3A_1787 : memref<1x128xf32, #tpu.memory_space<hbm>>) target(%dma_start3A_1784 : memref<1x128xf32, #tpu.memory_space<vmem>>) target_semaphore(%arg24 : memref<!tpu.dma_semaphore, #tpu.memory_space<semaphore_mem>>)
    %add3A_1788 = arith.constant 98 : i32
    %add3A_1789 = arith.addi %mul3A_2, %add3A_1788 : i32
    %slice3A_1790 = vector.extract_strided_slice %get3A_1751 {offsets = [2], sizes = [1], strides = [1]} : vector<16xi32> to vector<1xi32>
    %squeeze3A_1791 = vector.extract %slice3A_1790[0] : i32 from vector<1xi32>
    %add3A_1792 = arith.constant 1 : i32
    %add3A_1793 = arith.addi %squeeze3A_1791, %add3A_1792 : i32
    %dma_start3A_1794 = arith.constant 98 : i32
    %dma_start3A_1795 = arith.constant 0 : i32
    %dma_start3A_1796 = tpu.memref_slice %arg10[%dma_start3A_1794, %dma_start3A_1795] : memref<128x128xf32, #tpu.memory_space<vmem>> -> memref<1x128xf32, #tpu.memory_space<vmem>>
    %dma_start3A_1797 = arith.constant 0 : i32
    %dma_start3A_1798 = tpu.memref_slice %arg5[%add3A_1789, %add3A_1793, %dma_start3A_1797] : memref<4096x65x128xf32, #tpu.memory_space<hbm>> -> memref<1x1x128xf32, #tpu.memory_space<hbm>>
    %dma_start3A_1799 = tpu.memref_squeeze %dma_start3A_1798 : memref<1x1x128xf32, #tpu.memory_space<hbm>> -> memref<1x128xf32, #tpu.memory_space<hbm>>
    %dma_start3A_1800 = arith.constant 98 : i32
    %dma_start3A_1801 = arith.constant 0 : i32
    %dma_start3A_1802 = tpu.memref_slice %arg10[%dma_start3A_1800, %dma_start3A_1801] : memref<128x128xf32, #tpu.memory_space<vmem>> -> memref<1x128xf32, #tpu.memory_space<vmem>>
    %dma_start3A_1803 = arith.constant 0 : i32
    %dma_start3A_1804 = tpu.memref_slice %arg5[%add3A_1789, %add3A_1793, %dma_start3A_1803] : memref<4096x65x128xf32, #tpu.memory_space<hbm>> -> memref<1x1x128xf32, #tpu.memory_space<hbm>>
    %dma_start3A_1805 = tpu.memref_squeeze %dma_start3A_1804 : memref<1x1x128xf32, #tpu.memory_space<hbm>> -> memref<1x128xf32, #tpu.memory_space<hbm>>
    tpu.enqueue_dma source(%dma_start3A_1805 : memref<1x128xf32, #tpu.memory_space<hbm>>) target(%dma_start3A_1802 : memref<1x128xf32, #tpu.memory_space<vmem>>) target_semaphore(%arg24 : memref<!tpu.dma_semaphore, #tpu.memory_space<semaphore_mem>>)
    %add3A_1806 = arith.constant 99 : i32
    %add3A_1807 = arith.addi %mul3A_2, %add3A_1806 : i32
    %slice3A_1808 = vector.extract_strided_slice %get3A_1751 {offsets = [3], sizes = [1], strides = [1]} : vector<16xi32> to vector<1xi32>
    %squeeze3A_1809 = vector.extract %slice3A_1808[0] : i32 from vector<1xi32>
    %add3A_1810 = arith.constant 1 : i32
    %add3A_1811 = arith.addi %squeeze3A_1809, %add3A_1810 : i32
    %dma_start3A_1812 = arith.constant 99 : i32
    %dma_start3A_1813 = arith.constant 0 : i32
    %dma_start3A_1814 = tpu.memref_slice %arg10[%dma_start3A_1812, %dma_start3A_1813] : memref<128x128xf32, #tpu.memory_space<vmem>> -> memref<1x128xf32, #tpu.memory_space<vmem>>
    %dma_start3A_1815 = arith.constant 0 : i32
    %dma_start3A_1816 = tpu.memref_slice %arg5[%add3A_1807, %add3A_1811, %dma_start3A_1815] : memref<4096x65x128xf32, #tpu.memory_space<hbm>> -> memref<1x1x128xf32, #tpu.memory_space<hbm>>
    %dma_start3A_1817 = tpu.memref_squeeze %dma_start3A_1816 : memref<1x1x128xf32, #tpu.memory_space<hbm>> -> memref<1x128xf32, #tpu.memory_space<hbm>>
    %dma_start3A_1818 = arith.constant 99 : i32
    %dma_start3A_1819 = arith.constant 0 : i32
    %dma_start3A_1820 = tpu.memref_slice %arg10[%dma_start3A_1818, %dma_start3A_1819] : memref<128x128xf32, #tpu.memory_space<vmem>> -> memref<1x128xf32, #tpu.memory_space<vmem>>
    %dma_start3A_1821 = arith.constant 0 : i32
    %dma_start3A_1822 = tpu.memref_slice %arg5[%add3A_1807, %add3A_1811, %dma_start3A_1821] : memref<4096x65x128xf32, #tpu.memory_space<hbm>> -> memref<1x1x128xf32, #tpu.memory_space<hbm>>
    %dma_start3A_1823 = tpu.memref_squeeze %dma_start3A_1822 : memref<1x1x128xf32, #tpu.memory_space<hbm>> -> memref<1x128xf32, #tpu.memory_space<hbm>>
    tpu.enqueue_dma source(%dma_start3A_1823 : memref<1x128xf32, #tpu.memory_space<hbm>>) target(%dma_start3A_1820 : memref<1x128xf32, #tpu.memory_space<vmem>>) target_semaphore(%arg24 : memref<!tpu.dma_semaphore, #tpu.memory_space<semaphore_mem>>)
    %add3A_1824 = arith.constant 100 : i32
    %add3A_1825 = arith.addi %mul3A_2, %add3A_1824 : i32
    %slice3A_1826 = vector.extract_strided_slice %get3A_1751 {offsets = [4], sizes = [1], strides = [1]} : vector<16xi32> to vector<1xi32>
    %squeeze3A_1827 = vector.extract %slice3A_1826[0] : i32 from vector<1xi32>
    %add3A_1828 = arith.constant 1 : i32
    %add3A_1829 = arith.addi %squeeze3A_1827, %add3A_1828 : i32
    %dma_start3A_1830 = arith.constant 100 : i32
    %dma_start3A_1831 = arith.constant 0 : i32
    %dma_start3A_1832 = tpu.memref_slice %arg10[%dma_start3A_1830, %dma_start3A_1831] : memref<128x128xf32, #tpu.memory_space<vmem>> -> memref<1x128xf32, #tpu.memory_space<vmem>>
    %dma_start3A_1833 = arith.constant 0 : i32
    %dma_start3A_1834 = tpu.memref_slice %arg5[%add3A_1825, %add3A_1829, %dma_start3A_1833] : memref<4096x65x128xf32, #tpu.memory_space<hbm>> -> memref<1x1x128xf32, #tpu.memory_space<hbm>>
    %dma_start3A_1835 = tpu.memref_squeeze %dma_start3A_1834 : memref<1x1x128xf32, #tpu.memory_space<hbm>> -> memref<1x128xf32, #tpu.memory_space<hbm>>
    %dma_start3A_1836 = arith.constant 100 : i32
    %dma_start3A_1837 = arith.constant 0 : i32
    %dma_start3A_1838 = tpu.memref_slice %arg10[%dma_start3A_1836, %dma_start3A_1837] : memref<128x128xf32, #tpu.memory_space<vmem>> -> memref<1x128xf32, #tpu.memory_space<vmem>>
    %dma_start3A_1839 = arith.constant 0 : i32
    %dma_start3A_1840 = tpu.memref_slice %arg5[%add3A_1825, %add3A_1829, %dma_start3A_1839] : memref<4096x65x128xf32, #tpu.memory_space<hbm>> -> memref<1x1x128xf32, #tpu.memory_space<hbm>>
    %dma_start3A_1841 = tpu.memref_squeeze %dma_start3A_1840 : memref<1x1x128xf32, #tpu.memory_space<hbm>> -> memref<1x128xf32, #tpu.memory_space<hbm>>
    tpu.enqueue_dma source(%dma_start3A_1841 : memref<1x128xf32, #tpu.memory_space<hbm>>) target(%dma_start3A_1838 : memref<1x128xf32, #tpu.memory_space<vmem>>) target_semaphore(%arg24 : memref<!tpu.dma_semaphore, #tpu.memory_space<semaphore_mem>>)
    %add3A_1842 = arith.constant 101 : i32
    %add3A_1843 = arith.addi %mul3A_2, %add3A_1842 : i32
    %slice3A_1844 = vector.extract_strided_slice %get3A_1751 {offsets = [5], sizes = [1], strides = [1]} : vector<16xi32> to vector<1xi32>
    %squeeze3A_1845 = vector.extract %slice3A_1844[0] : i32 from vector<1xi32>
    %add3A_1846 = arith.constant 1 : i32
    %add3A_1847 = arith.addi %squeeze3A_1845, %add3A_1846 : i32
    %dma_start3A_1848 = arith.constant 101 : i32
    %dma_start3A_1849 = arith.constant 0 : i32
    %dma_start3A_1850 = tpu.memref_slice %arg10[%dma_start3A_1848, %dma_start3A_1849] : memref<128x128xf32, #tpu.memory_space<vmem>> -> memref<1x128xf32, #tpu.memory_space<vmem>>
    %dma_start3A_1851 = arith.constant 0 : i32
    %dma_start3A_1852 = tpu.memref_slice %arg5[%add3A_1843, %add3A_1847, %dma_start3A_1851] : memref<4096x65x128xf32, #tpu.memory_space<hbm>> -> memref<1x1x128xf32, #tpu.memory_space<hbm>>
    %dma_start3A_1853 = tpu.memref_squeeze %dma_start3A_1852 : memref<1x1x128xf32, #tpu.memory_space<hbm>> -> memref<1x128xf32, #tpu.memory_space<hbm>>
    %dma_start3A_1854 = arith.constant 101 : i32
    %dma_start3A_1855 = arith.constant 0 : i32
    %dma_start3A_1856 = tpu.memref_slice %arg10[%dma_start3A_1854, %dma_start3A_1855] : memref<128x128xf32, #tpu.memory_space<vmem>> -> memref<1x128xf32, #tpu.memory_space<vmem>>
    %dma_start3A_1857 = arith.constant 0 : i32
    %dma_start3A_1858 = tpu.memref_slice %arg5[%add3A_1843, %add3A_1847, %dma_start3A_1857] : memref<4096x65x128xf32, #tpu.memory_space<hbm>> -> memref<1x1x128xf32, #tpu.memory_space<hbm>>
    %dma_start3A_1859 = tpu.memref_squeeze %dma_start3A_1858 : memref<1x1x128xf32, #tpu.memory_space<hbm>> -> memref<1x128xf32, #tpu.memory_space<hbm>>
    tpu.enqueue_dma source(%dma_start3A_1859 : memref<1x128xf32, #tpu.memory_space<hbm>>) target(%dma_start3A_1856 : memref<1x128xf32, #tpu.memory_space<vmem>>) target_semaphore(%arg24 : memref<!tpu.dma_semaphore, #tpu.memory_space<semaphore_mem>>)
    %add3A_1860 = arith.constant 102 : i32
    %add3A_1861 = arith.addi %mul3A_2, %add3A_1860 : i32
    %slice3A_1862 = vector.extract_strided_slice %get3A_1751 {offsets = [6], sizes = [1], strides = [1]} : vector<16xi32> to vector<1xi32>
    %squeeze3A_1863 = vector.extract %slice3A_1862[0] : i32 from vector<1xi32>
    %add3A_1864 = arith.constant 1 : i32
    %add3A_1865 = arith.addi %squeeze3A_1863, %add3A_1864 : i32
    %dma_start3A_1866 = arith.constant 102 : i32
    %dma_start3A_1867 = arith.constant 0 : i32
    %dma_start3A_1868 = tpu.memref_slice %arg10[%dma_start3A_1866, %dma_start3A_1867] : memref<128x128xf32, #tpu.memory_space<vmem>> -> memref<1x128xf32, #tpu.memory_space<vmem>>
    %dma_start3A_1869 = arith.constant 0 : i32
    %dma_start3A_1870 = tpu.memref_slice %arg5[%add3A_1861, %add3A_1865, %dma_start3A_1869] : memref<4096x65x128xf32, #tpu.memory_space<hbm>> -> memref<1x1x128xf32, #tpu.memory_space<hbm>>
    %dma_start3A_1871 = tpu.memref_squeeze %dma_start3A_1870 : memref<1x1x128xf32, #tpu.memory_space<hbm>> -> memref<1x128xf32, #tpu.memory_space<hbm>>
    %dma_start3A_1872 = arith.constant 102 : i32
    %dma_start3A_1873 = arith.constant 0 : i32
    %dma_start3A_1874 = tpu.memref_slice %arg10[%dma_start3A_1872, %dma_start3A_1873] : memref<128x128xf32, #tpu.memory_space<vmem>> -> memref<1x128xf32, #tpu.memory_space<vmem>>
    %dma_start3A_1875 = arith.constant 0 : i32
    %dma_start3A_1876 = tpu.memref_slice %arg5[%add3A_1861, %add3A_1865, %dma_start3A_1875] : memref<4096x65x128xf32, #tpu.memory_space<hbm>> -> memref<1x1x128xf32, #tpu.memory_space<hbm>>
    %dma_start3A_1877 = tpu.memref_squeeze %dma_start3A_1876 : memref<1x1x128xf32, #tpu.memory_space<hbm>> -> memref<1x128xf32, #tpu.memory_space<hbm>>
    tpu.enqueue_dma source(%dma_start3A_1877 : memref<1x128xf32, #tpu.memory_space<hbm>>) target(%dma_start3A_1874 : memref<1x128xf32, #tpu.memory_space<vmem>>) target_semaphore(%arg24 : memref<!tpu.dma_semaphore, #tpu.memory_space<semaphore_mem>>)
    %add3A_1878 = arith.constant 103 : i32
    %add3A_1879 = arith.addi %mul3A_2, %add3A_1878 : i32
    %slice3A_1880 = vector.extract_strided_slice %get3A_1751 {offsets = [7], sizes = [1], strides = [1]} : vector<16xi32> to vector<1xi32>
    %squeeze3A_1881 = vector.extract %slice3A_1880[0] : i32 from vector<1xi32>
    %add3A_1882 = arith.constant 1 : i32
    %add3A_1883 = arith.addi %squeeze3A_1881, %add3A_1882 : i32
    %dma_start3A_1884 = arith.constant 103 : i32
    %dma_start3A_1885 = arith.constant 0 : i32
    %dma_start3A_1886 = tpu.memref_slice %arg10[%dma_start3A_1884, %dma_start3A_1885] : memref<128x128xf32, #tpu.memory_space<vmem>> -> memref<1x128xf32, #tpu.memory_space<vmem>>
    %dma_start3A_1887 = arith.constant 0 : i32
    %dma_start3A_1888 = tpu.memref_slice %arg5[%add3A_1879, %add3A_1883, %dma_start3A_1887] : memref<4096x65x128xf32, #tpu.memory_space<hbm>> -> memref<1x1x128xf32, #tpu.memory_space<hbm>>
    %dma_start3A_1889 = tpu.memref_squeeze %dma_start3A_1888 : memref<1x1x128xf32, #tpu.memory_space<hbm>> -> memref<1x128xf32, #tpu.memory_space<hbm>>
    %dma_start3A_1890 = arith.constant 103 : i32
    %dma_start3A_1891 = arith.constant 0 : i32
    %dma_start3A_1892 = tpu.memref_slice %arg10[%dma_start3A_1890, %dma_start3A_1891] : memref<128x128xf32, #tpu.memory_space<vmem>> -> memref<1x128xf32, #tpu.memory_space<vmem>>
    %dma_start3A_1893 = arith.constant 0 : i32
    %dma_start3A_1894 = tpu.memref_slice %arg5[%add3A_1879, %add3A_1883, %dma_start3A_1893] : memref<4096x65x128xf32, #tpu.memory_space<hbm>> -> memref<1x1x128xf32, #tpu.memory_space<hbm>>
    %dma_start3A_1895 = tpu.memref_squeeze %dma_start3A_1894 : memref<1x1x128xf32, #tpu.memory_space<hbm>> -> memref<1x128xf32, #tpu.memory_space<hbm>>
    tpu.enqueue_dma source(%dma_start3A_1895 : memref<1x128xf32, #tpu.memory_space<hbm>>) target(%dma_start3A_1892 : memref<1x128xf32, #tpu.memory_space<vmem>>) target_semaphore(%arg24 : memref<!tpu.dma_semaphore, #tpu.memory_space<semaphore_mem>>)
    %add3A_1896 = arith.constant 104 : i32
    %add3A_1897 = arith.addi %mul3A_2, %add3A_1896 : i32
    %slice3A_1898 = vector.extract_strided_slice %get3A_1751 {offsets = [8], sizes = [1], strides = [1]} : vector<16xi32> to vector<1xi32>
    %squeeze3A_1899 = vector.extract %slice3A_1898[0] : i32 from vector<1xi32>
    %add3A_1900 = arith.constant 1 : i32
    %add3A_1901 = arith.addi %squeeze3A_1899, %add3A_1900 : i32
    %dma_start3A_1902 = arith.constant 104 : i32
    %dma_start3A_1903 = arith.constant 0 : i32
    %dma_start3A_1904 = tpu.memref_slice %arg10[%dma_start3A_1902, %dma_start3A_1903] : memref<128x128xf32, #tpu.memory_space<vmem>> -> memref<1x128xf32, #tpu.memory_space<vmem>>
    %dma_start3A_1905 = arith.constant 0 : i32
    %dma_start3A_1906 = tpu.memref_slice %arg5[%add3A_1897, %add3A_1901, %dma_start3A_1905] : memref<4096x65x128xf32, #tpu.memory_space<hbm>> -> memref<1x1x128xf32, #tpu.memory_space<hbm>>
    %dma_start3A_1907 = tpu.memref_squeeze %dma_start3A_1906 : memref<1x1x128xf32, #tpu.memory_space<hbm>> -> memref<1x128xf32, #tpu.memory_space<hbm>>
    %dma_start3A_1908 = arith.constant 104 : i32
    %dma_start3A_1909 = arith.constant 0 : i32
    %dma_start3A_1910 = tpu.memref_slice %arg10[%dma_start3A_1908, %dma_start3A_1909] : memref<128x128xf32, #tpu.memory_space<vmem>> -> memref<1x128xf32, #tpu.memory_space<vmem>>
    %dma_start3A_1911 = arith.constant 0 : i32
    %dma_start3A_1912 = tpu.memref_slice %arg5[%add3A_1897, %add3A_1901, %dma_start3A_1911] : memref<4096x65x128xf32, #tpu.memory_space<hbm>> -> memref<1x1x128xf32, #tpu.memory_space<hbm>>
    %dma_start3A_1913 = tpu.memref_squeeze %dma_start3A_1912 : memref<1x1x128xf32, #tpu.memory_space<hbm>> -> memref<1x128xf32, #tpu.memory_space<hbm>>
    tpu.enqueue_dma source(%dma_start3A_1913 : memref<1x128xf32, #tpu.memory_space<hbm>>) target(%dma_start3A_1910 : memref<1x128xf32, #tpu.memory_space<vmem>>) target_semaphore(%arg24 : memref<!tpu.dma_semaphore, #tpu.memory_space<semaphore_mem>>)
    %add3A_1914 = arith.constant 105 : i32
    %add3A_1915 = arith.addi %mul3A_2, %add3A_1914 : i32
    %slice3A_1916 = vector.extract_strided_slice %get3A_1751 {offsets = [9], sizes = [1], strides = [1]} : vector<16xi32> to vector<1xi32>
    %squeeze3A_1917 = vector.extract %slice3A_1916[0] : i32 from vector<1xi32>
    %add3A_1918 = arith.constant 1 : i32
    %add3A_1919 = arith.addi %squeeze3A_1917, %add3A_1918 : i32
    %dma_start3A_1920 = arith.constant 105 : i32
    %dma_start3A_1921 = arith.constant 0 : i32
    %dma_start3A_1922 = tpu.memref_slice %arg10[%dma_start3A_1920, %dma_start3A_1921] : memref<128x128xf32, #tpu.memory_space<vmem>> -> memref<1x128xf32, #tpu.memory_space<vmem>>
    %dma_start3A_1923 = arith.constant 0 : i32
    %dma_start3A_1924 = tpu.memref_slice %arg5[%add3A_1915, %add3A_1919, %dma_start3A_1923] : memref<4096x65x128xf32, #tpu.memory_space<hbm>> -> memref<1x1x128xf32, #tpu.memory_space<hbm>>
    %dma_start3A_1925 = tpu.memref_squeeze %dma_start3A_1924 : memref<1x1x128xf32, #tpu.memory_space<hbm>> -> memref<1x128xf32, #tpu.memory_space<hbm>>
    %dma_start3A_1926 = arith.constant 105 : i32
    %dma_start3A_1927 = arith.constant 0 : i32
    %dma_start3A_1928 = tpu.memref_slice %arg10[%dma_start3A_1926, %dma_start3A_1927] : memref<128x128xf32, #tpu.memory_space<vmem>> -> memref<1x128xf32, #tpu.memory_space<vmem>>
    %dma_start3A_1929 = arith.constant 0 : i32
    %dma_start3A_1930 = tpu.memref_slice %arg5[%add3A_1915, %add3A_1919, %dma_start3A_1929] : memref<4096x65x128xf32, #tpu.memory_space<hbm>> -> memref<1x1x128xf32, #tpu.memory_space<hbm>>
    %dma_start3A_1931 = tpu.memref_squeeze %dma_start3A_1930 : memref<1x1x128xf32, #tpu.memory_space<hbm>> -> memref<1x128xf32, #tpu.memory_space<hbm>>
    tpu.enqueue_dma source(%dma_start3A_1931 : memref<1x128xf32, #tpu.memory_space<hbm>>) target(%dma_start3A_1928 : memref<1x128xf32, #tpu.memory_space<vmem>>) target_semaphore(%arg24 : memref<!tpu.dma_semaphore, #tpu.memory_space<semaphore_mem>>)
    %add3A_1932 = arith.constant 106 : i32
    %add3A_1933 = arith.addi %mul3A_2, %add3A_1932 : i32
    %slice3A_1934 = vector.extract_strided_slice %get3A_1751 {offsets = [10], sizes = [1], strides = [1]} : vector<16xi32> to vector<1xi32>
    %squeeze3A_1935 = vector.extract %slice3A_1934[0] : i32 from vector<1xi32>
    %add3A_1936 = arith.constant 1 : i32
    %add3A_1937 = arith.addi %squeeze3A_1935, %add3A_1936 : i32
    %dma_start3A_1938 = arith.constant 106 : i32
    %dma_start3A_1939 = arith.constant 0 : i32
    %dma_start3A_1940 = tpu.memref_slice %arg10[%dma_start3A_1938, %dma_start3A_1939] : memref<128x128xf32, #tpu.memory_space<vmem>> -> memref<1x128xf32, #tpu.memory_space<vmem>>
    %dma_start3A_1941 = arith.constant 0 : i32
    %dma_start3A_1942 = tpu.memref_slice %arg5[%add3A_1933, %add3A_1937, %dma_start3A_1941] : memref<4096x65x128xf32, #tpu.memory_space<hbm>> -> memref<1x1x128xf32, #tpu.memory_space<hbm>>
    %dma_start3A_1943 = tpu.memref_squeeze %dma_start3A_1942 : memref<1x1x128xf32, #tpu.memory_space<hbm>> -> memref<1x128xf32, #tpu.memory_space<hbm>>
    %dma_start3A_1944 = arith.constant 106 : i32
    %dma_start3A_1945 = arith.constant 0 : i32
    %dma_start3A_1946 = tpu.memref_slice %arg10[%dma_start3A_1944, %dma_start3A_1945] : memref<128x128xf32, #tpu.memory_space<vmem>> -> memref<1x128xf32, #tpu.memory_space<vmem>>
    %dma_start3A_1947 = arith.constant 0 : i32
    %dma_start3A_1948 = tpu.memref_slice %arg5[%add3A_1933, %add3A_1937, %dma_start3A_1947] : memref<4096x65x128xf32, #tpu.memory_space<hbm>> -> memref<1x1x128xf32, #tpu.memory_space<hbm>>
    %dma_start3A_1949 = tpu.memref_squeeze %dma_start3A_1948 : memref<1x1x128xf32, #tpu.memory_space<hbm>> -> memref<1x128xf32, #tpu.memory_space<hbm>>
    tpu.enqueue_dma source(%dma_start3A_1949 : memref<1x128xf32, #tpu.memory_space<hbm>>) target(%dma_start3A_1946 : memref<1x128xf32, #tpu.memory_space<vmem>>) target_semaphore(%arg24 : memref<!tpu.dma_semaphore, #tpu.memory_space<semaphore_mem>>)
    %add3A_1950 = arith.constant 107 : i32
    %add3A_1951 = arith.addi %mul3A_2, %add3A_1950 : i32
    %slice3A_1952 = vector.extract_strided_slice %get3A_1751 {offsets = [11], sizes = [1], strides = [1]} : vector<16xi32> to vector<1xi32>
    %squeeze3A_1953 = vector.extract %slice3A_1952[0] : i32 from vector<1xi32>
    %add3A_1954 = arith.constant 1 : i32
    %add3A_1955 = arith.addi %squeeze3A_1953, %add3A_1954 : i32
    %dma_start3A_1956 = arith.constant 107 : i32
    %dma_start3A_1957 = arith.constant 0 : i32
    %dma_start3A_1958 = tpu.memref_slice %arg10[%dma_start3A_1956, %dma_start3A_1957] : memref<128x128xf32, #tpu.memory_space<vmem>> -> memref<1x128xf32, #tpu.memory_space<vmem>>
    %dma_start3A_1959 = arith.constant 0 : i32
    %dma_start3A_1960 = tpu.memref_slice %arg5[%add3A_1951, %add3A_1955, %dma_start3A_1959] : memref<4096x65x128xf32, #tpu.memory_space<hbm>> -> memref<1x1x128xf32, #tpu.memory_space<hbm>>
    %dma_start3A_1961 = tpu.memref_squeeze %dma_start3A_1960 : memref<1x1x128xf32, #tpu.memory_space<hbm>> -> memref<1x128xf32, #tpu.memory_space<hbm>>
    %dma_start3A_1962 = arith.constant 107 : i32
    %dma_start3A_1963 = arith.constant 0 : i32
    %dma_start3A_1964 = tpu.memref_slice %arg10[%dma_start3A_1962, %dma_start3A_1963] : memref<128x128xf32, #tpu.memory_space<vmem>> -> memref<1x128xf32, #tpu.memory_space<vmem>>
    %dma_start3A_1965 = arith.constant 0 : i32
    %dma_start3A_1966 = tpu.memref_slice %arg5[%add3A_1951, %add3A_1955, %dma_start3A_1965] : memref<4096x65x128xf32, #tpu.memory_space<hbm>> -> memref<1x1x128xf32, #tpu.memory_space<hbm>>
    %dma_start3A_1967 = tpu.memref_squeeze %dma_start3A_1966 : memref<1x1x128xf32, #tpu.memory_space<hbm>> -> memref<1x128xf32, #tpu.memory_space<hbm>>
    tpu.enqueue_dma source(%dma_start3A_1967 : memref<1x128xf32, #tpu.memory_space<hbm>>) target(%dma_start3A_1964 : memref<1x128xf32, #tpu.memory_space<vmem>>) target_semaphore(%arg24 : memref<!tpu.dma_semaphore, #tpu.memory_space<semaphore_mem>>)
    %add3A_1968 = arith.constant 108 : i32
    %add3A_1969 = arith.addi %mul3A_2, %add3A_1968 : i32
    %slice3A_1970 = vector.extract_strided_slice %get3A_1751 {offsets = [12], sizes = [1], strides = [1]} : vector<16xi32> to vector<1xi32>
    %squeeze3A_1971 = vector.extract %slice3A_1970[0] : i32 from vector<1xi32>
    %add3A_1972 = arith.constant 1 : i32
    %add3A_1973 = arith.addi %squeeze3A_1971, %add3A_1972 : i32
    %dma_start3A_1974 = arith.constant 108 : i32
    %dma_start3A_1975 = arith.constant 0 : i32
    %dma_start3A_1976 = tpu.memref_slice %arg10[%dma_start3A_1974, %dma_start3A_1975] : memref<128x128xf32, #tpu.memory_space<vmem>> -> memref<1x128xf32, #tpu.memory_space<vmem>>
    %dma_start3A_1977 = arith.constant 0 : i32
    %dma_start3A_1978 = tpu.memref_slice %arg5[%add3A_1969, %add3A_1973, %dma_start3A_1977] : memref<4096x65x128xf32, #tpu.memory_space<hbm>> -> memref<1x1x128xf32, #tpu.memory_space<hbm>>
    %dma_start3A_1979 = tpu.memref_squeeze %dma_start3A_1978 : memref<1x1x128xf32, #tpu.memory_space<hbm>> -> memref<1x128xf32, #tpu.memory_space<hbm>>
    %dma_start3A_1980 = arith.constant 108 : i32
    %dma_start3A_1981 = arith.constant 0 : i32
    %dma_start3A_1982 = tpu.memref_slice %arg10[%dma_start3A_1980, %dma_start3A_1981] : memref<128x128xf32, #tpu.memory_space<vmem>> -> memref<1x128xf32, #tpu.memory_space<vmem>>
    %dma_start3A_1983 = arith.constant 0 : i32
    %dma_start3A_1984 = tpu.memref_slice %arg5[%add3A_1969, %add3A_1973, %dma_start3A_1983] : memref<4096x65x128xf32, #tpu.memory_space<hbm>> -> memref<1x1x128xf32, #tpu.memory_space<hbm>>
    %dma_start3A_1985 = tpu.memref_squeeze %dma_start3A_1984 : memref<1x1x128xf32, #tpu.memory_space<hbm>> -> memref<1x128xf32, #tpu.memory_space<hbm>>
    tpu.enqueue_dma source(%dma_start3A_1985 : memref<1x128xf32, #tpu.memory_space<hbm>>) target(%dma_start3A_1982 : memref<1x128xf32, #tpu.memory_space<vmem>>) target_semaphore(%arg24 : memref<!tpu.dma_semaphore, #tpu.memory_space<semaphore_mem>>)
    %add3A_1986 = arith.constant 109 : i32
    %add3A_1987 = arith.addi %mul3A_2, %add3A_1986 : i32
    %slice3A_1988 = vector.extract_strided_slice %get3A_1751 {offsets = [13], sizes = [1], strides = [1]} : vector<16xi32> to vector<1xi32>
    %squeeze3A_1989 = vector.extract %slice3A_1988[0] : i32 from vector<1xi32>
    %add3A_1990 = arith.constant 1 : i32
    %add3A_1991 = arith.addi %squeeze3A_1989, %add3A_1990 : i32
    %dma_start3A_1992 = arith.constant 109 : i32
    %dma_start3A_1993 = arith.constant 0 : i32
    %dma_start3A_1994 = tpu.memref_slice %arg10[%dma_start3A_1992, %dma_start3A_1993] : memref<128x128xf32, #tpu.memory_space<vmem>> -> memref<1x128xf32, #tpu.memory_space<vmem>>
    %dma_start3A_1995 = arith.constant 0 : i32
    %dma_start3A_1996 = tpu.memref_slice %arg5[%add3A_1987, %add3A_1991, %dma_start3A_1995] : memref<4096x65x128xf32, #tpu.memory_space<hbm>> -> memref<1x1x128xf32, #tpu.memory_space<hbm>>
    %dma_start3A_1997 = tpu.memref_squeeze %dma_start3A_1996 : memref<1x1x128xf32, #tpu.memory_space<hbm>> -> memref<1x128xf32, #tpu.memory_space<hbm>>
    %dma_start3A_1998 = arith.constant 109 : i32
    %dma_start3A_1999 = arith.constant 0 : i32
    %dma_start3A_2000 = tpu.memref_slice %arg10[%dma_start3A_1998, %dma_start3A_1999] : memref<128x128xf32, #tpu.memory_space<vmem>> -> memref<1x128xf32, #tpu.memory_space<vmem>>
    %dma_start3A_2001 = arith.constant 0 : i32
    %dma_start3A_2002 = tpu.memref_slice %arg5[%add3A_1987, %add3A_1991, %dma_start3A_2001] : memref<4096x65x128xf32, #tpu.memory_space<hbm>> -> memref<1x1x128xf32, #tpu.memory_space<hbm>>
    %dma_start3A_2003 = tpu.memref_squeeze %dma_start3A_2002 : memref<1x1x128xf32, #tpu.memory_space<hbm>> -> memref<1x128xf32, #tpu.memory_space<hbm>>
    tpu.enqueue_dma source(%dma_start3A_2003 : memref<1x128xf32, #tpu.memory_space<hbm>>) target(%dma_start3A_2000 : memref<1x128xf32, #tpu.memory_space<vmem>>) target_semaphore(%arg24 : memref<!tpu.dma_semaphore, #tpu.memory_space<semaphore_mem>>)
    %add3A_2004 = arith.constant 110 : i32
    %add3A_2005 = arith.addi %mul3A_2, %add3A_2004 : i32
    %slice3A_2006 = vector.extract_strided_slice %get3A_1751 {offsets = [14], sizes = [1], strides = [1]} : vector<16xi32> to vector<1xi32>
    %squeeze3A_2007 = vector.extract %slice3A_2006[0] : i32 from vector<1xi32>
    %add3A_2008 = arith.constant 1 : i32
    %add3A_2009 = arith.addi %squeeze3A_2007, %add3A_2008 : i32
    %dma_start3A_2010 = arith.constant 110 : i32
    %dma_start3A_2011 = arith.constant 0 : i32
    %dma_start3A_2012 = tpu.memref_slice %arg10[%dma_start3A_2010, %dma_start3A_2011] : memref<128x128xf32, #tpu.memory_space<vmem>> -> memref<1x128xf32, #tpu.memory_space<vmem>>
    %dma_start3A_2013 = arith.constant 0 : i32
    %dma_start3A_2014 = tpu.memref_slice %arg5[%add3A_2005, %add3A_2009, %dma_start3A_2013] : memref<4096x65x128xf32, #tpu.memory_space<hbm>> -> memref<1x1x128xf32, #tpu.memory_space<hbm>>
    %dma_start3A_2015 = tpu.memref_squeeze %dma_start3A_2014 : memref<1x1x128xf32, #tpu.memory_space<hbm>> -> memref<1x128xf32, #tpu.memory_space<hbm>>
    %dma_start3A_2016 = arith.constant 110 : i32
    %dma_start3A_2017 = arith.constant 0 : i32
    %dma_start3A_2018 = tpu.memref_slice %arg10[%dma_start3A_2016, %dma_start3A_2017] : memref<128x128xf32, #tpu.memory_space<vmem>> -> memref<1x128xf32, #tpu.memory_space<vmem>>
    %dma_start3A_2019 = arith.constant 0 : i32
    %dma_start3A_2020 = tpu.memref_slice %arg5[%add3A_2005, %add3A_2009, %dma_start3A_2019] : memref<4096x65x128xf32, #tpu.memory_space<hbm>> -> memref<1x1x128xf32, #tpu.memory_space<hbm>>
    %dma_start3A_2021 = tpu.memref_squeeze %dma_start3A_2020 : memref<1x1x128xf32, #tpu.memory_space<hbm>> -> memref<1x128xf32, #tpu.memory_space<hbm>>
    tpu.enqueue_dma source(%dma_start3A_2021 : memref<1x128xf32, #tpu.memory_space<hbm>>) target(%dma_start3A_2018 : memref<1x128xf32, #tpu.memory_space<vmem>>) target_semaphore(%arg24 : memref<!tpu.dma_semaphore, #tpu.memory_space<semaphore_mem>>)
    %add3A_2022 = arith.constant 111 : i32
    %add3A_2023 = arith.addi %mul3A_2, %add3A_2022 : i32
    %slice3A_2024 = vector.extract_strided_slice %get3A_1751 {offsets = [15], sizes = [1], strides = [1]} : vector<16xi32> to vector<1xi32>
    %squeeze3A_2025 = vector.extract %slice3A_2024[0] : i32 from vector<1xi32>
    %add3A_2026 = arith.constant 1 : i32
    %add3A_2027 = arith.addi %squeeze3A_2025, %add3A_2026 : i32
    %dma_start3A_2028 = arith.constant 111 : i32
    %dma_start3A_2029 = arith.constant 0 : i32
    %dma_start3A_2030 = tpu.memref_slice %arg10[%dma_start3A_2028, %dma_start3A_2029] : memref<128x128xf32, #tpu.memory_space<vmem>> -> memref<1x128xf32, #tpu.memory_space<vmem>>
    %dma_start3A_2031 = arith.constant 0 : i32
    %dma_start3A_2032 = tpu.memref_slice %arg5[%add3A_2023, %add3A_2027, %dma_start3A_2031] : memref<4096x65x128xf32, #tpu.memory_space<hbm>> -> memref<1x1x128xf32, #tpu.memory_space<hbm>>
    %dma_start3A_2033 = tpu.memref_squeeze %dma_start3A_2032 : memref<1x1x128xf32, #tpu.memory_space<hbm>> -> memref<1x128xf32, #tpu.memory_space<hbm>>
    %dma_start3A_2034 = arith.constant 111 : i32
    %dma_start3A_2035 = arith.constant 0 : i32
    %dma_start3A_2036 = tpu.memref_slice %arg10[%dma_start3A_2034, %dma_start3A_2035] : memref<128x128xf32, #tpu.memory_space<vmem>> -> memref<1x128xf32, #tpu.memory_space<vmem>>
    %dma_start3A_2037 = arith.constant 0 : i32
    %dma_start3A_2038 = tpu.memref_slice %arg5[%add3A_2023, %add3A_2027, %dma_start3A_2037] : memref<4096x65x128xf32, #tpu.memory_space<hbm>> -> memref<1x1x128xf32, #tpu.memory_space<hbm>>
    %dma_start3A_2039 = tpu.memref_squeeze %dma_start3A_2038 : memref<1x1x128xf32, #tpu.memory_space<hbm>> -> memref<1x128xf32, #tpu.memory_space<hbm>>
    tpu.enqueue_dma source(%dma_start3A_2039 : memref<1x128xf32, #tpu.memory_space<hbm>>) target(%dma_start3A_2036 : memref<1x128xf32, #tpu.memory_space<vmem>>) target_semaphore(%arg24 : memref<!tpu.dma_semaphore, #tpu.memory_space<semaphore_mem>>)
    %get3A_2040 = arith.constant 112 : index
    %get3A_2041 = tpu.vector_load %arg8[%get3A_2040] {strides = array<i32>} : memref<128xi32, #tpu.memory_space<vmem>>, vector<16xi32>,
    %get3A_2042 = vector.shape_cast %get3A_2041 : vector<16xi32> to vector<16xi32>
    %add3A_2043 = arith.constant 112 : i32
    %add3A_2044 = arith.addi %mul3A_2, %add3A_2043 : i32
    %slice3A_2045 = vector.extract_strided_slice %get3A_2042 {offsets = [0], sizes = [1], strides = [1]} : vector<16xi32> to vector<1xi32>
    %squeeze3A_2046 = vector.extract %slice3A_2045[0] : i32 from vector<1xi32>
    %add3A_2047 = arith.constant 1 : i32
    %add3A_2048 = arith.addi %squeeze3A_2046, %add3A_2047 : i32
    %dma_start3A_2049 = arith.constant 112 : i32
    %dma_start3A_2050 = arith.constant 0 : i32
    %dma_start3A_2051 = tpu.memref_slice %arg10[%dma_start3A_2049, %dma_start3A_2050] : memref<128x128xf32, #tpu.memory_space<vmem>> -> memref<1x128xf32, #tpu.memory_space<vmem>>
    %dma_start3A_2052 = arith.constant 0 : i32
    %dma_start3A_2053 = tpu.memref_slice %arg5[%add3A_2044, %add3A_2048, %dma_start3A_2052] : memref<4096x65x128xf32, #tpu.memory_space<hbm>> -> memref<1x1x128xf32, #tpu.memory_space<hbm>>
    %dma_start3A_2054 = tpu.memref_squeeze %dma_start3A_2053 : memref<1x1x128xf32, #tpu.memory_space<hbm>> -> memref<1x128xf32, #tpu.memory_space<hbm>>
    %dma_start3A_2055 = arith.constant 112 : i32
    %dma_start3A_2056 = arith.constant 0 : i32
    %dma_start3A_2057 = tpu.memref_slice %arg10[%dma_start3A_2055, %dma_start3A_2056] : memref<128x128xf32, #tpu.memory_space<vmem>> -> memref<1x128xf32, #tpu.memory_space<vmem>>
    %dma_start3A_2058 = arith.constant 0 : i32
    %dma_start3A_2059 = tpu.memref_slice %arg5[%add3A_2044, %add3A_2048, %dma_start3A_2058] : memref<4096x65x128xf32, #tpu.memory_space<hbm>> -> memref<1x1x128xf32, #tpu.memory_space<hbm>>
    %dma_start3A_2060 = tpu.memref_squeeze %dma_start3A_2059 : memref<1x1x128xf32, #tpu.memory_space<hbm>> -> memref<1x128xf32, #tpu.memory_space<hbm>>
    tpu.enqueue_dma source(%dma_start3A_2060 : memref<1x128xf32, #tpu.memory_space<hbm>>) target(%dma_start3A_2057 : memref<1x128xf32, #tpu.memory_space<vmem>>) target_semaphore(%arg24 : memref<!tpu.dma_semaphore, #tpu.memory_space<semaphore_mem>>)
    %add3A_2061 = arith.constant 113 : i32
    %add3A_2062 = arith.addi %mul3A_2, %add3A_2061 : i32
    %slice3A_2063 = vector.extract_strided_slice %get3A_2042 {offsets = [1], sizes = [1], strides = [1]} : vector<16xi32> to vector<1xi32>
    %squeeze3A_2064 = vector.extract %slice3A_2063[0] : i32 from vector<1xi32>
    %add3A_2065 = arith.constant 1 : i32
    %add3A_2066 = arith.addi %squeeze3A_2064, %add3A_2065 : i32
    %dma_start3A_2067 = arith.constant 113 : i32
    %dma_start3A_2068 = arith.constant 0 : i32
    %dma_start3A_2069 = tpu.memref_slice %arg10[%dma_start3A_2067, %dma_start3A_2068] : memref<128x128xf32, #tpu.memory_space<vmem>> -> memref<1x128xf32, #tpu.memory_space<vmem>>
    %dma_start3A_2070 = arith.constant 0 : i32
    %dma_start3A_2071 = tpu.memref_slice %arg5[%add3A_2062, %add3A_2066, %dma_start3A_2070] : memref<4096x65x128xf32, #tpu.memory_space<hbm>> -> memref<1x1x128xf32, #tpu.memory_space<hbm>>
    %dma_start3A_2072 = tpu.memref_squeeze %dma_start3A_2071 : memref<1x1x128xf32, #tpu.memory_space<hbm>> -> memref<1x128xf32, #tpu.memory_space<hbm>>
    %dma_start3A_2073 = arith.constant 113 : i32
    %dma_start3A_2074 = arith.constant 0 : i32
    %dma_start3A_2075 = tpu.memref_slice %arg10[%dma_start3A_2073, %dma_start3A_2074] : memref<128x128xf32, #tpu.memory_space<vmem>> -> memref<1x128xf32, #tpu.memory_space<vmem>>
    %dma_start3A_2076 = arith.constant 0 : i32
    %dma_start3A_2077 = tpu.memref_slice %arg5[%add3A_2062, %add3A_2066, %dma_start3A_2076] : memref<4096x65x128xf32, #tpu.memory_space<hbm>> -> memref<1x1x128xf32, #tpu.memory_space<hbm>>
    %dma_start3A_2078 = tpu.memref_squeeze %dma_start3A_2077 : memref<1x1x128xf32, #tpu.memory_space<hbm>> -> memref<1x128xf32, #tpu.memory_space<hbm>>
    tpu.enqueue_dma source(%dma_start3A_2078 : memref<1x128xf32, #tpu.memory_space<hbm>>) target(%dma_start3A_2075 : memref<1x128xf32, #tpu.memory_space<vmem>>) target_semaphore(%arg24 : memref<!tpu.dma_semaphore, #tpu.memory_space<semaphore_mem>>)
    %add3A_2079 = arith.constant 114 : i32
    %add3A_2080 = arith.addi %mul3A_2, %add3A_2079 : i32
    %slice3A_2081 = vector.extract_strided_slice %get3A_2042 {offsets = [2], sizes = [1], strides = [1]} : vector<16xi32> to vector<1xi32>
    %squeeze3A_2082 = vector.extract %slice3A_2081[0] : i32 from vector<1xi32>
    %add3A_2083 = arith.constant 1 : i32
    %add3A_2084 = arith.addi %squeeze3A_2082, %add3A_2083 : i32
    %dma_start3A_2085 = arith.constant 114 : i32
    %dma_start3A_2086 = arith.constant 0 : i32
    %dma_start3A_2087 = tpu.memref_slice %arg10[%dma_start3A_2085, %dma_start3A_2086] : memref<128x128xf32, #tpu.memory_space<vmem>> -> memref<1x128xf32, #tpu.memory_space<vmem>>
    %dma_start3A_2088 = arith.constant 0 : i32
    %dma_start3A_2089 = tpu.memref_slice %arg5[%add3A_2080, %add3A_2084, %dma_start3A_2088] : memref<4096x65x128xf32, #tpu.memory_space<hbm>> -> memref<1x1x128xf32, #tpu.memory_space<hbm>>
    %dma_start3A_2090 = tpu.memref_squeeze %dma_start3A_2089 : memref<1x1x128xf32, #tpu.memory_space<hbm>> -> memref<1x128xf32, #tpu.memory_space<hbm>>
    %dma_start3A_2091 = arith.constant 114 : i32
    %dma_start3A_2092 = arith.constant 0 : i32
    %dma_start3A_2093 = tpu.memref_slice %arg10[%dma_start3A_2091, %dma_start3A_2092] : memref<128x128xf32, #tpu.memory_space<vmem>> -> memref<1x128xf32, #tpu.memory_space<vmem>>
    %dma_start3A_2094 = arith.constant 0 : i32
    %dma_start3A_2095 = tpu.memref_slice %arg5[%add3A_2080, %add3A_2084, %dma_start3A_2094] : memref<4096x65x128xf32, #tpu.memory_space<hbm>> -> memref<1x1x128xf32, #tpu.memory_space<hbm>>
    %dma_start3A_2096 = tpu.memref_squeeze %dma_start3A_2095 : memref<1x1x128xf32, #tpu.memory_space<hbm>> -> memref<1x128xf32, #tpu.memory_space<hbm>>
    tpu.enqueue_dma source(%dma_start3A_2096 : memref<1x128xf32, #tpu.memory_space<hbm>>) target(%dma_start3A_2093 : memref<1x128xf32, #tpu.memory_space<vmem>>) target_semaphore(%arg24 : memref<!tpu.dma_semaphore, #tpu.memory_space<semaphore_mem>>)
    %add3A_2097 = arith.constant 115 : i32
    %add3A_2098 = arith.addi %mul3A_2, %add3A_2097 : i32
    %slice3A_2099 = vector.extract_strided_slice %get3A_2042 {offsets = [3], sizes = [1], strides = [1]} : vector<16xi32> to vector<1xi32>
    %squeeze3A_2100 = vector.extract %slice3A_2099[0] : i32 from vector<1xi32>
    %add3A_2101 = arith.constant 1 : i32
    %add3A_2102 = arith.addi %squeeze3A_2100, %add3A_2101 : i32
    %dma_start3A_2103 = arith.constant 115 : i32
    %dma_start3A_2104 = arith.constant 0 : i32
    %dma_start3A_2105 = tpu.memref_slice %arg10[%dma_start3A_2103, %dma_start3A_2104] : memref<128x128xf32, #tpu.memory_space<vmem>> -> memref<1x128xf32, #tpu.memory_space<vmem>>
    %dma_start3A_2106 = arith.constant 0 : i32
    %dma_start3A_2107 = tpu.memref_slice %arg5[%add3A_2098, %add3A_2102, %dma_start3A_2106] : memref<4096x65x128xf32, #tpu.memory_space<hbm>> -> memref<1x1x128xf32, #tpu.memory_space<hbm>>
    %dma_start3A_2108 = tpu.memref_squeeze %dma_start3A_2107 : memref<1x1x128xf32, #tpu.memory_space<hbm>> -> memref<1x128xf32, #tpu.memory_space<hbm>>
    %dma_start3A_2109 = arith.constant 115 : i32
    %dma_start3A_2110 = arith.constant 0 : i32
    %dma_start3A_2111 = tpu.memref_slice %arg10[%dma_start3A_2109, %dma_start3A_2110] : memref<128x128xf32, #tpu.memory_space<vmem>> -> memref<1x128xf32, #tpu.memory_space<vmem>>
    %dma_start3A_2112 = arith.constant 0 : i32
    %dma_start3A_2113 = tpu.memref_slice %arg5[%add3A_2098, %add3A_2102, %dma_start3A_2112] : memref<4096x65x128xf32, #tpu.memory_space<hbm>> -> memref<1x1x128xf32, #tpu.memory_space<hbm>>
    %dma_start3A_2114 = tpu.memref_squeeze %dma_start3A_2113 : memref<1x1x128xf32, #tpu.memory_space<hbm>> -> memref<1x128xf32, #tpu.memory_space<hbm>>
    tpu.enqueue_dma source(%dma_start3A_2114 : memref<1x128xf32, #tpu.memory_space<hbm>>) target(%dma_start3A_2111 : memref<1x128xf32, #tpu.memory_space<vmem>>) target_semaphore(%arg24 : memref<!tpu.dma_semaphore, #tpu.memory_space<semaphore_mem>>)
    %add3A_2115 = arith.constant 116 : i32
    %add3A_2116 = arith.addi %mul3A_2, %add3A_2115 : i32
    %slice3A_2117 = vector.extract_strided_slice %get3A_2042 {offsets = [4], sizes = [1], strides = [1]} : vector<16xi32> to vector<1xi32>
    %squeeze3A_2118 = vector.extract %slice3A_2117[0] : i32 from vector<1xi32>
    %add3A_2119 = arith.constant 1 : i32
    %add3A_2120 = arith.addi %squeeze3A_2118, %add3A_2119 : i32
    %dma_start3A_2121 = arith.constant 116 : i32
    %dma_start3A_2122 = arith.constant 0 : i32
    %dma_start3A_2123 = tpu.memref_slice %arg10[%dma_start3A_2121, %dma_start3A_2122] : memref<128x128xf32, #tpu.memory_space<vmem>> -> memref<1x128xf32, #tpu.memory_space<vmem>>
    %dma_start3A_2124 = arith.constant 0 : i32
    %dma_start3A_2125 = tpu.memref_slice %arg5[%add3A_2116, %add3A_2120, %dma_start3A_2124] : memref<4096x65x128xf32, #tpu.memory_space<hbm>> -> memref<1x1x128xf32, #tpu.memory_space<hbm>>
    %dma_start3A_2126 = tpu.memref_squeeze %dma_start3A_2125 : memref<1x1x128xf32, #tpu.memory_space<hbm>> -> memref<1x128xf32, #tpu.memory_space<hbm>>
    %dma_start3A_2127 = arith.constant 116 : i32
    %dma_start3A_2128 = arith.constant 0 : i32
    %dma_start3A_2129 = tpu.memref_slice %arg10[%dma_start3A_2127, %dma_start3A_2128] : memref<128x128xf32, #tpu.memory_space<vmem>> -> memref<1x128xf32, #tpu.memory_space<vmem>>
    %dma_start3A_2130 = arith.constant 0 : i32
    %dma_start3A_2131 = tpu.memref_slice %arg5[%add3A_2116, %add3A_2120, %dma_start3A_2130] : memref<4096x65x128xf32, #tpu.memory_space<hbm>> -> memref<1x1x128xf32, #tpu.memory_space<hbm>>
    %dma_start3A_2132 = tpu.memref_squeeze %dma_start3A_2131 : memref<1x1x128xf32, #tpu.memory_space<hbm>> -> memref<1x128xf32, #tpu.memory_space<hbm>>
    tpu.enqueue_dma source(%dma_start3A_2132 : memref<1x128xf32, #tpu.memory_space<hbm>>) target(%dma_start3A_2129 : memref<1x128xf32, #tpu.memory_space<vmem>>) target_semaphore(%arg24 : memref<!tpu.dma_semaphore, #tpu.memory_space<semaphore_mem>>)
    %add3A_2133 = arith.constant 117 : i32
    %add3A_2134 = arith.addi %mul3A_2, %add3A_2133 : i32
    %slice3A_2135 = vector.extract_strided_slice %get3A_2042 {offsets = [5], sizes = [1], strides = [1]} : vector<16xi32> to vector<1xi32>
    %squeeze3A_2136 = vector.extract %slice3A_2135[0] : i32 from vector<1xi32>
    %add3A_2137 = arith.constant 1 : i32
    %add3A_2138 = arith.addi %squeeze3A_2136, %add3A_2137 : i32
    %dma_start3A_2139 = arith.constant 117 : i32
    %dma_start3A_2140 = arith.constant 0 : i32
    %dma_start3A_2141 = tpu.memref_slice %arg10[%dma_start3A_2139, %dma_start3A_2140] : memref<128x128xf32, #tpu.memory_space<vmem>> -> memref<1x128xf32, #tpu.memory_space<vmem>>
    %dma_start3A_2142 = arith.constant 0 : i32
    %dma_start3A_2143 = tpu.memref_slice %arg5[%add3A_2134, %add3A_2138, %dma_start3A_2142] : memref<4096x65x128xf32, #tpu.memory_space<hbm>> -> memref<1x1x128xf32, #tpu.memory_space<hbm>>
    %dma_start3A_2144 = tpu.memref_squeeze %dma_start3A_2143 : memref<1x1x128xf32, #tpu.memory_space<hbm>> -> memref<1x128xf32, #tpu.memory_space<hbm>>
    %dma_start3A_2145 = arith.constant 117 : i32
    %dma_start3A_2146 = arith.constant 0 : i32
    %dma_start3A_2147 = tpu.memref_slice %arg10[%dma_start3A_2145, %dma_start3A_2146] : memref<128x128xf32, #tpu.memory_space<vmem>> -> memref<1x128xf32, #tpu.memory_space<vmem>>
    %dma_start3A_2148 = arith.constant 0 : i32
    %dma_start3A_2149 = tpu.memref_slice %arg5[%add3A_2134, %add3A_2138, %dma_start3A_2148] : memref<4096x65x128xf32, #tpu.memory_space<hbm>> -> memref<1x1x128xf32, #tpu.memory_space<hbm>>
    %dma_start3A_2150 = tpu.memref_squeeze %dma_start3A_2149 : memref<1x1x128xf32, #tpu.memory_space<hbm>> -> memref<1x128xf32, #tpu.memory_space<hbm>>
    tpu.enqueue_dma source(%dma_start3A_2150 : memref<1x128xf32, #tpu.memory_space<hbm>>) target(%dma_start3A_2147 : memref<1x128xf32, #tpu.memory_space<vmem>>) target_semaphore(%arg24 : memref<!tpu.dma_semaphore, #tpu.memory_space<semaphore_mem>>)
    %add3A_2151 = arith.constant 118 : i32
    %add3A_2152 = arith.addi %mul3A_2, %add3A_2151 : i32
    %slice3A_2153 = vector.extract_strided_slice %get3A_2042 {offsets = [6], sizes = [1], strides = [1]} : vector<16xi32> to vector<1xi32>
    %squeeze3A_2154 = vector.extract %slice3A_2153[0] : i32 from vector<1xi32>
    %add3A_2155 = arith.constant 1 : i32
    %add3A_2156 = arith.addi %squeeze3A_2154, %add3A_2155 : i32
    %dma_start3A_2157 = arith.constant 118 : i32
    %dma_start3A_2158 = arith.constant 0 : i32
    %dma_start3A_2159 = tpu.memref_slice %arg10[%dma_start3A_2157, %dma_start3A_2158] : memref<128x128xf32, #tpu.memory_space<vmem>> -> memref<1x128xf32, #tpu.memory_space<vmem>>
    %dma_start3A_2160 = arith.constant 0 : i32
    %dma_start3A_2161 = tpu.memref_slice %arg5[%add3A_2152, %add3A_2156, %dma_start3A_2160] : memref<4096x65x128xf32, #tpu.memory_space<hbm>> -> memref<1x1x128xf32, #tpu.memory_space<hbm>>
    %dma_start3A_2162 = tpu.memref_squeeze %dma_start3A_2161 : memref<1x1x128xf32, #tpu.memory_space<hbm>> -> memref<1x128xf32, #tpu.memory_space<hbm>>
    %dma_start3A_2163 = arith.constant 118 : i32
    %dma_start3A_2164 = arith.constant 0 : i32
    %dma_start3A_2165 = tpu.memref_slice %arg10[%dma_start3A_2163, %dma_start3A_2164] : memref<128x128xf32, #tpu.memory_space<vmem>> -> memref<1x128xf32, #tpu.memory_space<vmem>>
    %dma_start3A_2166 = arith.constant 0 : i32
    %dma_start3A_2167 = tpu.memref_slice %arg5[%add3A_2152, %add3A_2156, %dma_start3A_2166] : memref<4096x65x128xf32, #tpu.memory_space<hbm>> -> memref<1x1x128xf32, #tpu.memory_space<hbm>>
    %dma_start3A_2168 = tpu.memref_squeeze %dma_start3A_2167 : memref<1x1x128xf32, #tpu.memory_space<hbm>> -> memref<1x128xf32, #tpu.memory_space<hbm>>
    tpu.enqueue_dma source(%dma_start3A_2168 : memref<1x128xf32, #tpu.memory_space<hbm>>) target(%dma_start3A_2165 : memref<1x128xf32, #tpu.memory_space<vmem>>) target_semaphore(%arg24 : memref<!tpu.dma_semaphore, #tpu.memory_space<semaphore_mem>>)
    %add3A_2169 = arith.constant 119 : i32
    %add3A_2170 = arith.addi %mul3A_2, %add3A_2169 : i32
    %slice3A_2171 = vector.extract_strided_slice %get3A_2042 {offsets = [7], sizes = [1], strides = [1]} : vector<16xi32> to vector<1xi32>
    %squeeze3A_2172 = vector.extract %slice3A_2171[0] : i32 from vector<1xi32>
    %add3A_2173 = arith.constant 1 : i32
    %add3A_2174 = arith.addi %squeeze3A_2172, %add3A_2173 : i32
    %dma_start3A_2175 = arith.constant 119 : i32
    %dma_start3A_2176 = arith.constant 0 : i32
    %dma_start3A_2177 = tpu.memref_slice %arg10[%dma_start3A_2175, %dma_start3A_2176] : memref<128x128xf32, #tpu.memory_space<vmem>> -> memref<1x128xf32, #tpu.memory_space<vmem>>
    %dma_start3A_2178 = arith.constant 0 : i32
    %dma_start3A_2179 = tpu.memref_slice %arg5[%add3A_2170, %add3A_2174, %dma_start3A_2178] : memref<4096x65x128xf32, #tpu.memory_space<hbm>> -> memref<1x1x128xf32, #tpu.memory_space<hbm>>
    %dma_start3A_2180 = tpu.memref_squeeze %dma_start3A_2179 : memref<1x1x128xf32, #tpu.memory_space<hbm>> -> memref<1x128xf32, #tpu.memory_space<hbm>>
    %dma_start3A_2181 = arith.constant 119 : i32
    %dma_start3A_2182 = arith.constant 0 : i32
    %dma_start3A_2183 = tpu.memref_slice %arg10[%dma_start3A_2181, %dma_start3A_2182] : memref<128x128xf32, #tpu.memory_space<vmem>> -> memref<1x128xf32, #tpu.memory_space<vmem>>
    %dma_start3A_2184 = arith.constant 0 : i32
    %dma_start3A_2185 = tpu.memref_slice %arg5[%add3A_2170, %add3A_2174, %dma_start3A_2184] : memref<4096x65x128xf32, #tpu.memory_space<hbm>> -> memref<1x1x128xf32, #tpu.memory_space<hbm>>
    %dma_start3A_2186 = tpu.memref_squeeze %dma_start3A_2185 : memref<1x1x128xf32, #tpu.memory_space<hbm>> -> memref<1x128xf32, #tpu.memory_space<hbm>>
    tpu.enqueue_dma source(%dma_start3A_2186 : memref<1x128xf32, #tpu.memory_space<hbm>>) target(%dma_start3A_2183 : memref<1x128xf32, #tpu.memory_space<vmem>>) target_semaphore(%arg24 : memref<!tpu.dma_semaphore, #tpu.memory_space<semaphore_mem>>)
    %add3A_2187 = arith.constant 120 : i32
    %add3A_2188 = arith.addi %mul3A_2, %add3A_2187 : i32
    %slice3A_2189 = vector.extract_strided_slice %get3A_2042 {offsets = [8], sizes = [1], strides = [1]} : vector<16xi32> to vector<1xi32>
    %squeeze3A_2190 = vector.extract %slice3A_2189[0] : i32 from vector<1xi32>
    %add3A_2191 = arith.constant 1 : i32
    %add3A_2192 = arith.addi %squeeze3A_2190, %add3A_2191 : i32
    %dma_start3A_2193 = arith.constant 120 : i32
    %dma_start3A_2194 = arith.constant 0 : i32
    %dma_start3A_2195 = tpu.memref_slice %arg10[%dma_start3A_2193, %dma_start3A_2194] : memref<128x128xf32, #tpu.memory_space<vmem>> -> memref<1x128xf32, #tpu.memory_space<vmem>>
    %dma_start3A_2196 = arith.constant 0 : i32
    %dma_start3A_2197 = tpu.memref_slice %arg5[%add3A_2188, %add3A_2192, %dma_start3A_2196] : memref<4096x65x128xf32, #tpu.memory_space<hbm>> -> memref<1x1x128xf32, #tpu.memory_space<hbm>>
    %dma_start3A_2198 = tpu.memref_squeeze %dma_start3A_2197 : memref<1x1x128xf32, #tpu.memory_space<hbm>> -> memref<1x128xf32, #tpu.memory_space<hbm>>
    %dma_start3A_2199 = arith.constant 120 : i32
    %dma_start3A_2200 = arith.constant 0 : i32
    %dma_start3A_2201 = tpu.memref_slice %arg10[%dma_start3A_2199, %dma_start3A_2200] : memref<128x128xf32, #tpu.memory_space<vmem>> -> memref<1x128xf32, #tpu.memory_space<vmem>>
    %dma_start3A_2202 = arith.constant 0 : i32
    %dma_start3A_2203 = tpu.memref_slice %arg5[%add3A_2188, %add3A_2192, %dma_start3A_2202] : memref<4096x65x128xf32, #tpu.memory_space<hbm>> -> memref<1x1x128xf32, #tpu.memory_space<hbm>>
    %dma_start3A_2204 = tpu.memref_squeeze %dma_start3A_2203 : memref<1x1x128xf32, #tpu.memory_space<hbm>> -> memref<1x128xf32, #tpu.memory_space<hbm>>
    tpu.enqueue_dma source(%dma_start3A_2204 : memref<1x128xf32, #tpu.memory_space<hbm>>) target(%dma_start3A_2201 : memref<1x128xf32, #tpu.memory_space<vmem>>) target_semaphore(%arg24 : memref<!tpu.dma_semaphore, #tpu.memory_space<semaphore_mem>>)
    %add3A_2205 = arith.constant 121 : i32
    %add3A_2206 = arith.addi %mul3A_2, %add3A_2205 : i32
    %slice3A_2207 = vector.extract_strided_slice %get3A_2042 {offsets = [9], sizes = [1], strides = [1]} : vector<16xi32> to vector<1xi32>
    %squeeze3A_2208 = vector.extract %slice3A_2207[0] : i32 from vector<1xi32>
    %add3A_2209 = arith.constant 1 : i32
    %add3A_2210 = arith.addi %squeeze3A_2208, %add3A_2209 : i32
    %dma_start3A_2211 = arith.constant 121 : i32
    %dma_start3A_2212 = arith.constant 0 : i32
    %dma_start3A_2213 = tpu.memref_slice %arg10[%dma_start3A_2211, %dma_start3A_2212] : memref<128x128xf32, #tpu.memory_space<vmem>> -> memref<1x128xf32, #tpu.memory_space<vmem>>
    %dma_start3A_2214 = arith.constant 0 : i32
    %dma_start3A_2215 = tpu.memref_slice %arg5[%add3A_2206, %add3A_2210, %dma_start3A_2214] : memref<4096x65x128xf32, #tpu.memory_space<hbm>> -> memref<1x1x128xf32, #tpu.memory_space<hbm>>
    %dma_start3A_2216 = tpu.memref_squeeze %dma_start3A_2215 : memref<1x1x128xf32, #tpu.memory_space<hbm>> -> memref<1x128xf32, #tpu.memory_space<hbm>>
    %dma_start3A_2217 = arith.constant 121 : i32
    %dma_start3A_2218 = arith.constant 0 : i32
    %dma_start3A_2219 = tpu.memref_slice %arg10[%dma_start3A_2217, %dma_start3A_2218] : memref<128x128xf32, #tpu.memory_space<vmem>> -> memref<1x128xf32, #tpu.memory_space<vmem>>
    %dma_start3A_2220 = arith.constant 0 : i32
    %dma_start3A_2221 = tpu.memref_slice %arg5[%add3A_2206, %add3A_2210, %dma_start3A_2220] : memref<4096x65x128xf32, #tpu.memory_space<hbm>> -> memref<1x1x128xf32, #tpu.memory_space<hbm>>
    %dma_start3A_2222 = tpu.memref_squeeze %dma_start3A_2221 : memref<1x1x128xf32, #tpu.memory_space<hbm>> -> memref<1x128xf32, #tpu.memory_space<hbm>>
    tpu.enqueue_dma source(%dma_start3A_2222 : memref<1x128xf32, #tpu.memory_space<hbm>>) target(%dma_start3A_2219 : memref<1x128xf32, #tpu.memory_space<vmem>>) target_semaphore(%arg24 : memref<!tpu.dma_semaphore, #tpu.memory_space<semaphore_mem>>)
    %add3A_2223 = arith.constant 122 : i32
    %add3A_2224 = arith.addi %mul3A_2, %add3A_2223 : i32
    %slice3A_2225 = vector.extract_strided_slice %get3A_2042 {offsets = [10], sizes = [1], strides = [1]} : vector<16xi32> to vector<1xi32>
    %squeeze3A_2226 = vector.extract %slice3A_2225[0] : i32 from vector<1xi32>
    %add3A_2227 = arith.constant 1 : i32
    %add3A_2228 = arith.addi %squeeze3A_2226, %add3A_2227 : i32
    %dma_start3A_2229 = arith.constant 122 : i32
    %dma_start3A_2230 = arith.constant 0 : i32
    %dma_start3A_2231 = tpu.memref_slice %arg10[%dma_start3A_2229, %dma_start3A_2230] : memref<128x128xf32, #tpu.memory_space<vmem>> -> memref<1x128xf32, #tpu.memory_space<vmem>>
    %dma_start3A_2232 = arith.constant 0 : i32
    %dma_start3A_2233 = tpu.memref_slice %arg5[%add3A_2224, %add3A_2228, %dma_start3A_2232] : memref<4096x65x128xf32, #tpu.memory_space<hbm>> -> memref<1x1x128xf32, #tpu.memory_space<hbm>>
    %dma_start3A_2234 = tpu.memref_squeeze %dma_start3A_2233 : memref<1x1x128xf32, #tpu.memory_space<hbm>> -> memref<1x128xf32, #tpu.memory_space<hbm>>
    %dma_start3A_2235 = arith.constant 122 : i32
    %dma_start3A_2236 = arith.constant 0 : i32
    %dma_start3A_2237 = tpu.memref_slice %arg10[%dma_start3A_2235, %dma_start3A_2236] : memref<128x128xf32, #tpu.memory_space<vmem>> -> memref<1x128xf32, #tpu.memory_space<vmem>>
    %dma_start3A_2238 = arith.constant 0 : i32
    %dma_start3A_2239 = tpu.memref_slice %arg5[%add3A_2224, %add3A_2228, %dma_start3A_2238] : memref<4096x65x128xf32, #tpu.memory_space<hbm>> -> memref<1x1x128xf32, #tpu.memory_space<hbm>>
    %dma_start3A_2240 = tpu.memref_squeeze %dma_start3A_2239 : memref<1x1x128xf32, #tpu.memory_space<hbm>> -> memref<1x128xf32, #tpu.memory_space<hbm>>
    tpu.enqueue_dma source(%dma_start3A_2240 : memref<1x128xf32, #tpu.memory_space<hbm>>) target(%dma_start3A_2237 : memref<1x128xf32, #tpu.memory_space<vmem>>) target_semaphore(%arg24 : memref<!tpu.dma_semaphore, #tpu.memory_space<semaphore_mem>>)
    %add3A_2241 = arith.constant 123 : i32
    %add3A_2242 = arith.addi %mul3A_2, %add3A_2241 : i32
    %slice3A_2243 = vector.extract_strided_slice %get3A_2042 {offsets = [11], sizes = [1], strides = [1]} : vector<16xi32> to vector<1xi32>
    %squeeze3A_2244 = vector.extract %slice3A_2243[0] : i32 from vector<1xi32>
    %add3A_2245 = arith.constant 1 : i32
    %add3A_2246 = arith.addi %squeeze3A_2244, %add3A_2245 : i32
    %dma_start3A_2247 = arith.constant 123 : i32
    %dma_start3A_2248 = arith.constant 0 : i32
    %dma_start3A_2249 = tpu.memref_slice %arg10[%dma_start3A_2247, %dma_start3A_2248] : memref<128x128xf32, #tpu.memory_space<vmem>> -> memref<1x128xf32, #tpu.memory_space<vmem>>
    %dma_start3A_2250 = arith.constant 0 : i32
    %dma_start3A_2251 = tpu.memref_slice %arg5[%add3A_2242, %add3A_2246, %dma_start3A_2250] : memref<4096x65x128xf32, #tpu.memory_space<hbm>> -> memref<1x1x128xf32, #tpu.memory_space<hbm>>
    %dma_start3A_2252 = tpu.memref_squeeze %dma_start3A_2251 : memref<1x1x128xf32, #tpu.memory_space<hbm>> -> memref<1x128xf32, #tpu.memory_space<hbm>>
    %dma_start3A_2253 = arith.constant 123 : i32
    %dma_start3A_2254 = arith.constant 0 : i32
    %dma_start3A_2255 = tpu.memref_slice %arg10[%dma_start3A_2253, %dma_start3A_2254] : memref<128x128xf32, #tpu.memory_space<vmem>> -> memref<1x128xf32, #tpu.memory_space<vmem>>
    %dma_start3A_2256 = arith.constant 0 : i32
    %dma_start3A_2257 = tpu.memref_slice %arg5[%add3A_2242, %add3A_2246, %dma_start3A_2256] : memref<4096x65x128xf32, #tpu.memory_space<hbm>> -> memref<1x1x128xf32, #tpu.memory_space<hbm>>
    %dma_start3A_2258 = tpu.memref_squeeze %dma_start3A_2257 : memref<1x1x128xf32, #tpu.memory_space<hbm>> -> memref<1x128xf32, #tpu.memory_space<hbm>>
    tpu.enqueue_dma source(%dma_start3A_2258 : memref<1x128xf32, #tpu.memory_space<hbm>>) target(%dma_start3A_2255 : memref<1x128xf32, #tpu.memory_space<vmem>>) target_semaphore(%arg24 : memref<!tpu.dma_semaphore, #tpu.memory_space<semaphore_mem>>)
    %add3A_2259 = arith.constant 124 : i32
    %add3A_2260 = arith.addi %mul3A_2, %add3A_2259 : i32
    %slice3A_2261 = vector.extract_strided_slice %get3A_2042 {offsets = [12], sizes = [1], strides = [1]} : vector<16xi32> to vector<1xi32>
    %squeeze3A_2262 = vector.extract %slice3A_2261[0] : i32 from vector<1xi32>
    %add3A_2263 = arith.constant 1 : i32
    %add3A_2264 = arith.addi %squeeze3A_2262, %add3A_2263 : i32
    %dma_start3A_2265 = arith.constant 124 : i32
    %dma_start3A_2266 = arith.constant 0 : i32
    %dma_start3A_2267 = tpu.memref_slice %arg10[%dma_start3A_2265, %dma_start3A_2266] : memref<128x128xf32, #tpu.memory_space<vmem>> -> memref<1x128xf32, #tpu.memory_space<vmem>>
    %dma_start3A_2268 = arith.constant 0 : i32
    %dma_start3A_2269 = tpu.memref_slice %arg5[%add3A_2260, %add3A_2264, %dma_start3A_2268] : memref<4096x65x128xf32, #tpu.memory_space<hbm>> -> memref<1x1x128xf32, #tpu.memory_space<hbm>>
    %dma_start3A_2270 = tpu.memref_squeeze %dma_start3A_2269 : memref<1x1x128xf32, #tpu.memory_space<hbm>> -> memref<1x128xf32, #tpu.memory_space<hbm>>
    %dma_start3A_2271 = arith.constant 124 : i32
    %dma_start3A_2272 = arith.constant 0 : i32
    %dma_start3A_2273 = tpu.memref_slice %arg10[%dma_start3A_2271, %dma_start3A_2272] : memref<128x128xf32, #tpu.memory_space<vmem>> -> memref<1x128xf32, #tpu.memory_space<vmem>>
    %dma_start3A_2274 = arith.constant 0 : i32
    %dma_start3A_2275 = tpu.memref_slice %arg5[%add3A_2260, %add3A_2264, %dma_start3A_2274] : memref<4096x65x128xf32, #tpu.memory_space<hbm>> -> memref<1x1x128xf32, #tpu.memory_space<hbm>>
    %dma_start3A_2276 = tpu.memref_squeeze %dma_start3A_2275 : memref<1x1x128xf32, #tpu.memory_space<hbm>> -> memref<1x128xf32, #tpu.memory_space<hbm>>
    tpu.enqueue_dma source(%dma_start3A_2276 : memref<1x128xf32, #tpu.memory_space<hbm>>) target(%dma_start3A_2273 : memref<1x128xf32, #tpu.memory_space<vmem>>) target_semaphore(%arg24 : memref<!tpu.dma_semaphore, #tpu.memory_space<semaphore_mem>>)
    %add3A_2277 = arith.constant 125 : i32
    %add3A_2278 = arith.addi %mul3A_2, %add3A_2277 : i32
    %slice3A_2279 = vector.extract_strided_slice %get3A_2042 {offsets = [13], sizes = [1], strides = [1]} : vector<16xi32> to vector<1xi32>
    %squeeze3A_2280 = vector.extract %slice3A_2279[0] : i32 from vector<1xi32>
    %add3A_2281 = arith.constant 1 : i32
    %add3A_2282 = arith.addi %squeeze3A_2280, %add3A_2281 : i32
    %dma_start3A_2283 = arith.constant 125 : i32
    %dma_start3A_2284 = arith.constant 0 : i32
    %dma_start3A_2285 = tpu.memref_slice %arg10[%dma_start3A_2283, %dma_start3A_2284] : memref<128x128xf32, #tpu.memory_space<vmem>> -> memref<1x128xf32, #tpu.memory_space<vmem>>
    %dma_start3A_2286 = arith.constant 0 : i32
    %dma_start3A_2287 = tpu.memref_slice %arg5[%add3A_2278, %add3A_2282, %dma_start3A_2286] : memref<4096x65x128xf32, #tpu.memory_space<hbm>> -> memref<1x1x128xf32, #tpu.memory_space<hbm>>
    %dma_start3A_2288 = tpu.memref_squeeze %dma_start3A_2287 : memref<1x1x128xf32, #tpu.memory_space<hbm>> -> memref<1x128xf32, #tpu.memory_space<hbm>>
    %dma_start3A_2289 = arith.constant 125 : i32
    %dma_start3A_2290 = arith.constant 0 : i32
    %dma_start3A_2291 = tpu.memref_slice %arg10[%dma_start3A_2289, %dma_start3A_2290] : memref<128x128xf32, #tpu.memory_space<vmem>> -> memref<1x128xf32, #tpu.memory_space<vmem>>
    %dma_start3A_2292 = arith.constant 0 : i32
    %dma_start3A_2293 = tpu.memref_slice %arg5[%add3A_2278, %add3A_2282, %dma_start3A_2292] : memref<4096x65x128xf32, #tpu.memory_space<hbm>> -> memref<1x1x128xf32, #tpu.memory_space<hbm>>
    %dma_start3A_2294 = tpu.memref_squeeze %dma_start3A_2293 : memref<1x1x128xf32, #tpu.memory_space<hbm>> -> memref<1x128xf32, #tpu.memory_space<hbm>>
    tpu.enqueue_dma source(%dma_start3A_2294 : memref<1x128xf32, #tpu.memory_space<hbm>>) target(%dma_start3A_2291 : memref<1x128xf32, #tpu.memory_space<vmem>>) target_semaphore(%arg24 : memref<!tpu.dma_semaphore, #tpu.memory_space<semaphore_mem>>)
    %add3A_2295 = arith.constant 126 : i32
    %add3A_2296 = arith.addi %mul3A_2, %add3A_2295 : i32
    %slice3A_2297 = vector.extract_strided_slice %get3A_2042 {offsets = [14], sizes = [1], strides = [1]} : vector<16xi32> to vector<1xi32>
    %squeeze3A_2298 = vector.extract %slice3A_2297[0] : i32 from vector<1xi32>
    %add3A_2299 = arith.constant 1 : i32
    %add3A_2300 = arith.addi %squeeze3A_2298, %add3A_2299 : i32
    %dma_start3A_2301 = arith.constant 126 : i32
    %dma_start3A_2302 = arith.constant 0 : i32
    %dma_start3A_2303 = tpu.memref_slice %arg10[%dma_start3A_2301, %dma_start3A_2302] : memref<128x128xf32, #tpu.memory_space<vmem>> -> memref<1x128xf32, #tpu.memory_space<vmem>>
    %dma_start3A_2304 = arith.constant 0 : i32
    %dma_start3A_2305 = tpu.memref_slice %arg5[%add3A_2296, %add3A_2300, %dma_start3A_2304] : memref<4096x65x128xf32, #tpu.memory_space<hbm>> -> memref<1x1x128xf32, #tpu.memory_space<hbm>>
    %dma_start3A_2306 = tpu.memref_squeeze %dma_start3A_2305 : memref<1x1x128xf32, #tpu.memory_space<hbm>> -> memref<1x128xf32, #tpu.memory_space<hbm>>
    %dma_start3A_2307 = arith.constant 126 : i32
    %dma_start3A_2308 = arith.constant 0 : i32
    %dma_start3A_2309 = tpu.memref_slice %arg10[%dma_start3A_2307, %dma_start3A_2308] : memref<128x128xf32, #tpu.memory_space<vmem>> -> memref<1x128xf32, #tpu.memory_space<vmem>>
    %dma_start3A_2310 = arith.constant 0 : i32
    %dma_start3A_2311 = tpu.memref_slice %arg5[%add3A_2296, %add3A_2300, %dma_start3A_2310] : memref<4096x65x128xf32, #tpu.memory_space<hbm>> -> memref<1x1x128xf32, #tpu.memory_space<hbm>>
    %dma_start3A_2312 = tpu.memref_squeeze %dma_start3A_2311 : memref<1x1x128xf32, #tpu.memory_space<hbm>> -> memref<1x128xf32, #tpu.memory_space<hbm>>
    tpu.enqueue_dma source(%dma_start3A_2312 : memref<1x128xf32, #tpu.memory_space<hbm>>) target(%dma_start3A_2309 : memref<1x128xf32, #tpu.memory_space<vmem>>) target_semaphore(%arg24 : memref<!tpu.dma_semaphore, #tpu.memory_space<semaphore_mem>>)
    %add3A_2313 = arith.constant 127 : i32
    %add3A_2314 = arith.addi %mul3A_2, %add3A_2313 : i32
    %slice3A_2315 = vector.extract_strided_slice %get3A_2042 {offsets = [15], sizes = [1], strides = [1]} : vector<16xi32> to vector<1xi32>
    %squeeze3A_2316 = vector.extract %slice3A_2315[0] : i32 from vector<1xi32>
    %add3A_2317 = arith.constant 1 : i32
    %add3A_2318 = arith.addi %squeeze3A_2316, %add3A_2317 : i32
    %dma_start3A_2319 = arith.constant 127 : i32
    %dma_start3A_2320 = arith.constant 0 : i32
    %dma_start3A_2321 = tpu.memref_slice %arg10[%dma_start3A_2319, %dma_start3A_2320] : memref<128x128xf32, #tpu.memory_space<vmem>> -> memref<1x128xf32, #tpu.memory_space<vmem>>
    %dma_start3A_2322 = arith.constant 0 : i32
    %dma_start3A_2323 = tpu.memref_slice %arg5[%add3A_2314, %add3A_2318, %dma_start3A_2322] : memref<4096x65x128xf32, #tpu.memory_space<hbm>> -> memref<1x1x128xf32, #tpu.memory_space<hbm>>
    %dma_start3A_2324 = tpu.memref_squeeze %dma_start3A_2323 : memref<1x1x128xf32, #tpu.memory_space<hbm>> -> memref<1x128xf32, #tpu.memory_space<hbm>>
    %dma_start3A_2325 = arith.constant 127 : i32
    %dma_start3A_2326 = arith.constant 0 : i32
    %dma_start3A_2327 = tpu.memref_slice %arg10[%dma_start3A_2325, %dma_start3A_2326] : memref<128x128xf32, #tpu.memory_space<vmem>> -> memref<1x128xf32, #tpu.memory_space<vmem>>
    %dma_start3A_2328 = arith.constant 0 : i32
    %dma_start3A_2329 = tpu.memref_slice %arg5[%add3A_2314, %add3A_2318, %dma_start3A_2328] : memref<4096x65x128xf32, #tpu.memory_space<hbm>> -> memref<1x1x128xf32, #tpu.memory_space<hbm>>
    %dma_start3A_2330 = tpu.memref_squeeze %dma_start3A_2329 : memref<1x1x128xf32, #tpu.memory_space<hbm>> -> memref<1x128xf32, #tpu.memory_space<hbm>>
    tpu.enqueue_dma source(%dma_start3A_2330 : memref<1x128xf32, #tpu.memory_space<hbm>>) target(%dma_start3A_2327 : memref<1x128xf32, #tpu.memory_space<vmem>>) target_semaphore(%arg24 : memref<!tpu.dma_semaphore, #tpu.memory_space<semaphore_mem>>)
    %add3A_2331 = arith.constant 0 : i32
    %add3A_2332 = arith.addi %add3A_6, %add3A_2331 : i32
    %dma_start3A_2333 = arith.constant 0 : i32
    %dma_start3A_2334 = arith.constant 0 : i32
    %dma_start3A_2335 = tpu.memref_slice %arg3[%add3A_2332, %dma_start3A_2333, %dma_start3A_2334] : memref<4096x64x128xf32, #tpu.memory_space<hbm>> -> memref<2x64x128xf32, #tpu.memory_space<hbm>>
    %dma_start3A_2336 = arith.constant 0 : i32
    %dma_start3A_2337 = arith.constant 0 : i32
    %dma_start3A_2338 = tpu.memref_slice %arg3[%add3A_2332, %dma_start3A_2336, %dma_start3A_2337] : memref<4096x64x128xf32, #tpu.memory_space<hbm>> -> memref<2x64x128xf32, #tpu.memory_space<hbm>>
    tpu.enqueue_dma source(%dma_start3A_2338 : memref<2x64x128xf32, #tpu.memory_space<hbm>>) target(%arg12 : memref<2x64x128xf32, #tpu.memory_space<vmem>>) target_semaphore(%arg16 : memref<!tpu.dma_semaphore, #tpu.memory_space<semaphore_mem>>)
    %add3A_2339 = arith.constant 2 : i32
    %add3A_2340 = arith.addi %add3A_6, %add3A_2339 : i32
    %dma_start3A_2341 = arith.constant 0 : i32
    %dma_start3A_2342 = arith.constant 0 : i32
    %dma_start3A_2343 = tpu.memref_slice %arg3[%add3A_2340, %dma_start3A_2341, %dma_start3A_2342] : memref<4096x64x128xf32, #tpu.memory_space<hbm>> -> memref<2x64x128xf32, #tpu.memory_space<hbm>>
    %dma_start3A_2344 = arith.constant 0 : i32
    %dma_start3A_2345 = arith.constant 0 : i32
    %dma_start3A_2346 = tpu.memref_slice %arg3[%add3A_2340, %dma_start3A_2344, %dma_start3A_2345] : memref<4096x64x128xf32, #tpu.memory_space<hbm>> -> memref<2x64x128xf32, #tpu.memory_space<hbm>>
    tpu.enqueue_dma source(%dma_start3A_2346 : memref<2x64x128xf32, #tpu.memory_space<hbm>>) target(%arg13 : memref<2x64x128xf32, #tpu.memory_space<vmem>>) target_semaphore(%arg17 : memref<!tpu.dma_semaphore, #tpu.memory_space<semaphore_mem>>)
    %add3A_2347 = arith.constant 4 : i32
    %add3A_2348 = arith.addi %add3A_6, %add3A_2347 : i32
    %dma_start3A_2349 = arith.constant 0 : i32
    %dma_start3A_2350 = arith.constant 0 : i32
    %dma_start3A_2351 = tpu.memref_slice %arg3[%add3A_2348, %dma_start3A_2349, %dma_start3A_2350] : memref<4096x64x128xf32, #tpu.memory_space<hbm>> -> memref<2x64x128xf32, #tpu.memory_space<hbm>>
    %dma_start3A_2352 = arith.constant 0 : i32
    %dma_start3A_2353 = arith.constant 0 : i32
    %dma_start3A_2354 = tpu.memref_slice %arg3[%add3A_2348, %dma_start3A_2352, %dma_start3A_2353] : memref<4096x64x128xf32, #tpu.memory_space<hbm>> -> memref<2x64x128xf32, #tpu.memory_space<hbm>>
    tpu.enqueue_dma source(%dma_start3A_2354 : memref<2x64x128xf32, #tpu.memory_space<hbm>>) target(%arg14 : memref<2x64x128xf32, #tpu.memory_space<vmem>>) target_semaphore(%arg18 : memref<!tpu.dma_semaphore, #tpu.memory_space<semaphore_mem>>)
    %add3A_2355 = arith.constant 6 : i32
    %add3A_2356 = arith.addi %add3A_6, %add3A_2355 : i32
    %dma_start3A_2357 = arith.constant 0 : i32
    %dma_start3A_2358 = arith.constant 0 : i32
    %dma_start3A_2359 = tpu.memref_slice %arg3[%add3A_2356, %dma_start3A_2357, %dma_start3A_2358] : memref<4096x64x128xf32, #tpu.memory_space<hbm>> -> memref<2x64x128xf32, #tpu.memory_space<hbm>>
    %dma_start3A_2360 = arith.constant 0 : i32
    %dma_start3A_2361 = arith.constant 0 : i32
    %dma_start3A_2362 = tpu.memref_slice %arg3[%add3A_2356, %dma_start3A_2360, %dma_start3A_2361] : memref<4096x64x128xf32, #tpu.memory_space<hbm>> -> memref<2x64x128xf32, #tpu.memory_space<hbm>>
    tpu.enqueue_dma source(%dma_start3A_2362 : memref<2x64x128xf32, #tpu.memory_space<hbm>>) target(%arg15 : memref<2x64x128xf32, #tpu.memory_space<vmem>>) target_semaphore(%arg19 : memref<!tpu.dma_semaphore, #tpu.memory_space<semaphore_mem>>)
    %add3A_2363 = arith.constant 0 : i32
    %add3A_2364 = arith.addi %add3A_6, %add3A_2363 : i32
    %dma_wait3A = arith.constant 0 : i32
    %dma_wait3A_2365 = arith.constant 0 : i32
    %dma_wait3A_2366 = tpu.memref_slice %arg3[%add3A_2364, %dma_wait3A, %dma_wait3A_2365] : memref<4096x64x128xf32, #tpu.memory_space<hbm>> -> memref<2x64x128xf32, #tpu.memory_space<hbm>>
    %dma_wait3A_2367 = arith.constant 0 : i32
    %dma_wait3A_2368 = arith.constant 0 : i32
    %dma_wait3A_2369 = tpu.memref_slice %arg3[%add3A_2364, %dma_wait3A_2367, %dma_wait3A_2368] : memref<4096x64x128xf32, #tpu.memory_space<hbm>> -> memref<2x64x128xf32, #tpu.memory_space<hbm>>
    tpu.wait_dma2 semaphore(%arg16 : memref<!tpu.dma_semaphore, #tpu.memory_space<semaphore_mem>>) src(%dma_wait3A_2369 : memref<2x64x128xf32, #tpu.memory_space<hbm>>) dst(%arg12 : memref<2x64x128xf32, #tpu.memory_space<vmem>>)
    %add3A_2370 = arith.constant 0 : i32
    %add3A_2371 = arith.addi %add3A_6, %add3A_2370 : i32
    %dma_start3A_2372 = arith.constant 0 : i32
    %dma_start3A_2373 = arith.constant 0 : i32
    %dma_start3A_2374 = tpu.memref_slice %arg6[%add3A_2371, %dma_start3A_2372, %dma_start3A_2373] : memref<4096x64x128xf32, #tpu.memory_space<hbm>> -> memref<2x64x128xf32, #tpu.memory_space<hbm>>
    %dma_start3A_2375 = arith.constant 0 : i32
    %dma_start3A_2376 = arith.constant 0 : i32
    %dma_start3A_2377 = tpu.memref_slice %arg6[%add3A_2371, %dma_start3A_2375, %dma_start3A_2376] : memref<4096x64x128xf32, #tpu.memory_space<hbm>> -> memref<2x64x128xf32, #tpu.memory_space<hbm>>
    tpu.enqueue_dma source(%arg12 : memref<2x64x128xf32, #tpu.memory_space<vmem>>) target(%dma_start3A_2377 : memref<2x64x128xf32, #tpu.memory_space<hbm>>) target_semaphore(%arg20 : memref<!tpu.dma_semaphore, #tpu.memory_space<semaphore_mem>>)
    %add3A_2378 = arith.constant 0 : i32
    %add3A_2379 = arith.addi %add3A_6, %add3A_2378 : i32
    %dma_wait3A_2380 = arith.constant 0 : i32
    %dma_wait3A_2381 = arith.constant 0 : i32
    %dma_wait3A_2382 = tpu.memref_slice %arg6[%add3A_2379, %dma_wait3A_2380, %dma_wait3A_2381] : memref<4096x64x128xf32, #tpu.memory_space<hbm>> -> memref<2x64x128xf32, #tpu.memory_space<hbm>>
    %dma_wait3A_2383 = arith.constant 0 : i32
    %dma_wait3A_2384 = arith.constant 0 : i32
    %dma_wait3A_2385 = tpu.memref_slice %arg6[%add3A_2379, %dma_wait3A_2383, %dma_wait3A_2384] : memref<4096x64x128xf32, #tpu.memory_space<hbm>> -> memref<2x64x128xf32, #tpu.memory_space<hbm>>
    tpu.wait_dma2 semaphore(%arg20 : memref<!tpu.dma_semaphore, #tpu.memory_space<semaphore_mem>>) src(%arg12 : memref<2x64x128xf32, #tpu.memory_space<vmem>>) dst(%dma_wait3A_2385 : memref<2x64x128xf32, #tpu.memory_space<hbm>>)
    %add3A_2386 = arith.constant 8 : i32
    %add3A_2387 = arith.addi %add3A_6, %add3A_2386 : i32
    %dma_start3A_2388 = arith.constant 0 : i32
    %dma_start3A_2389 = arith.constant 0 : i32
    %dma_start3A_2390 = tpu.memref_slice %arg3[%add3A_2387, %dma_start3A_2388, %dma_start3A_2389] : memref<4096x64x128xf32, #tpu.memory_space<hbm>> -> memref<2x64x128xf32, #tpu.memory_space<hbm>>
    %dma_start3A_2391 = arith.constant 0 : i32
    %dma_start3A_2392 = arith.constant 0 : i32
    %dma_start3A_2393 = tpu.memref_slice %arg3[%add3A_2387, %dma_start3A_2391, %dma_start3A_2392] : memref<4096x64x128xf32, #tpu.memory_space<hbm>> -> memref<2x64x128xf32, #tpu.memory_space<hbm>>
    tpu.enqueue_dma source(%dma_start3A_2393 : memref<2x64x128xf32, #tpu.memory_space<hbm>>) target(%arg12 : memref<2x64x128xf32, #tpu.memory_space<vmem>>) target_semaphore(%arg16 : memref<!tpu.dma_semaphore, #tpu.memory_space<semaphore_mem>>)
    %add3A_2394 = arith.constant 2 : i32
    %add3A_2395 = arith.addi %add3A_6, %add3A_2394 : i32
    %dma_wait3A_2396 = arith.constant 0 : i32
    %dma_wait3A_2397 = arith.constant 0 : i32
    %dma_wait3A_2398 = tpu.memref_slice %arg3[%add3A_2395, %dma_wait3A_2396, %dma_wait3A_2397] : memref<4096x64x128xf32, #tpu.memory_space<hbm>> -> memref<2x64x128xf32, #tpu.memory_space<hbm>>
    %dma_wait3A_2399 = arith.constant 0 : i32
    %dma_wait3A_2400 = arith.constant 0 : i32
    %dma_wait3A_2401 = tpu.memref_slice %arg3[%add3A_2395, %dma_wait3A_2399, %dma_wait3A_2400] : memref<4096x64x128xf32, #tpu.memory_space<hbm>> -> memref<2x64x128xf32, #tpu.memory_space<hbm>>
    tpu.wait_dma2 semaphore(%arg17 : memref<!tpu.dma_semaphore, #tpu.memory_space<semaphore_mem>>) src(%dma_wait3A_2401 : memref<2x64x128xf32, #tpu.memory_space<hbm>>) dst(%arg13 : memref<2x64x128xf32, #tpu.memory_space<vmem>>)
    %add3A_2402 = arith.constant 2 : i32
    %add3A_2403 = arith.addi %add3A_6, %add3A_2402 : i32
    %dma_start3A_2404 = arith.constant 0 : i32
    %dma_start3A_2405 = arith.constant 0 : i32
    %dma_start3A_2406 = tpu.memref_slice %arg6[%add3A_2403, %dma_start3A_2404, %dma_start3A_2405] : memref<4096x64x128xf32, #tpu.memory_space<hbm>> -> memref<2x64x128xf32, #tpu.memory_space<hbm>>
    %dma_start3A_2407 = arith.constant 0 : i32
    %dma_start3A_2408 = arith.constant 0 : i32
    %dma_start3A_2409 = tpu.memref_slice %arg6[%add3A_2403, %dma_start3A_2407, %dma_start3A_2408] : memref<4096x64x128xf32, #tpu.memory_space<hbm>> -> memref<2x64x128xf32, #tpu.memory_space<hbm>>
    tpu.enqueue_dma source(%arg13 : memref<2x64x128xf32, #tpu.memory_space<vmem>>) target(%dma_start3A_2409 : memref<2x64x128xf32, #tpu.memory_space<hbm>>) target_semaphore(%arg21 : memref<!tpu.dma_semaphore, #tpu.memory_space<semaphore_mem>>)
    %add3A_2410 = arith.constant 2 : i32
    %add3A_2411 = arith.addi %add3A_6, %add3A_2410 : i32
    %dma_wait3A_2412 = arith.constant 0 : i32
    %dma_wait3A_2413 = arith.constant 0 : i32
    %dma_wait3A_2414 = tpu.memref_slice %arg6[%add3A_2411, %dma_wait3A_2412, %dma_wait3A_2413] : memref<4096x64x128xf32, #tpu.memory_space<hbm>> -> memref<2x64x128xf32, #tpu.memory_space<hbm>>
    %dma_wait3A_2415 = arith.constant 0 : i32
    %dma_wait3A_2416 = arith.constant 0 : i32
    %dma_wait3A_2417 = tpu.memref_slice %arg6[%add3A_2411, %dma_wait3A_2415, %dma_wait3A_2416] : memref<4096x64x128xf32, #tpu.memory_space<hbm>> -> memref<2x64x128xf32, #tpu.memory_space<hbm>>
    tpu.wait_dma2 semaphore(%arg21 : memref<!tpu.dma_semaphore, #tpu.memory_space<semaphore_mem>>) src(%arg13 : memref<2x64x128xf32, #tpu.memory_space<vmem>>) dst(%dma_wait3A_2417 : memref<2x64x128xf32, #tpu.memory_space<hbm>>)
    %add3A_2418 = arith.constant 10 : i32
    %add3A_2419 = arith.addi %add3A_6, %add3A_2418 : i32
    %dma_start3A_2420 = arith.constant 0 : i32
    %dma_start3A_2421 = arith.constant 0 : i32
    %dma_start3A_2422 = tpu.memref_slice %arg3[%add3A_2419, %dma_start3A_2420, %dma_start3A_2421] : memref<4096x64x128xf32, #tpu.memory_space<hbm>> -> memref<2x64x128xf32, #tpu.memory_space<hbm>>
    %dma_start3A_2423 = arith.constant 0 : i32
    %dma_start3A_2424 = arith.constant 0 : i32
    %dma_start3A_2425 = tpu.memref_slice %arg3[%add3A_2419, %dma_start3A_2423, %dma_start3A_2424] : memref<4096x64x128xf32, #tpu.memory_space<hbm>> -> memref<2x64x128xf32, #tpu.memory_space<hbm>>
    tpu.enqueue_dma source(%dma_start3A_2425 : memref<2x64x128xf32, #tpu.memory_space<hbm>>) target(%arg13 : memref<2x64x128xf32, #tpu.memory_space<vmem>>) target_semaphore(%arg17 : memref<!tpu.dma_semaphore, #tpu.memory_space<semaphore_mem>>)
    %add3A_2426 = arith.constant 4 : i32
    %add3A_2427 = arith.addi %add3A_6, %add3A_2426 : i32
    %dma_wait3A_2428 = arith.constant 0 : i32
    %dma_wait3A_2429 = arith.constant 0 : i32
    %dma_wait3A_2430 = tpu.memref_slice %arg3[%add3A_2427, %dma_wait3A_2428, %dma_wait3A_2429] : memref<4096x64x128xf32, #tpu.memory_space<hbm>> -> memref<2x64x128xf32, #tpu.memory_space<hbm>>
    %dma_wait3A_2431 = arith.constant 0 : i32
    %dma_wait3A_2432 = arith.constant 0 : i32
    %dma_wait3A_2433 = tpu.memref_slice %arg3[%add3A_2427, %dma_wait3A_2431, %dma_wait3A_2432] : memref<4096x64x128xf32, #tpu.memory_space<hbm>> -> memref<2x64x128xf32, #tpu.memory_space<hbm>>
    tpu.wait_dma2 semaphore(%arg18 : memref<!tpu.dma_semaphore, #tpu.memory_space<semaphore_mem>>) src(%dma_wait3A_2433 : memref<2x64x128xf32, #tpu.memory_space<hbm>>) dst(%arg14 : memref<2x64x128xf32, #tpu.memory_space<vmem>>)
    %add3A_2434 = arith.constant 4 : i32
    %add3A_2435 = arith.addi %add3A_6, %add3A_2434 : i32
    %dma_start3A_2436 = arith.constant 0 : i32
    %dma_start3A_2437 = arith.constant 0 : i32
    %dma_start3A_2438 = tpu.memref_slice %arg6[%add3A_2435, %dma_start3A_2436, %dma_start3A_2437] : memref<4096x64x128xf32, #tpu.memory_space<hbm>> -> memref<2x64x128xf32, #tpu.memory_space<hbm>>
    %dma_start3A_2439 = arith.constant 0 : i32
    %dma_start3A_2440 = arith.constant 0 : i32
    %dma_start3A_2441 = tpu.memref_slice %arg6[%add3A_2435, %dma_start3A_2439, %dma_start3A_2440] : memref<4096x64x128xf32, #tpu.memory_space<hbm>> -> memref<2x64x128xf32, #tpu.memory_space<hbm>>
    tpu.enqueue_dma source(%arg14 : memref<2x64x128xf32, #tpu.memory_space<vmem>>) target(%dma_start3A_2441 : memref<2x64x128xf32, #tpu.memory_space<hbm>>) target_semaphore(%arg22 : memref<!tpu.dma_semaphore, #tpu.memory_space<semaphore_mem>>)
    %add3A_2442 = arith.constant 4 : i32
    %add3A_2443 = arith.addi %add3A_6, %add3A_2442 : i32
    %dma_wait3A_2444 = arith.constant 0 : i32
    %dma_wait3A_2445 = arith.constant 0 : i32
    %dma_wait3A_2446 = tpu.memref_slice %arg6[%add3A_2443, %dma_wait3A_2444, %dma_wait3A_2445] : memref<4096x64x128xf32, #tpu.memory_space<hbm>> -> memref<2x64x128xf32, #tpu.memory_space<hbm>>
    %dma_wait3A_2447 = arith.constant 0 : i32
    %dma_wait3A_2448 = arith.constant 0 : i32
    %dma_wait3A_2449 = tpu.memref_slice %arg6[%add3A_2443, %dma_wait3A_2447, %dma_wait3A_2448] : memref<4096x64x128xf32, #tpu.memory_space<hbm>> -> memref<2x64x128xf32, #tpu.memory_space<hbm>>
    tpu.wait_dma2 semaphore(%arg22 : memref<!tpu.dma_semaphore, #tpu.memory_space<semaphore_mem>>) src(%arg14 : memref<2x64x128xf32, #tpu.memory_space<vmem>>) dst(%dma_wait3A_2449 : memref<2x64x128xf32, #tpu.memory_space<hbm>>)
    %add3A_2450 = arith.constant 12 : i32
    %add3A_2451 = arith.addi %add3A_6, %add3A_2450 : i32
    %dma_start3A_2452 = arith.constant 0 : i32
    %dma_start3A_2453 = arith.constant 0 : i32
    %dma_start3A_2454 = tpu.memref_slice %arg3[%add3A_2451, %dma_start3A_2452, %dma_start3A_2453] : memref<4096x64x128xf32, #tpu.memory_space<hbm>> -> memref<2x64x128xf32, #tpu.memory_space<hbm>>
    %dma_start3A_2455 = arith.constant 0 : i32
    %dma_start3A_2456 = arith.constant 0 : i32
    %dma_start3A_2457 = tpu.memref_slice %arg3[%add3A_2451, %dma_start3A_2455, %dma_start3A_2456] : memref<4096x64x128xf32, #tpu.memory_space<hbm>> -> memref<2x64x128xf32, #tpu.memory_space<hbm>>
    tpu.enqueue_dma source(%dma_start3A_2457 : memref<2x64x128xf32, #tpu.memory_space<hbm>>) target(%arg14 : memref<2x64x128xf32, #tpu.memory_space<vmem>>) target_semaphore(%arg18 : memref<!tpu.dma_semaphore, #tpu.memory_space<semaphore_mem>>)
    %add3A_2458 = arith.constant 6 : i32
    %add3A_2459 = arith.addi %add3A_6, %add3A_2458 : i32
    %dma_wait3A_2460 = arith.constant 0 : i32
    %dma_wait3A_2461 = arith.constant 0 : i32
    %dma_wait3A_2462 = tpu.memref_slice %arg3[%add3A_2459, %dma_wait3A_2460, %dma_wait3A_2461] : memref<4096x64x128xf32, #tpu.memory_space<hbm>> -> memref<2x64x128xf32, #tpu.memory_space<hbm>>
    %dma_wait3A_2463 = arith.constant 0 : i32
    %dma_wait3A_2464 = arith.constant 0 : i32
    %dma_wait3A_2465 = tpu.memref_slice %arg3[%add3A_2459, %dma_wait3A_2463, %dma_wait3A_2464] : memref<4096x64x128xf32, #tpu.memory_space<hbm>> -> memref<2x64x128xf32, #tpu.memory_space<hbm>>
    tpu.wait_dma2 semaphore(%arg19 : memref<!tpu.dma_semaphore, #tpu.memory_space<semaphore_mem>>) src(%dma_wait3A_2465 : memref<2x64x128xf32, #tpu.memory_space<hbm>>) dst(%arg15 : memref<2x64x128xf32, #tpu.memory_space<vmem>>)
    %add3A_2466 = arith.constant 6 : i32
    %add3A_2467 = arith.addi %add3A_6, %add3A_2466 : i32
    %dma_start3A_2468 = arith.constant 0 : i32
    %dma_start3A_2469 = arith.constant 0 : i32
    %dma_start3A_2470 = tpu.memref_slice %arg6[%add3A_2467, %dma_start3A_2468, %dma_start3A_2469] : memref<4096x64x128xf32, #tpu.memory_space<hbm>> -> memref<2x64x128xf32, #tpu.memory_space<hbm>>
    %dma_start3A_2471 = arith.constant 0 : i32
    %dma_start3A_2472 = arith.constant 0 : i32
    %dma_start3A_2473 = tpu.memref_slice %arg6[%add3A_2467, %dma_start3A_2471, %dma_start3A_2472] : memref<4096x64x128xf32, #tpu.memory_space<hbm>> -> memref<2x64x128xf32, #tpu.memory_space<hbm>>
    tpu.enqueue_dma source(%arg15 : memref<2x64x128xf32, #tpu.memory_space<vmem>>) target(%dma_start3A_2473 : memref<2x64x128xf32, #tpu.memory_space<hbm>>) target_semaphore(%arg23 : memref<!tpu.dma_semaphore, #tpu.memory_space<semaphore_mem>>)
    %add3A_2474 = arith.constant 6 : i32
    %add3A_2475 = arith.addi %add3A_6, %add3A_2474 : i32
    %dma_wait3A_2476 = arith.constant 0 : i32
    %dma_wait3A_2477 = arith.constant 0 : i32
    %dma_wait3A_2478 = tpu.memref_slice %arg6[%add3A_2475, %dma_wait3A_2476, %dma_wait3A_2477] : memref<4096x64x128xf32, #tpu.memory_space<hbm>> -> memref<2x64x128xf32, #tpu.memory_space<hbm>>
    %dma_wait3A_2479 = arith.constant 0 : i32
    %dma_wait3A_2480 = arith.constant 0 : i32
    %dma_wait3A_2481 = tpu.memref_slice %arg6[%add3A_2475, %dma_wait3A_2479, %dma_wait3A_2480] : memref<4096x64x128xf32, #tpu.memory_space<hbm>> -> memref<2x64x128xf32, #tpu.memory_space<hbm>>
    tpu.wait_dma2 semaphore(%arg23 : memref<!tpu.dma_semaphore, #tpu.memory_space<semaphore_mem>>) src(%arg15 : memref<2x64x128xf32, #tpu.memory_space<vmem>>) dst(%dma_wait3A_2481 : memref<2x64x128xf32, #tpu.memory_space<hbm>>)
    %add3A_2482 = arith.constant 14 : i32
    %add3A_2483 = arith.addi %add3A_6, %add3A_2482 : i32
    %dma_start3A_2484 = arith.constant 0 : i32
    %dma_start3A_2485 = arith.constant 0 : i32
    %dma_start3A_2486 = tpu.memref_slice %arg3[%add3A_2483, %dma_start3A_2484, %dma_start3A_2485] : memref<4096x64x128xf32, #tpu.memory_space<hbm>> -> memref<2x64x128xf32, #tpu.memory_space<hbm>>
    %dma_start3A_2487 = arith.constant 0 : i32
    %dma_start3A_2488 = arith.constant 0 : i32
    %dma_start3A_2489 = tpu.memref_slice %arg3[%add3A_2483, %dma_start3A_2487, %dma_start3A_2488] : memref<4096x64x128xf32, #tpu.memory_space<hbm>> -> memref<2x64x128xf32, #tpu.memory_space<hbm>>
    tpu.enqueue_dma source(%dma_start3A_2489 : memref<2x64x128xf32, #tpu.memory_space<hbm>>) target(%arg15 : memref<2x64x128xf32, #tpu.memory_space<vmem>>) target_semaphore(%arg19 : memref<!tpu.dma_semaphore, #tpu.memory_space<semaphore_mem>>)
    %add3A_2490 = arith.constant 8 : i32
    %add3A_2491 = arith.addi %add3A_6, %add3A_2490 : i32
    %dma_wait3A_2492 = arith.constant 0 : i32
    %dma_wait3A_2493 = arith.constant 0 : i32
    %dma_wait3A_2494 = tpu.memref_slice %arg3[%add3A_2491, %dma_wait3A_2492, %dma_wait3A_2493] : memref<4096x64x128xf32, #tpu.memory_space<hbm>> -> memref<2x64x128xf32, #tpu.memory_space<hbm>>
    %dma_wait3A_2495 = arith.constant 0 : i32
    %dma_wait3A_2496 = arith.constant 0 : i32
    %dma_wait3A_2497 = tpu.memref_slice %arg3[%add3A_2491, %dma_wait3A_2495, %dma_wait3A_2496] : memref<4096x64x128xf32, #tpu.memory_space<hbm>> -> memref<2x64x128xf32, #tpu.memory_space<hbm>>
    tpu.wait_dma2 semaphore(%arg16 : memref<!tpu.dma_semaphore, #tpu.memory_space<semaphore_mem>>) src(%dma_wait3A_2497 : memref<2x64x128xf32, #tpu.memory_space<hbm>>) dst(%arg12 : memref<2x64x128xf32, #tpu.memory_space<vmem>>)
    %add3A_2498 = arith.constant 8 : i32
    %add3A_2499 = arith.addi %add3A_6, %add3A_2498 : i32
    %dma_start3A_2500 = arith.constant 0 : i32
    %dma_start3A_2501 = arith.constant 0 : i32
    %dma_start3A_2502 = tpu.memref_slice %arg6[%add3A_2499, %dma_start3A_2500, %dma_start3A_2501] : memref<4096x64x128xf32, #tpu.memory_space<hbm>> -> memref<2x64x128xf32, #tpu.memory_space<hbm>>
    %dma_start3A_2503 = arith.constant 0 : i32
    %dma_start3A_2504 = arith.constant 0 : i32
    %dma_start3A_2505 = tpu.memref_slice %arg6[%add3A_2499, %dma_start3A_2503, %dma_start3A_2504] : memref<4096x64x128xf32, #tpu.memory_space<hbm>> -> memref<2x64x128xf32, #tpu.memory_space<hbm>>
    tpu.enqueue_dma source(%arg12 : memref<2x64x128xf32, #tpu.memory_space<vmem>>) target(%dma_start3A_2505 : memref<2x64x128xf32, #tpu.memory_space<hbm>>) target_semaphore(%arg20 : memref<!tpu.dma_semaphore, #tpu.memory_space<semaphore_mem>>)
    %add3A_2506 = arith.constant 10 : i32
    %add3A_2507 = arith.addi %add3A_6, %add3A_2506 : i32
    %dma_wait3A_2508 = arith.constant 0 : i32
    %dma_wait3A_2509 = arith.constant 0 : i32
    %dma_wait3A_2510 = tpu.memref_slice %arg3[%add3A_2507, %dma_wait3A_2508, %dma_wait3A_2509] : memref<4096x64x128xf32, #tpu.memory_space<hbm>> -> memref<2x64x128xf32, #tpu.memory_space<hbm>>
    %dma_wait3A_2511 = arith.constant 0 : i32
    %dma_wait3A_2512 = arith.constant 0 : i32
    %dma_wait3A_2513 = tpu.memref_slice %arg3[%add3A_2507, %dma_wait3A_2511, %dma_wait3A_2512] : memref<4096x64x128xf32, #tpu.memory_space<hbm>> -> memref<2x64x128xf32, #tpu.memory_space<hbm>>
    tpu.wait_dma2 semaphore(%arg17 : memref<!tpu.dma_semaphore, #tpu.memory_space<semaphore_mem>>) src(%dma_wait3A_2513 : memref<2x64x128xf32, #tpu.memory_space<hbm>>) dst(%arg13 : memref<2x64x128xf32, #tpu.memory_space<vmem>>)
    %add3A_2514 = arith.constant 10 : i32
    %add3A_2515 = arith.addi %add3A_6, %add3A_2514 : i32
    %dma_start3A_2516 = arith.constant 0 : i32
    %dma_start3A_2517 = arith.constant 0 : i32
    %dma_start3A_2518 = tpu.memref_slice %arg6[%add3A_2515, %dma_start3A_2516, %dma_start3A_2517] : memref<4096x64x128xf32, #tpu.memory_space<hbm>> -> memref<2x64x128xf32, #tpu.memory_space<hbm>>
    %dma_start3A_2519 = arith.constant 0 : i32
    %dma_start3A_2520 = arith.constant 0 : i32
    %dma_start3A_2521 = tpu.memref_slice %arg6[%add3A_2515, %dma_start3A_2519, %dma_start3A_2520] : memref<4096x64x128xf32, #tpu.memory_space<hbm>> -> memref<2x64x128xf32, #tpu.memory_space<hbm>>
    tpu.enqueue_dma source(%arg13 : memref<2x64x128xf32, #tpu.memory_space<vmem>>) target(%dma_start3A_2521 : memref<2x64x128xf32, #tpu.memory_space<hbm>>) target_semaphore(%arg21 : memref<!tpu.dma_semaphore, #tpu.memory_space<semaphore_mem>>)
    %add3A_2522 = arith.constant 12 : i32
    %add3A_2523 = arith.addi %add3A_6, %add3A_2522 : i32
    %dma_wait3A_2524 = arith.constant 0 : i32
    %dma_wait3A_2525 = arith.constant 0 : i32
    %dma_wait3A_2526 = tpu.memref_slice %arg3[%add3A_2523, %dma_wait3A_2524, %dma_wait3A_2525] : memref<4096x64x128xf32, #tpu.memory_space<hbm>> -> memref<2x64x128xf32, #tpu.memory_space<hbm>>
    %dma_wait3A_2527 = arith.constant 0 : i32
    %dma_wait3A_2528 = arith.constant 0 : i32
    %dma_wait3A_2529 = tpu.memref_slice %arg3[%add3A_2523, %dma_wait3A_2527, %dma_wait3A_2528] : memref<4096x64x128xf32, #tpu.memory_space<hbm>> -> memref<2x64x128xf32, #tpu.memory_space<hbm>>
    tpu.wait_dma2 semaphore(%arg18 : memref<!tpu.dma_semaphore, #tpu.memory_space<semaphore_mem>>) src(%dma_wait3A_2529 : memref<2x64x128xf32, #tpu.memory_space<hbm>>) dst(%arg14 : memref<2x64x128xf32, #tpu.memory_space<vmem>>)
    %add3A_2530 = arith.constant 12 : i32
    %add3A_2531 = arith.addi %add3A_6, %add3A_2530 : i32
    %dma_start3A_2532 = arith.constant 0 : i32
    %dma_start3A_2533 = arith.constant 0 : i32
    %dma_start3A_2534 = tpu.memref_slice %arg6[%add3A_2531, %dma_start3A_2532, %dma_start3A_2533] : memref<4096x64x128xf32, #tpu.memory_space<hbm>> -> memref<2x64x128xf32, #tpu.memory_space<hbm>>
    %dma_start3A_2535 = arith.constant 0 : i32
    %dma_start3A_2536 = arith.constant 0 : i32
    %dma_start3A_2537 = tpu.memref_slice %arg6[%add3A_2531, %dma_start3A_2535, %dma_start3A_2536] : memref<4096x64x128xf32, #tpu.memory_space<hbm>> -> memref<2x64x128xf32, #tpu.memory_space<hbm>>
    tpu.enqueue_dma source(%arg14 : memref<2x64x128xf32, #tpu.memory_space<vmem>>) target(%dma_start3A_2537 : memref<2x64x128xf32, #tpu.memory_space<hbm>>) target_semaphore(%arg22 : memref<!tpu.dma_semaphore, #tpu.memory_space<semaphore_mem>>)
    %add3A_2538 = arith.constant 14 : i32
    %add3A_2539 = arith.addi %add3A_6, %add3A_2538 : i32
    %dma_wait3A_2540 = arith.constant 0 : i32
    %dma_wait3A_2541 = arith.constant 0 : i32
    %dma_wait3A_2542 = tpu.memref_slice %arg3[%add3A_2539, %dma_wait3A_2540, %dma_wait3A_2541] : memref<4096x64x128xf32, #tpu.memory_space<hbm>> -> memref<2x64x128xf32, #tpu.memory_space<hbm>>
    %dma_wait3A_2543 = arith.constant 0 : i32
    %dma_wait3A_2544 = arith.constant 0 : i32
    %dma_wait3A_2545 = tpu.memref_slice %arg3[%add3A_2539, %dma_wait3A_2543, %dma_wait3A_2544] : memref<4096x64x128xf32, #tpu.memory_space<hbm>> -> memref<2x64x128xf32, #tpu.memory_space<hbm>>
    tpu.wait_dma2 semaphore(%arg19 : memref<!tpu.dma_semaphore, #tpu.memory_space<semaphore_mem>>) src(%dma_wait3A_2545 : memref<2x64x128xf32, #tpu.memory_space<hbm>>) dst(%arg15 : memref<2x64x128xf32, #tpu.memory_space<vmem>>)
    %add3A_2546 = arith.constant 14 : i32
    %add3A_2547 = arith.addi %add3A_6, %add3A_2546 : i32
    %dma_start3A_2548 = arith.constant 0 : i32
    %dma_start3A_2549 = arith.constant 0 : i32
    %dma_start3A_2550 = tpu.memref_slice %arg6[%add3A_2547, %dma_start3A_2548, %dma_start3A_2549] : memref<4096x64x128xf32, #tpu.memory_space<hbm>> -> memref<2x64x128xf32, #tpu.memory_space<hbm>>
    %dma_start3A_2551 = arith.constant 0 : i32
    %dma_start3A_2552 = arith.constant 0 : i32
    %dma_start3A_2553 = tpu.memref_slice %arg6[%add3A_2547, %dma_start3A_2551, %dma_start3A_2552] : memref<4096x64x128xf32, #tpu.memory_space<hbm>> -> memref<2x64x128xf32, #tpu.memory_space<hbm>>
    tpu.enqueue_dma source(%arg15 : memref<2x64x128xf32, #tpu.memory_space<vmem>>) target(%dma_start3A_2553 : memref<2x64x128xf32, #tpu.memory_space<hbm>>) target_semaphore(%arg23 : memref<!tpu.dma_semaphore, #tpu.memory_space<semaphore_mem>>)
    %add3A_2554 = arith.constant 8 : i32
    %add3A_2555 = arith.addi %add3A_6, %add3A_2554 : i32
    %dma_wait3A_2556 = arith.constant 0 : i32
    %dma_wait3A_2557 = arith.constant 0 : i32
    %dma_wait3A_2558 = tpu.memref_slice %arg6[%add3A_2555, %dma_wait3A_2556, %dma_wait3A_2557] : memref<4096x64x128xf32, #tpu.memory_space<hbm>> -> memref<2x64x128xf32, #tpu.memory_space<hbm>>
    %dma_wait3A_2559 = arith.constant 0 : i32
    %dma_wait3A_2560 = arith.constant 0 : i32
    %dma_wait3A_2561 = tpu.memref_slice %arg6[%add3A_2555, %dma_wait3A_2559, %dma_wait3A_2560] : memref<4096x64x128xf32, #tpu.memory_space<hbm>> -> memref<2x64x128xf32, #tpu.memory_space<hbm>>
    tpu.wait_dma2 semaphore(%arg20 : memref<!tpu.dma_semaphore, #tpu.memory_space<semaphore_mem>>) src(%arg12 : memref<2x64x128xf32, #tpu.memory_space<vmem>>) dst(%dma_wait3A_2561 : memref<2x64x128xf32, #tpu.memory_space<hbm>>)
    %add3A_2562 = arith.constant 10 : i32
    %add3A_2563 = arith.addi %add3A_6, %add3A_2562 : i32
    %dma_wait3A_2564 = arith.constant 0 : i32
    %dma_wait3A_2565 = arith.constant 0 : i32
    %dma_wait3A_2566 = tpu.memref_slice %arg6[%add3A_2563, %dma_wait3A_2564, %dma_wait3A_2565] : memref<4096x64x128xf32, #tpu.memory_space<hbm>> -> memref<2x64x128xf32, #tpu.memory_space<hbm>>
    %dma_wait3A_2567 = arith.constant 0 : i32
    %dma_wait3A_2568 = arith.constant 0 : i32
    %dma_wait3A_2569 = tpu.memref_slice %arg6[%add3A_2563, %dma_wait3A_2567, %dma_wait3A_2568] : memref<4096x64x128xf32, #tpu.memory_space<hbm>> -> memref<2x64x128xf32, #tpu.memory_space<hbm>>
    tpu.wait_dma2 semaphore(%arg21 : memref<!tpu.dma_semaphore, #tpu.memory_space<semaphore_mem>>) src(%arg13 : memref<2x64x128xf32, #tpu.memory_space<vmem>>) dst(%dma_wait3A_2569 : memref<2x64x128xf32, #tpu.memory_space<hbm>>)
    %add3A_2570 = arith.constant 12 : i32
    %add3A_2571 = arith.addi %add3A_6, %add3A_2570 : i32
    %dma_wait3A_2572 = arith.constant 0 : i32
    %dma_wait3A_2573 = arith.constant 0 : i32
    %dma_wait3A_2574 = tpu.memref_slice %arg6[%add3A_2571, %dma_wait3A_2572, %dma_wait3A_2573] : memref<4096x64x128xf32, #tpu.memory_space<hbm>> -> memref<2x64x128xf32, #tpu.memory_space<hbm>>
    %dma_wait3A_2575 = arith.constant 0 : i32
    %dma_wait3A_2576 = arith.constant 0 : i32
    %dma_wait3A_2577 = tpu.memref_slice %arg6[%add3A_2571, %dma_wait3A_2575, %dma_wait3A_2576] : memref<4096x64x128xf32, #tpu.memory_space<hbm>> -> memref<2x64x128xf32, #tpu.memory_space<hbm>>
    tpu.wait_dma2 semaphore(%arg22 : memref<!tpu.dma_semaphore, #tpu.memory_space<semaphore_mem>>) src(%arg14 : memref<2x64x128xf32, #tpu.memory_space<vmem>>) dst(%dma_wait3A_2577 : memref<2x64x128xf32, #tpu.memory_space<hbm>>)
    %add3A_2578 = arith.constant 14 : i32
    %add3A_2579 = arith.addi %add3A_6, %add3A_2578 : i32
    %dma_wait3A_2580 = arith.constant 0 : i32
    %dma_wait3A_2581 = arith.constant 0 : i32
    %dma_wait3A_2582 = tpu.memref_slice %arg6[%add3A_2579, %dma_wait3A_2580, %dma_wait3A_2581] : memref<4096x64x128xf32, #tpu.memory_space<hbm>> -> memref<2x64x128xf32, #tpu.memory_space<hbm>>
    %dma_wait3A_2583 = arith.constant 0 : i32
    %dma_wait3A_2584 = arith.constant 0 : i32
    %dma_wait3A_2585 = tpu.memref_slice %arg6[%add3A_2579, %dma_wait3A_2583, %dma_wait3A_2584] : memref<4096x64x128xf32, #tpu.memory_space<hbm>> -> memref<2x64x128xf32, #tpu.memory_space<hbm>>
    tpu.wait_dma2 semaphore(%arg23 : memref<!tpu.dma_semaphore, #tpu.memory_space<semaphore_mem>>) src(%arg15 : memref<2x64x128xf32, #tpu.memory_space<vmem>>) dst(%dma_wait3A_2585 : memref<2x64x128xf32, #tpu.memory_space<hbm>>)
    %get3A_2586 = arith.constant 0 : index
    %get3A_2587 = tpu.vector_load %arg9[%get3A_2586] {strides = array<i32>} : memref<16xi32, #tpu.memory_space<vmem>>, vector<16xi32>,
    %get3A_2588 = vector.shape_cast %get3A_2587 : vector<16xi32> to vector<16xi32>
    %add3A_2589 = arith.constant 0 : i32
    %add3A_2590 = arith.addi %add3A_6, %add3A_2589 : i32
    %slice3A_2591 = vector.extract_strided_slice %get3A_2588 {offsets = [0], sizes = [1], strides = [1]} : vector<16xi32> to vector<1xi32>
    %squeeze3A_2592 = vector.extract %slice3A_2591[0] : i32 from vector<1xi32>
    %dma_start3A_2593 = arith.constant 0 : i32
    %dma_start3A_2594 = arith.constant 0 : i32
    %dma_start3A_2595 = tpu.memref_slice %arg11[%dma_start3A_2593, %dma_start3A_2594] : memref<16x128xf32, #tpu.memory_space<vmem>> -> memref<1x128xf32, #tpu.memory_space<vmem>>
    %dma_start3A_2596 = arith.constant 0 : i32
    %dma_start3A_2597 = tpu.memref_slice %arg6[%add3A_2590, %squeeze3A_2592, %dma_start3A_2596] : memref<4096x64x128xf32, #tpu.memory_space<hbm>> -> memref<1x1x128xf32, #tpu.memory_space<hbm>>
    %dma_start3A_2598 = tpu.memref_squeeze %dma_start3A_2597 : memref<1x1x128xf32, #tpu.memory_space<hbm>> -> memref<1x128xf32, #tpu.memory_space<hbm>>
    %dma_start3A_2599 = arith.constant 0 : i32
    %dma_start3A_2600 = tpu.memref_slice %arg6[%add3A_2590, %squeeze3A_2592, %dma_start3A_2599] : memref<4096x64x128xf32, #tpu.memory_space<hbm>> -> memref<1x1x128xf32, #tpu.memory_space<hbm>>
    %dma_start3A_2601 = tpu.memref_squeeze %dma_start3A_2600 : memref<1x1x128xf32, #tpu.memory_space<hbm>> -> memref<1x128xf32, #tpu.memory_space<hbm>>
    %dma_start3A_2602 = arith.constant 0 : i32
    %dma_start3A_2603 = arith.constant 0 : i32
    %dma_start3A_2604 = tpu.memref_slice %arg11[%dma_start3A_2602, %dma_start3A_2603] : memref<16x128xf32, #tpu.memory_space<vmem>> -> memref<1x128xf32, #tpu.memory_space<vmem>>
    tpu.enqueue_dma source(%dma_start3A_2604 : memref<1x128xf32, #tpu.memory_space<vmem>>) target(%dma_start3A_2601 : memref<1x128xf32, #tpu.memory_space<hbm>>) target_semaphore(%arg25 : memref<!tpu.dma_semaphore, #tpu.memory_space<semaphore_mem>>)
    %add3A_2605 = arith.constant 1 : i32
    %add3A_2606 = arith.addi %add3A_6, %add3A_2605 : i32
    %slice3A_2607 = vector.extract_strided_slice %get3A_2588 {offsets = [1], sizes = [1], strides = [1]} : vector<16xi32> to vector<1xi32>
    %squeeze3A_2608 = vector.extract %slice3A_2607[0] : i32 from vector<1xi32>
    %dma_start3A_2609 = arith.constant 1 : i32
    %dma_start3A_2610 = arith.constant 0 : i32
    %dma_start3A_2611 = tpu.memref_slice %arg11[%dma_start3A_2609, %dma_start3A_2610] : memref<16x128xf32, #tpu.memory_space<vmem>> -> memref<1x128xf32, #tpu.memory_space<vmem>>
    %dma_start3A_2612 = arith.constant 0 : i32
    %dma_start3A_2613 = tpu.memref_slice %arg6[%add3A_2606, %squeeze3A_2608, %dma_start3A_2612] : memref<4096x64x128xf32, #tpu.memory_space<hbm>> -> memref<1x1x128xf32, #tpu.memory_space<hbm>>
    %dma_start3A_2614 = tpu.memref_squeeze %dma_start3A_2613 : memref<1x1x128xf32, #tpu.memory_space<hbm>> -> memref<1x128xf32, #tpu.memory_space<hbm>>
    %dma_start3A_2615 = arith.constant 0 : i32
    %dma_start3A_2616 = tpu.memref_slice %arg6[%add3A_2606, %squeeze3A_2608, %dma_start3A_2615] : memref<4096x64x128xf32, #tpu.memory_space<hbm>> -> memref<1x1x128xf32, #tpu.memory_space<hbm>>
    %dma_start3A_2617 = tpu.memref_squeeze %dma_start3A_2616 : memref<1x1x128xf32, #tpu.memory_space<hbm>> -> memref<1x128xf32, #tpu.memory_space<hbm>>
    %dma_start3A_2618 = arith.constant 1 : i32
    %dma_start3A_2619 = arith.constant 0 : i32
    %dma_start3A_2620 = tpu.memref_slice %arg11[%dma_start3A_2618, %dma_start3A_2619] : memref<16x128xf32, #tpu.memory_space<vmem>> -> memref<1x128xf32, #tpu.memory_space<vmem>>
    tpu.enqueue_dma source(%dma_start3A_2620 : memref<1x128xf32, #tpu.memory_space<vmem>>) target(%dma_start3A_2617 : memref<1x128xf32, #tpu.memory_space<hbm>>) target_semaphore(%arg25 : memref<!tpu.dma_semaphore, #tpu.memory_space<semaphore_mem>>)
    %add3A_2621 = arith.constant 2 : i32
    %add3A_2622 = arith.addi %add3A_6, %add3A_2621 : i32
    %slice3A_2623 = vector.extract_strided_slice %get3A_2588 {offsets = [2], sizes = [1], strides = [1]} : vector<16xi32> to vector<1xi32>
    %squeeze3A_2624 = vector.extract %slice3A_2623[0] : i32 from vector<1xi32>
    %dma_start3A_2625 = arith.constant 2 : i32
    %dma_start3A_2626 = arith.constant 0 : i32
    %dma_start3A_2627 = tpu.memref_slice %arg11[%dma_start3A_2625, %dma_start3A_2626] : memref<16x128xf32, #tpu.memory_space<vmem>> -> memref<1x128xf32, #tpu.memory_space<vmem>>
    %dma_start3A_2628 = arith.constant 0 : i32
    %dma_start3A_2629 = tpu.memref_slice %arg6[%add3A_2622, %squeeze3A_2624, %dma_start3A_2628] : memref<4096x64x128xf32, #tpu.memory_space<hbm>> -> memref<1x1x128xf32, #tpu.memory_space<hbm>>
    %dma_start3A_2630 = tpu.memref_squeeze %dma_start3A_2629 : memref<1x1x128xf32, #tpu.memory_space<hbm>> -> memref<1x128xf32, #tpu.memory_space<hbm>>
    %dma_start3A_2631 = arith.constant 0 : i32
    %dma_start3A_2632 = tpu.memref_slice %arg6[%add3A_2622, %squeeze3A_2624, %dma_start3A_2631] : memref<4096x64x128xf32, #tpu.memory_space<hbm>> -> memref<1x1x128xf32, #tpu.memory_space<hbm>>
    %dma_start3A_2633 = tpu.memref_squeeze %dma_start3A_2632 : memref<1x1x128xf32, #tpu.memory_space<hbm>> -> memref<1x128xf32, #tpu.memory_space<hbm>>
    %dma_start3A_2634 = arith.constant 2 : i32
    %dma_start3A_2635 = arith.constant 0 : i32
    %dma_start3A_2636 = tpu.memref_slice %arg11[%dma_start3A_2634, %dma_start3A_2635] : memref<16x128xf32, #tpu.memory_space<vmem>> -> memref<1x128xf32, #tpu.memory_space<vmem>>
    tpu.enqueue_dma source(%dma_start3A_2636 : memref<1x128xf32, #tpu.memory_space<vmem>>) target(%dma_start3A_2633 : memref<1x128xf32, #tpu.memory_space<hbm>>) target_semaphore(%arg25 : memref<!tpu.dma_semaphore, #tpu.memory_space<semaphore_mem>>)
    %add3A_2637 = arith.constant 3 : i32
    %add3A_2638 = arith.addi %add3A_6, %add3A_2637 : i32
    %slice3A_2639 = vector.extract_strided_slice %get3A_2588 {offsets = [3], sizes = [1], strides = [1]} : vector<16xi32> to vector<1xi32>
    %squeeze3A_2640 = vector.extract %slice3A_2639[0] : i32 from vector<1xi32>
    %dma_start3A_2641 = arith.constant 3 : i32
    %dma_start3A_2642 = arith.constant 0 : i32
    %dma_start3A_2643 = tpu.memref_slice %arg11[%dma_start3A_2641, %dma_start3A_2642] : memref<16x128xf32, #tpu.memory_space<vmem>> -> memref<1x128xf32, #tpu.memory_space<vmem>>
    %dma_start3A_2644 = arith.constant 0 : i32
    %dma_start3A_2645 = tpu.memref_slice %arg6[%add3A_2638, %squeeze3A_2640, %dma_start3A_2644] : memref<4096x64x128xf32, #tpu.memory_space<hbm>> -> memref<1x1x128xf32, #tpu.memory_space<hbm>>
    %dma_start3A_2646 = tpu.memref_squeeze %dma_start3A_2645 : memref<1x1x128xf32, #tpu.memory_space<hbm>> -> memref<1x128xf32, #tpu.memory_space<hbm>>
    %dma_start3A_2647 = arith.constant 0 : i32
    %dma_start3A_2648 = tpu.memref_slice %arg6[%add3A_2638, %squeeze3A_2640, %dma_start3A_2647] : memref<4096x64x128xf32, #tpu.memory_space<hbm>> -> memref<1x1x128xf32, #tpu.memory_space<hbm>>
    %dma_start3A_2649 = tpu.memref_squeeze %dma_start3A_2648 : memref<1x1x128xf32, #tpu.memory_space<hbm>> -> memref<1x128xf32, #tpu.memory_space<hbm>>
    %dma_start3A_2650 = arith.constant 3 : i32
    %dma_start3A_2651 = arith.constant 0 : i32
    %dma_start3A_2652 = tpu.memref_slice %arg11[%dma_start3A_2650, %dma_start3A_2651] : memref<16x128xf32, #tpu.memory_space<vmem>> -> memref<1x128xf32, #tpu.memory_space<vmem>>
    tpu.enqueue_dma source(%dma_start3A_2652 : memref<1x128xf32, #tpu.memory_space<vmem>>) target(%dma_start3A_2649 : memref<1x128xf32, #tpu.memory_space<hbm>>) target_semaphore(%arg25 : memref<!tpu.dma_semaphore, #tpu.memory_space<semaphore_mem>>)
    %add3A_2653 = arith.constant 4 : i32
    %add3A_2654 = arith.addi %add3A_6, %add3A_2653 : i32
    %slice3A_2655 = vector.extract_strided_slice %get3A_2588 {offsets = [4], sizes = [1], strides = [1]} : vector<16xi32> to vector<1xi32>
    %squeeze3A_2656 = vector.extract %slice3A_2655[0] : i32 from vector<1xi32>
    %dma_start3A_2657 = arith.constant 4 : i32
    %dma_start3A_2658 = arith.constant 0 : i32
    %dma_start3A_2659 = tpu.memref_slice %arg11[%dma_start3A_2657, %dma_start3A_2658] : memref<16x128xf32, #tpu.memory_space<vmem>> -> memref<1x128xf32, #tpu.memory_space<vmem>>
    %dma_start3A_2660 = arith.constant 0 : i32
    %dma_start3A_2661 = tpu.memref_slice %arg6[%add3A_2654, %squeeze3A_2656, %dma_start3A_2660] : memref<4096x64x128xf32, #tpu.memory_space<hbm>> -> memref<1x1x128xf32, #tpu.memory_space<hbm>>
    %dma_start3A_2662 = tpu.memref_squeeze %dma_start3A_2661 : memref<1x1x128xf32, #tpu.memory_space<hbm>> -> memref<1x128xf32, #tpu.memory_space<hbm>>
    %dma_start3A_2663 = arith.constant 0 : i32
    %dma_start3A_2664 = tpu.memref_slice %arg6[%add3A_2654, %squeeze3A_2656, %dma_start3A_2663] : memref<4096x64x128xf32, #tpu.memory_space<hbm>> -> memref<1x1x128xf32, #tpu.memory_space<hbm>>
    %dma_start3A_2665 = tpu.memref_squeeze %dma_start3A_2664 : memref<1x1x128xf32, #tpu.memory_space<hbm>> -> memref<1x128xf32, #tpu.memory_space<hbm>>
    %dma_start3A_2666 = arith.constant 4 : i32
    %dma_start3A_2667 = arith.constant 0 : i32
    %dma_start3A_2668 = tpu.memref_slice %arg11[%dma_start3A_2666, %dma_start3A_2667] : memref<16x128xf32, #tpu.memory_space<vmem>> -> memref<1x128xf32, #tpu.memory_space<vmem>>
    tpu.enqueue_dma source(%dma_start3A_2668 : memref<1x128xf32, #tpu.memory_space<vmem>>) target(%dma_start3A_2665 : memref<1x128xf32, #tpu.memory_space<hbm>>) target_semaphore(%arg25 : memref<!tpu.dma_semaphore, #tpu.memory_space<semaphore_mem>>)
    %add3A_2669 = arith.constant 5 : i32
    %add3A_2670 = arith.addi %add3A_6, %add3A_2669 : i32
    %slice3A_2671 = vector.extract_strided_slice %get3A_2588 {offsets = [5], sizes = [1], strides = [1]} : vector<16xi32> to vector<1xi32>
    %squeeze3A_2672 = vector.extract %slice3A_2671[0] : i32 from vector<1xi32>
    %dma_start3A_2673 = arith.constant 5 : i32
    %dma_start3A_2674 = arith.constant 0 : i32
    %dma_start3A_2675 = tpu.memref_slice %arg11[%dma_start3A_2673, %dma_start3A_2674] : memref<16x128xf32, #tpu.memory_space<vmem>> -> memref<1x128xf32, #tpu.memory_space<vmem>>
    %dma_start3A_2676 = arith.constant 0 : i32
    %dma_start3A_2677 = tpu.memref_slice %arg6[%add3A_2670, %squeeze3A_2672, %dma_start3A_2676] : memref<4096x64x128xf32, #tpu.memory_space<hbm>> -> memref<1x1x128xf32, #tpu.memory_space<hbm>>
    %dma_start3A_2678 = tpu.memref_squeeze %dma_start3A_2677 : memref<1x1x128xf32, #tpu.memory_space<hbm>> -> memref<1x128xf32, #tpu.memory_space<hbm>>
    %dma_start3A_2679 = arith.constant 0 : i32
    %dma_start3A_2680 = tpu.memref_slice %arg6[%add3A_2670, %squeeze3A_2672, %dma_start3A_2679] : memref<4096x64x128xf32, #tpu.memory_space<hbm>> -> memref<1x1x128xf32, #tpu.memory_space<hbm>>
    %dma_start3A_2681 = tpu.memref_squeeze %dma_start3A_2680 : memref<1x1x128xf32, #tpu.memory_space<hbm>> -> memref<1x128xf32, #tpu.memory_space<hbm>>
    %dma_start3A_2682 = arith.constant 5 : i32
    %dma_start3A_2683 = arith.constant 0 : i32
    %dma_start3A_2684 = tpu.memref_slice %arg11[%dma_start3A_2682, %dma_start3A_2683] : memref<16x128xf32, #tpu.memory_space<vmem>> -> memref<1x128xf32, #tpu.memory_space<vmem>>
    tpu.enqueue_dma source(%dma_start3A_2684 : memref<1x128xf32, #tpu.memory_space<vmem>>) target(%dma_start3A_2681 : memref<1x128xf32, #tpu.memory_space<hbm>>) target_semaphore(%arg25 : memref<!tpu.dma_semaphore, #tpu.memory_space<semaphore_mem>>)
    %add3A_2685 = arith.constant 6 : i32
    %add3A_2686 = arith.addi %add3A_6, %add3A_2685 : i32
    %slice3A_2687 = vector.extract_strided_slice %get3A_2588 {offsets = [6], sizes = [1], strides = [1]} : vector<16xi32> to vector<1xi32>
    %squeeze3A_2688 = vector.extract %slice3A_2687[0] : i32 from vector<1xi32>
    %dma_start3A_2689 = arith.constant 6 : i32
    %dma_start3A_2690 = arith.constant 0 : i32
    %dma_start3A_2691 = tpu.memref_slice %arg11[%dma_start3A_2689, %dma_start3A_2690] : memref<16x128xf32, #tpu.memory_space<vmem>> -> memref<1x128xf32, #tpu.memory_space<vmem>>
    %dma_start3A_2692 = arith.constant 0 : i32
    %dma_start3A_2693 = tpu.memref_slice %arg6[%add3A_2686, %squeeze3A_2688, %dma_start3A_2692] : memref<4096x64x128xf32, #tpu.memory_space<hbm>> -> memref<1x1x128xf32, #tpu.memory_space<hbm>>
    %dma_start3A_2694 = tpu.memref_squeeze %dma_start3A_2693 : memref<1x1x128xf32, #tpu.memory_space<hbm>> -> memref<1x128xf32, #tpu.memory_space<hbm>>
    %dma_start3A_2695 = arith.constant 0 : i32
    %dma_start3A_2696 = tpu.memref_slice %arg6[%add3A_2686, %squeeze3A_2688, %dma_start3A_2695] : memref<4096x64x128xf32, #tpu.memory_space<hbm>> -> memref<1x1x128xf32, #tpu.memory_space<hbm>>
    %dma_start3A_2697 = tpu.memref_squeeze %dma_start3A_2696 : memref<1x1x128xf32, #tpu.memory_space<hbm>> -> memref<1x128xf32, #tpu.memory_space<hbm>>
    %dma_start3A_2698 = arith.constant 6 : i32
    %dma_start3A_2699 = arith.constant 0 : i32
    %dma_start3A_2700 = tpu.memref_slice %arg11[%dma_start3A_2698, %dma_start3A_2699] : memref<16x128xf32, #tpu.memory_space<vmem>> -> memref<1x128xf32, #tpu.memory_space<vmem>>
    tpu.enqueue_dma source(%dma_start3A_2700 : memref<1x128xf32, #tpu.memory_space<vmem>>) target(%dma_start3A_2697 : memref<1x128xf32, #tpu.memory_space<hbm>>) target_semaphore(%arg25 : memref<!tpu.dma_semaphore, #tpu.memory_space<semaphore_mem>>)
    %add3A_2701 = arith.constant 7 : i32
    %add3A_2702 = arith.addi %add3A_6, %add3A_2701 : i32
    %slice3A_2703 = vector.extract_strided_slice %get3A_2588 {offsets = [7], sizes = [1], strides = [1]} : vector<16xi32> to vector<1xi32>
    %squeeze3A_2704 = vector.extract %slice3A_2703[0] : i32 from vector<1xi32>
    %dma_start3A_2705 = arith.constant 7 : i32
    %dma_start3A_2706 = arith.constant 0 : i32
    %dma_start3A_2707 = tpu.memref_slice %arg11[%dma_start3A_2705, %dma_start3A_2706] : memref<16x128xf32, #tpu.memory_space<vmem>> -> memref<1x128xf32, #tpu.memory_space<vmem>>
    %dma_start3A_2708 = arith.constant 0 : i32
    %dma_start3A_2709 = tpu.memref_slice %arg6[%add3A_2702, %squeeze3A_2704, %dma_start3A_2708] : memref<4096x64x128xf32, #tpu.memory_space<hbm>> -> memref<1x1x128xf32, #tpu.memory_space<hbm>>
    %dma_start3A_2710 = tpu.memref_squeeze %dma_start3A_2709 : memref<1x1x128xf32, #tpu.memory_space<hbm>> -> memref<1x128xf32, #tpu.memory_space<hbm>>
    %dma_start3A_2711 = arith.constant 0 : i32
    %dma_start3A_2712 = tpu.memref_slice %arg6[%add3A_2702, %squeeze3A_2704, %dma_start3A_2711] : memref<4096x64x128xf32, #tpu.memory_space<hbm>> -> memref<1x1x128xf32, #tpu.memory_space<hbm>>
    %dma_start3A_2713 = tpu.memref_squeeze %dma_start3A_2712 : memref<1x1x128xf32, #tpu.memory_space<hbm>> -> memref<1x128xf32, #tpu.memory_space<hbm>>
    %dma_start3A_2714 = arith.constant 7 : i32
    %dma_start3A_2715 = arith.constant 0 : i32
    %dma_start3A_2716 = tpu.memref_slice %arg11[%dma_start3A_2714, %dma_start3A_2715] : memref<16x128xf32, #tpu.memory_space<vmem>> -> memref<1x128xf32, #tpu.memory_space<vmem>>
    tpu.enqueue_dma source(%dma_start3A_2716 : memref<1x128xf32, #tpu.memory_space<vmem>>) target(%dma_start3A_2713 : memref<1x128xf32, #tpu.memory_space<hbm>>) target_semaphore(%arg25 : memref<!tpu.dma_semaphore, #tpu.memory_space<semaphore_mem>>)
    %add3A_2717 = arith.constant 8 : i32
    %add3A_2718 = arith.addi %add3A_6, %add3A_2717 : i32
    %slice3A_2719 = vector.extract_strided_slice %get3A_2588 {offsets = [8], sizes = [1], strides = [1]} : vector<16xi32> to vector<1xi32>
    %squeeze3A_2720 = vector.extract %slice3A_2719[0] : i32 from vector<1xi32>
    %dma_start3A_2721 = arith.constant 8 : i32
    %dma_start3A_2722 = arith.constant 0 : i32
    %dma_start3A_2723 = tpu.memref_slice %arg11[%dma_start3A_2721, %dma_start3A_2722] : memref<16x128xf32, #tpu.memory_space<vmem>> -> memref<1x128xf32, #tpu.memory_space<vmem>>
    %dma_start3A_2724 = arith.constant 0 : i32
    %dma_start3A_2725 = tpu.memref_slice %arg6[%add3A_2718, %squeeze3A_2720, %dma_start3A_2724] : memref<4096x64x128xf32, #tpu.memory_space<hbm>> -> memref<1x1x128xf32, #tpu.memory_space<hbm>>
    %dma_start3A_2726 = tpu.memref_squeeze %dma_start3A_2725 : memref<1x1x128xf32, #tpu.memory_space<hbm>> -> memref<1x128xf32, #tpu.memory_space<hbm>>
    %dma_start3A_2727 = arith.constant 0 : i32
    %dma_start3A_2728 = tpu.memref_slice %arg6[%add3A_2718, %squeeze3A_2720, %dma_start3A_2727] : memref<4096x64x128xf32, #tpu.memory_space<hbm>> -> memref<1x1x128xf32, #tpu.memory_space<hbm>>
    %dma_start3A_2729 = tpu.memref_squeeze %dma_start3A_2728 : memref<1x1x128xf32, #tpu.memory_space<hbm>> -> memref<1x128xf32, #tpu.memory_space<hbm>>
    %dma_start3A_2730 = arith.constant 8 : i32
    %dma_start3A_2731 = arith.constant 0 : i32
    %dma_start3A_2732 = tpu.memref_slice %arg11[%dma_start3A_2730, %dma_start3A_2731] : memref<16x128xf32, #tpu.memory_space<vmem>> -> memref<1x128xf32, #tpu.memory_space<vmem>>
    tpu.enqueue_dma source(%dma_start3A_2732 : memref<1x128xf32, #tpu.memory_space<vmem>>) target(%dma_start3A_2729 : memref<1x128xf32, #tpu.memory_space<hbm>>) target_semaphore(%arg25 : memref<!tpu.dma_semaphore, #tpu.memory_space<semaphore_mem>>)
    %add3A_2733 = arith.constant 9 : i32
    %add3A_2734 = arith.addi %add3A_6, %add3A_2733 : i32
    %slice3A_2735 = vector.extract_strided_slice %get3A_2588 {offsets = [9], sizes = [1], strides = [1]} : vector<16xi32> to vector<1xi32>
    %squeeze3A_2736 = vector.extract %slice3A_2735[0] : i32 from vector<1xi32>
    %dma_start3A_2737 = arith.constant 9 : i32
    %dma_start3A_2738 = arith.constant 0 : i32
    %dma_start3A_2739 = tpu.memref_slice %arg11[%dma_start3A_2737, %dma_start3A_2738] : memref<16x128xf32, #tpu.memory_space<vmem>> -> memref<1x128xf32, #tpu.memory_space<vmem>>
    %dma_start3A_2740 = arith.constant 0 : i32
    %dma_start3A_2741 = tpu.memref_slice %arg6[%add3A_2734, %squeeze3A_2736, %dma_start3A_2740] : memref<4096x64x128xf32, #tpu.memory_space<hbm>> -> memref<1x1x128xf32, #tpu.memory_space<hbm>>
    %dma_start3A_2742 = tpu.memref_squeeze %dma_start3A_2741 : memref<1x1x128xf32, #tpu.memory_space<hbm>> -> memref<1x128xf32, #tpu.memory_space<hbm>>
    %dma_start3A_2743 = arith.constant 0 : i32
    %dma_start3A_2744 = tpu.memref_slice %arg6[%add3A_2734, %squeeze3A_2736, %dma_start3A_2743] : memref<4096x64x128xf32, #tpu.memory_space<hbm>> -> memref<1x1x128xf32, #tpu.memory_space<hbm>>
    %dma_start3A_2745 = tpu.memref_squeeze %dma_start3A_2744 : memref<1x1x128xf32, #tpu.memory_space<hbm>> -> memref<1x128xf32, #tpu.memory_space<hbm>>
    %dma_start3A_2746 = arith.constant 9 : i32
    %dma_start3A_2747 = arith.constant 0 : i32
    %dma_start3A_2748 = tpu.memref_slice %arg11[%dma_start3A_2746, %dma_start3A_2747] : memref<16x128xf32, #tpu.memory_space<vmem>> -> memref<1x128xf32, #tpu.memory_space<vmem>>
    tpu.enqueue_dma source(%dma_start3A_2748 : memref<1x128xf32, #tpu.memory_space<vmem>>) target(%dma_start3A_2745 : memref<1x128xf32, #tpu.memory_space<hbm>>) target_semaphore(%arg25 : memref<!tpu.dma_semaphore, #tpu.memory_space<semaphore_mem>>)
    %add3A_2749 = arith.constant 10 : i32
    %add3A_2750 = arith.addi %add3A_6, %add3A_2749 : i32
    %slice3A_2751 = vector.extract_strided_slice %get3A_2588 {offsets = [10], sizes = [1], strides = [1]} : vector<16xi32> to vector<1xi32>
    %squeeze3A_2752 = vector.extract %slice3A_2751[0] : i32 from vector<1xi32>
    %dma_start3A_2753 = arith.constant 10 : i32
    %dma_start3A_2754 = arith.constant 0 : i32
    %dma_start3A_2755 = tpu.memref_slice %arg11[%dma_start3A_2753, %dma_start3A_2754] : memref<16x128xf32, #tpu.memory_space<vmem>> -> memref<1x128xf32, #tpu.memory_space<vmem>>
    %dma_start3A_2756 = arith.constant 0 : i32
    %dma_start3A_2757 = tpu.memref_slice %arg6[%add3A_2750, %squeeze3A_2752, %dma_start3A_2756] : memref<4096x64x128xf32, #tpu.memory_space<hbm>> -> memref<1x1x128xf32, #tpu.memory_space<hbm>>
    %dma_start3A_2758 = tpu.memref_squeeze %dma_start3A_2757 : memref<1x1x128xf32, #tpu.memory_space<hbm>> -> memref<1x128xf32, #tpu.memory_space<hbm>>
    %dma_start3A_2759 = arith.constant 0 : i32
    %dma_start3A_2760 = tpu.memref_slice %arg6[%add3A_2750, %squeeze3A_2752, %dma_start3A_2759] : memref<4096x64x128xf32, #tpu.memory_space<hbm>> -> memref<1x1x128xf32, #tpu.memory_space<hbm>>
    %dma_start3A_2761 = tpu.memref_squeeze %dma_start3A_2760 : memref<1x1x128xf32, #tpu.memory_space<hbm>> -> memref<1x128xf32, #tpu.memory_space<hbm>>
    %dma_start3A_2762 = arith.constant 10 : i32
    %dma_start3A_2763 = arith.constant 0 : i32
    %dma_start3A_2764 = tpu.memref_slice %arg11[%dma_start3A_2762, %dma_start3A_2763] : memref<16x128xf32, #tpu.memory_space<vmem>> -> memref<1x128xf32, #tpu.memory_space<vmem>>
    tpu.enqueue_dma source(%dma_start3A_2764 : memref<1x128xf32, #tpu.memory_space<vmem>>) target(%dma_start3A_2761 : memref<1x128xf32, #tpu.memory_space<hbm>>) target_semaphore(%arg25 : memref<!tpu.dma_semaphore, #tpu.memory_space<semaphore_mem>>)
    %add3A_2765 = arith.constant 11 : i32
    %add3A_2766 = arith.addi %add3A_6, %add3A_2765 : i32
    %slice3A_2767 = vector.extract_strided_slice %get3A_2588 {offsets = [11], sizes = [1], strides = [1]} : vector<16xi32> to vector<1xi32>
    %squeeze3A_2768 = vector.extract %slice3A_2767[0] : i32 from vector<1xi32>
    %dma_start3A_2769 = arith.constant 11 : i32
    %dma_start3A_2770 = arith.constant 0 : i32
    %dma_start3A_2771 = tpu.memref_slice %arg11[%dma_start3A_2769, %dma_start3A_2770] : memref<16x128xf32, #tpu.memory_space<vmem>> -> memref<1x128xf32, #tpu.memory_space<vmem>>
    %dma_start3A_2772 = arith.constant 0 : i32
    %dma_start3A_2773 = tpu.memref_slice %arg6[%add3A_2766, %squeeze3A_2768, %dma_start3A_2772] : memref<4096x64x128xf32, #tpu.memory_space<hbm>> -> memref<1x1x128xf32, #tpu.memory_space<hbm>>
    %dma_start3A_2774 = tpu.memref_squeeze %dma_start3A_2773 : memref<1x1x128xf32, #tpu.memory_space<hbm>> -> memref<1x128xf32, #tpu.memory_space<hbm>>
    %dma_start3A_2775 = arith.constant 0 : i32
    %dma_start3A_2776 = tpu.memref_slice %arg6[%add3A_2766, %squeeze3A_2768, %dma_start3A_2775] : memref<4096x64x128xf32, #tpu.memory_space<hbm>> -> memref<1x1x128xf32, #tpu.memory_space<hbm>>
    %dma_start3A_2777 = tpu.memref_squeeze %dma_start3A_2776 : memref<1x1x128xf32, #tpu.memory_space<hbm>> -> memref<1x128xf32, #tpu.memory_space<hbm>>
    %dma_start3A_2778 = arith.constant 11 : i32
    %dma_start3A_2779 = arith.constant 0 : i32
    %dma_start3A_2780 = tpu.memref_slice %arg11[%dma_start3A_2778, %dma_start3A_2779] : memref<16x128xf32, #tpu.memory_space<vmem>> -> memref<1x128xf32, #tpu.memory_space<vmem>>
    tpu.enqueue_dma source(%dma_start3A_2780 : memref<1x128xf32, #tpu.memory_space<vmem>>) target(%dma_start3A_2777 : memref<1x128xf32, #tpu.memory_space<hbm>>) target_semaphore(%arg25 : memref<!tpu.dma_semaphore, #tpu.memory_space<semaphore_mem>>)
    %add3A_2781 = arith.constant 12 : i32
    %add3A_2782 = arith.addi %add3A_6, %add3A_2781 : i32
    %slice3A_2783 = vector.extract_strided_slice %get3A_2588 {offsets = [12], sizes = [1], strides = [1]} : vector<16xi32> to vector<1xi32>
    %squeeze3A_2784 = vector.extract %slice3A_2783[0] : i32 from vector<1xi32>
    %dma_start3A_2785 = arith.constant 12 : i32
    %dma_start3A_2786 = arith.constant 0 : i32
    %dma_start3A_2787 = tpu.memref_slice %arg11[%dma_start3A_2785, %dma_start3A_2786] : memref<16x128xf32, #tpu.memory_space<vmem>> -> memref<1x128xf32, #tpu.memory_space<vmem>>
    %dma_start3A_2788 = arith.constant 0 : i32
    %dma_start3A_2789 = tpu.memref_slice %arg6[%add3A_2782, %squeeze3A_2784, %dma_start3A_2788] : memref<4096x64x128xf32, #tpu.memory_space<hbm>> -> memref<1x1x128xf32, #tpu.memory_space<hbm>>
    %dma_start3A_2790 = tpu.memref_squeeze %dma_start3A_2789 : memref<1x1x128xf32, #tpu.memory_space<hbm>> -> memref<1x128xf32, #tpu.memory_space<hbm>>
    %dma_start3A_2791 = arith.constant 0 : i32
    %dma_start3A_2792 = tpu.memref_slice %arg6[%add3A_2782, %squeeze3A_2784, %dma_start3A_2791] : memref<4096x64x128xf32, #tpu.memory_space<hbm>> -> memref<1x1x128xf32, #tpu.memory_space<hbm>>
    %dma_start3A_2793 = tpu.memref_squeeze %dma_start3A_2792 : memref<1x1x128xf32, #tpu.memory_space<hbm>> -> memref<1x128xf32, #tpu.memory_space<hbm>>
    %dma_start3A_2794 = arith.constant 12 : i32
    %dma_start3A_2795 = arith.constant 0 : i32
    %dma_start3A_2796 = tpu.memref_slice %arg11[%dma_start3A_2794, %dma_start3A_2795] : memref<16x128xf32, #tpu.memory_space<vmem>> -> memref<1x128xf32, #tpu.memory_space<vmem>>
    tpu.enqueue_dma source(%dma_start3A_2796 : memref<1x128xf32, #tpu.memory_space<vmem>>) target(%dma_start3A_2793 : memref<1x128xf32, #tpu.memory_space<hbm>>) target_semaphore(%arg25 : memref<!tpu.dma_semaphore, #tpu.memory_space<semaphore_mem>>)
    %add3A_2797 = arith.constant 13 : i32
    %add3A_2798 = arith.addi %add3A_6, %add3A_2797 : i32
    %slice3A_2799 = vector.extract_strided_slice %get3A_2588 {offsets = [13], sizes = [1], strides = [1]} : vector<16xi32> to vector<1xi32>
    %squeeze3A_2800 = vector.extract %slice3A_2799[0] : i32 from vector<1xi32>
    %dma_start3A_2801 = arith.constant 13 : i32
    %dma_start3A_2802 = arith.constant 0 : i32
    %dma_start3A_2803 = tpu.memref_slice %arg11[%dma_start3A_2801, %dma_start3A_2802] : memref<16x128xf32, #tpu.memory_space<vmem>> -> memref<1x128xf32, #tpu.memory_space<vmem>>
    %dma_start3A_2804 = arith.constant 0 : i32
    %dma_start3A_2805 = tpu.memref_slice %arg6[%add3A_2798, %squeeze3A_2800, %dma_start3A_2804] : memref<4096x64x128xf32, #tpu.memory_space<hbm>> -> memref<1x1x128xf32, #tpu.memory_space<hbm>>
    %dma_start3A_2806 = tpu.memref_squeeze %dma_start3A_2805 : memref<1x1x128xf32, #tpu.memory_space<hbm>> -> memref<1x128xf32, #tpu.memory_space<hbm>>
    %dma_start3A_2807 = arith.constant 0 : i32
    %dma_start3A_2808 = tpu.memref_slice %arg6[%add3A_2798, %squeeze3A_2800, %dma_start3A_2807] : memref<4096x64x128xf32, #tpu.memory_space<hbm>> -> memref<1x1x128xf32, #tpu.memory_space<hbm>>
    %dma_start3A_2809 = tpu.memref_squeeze %dma_start3A_2808 : memref<1x1x128xf32, #tpu.memory_space<hbm>> -> memref<1x128xf32, #tpu.memory_space<hbm>>
    %dma_start3A_2810 = arith.constant 13 : i32
    %dma_start3A_2811 = arith.constant 0 : i32
    %dma_start3A_2812 = tpu.memref_slice %arg11[%dma_start3A_2810, %dma_start3A_2811] : memref<16x128xf32, #tpu.memory_space<vmem>> -> memref<1x128xf32, #tpu.memory_space<vmem>>
    tpu.enqueue_dma source(%dma_start3A_2812 : memref<1x128xf32, #tpu.memory_space<vmem>>) target(%dma_start3A_2809 : memref<1x128xf32, #tpu.memory_space<hbm>>) target_semaphore(%arg25 : memref<!tpu.dma_semaphore, #tpu.memory_space<semaphore_mem>>)
    %add3A_2813 = arith.constant 14 : i32
    %add3A_2814 = arith.addi %add3A_6, %add3A_2813 : i32
    %slice3A_2815 = vector.extract_strided_slice %get3A_2588 {offsets = [14], sizes = [1], strides = [1]} : vector<16xi32> to vector<1xi32>
    %squeeze3A_2816 = vector.extract %slice3A_2815[0] : i32 from vector<1xi32>
    %dma_start3A_2817 = arith.constant 14 : i32
    %dma_start3A_2818 = arith.constant 0 : i32
    %dma_start3A_2819 = tpu.memref_slice %arg11[%dma_start3A_2817, %dma_start3A_2818] : memref<16x128xf32, #tpu.memory_space<vmem>> -> memref<1x128xf32, #tpu.memory_space<vmem>>
    %dma_start3A_2820 = arith.constant 0 : i32
    %dma_start3A_2821 = tpu.memref_slice %arg6[%add3A_2814, %squeeze3A_2816, %dma_start3A_2820] : memref<4096x64x128xf32, #tpu.memory_space<hbm>> -> memref<1x1x128xf32, #tpu.memory_space<hbm>>
    %dma_start3A_2822 = tpu.memref_squeeze %dma_start3A_2821 : memref<1x1x128xf32, #tpu.memory_space<hbm>> -> memref<1x128xf32, #tpu.memory_space<hbm>>
    %dma_start3A_2823 = arith.constant 0 : i32
    %dma_start3A_2824 = tpu.memref_slice %arg6[%add3A_2814, %squeeze3A_2816, %dma_start3A_2823] : memref<4096x64x128xf32, #tpu.memory_space<hbm>> -> memref<1x1x128xf32, #tpu.memory_space<hbm>>
    %dma_start3A_2825 = tpu.memref_squeeze %dma_start3A_2824 : memref<1x1x128xf32, #tpu.memory_space<hbm>> -> memref<1x128xf32, #tpu.memory_space<hbm>>
    %dma_start3A_2826 = arith.constant 14 : i32
    %dma_start3A_2827 = arith.constant 0 : i32
    %dma_start3A_2828 = tpu.memref_slice %arg11[%dma_start3A_2826, %dma_start3A_2827] : memref<16x128xf32, #tpu.memory_space<vmem>> -> memref<1x128xf32, #tpu.memory_space<vmem>>
    tpu.enqueue_dma source(%dma_start3A_2828 : memref<1x128xf32, #tpu.memory_space<vmem>>) target(%dma_start3A_2825 : memref<1x128xf32, #tpu.memory_space<hbm>>) target_semaphore(%arg25 : memref<!tpu.dma_semaphore, #tpu.memory_space<semaphore_mem>>)
    %add3A_2829 = arith.constant 15 : i32
    %add3A_2830 = arith.addi %add3A_6, %add3A_2829 : i32
    %slice3A_2831 = vector.extract_strided_slice %get3A_2588 {offsets = [15], sizes = [1], strides = [1]} : vector<16xi32> to vector<1xi32>
    %squeeze3A_2832 = vector.extract %slice3A_2831[0] : i32 from vector<1xi32>
    %dma_start3A_2833 = arith.constant 15 : i32
    %dma_start3A_2834 = arith.constant 0 : i32
    %dma_start3A_2835 = tpu.memref_slice %arg11[%dma_start3A_2833, %dma_start3A_2834] : memref<16x128xf32, #tpu.memory_space<vmem>> -> memref<1x128xf32, #tpu.memory_space<vmem>>
    %dma_start3A_2836 = arith.constant 0 : i32
    %dma_start3A_2837 = tpu.memref_slice %arg6[%add3A_2830, %squeeze3A_2832, %dma_start3A_2836] : memref<4096x64x128xf32, #tpu.memory_space<hbm>> -> memref<1x1x128xf32, #tpu.memory_space<hbm>>
    %dma_start3A_2838 = tpu.memref_squeeze %dma_start3A_2837 : memref<1x1x128xf32, #tpu.memory_space<hbm>> -> memref<1x128xf32, #tpu.memory_space<hbm>>
    %dma_start3A_2839 = arith.constant 0 : i32
    %dma_start3A_2840 = tpu.memref_slice %arg6[%add3A_2830, %squeeze3A_2832, %dma_start3A_2839] : memref<4096x64x128xf32, #tpu.memory_space<hbm>> -> memref<1x1x128xf32, #tpu.memory_space<hbm>>
    %dma_start3A_2841 = tpu.memref_squeeze %dma_start3A_2840 : memref<1x1x128xf32, #tpu.memory_space<hbm>> -> memref<1x128xf32, #tpu.memory_space<hbm>>
    %dma_start3A_2842 = arith.constant 15 : i32
    %dma_start3A_2843 = arith.constant 0 : i32
    %dma_start3A_2844 = tpu.memref_slice %arg11[%dma_start3A_2842, %dma_start3A_2843] : memref<16x128xf32, #tpu.memory_space<vmem>> -> memref<1x128xf32, #tpu.memory_space<vmem>>
    tpu.enqueue_dma source(%dma_start3A_2844 : memref<1x128xf32, #tpu.memory_space<vmem>>) target(%dma_start3A_2841 : memref<1x128xf32, #tpu.memory_space<hbm>>) target_semaphore(%arg25 : memref<!tpu.dma_semaphore, #tpu.memory_space<semaphore_mem>>)
    %dma_wait3A_2845 = arith.constant 0 : i32
    %dma_wait3A_2846 = tpu.memref_slice %arg7[%mul3A_2, %dma_wait3A_2845] : memref<4096x128xf32, #tpu.memory_space<hbm>> -> memref<128x128xf32, #tpu.memory_space<hbm>>
    %dma_wait3A_2847 = arith.constant 0 : i32
    %dma_wait3A_2848 = tpu.memref_slice %arg7[%mul3A_2, %dma_wait3A_2847] : memref<4096x128xf32, #tpu.memory_space<hbm>> -> memref<128x128xf32, #tpu.memory_space<hbm>>
    tpu.wait_dma2 semaphore(%arg24 : memref<!tpu.dma_semaphore, #tpu.memory_space<semaphore_mem>>) src(%dma_wait3A_2848 : memref<128x128xf32, #tpu.memory_space<hbm>>) dst(%arg10 : memref<128x128xf32, #tpu.memory_space<vmem>>)
    "tpu.region"() ({
      %run_scoped3A = tpu.sem_alloc : memref<!tpu.dma_semaphore, #tpu.memory_space<semaphore_mem>>
      %dma_start3A_2853 = arith.constant 0 : i32
      %dma_start3A_2854 = tpu.memref_slice %arg7[%mul3A_2, %dma_start3A_2853] : memref<4096x128xf32, #tpu.memory_space<hbm>> -> memref<128x128xf32, #tpu.memory_space<hbm>>
      %dma_start3A_2855 = arith.constant 0 : i32
      %dma_start3A_2856 = tpu.memref_slice %arg7[%mul3A_2, %dma_start3A_2855] : memref<4096x128xf32, #tpu.memory_space<hbm>> -> memref<128x128xf32, #tpu.memory_space<hbm>>
      tpu.enqueue_dma source(%arg10 : memref<128x128xf32, #tpu.memory_space<vmem>>) target(%dma_start3A_2856 : memref<128x128xf32, #tpu.memory_space<hbm>>) target_semaphore(%run_scoped3A : memref<!tpu.dma_semaphore, #tpu.memory_space<semaphore_mem>>)
      %dma_wait3A_2857 = arith.constant 0 : i32
      %dma_wait3A_2858 = tpu.memref_slice %arg7[%mul3A_2, %dma_wait3A_2857] : memref<4096x128xf32, #tpu.memory_space<hbm>> -> memref<128x128xf32, #tpu.memory_space<hbm>>
      %dma_wait3A_2859 = arith.constant 0 : i32
      %dma_wait3A_2860 = tpu.memref_slice %arg7[%mul3A_2, %dma_wait3A_2859] : memref<4096x128xf32, #tpu.memory_space<hbm>> -> memref<128x128xf32, #tpu.memory_space<hbm>>
      tpu.wait_dma2 semaphore(%run_scoped3A : memref<!tpu.dma_semaphore, #tpu.memory_space<semaphore_mem>>) src(%arg10 : memref<128x128xf32, #tpu.memory_space<vmem>>) dst(%dma_wait3A_2860 : memref<128x128xf32, #tpu.memory_space<hbm>>)
      tpu.yield
    }) : () -> ()
    %dma_wait3A_2849 = arith.constant 0 : i32
    %dma_wait3A_2850 = tpu.memref_slice %arg7[%mul3A_2, %dma_wait3A_2849] : memref<4096x128xf32, #tpu.memory_space<hbm>> -> memref<16x128xf32, #tpu.memory_space<hbm>>
    %dma_wait3A_2851 = arith.constant 0 : i32
    %dma_wait3A_2852 = tpu.memref_slice %arg7[%mul3A_2, %dma_wait3A_2851] : memref<4096x128xf32, #tpu.memory_space<hbm>> -> memref<16x128xf32, #tpu.memory_space<hbm>>
    tpu.wait_dma2 semaphore(%arg25 : memref<!tpu.dma_semaphore, #tpu.memory_space<semaphore_mem>>) src(%dma_wait3A_2852 : memref<16x128xf32, #tpu.memory_space<hbm>>) dst(%arg11 : memref<16x128xf32, #tpu.memory_space<vmem>>)
    return
  }
}

module attributes {stable_mosaic.version = 14 : i64} {
  func.func @_creator_body(%arg0: memref<4096x64x128xf32, #tpu.memory_space<hbm>>, %arg1: memref<8x64x128xf32, #tpu.memory_space<vmem>>, %arg2: memref<!tpu.dma_semaphore, #tpu.memory_space<semaphore_mem>>) attributes {dimension_semantics = [], scalar_prefetch = 0 : i64, scratch_operands = 2 : i64, tpu.core_type = #tpu.core_type<tc>} {
    %dma_start3A = arith.constant 0 : i32
    %dma_start3A_0 = arith.constant 0 : i32
    %dma_start3A_1 = arith.constant 0 : i32
    %dma_start3A_2 = tpu.memref_slice %arg0[%dma_start3A, %dma_start3A_0, %dma_start3A_1] : memref<4096x64x128xf32, #tpu.memory_space<hbm>> -> memref<8x64x128xf32, #tpu.memory_space<hbm>>
    tpu.enqueue_dma source(%arg1 : memref<8x64x128xf32, #tpu.memory_space<vmem>>) target(%dma_start3A_2 : memref<8x64x128xf32, #tpu.memory_space<hbm>>) target_semaphore(%arg2 : memref<!tpu.dma_semaphore, #tpu.memory_space<semaphore_mem>>)
    %dma_wait3A = arith.constant 0 : i32
    %dma_wait3A_3 = arith.constant 0 : i32
    %dma_wait3A_4 = arith.constant 0 : i32
    %dma_wait3A_5 = tpu.memref_slice %arg0[%dma_wait3A, %dma_wait3A_3, %dma_wait3A_4] : memref<4096x64x128xf32, #tpu.memory_space<hbm>> -> memref<8x64x128xf32, #tpu.memory_space<hbm>>
    tpu.wait_dma2 semaphore(%arg2 : memref<!tpu.dma_semaphore, #tpu.memory_space<semaphore_mem>>) src(%arg1 : memref<8x64x128xf32, #tpu.memory_space<vmem>>) dst(%dma_wait3A_5 : memref<8x64x128xf32, #tpu.memory_space<hbm>>)
    return
  }
}

</mosaic_0001>

<sc_bundles>
// kernel: kernel.5.cloned.1.call-start
scs
__scs_entry_jumppad:
0x0: {  	(pc) =	sbr.rel $0x88, $3  }
0x1: {  	(tag) =	ssettag $0x0;
	lr =	simm.s32 $0x1  }
0x2: {  	[smem:$0x3F9D] =	sst lr;
	_ =	strace $0xD0000000  }
0x3: {  	_ = 	snop  }
0x4: {  	_ = 	snop  }
0x5: {  	_ = 	snop  }
0x6: {  	_ = 	snop  }
0x7: {  	_ = 	snop  }
__scs_overlays_trampoline_lowered:
0x8: {  	[smem:$0x3FAC] =	sst s0  }
0x9: {  	[smem:$0x3FAD] =	sst s1  }
0xa: {  	[smem:$0x3FAE] =	sst s2  }
0xb: {  	[smem:$0x3FAF] =	sst s3  }
0xc: {  	[smem:$0x3FB0] =	sst s4  }
0xd: {  	[smem:$0x3FB1] =	sst s5  }
0xe: {  	[smem:$0x3FB2] =	sst s6  }
0xf: {  	[smem:$0x3FB3] =	sst s7  }
0x10: {  	[smem:$0x3FB4] =	sst s8  }
0x11: {  	[smem:$0x3FB5] =	sst s9;
	s0 =	simm.s32 @!p0 $0x0  }
0x12: {  	s1 =	sld [smem:$0x3F9B];
	s0 =	simm.s32 @p0 $0x1  }
0x13: {  	[smem:$0x3FB6] =	sst s0;
	s0 =	simm.s32 @!p1 $0x0  }
0x14: {  	s2 =	sld [smem:$0x3F9A];
	s0 =	simm.s32 @p1 $0x1  }
0x15: {  	[smem:$0x3FB7] =	sst s0;
	s0 =	simm.s32 @!p2 $0x0  }
0x16: {  	s3 =	sld [smem:$0x3FDB];
	s0 =	simm.s32 @p2 $0x1  }
0x17: {  	s4 =	simm.s32 $0x1BF5;
	[smem:$0x3FB9] =	sst s0  }
0x18: {  	s0 =	sld [smem:$0x3F9C];
	_ =	swait.ge [sflag:s4], $0x0  }
0x19: {  	s7 =	sld [smem:$0x3F9D]  }
0x1a: {  	s8 =	sadd.s32 $0xFFFFE003, lr  }
0x1b: {  	s9 =	sadd.s32 $0xFFFFFEF7, lr;
	s5 =	simm.s32 $0xFFFFFFFF;
	p2 =	slt.u32 s8, $0xFFFFF086  }
0x1c: {  	p1 =	slt.u32 s9, $0xF7A;
	s5 =	simm.s32 @!p2 $0x0  }
0x1d: {  	s5 =	simm.s32 @p1 $0x1;
	p0 =	seq.s32 s7, s2  }
0x1e: {  	s7 =	smul.u32 @!p0 $0xF7A, s2;
	p2 =	seq.s32 @!p0 s5, $0x0  }
0x1f: {  	s9 =	smul.u32 $0xF7A, s1;
	s8 =	simm.s32 @!p0 $0x1BF5;
	p2 =	por !p2, p0  }
0x20: {  	[sflag:s8] =	ssyncset.s32 @!p0 $0xFFFFF086;
	s6 =	sadd.s32 @!p0 s3, s7;
	s7 =	simm.s32 @!p0 $0x108  }
0x21: {  	s3 =	sadd.s32 s3, s9;
	s6 =	sadd.s32 @!p0 $0x88, s6;
	s7 =	simm.s32 @p2 $0x1082  }
0x22: {  	[simem:s7], [sflag:s8] =	dma.local @!p0 [hbm:s6], $0xF7A  }
0x23: {  	s9 =	sor.u32 $0xD0000000, s2;
	s6 =	simm.s32 $0x108;
	_ =	swait.ge @!p0 [sflag:s8], $0x0  }
0x24: {  	s3 =	sadd.s32 $0x88, s3;
	s6 =	simm.s32 @!p1 $0x1082;
	[sflag:s4] =	ssyncset.s32 $0xFFFFF086  }
0x25: {  	[simem:s6], [sflag:s4] =	dma.local [hbm:s3], $0xF7A  }
0x26: {  	[smem:$0x3F9D] =	sst s1;
	(tag) =	ssettag s2;
	_ =	strace s9  }
0x27: {  	s1 =	sld [smem:$0x3FAD]  }
0x28: {  	s2 =	sld [smem:$0x3FAE]  }
0x29: {  	s4 =	sld [smem:$0x3FB0]  }
0x2a: {  	p0 =	seq.s32 s5, $0x0;
	s5 =	sld [smem:$0x3FB1]  }
0x2b: {  	s6 =	sld [smem:$0x3FB2]  }
0x2c: {  	s7 =	sld [smem:$0x3FB3]  }
0x2d: {  	s3 =	simm.s32 $0x108;
	s8 =	sld [smem:$0x3FB4]  }
0x2e: {  	s3 =	simm.s32 @!p0 $0x1082;
	s9 =	sld [smem:$0x3FB5]  }
0x2f: {  	lr =	sadd.s32 s0, s3;
	s0 =	sld [smem:$0x3FAC]  }
0x30: {  	s3 =	sld [smem:$0x3FAF]  }
0x31: {  	[smem:$0x3FB8] =	sst s10  }
0x32: {  	s10 =	sld [smem:$0x3FB6];
	_ =	sdelay $0x3  }
0x33: {  	p0 =	seq.s32 s10, $0x1;
	s10 =	sld [smem:$0x3FB8];
	_ =	sdelay $0x3  }
0x34: {  	[smem:$0x3FB8] =	sst s10  }
0x35: {  	s10 =	sld [smem:$0x3FB7];
	_ =	sdelay $0x3  }
0x36: {  	p1 =	seq.s32 s10, $0x1;
	s10 =	sld [smem:$0x3FB8];
	_ =	sdelay $0x3  }
0x37: {  	[smem:$0x3FB8] =	sst s10  }
0x38: {  	s10 =	sld [smem:$0x3FB9]  }
0x39: {  	_ = 	snop;
	(pc) =	sbr.ind lr, $3  }
0x3a: {  	_ = 	snop  }
0x3b: {  	_ = 	snop  }
0x3c: {  	p2 =	seq.s32 s10, $0x1;
	s10 =	sld [smem:$0x3FB8]  }
0x3d: {  	_ =	shalt  }
0x3e: {  	_ =	shalt  }
0x3f: {  	_ =	shalt  }
0x40: {  	_ =	shalt  }
0x41: {  	_ =	shalt  }
0x42: {  	_ =	shalt  }
0x43: {  	_ =	shalt  }
0x44: {  	_ =	shalt  }
0x45: {  	_ =	shalt  }
0x46: {  	_ =	shalt  }
0x47: {  	_ =	shalt  }
0x48: {  	_ =	shalt  }
0x49: {  	_ =	shalt  }
0x4a: {  	_ =	shalt  }
0x4b: {  	_ =	shalt  }
0x4c: {  	_ =	shalt  }
0x4d: {  	_ =	shalt  }
0x4e: {  	_ =	shalt  }
0x4f: {  	_ =	shalt  }
0x50: {  	_ =	shalt  }
0x51: {  	_ =	shalt  }
0x52: {  	_ =	shalt  }
0x53: {  	_ =	shalt  }
0x54: {  	_ =	shalt  }
0x55: {  	_ =	shalt  }
0x56: {  	_ =	shalt  }
0x57: {  	_ =	shalt  }
0x58: {  	_ =	shalt  }
0x59: {  	_ =	shalt  }
0x5a: {  	_ =	shalt  }
0x5b: {  	_ =	shalt  }
0x5c: {  	_ =	shalt  }
0x5d: {  	_ =	shalt  }
0x5e: {  	_ =	shalt  }
0x5f: {  	_ =	shalt  }
0x60: {  	_ =	shalt  }
0x61: {  	_ =	shalt  }
0x62: {  	_ =	shalt  }
0x63: {  	_ =	shalt  }
0x64: {  	_ =	shalt  }
0x65: {  	_ =	shalt  }
0x66: {  	_ =	shalt  }
0x67: {  	_ =	shalt  }
0x68: {  	_ =	shalt  }
0x69: {  	_ =	shalt  }
0x6a: {  	_ =	shalt  }
0x6b: {  	_ =	shalt  }
0x6c: {  	_ =	shalt  }
0x6d: {  	_ =	shalt  }
0x6e: {  	_ =	shalt  }
0x6f: {  	_ =	shalt  }
0x70: {  	_ =	shalt  }
0x71: {  	_ =	shalt  }
0x72: {  	_ =	shalt  }
0x73: {  	_ =	shalt  }
0x74: {  	_ =	shalt  }
0x75: {  	_ =	shalt  }
0x76: {  	_ =	shalt  }
0x77: {  	_ =	shalt  }
0x78: {  	_ =	shalt  }
0x79: {  	_ =	shalt  }
0x7a: {  	_ =	shalt  }
0x7b: {  	_ =	shalt  }
0x7c: {  	_ =	shalt  }
0x7d: {  	_ =	shalt  }
0x7e: {  	_ =	shalt  }
0x7f: {  	_ =	shalt  }
0x80: {  	_ =	shalt  }
0x81: {  	_ =	shalt  }
0x82: {  	_ =	shalt  }
0x83: {  	_ =	shalt  }
0x84: {  	_ =	shalt  }
0x85: {  	_ =	shalt  }
0x86: {  	_ =	shalt  }
0x87: {  	_ =	shalt  }
.Lfunc_end0:
.L_simem_size_0:
called_computation_lowered:
.L_overlay_start_0:
0x88: {  	s2 =	sld [smem:$0x3FD9]  }
0x89: {  	s3 =	sld [smem:$0x3FFE];
	_ =	sdelay $0x1  }
0x8a: {  	s1 =	srdreg.scid  }
0x8b: {  	s0 =	sand.u32 $0x1, s1  }
0x8c: {  	s14 =	sshll.u32 s0, $0xA;
	s2 =	sadd.s32 s3, s2  }
0x8d: {  	s2 =	sadd.s32 s2, s14  }
0x8e: {  	[smem:$0x3FC4] =	sst s2  }
0x8f: {  	_ = 	snop  }
0x90: {  	s2 =	sld [smem:$0x3FD0]  }
0x91: {  	s15 =	sld [smem:$0x3FC9]  }
0x92: {  	s4 =	sld [smem:$0x3FC7]  }
0x93: {  	s6 =	simm.s32 $0xA;
	s7 =	simm.s32 $0x10;
	s5 =	sld [smem:$0x3FC6]  }
0x94: {  	[smem:s7], [sflag:s6] =	dma.local [hbm:s2], $0x1  }
0x95: {  	_ =	swait.eq [sflag:s6], $0x1  }
0x96: {  	[sflag:s6] =	ssyncset.done $0x0  }
0x97: {  	s16 =	sld [smem:$0x10];
	[sflag:s6] =	ssyncadd.s32 $0xFFFFFFFF  }
0x98: {  	s17 =	sld [smem:$0x11];
	(tm) =	ssettm $0x1  }
0x99: {  	s18 =	sld [smem:$0x3FFB];
	_ =	sdelay $0x3  }
0x9a: {  	_ =	strace s18  }
0x9b: {  	s7 =	sld [smem:$0x3FFC];
	_ =	sdelay $0x3  }
0x9c: {  	_ =	strace s7  }
0x9d: {  	s7 =	sld [smem:$0x3FFD];
	_ =	sdelay $0x3  }
0x9e: {  	_ =	strace s7  }
0x9f: {  	_ =	strace $0x8FFFFFFF  }
0xa0: {  	s19 =	sld [smem:$0x3FDB];
	_ =	sdelay $0x1  }
0xa1: {  	s8 =	simm.s32 $_scs_section_size  }
0xa2: {  	s9 =	simm.s32 $_size__tile_overlayer_lowered;
	s10 =	simm.s32 $_tile_overlayer_lowered  }
0xa3: {  	s22 =	simm.s32 $0x1BFF;
	s21 =	sshll.u32 s10, $0x1;
	s7 =	sadd.s32 s8, s19  }
0xa4: {  	s11 =	simm.s32 $0x0;
	s20 =	sshll.u32 s9, $0x1;
	s9 =	sadd.s32 s21, s7  }
0xa5: {  	[timem:s11], [sflag:s22] =	dma.local [hbm:s9], s20  }
0xa6: {  	_ =	swait.ge [sflag:s22], s20  }
0xa7: {  	s8 =	ssub.s32 $0x0, s20;
	[sflag:s22] =	ssyncset.done $0x0  }
0xa8: {  	[sflag:s22] =	ssyncadd.s32 s8;
	_ =	sdelay $0x1  }
0xa9: {  	s23 =	simm.s32 $0x1B8B  }
0xaa: {  	_ =	swait.ge [sflag:s23], $0x1  }
0xab: {  	[sflag:s23] =	ssyncset.done $0x0  }
0xac: {  	s25 =	simm.s32 $0x1B8E;
	s24 =	sld [smem:$0x3FFE];
	[sflag:s23] =	ssyncadd.s32 $0xFFFFFFFF  }
0xad: {  	s26 =	simm.s32 $execute0_lowered;
	[smem:$0x3FD2] =	sst s25  }
0xae: {  	s9 =	sshll.u32 s26, $0x1;
	_ =	strace $0x80000046;
	[dreg:$0x1] =	wrdreg $0xFFFFFFFF  }
0xaf: {  	s28 =	simm.s32 $_size_execute0_lowered;
	s7 =	sadd.s32 s7, s9;
	[dreg:$0x0] =	wrdreg $0x0  }
0xb0: {  	s9 =	sshll.u32 s28, $0x1;
	[dreg:$0x2] =	wrdreg s7  }
0xb1: {  	[dreg:$0x3] =	wrdreg s9  }
0xb2: {  	[dreg:$0x4] =	wrdreg $0xC0  }
0xb3: {  	_ =	task [dreg:s11], $0x5FFFF  }
0xb4: {  	[dreg:$0x1] =	wrdreg $0xFFFFFFFF  }
0xb5: {  	[dreg:$0x0] =	wrdreg $0x60  }
0xb6: {  	[dreg:$0x2] =	wrdreg s5  }
0xb7: {  	[dreg:$0x3] =	wrdreg s15  }
0xb8: {  	[dreg:$0x4] =	wrdreg s4  }
0xb9: {  	[dreg:$0x5] =	wrdreg s24  }
0xba: {  	[dreg:$0x6] =	wrdreg s16  }
0xbb: {  	[dreg:$0x7] =	wrdreg s17  }
0xbc: {  	[dreg:$0x8] =	wrdreg $0x9  }
0xbd: {  	_ =	task.clear_ibuf [dreg:s11], $0x9FFFF;
	_ =	strace $0x90000046  }
0xbe: {  	s29 =	simm.s32 $0x9;
	_ =	strace $0x80000048  }
0xbf: {  	_ =	swait.ge [sflag:s29], $0x1  }
0xc0: {  	[sflag:s29] =	ssyncadd.s32 $0xFFFFFFFF  }
0xc1: {  	_ =	strace $0x90000048  }
0xc2: {  	_ =	sfence  }
0xc3: {  	s30 =	sld [smem:$0x0];
	_ =	sdelay $0x2  }
0xc4: {  	s31 =	sshll.u32 s1, $0xD;
	s1 =	sshrl.u32 s1, $0x2  }
0xc5: {  	s3 =	sand.u32 $0x4000, s31;
	s1 =	sadd.s32 s1, s30  }
0xc6: {  	s0 =	sor.u32 s3, s0;
	s1 =	sshll.u32 s1, $0x11  }
0xc7: {  	s0 =	sor.u32 s1, s0  }
0xc8: {  	s0 =	sadd.s32 $0x8F2B, s0  }
0xc9: {  	[sflag:s0] =	ssyncadd.remote.s32 $0x1  }
0xca: {  	_ =	sfence.sel $0xFFFF  }
0xcb: {  	[dreg:$0x0] =	wrdreg $0xFFFFFFFF;
	(pc) =	sbr.abs _section_cstart, $3  }
0xcc: {  	[dreg:$0x1] =	wrdreg $0xFFFFFFFF  }
0xcd: {  	_ =	task.clear_ibuf [dreg:s11], $0x2FFFF;
	_ =	strace $0x9FFFFFFF  }
0xce: {  	(tm) =	ssettm $0x7FFFFFFF  }
0xcf: {  	_ =	shalt  }
tec
execute0_lowered:
.L_overlay_start_1:
0x0: {  	(tag) =	ssettag $0x1  }
0x1: {  	s4 =	rddreg [dreg:$0x0]  }
0x2: {  	s16 =	rddreg [dreg:$0x1]  }
0x3: {  	s6 =	rddreg [dreg:$0x2]  }
0x4: {  	s1 =	srdreg.scid;
	s0 =	stileid.u32  }
0x5: {  	s12 =	rddreg [dreg:$0x3];
	s13 =	sand.u32 $0x1, s1;
	s5 =	sshll.u32 s0, $0x1  }
0x6: {  	s2 =	rddreg [dreg:$0x4];
	s15 =	sor.u32 s13, s5  }
0x7: {  	s14 =	rddreg [dreg:$0x5];
	s3 =	simm.s32 $0x0;
	s7 =	sshll.u32 s15, $0x4  }
0x8: {  	[smem:$0x7FF] =	sst s3;
	s5 =	sor.u32 $0xE00, s7;
	s7 =	sadd.s32 s4, s7  }
0x9: {  	_ =	strace $0x80000047;
	[dreg:$0x7] =	wrdreg s7;
	s1 =	sshrl.u32 s5, $0x3  }
0xa: {  	s8 =	sshll.u32 s5, $0x4;
	s7 =	sadd.s32 s4, s1;
	s4 =	smul.u32 $0x120000, s15  }
0xb: {  	s6 =	sadd.s32 s6, s8;
	[dreg:$0x8] =	wrdreg s7  }
0xc: {  	[dreg:$0x9] =	wrdreg s6;
	s8 =	sor.u32 $0x2400, s4  }
0xd: {  	s9 =	sor.u32 $0x4800, s4;
	[dreg:$0xa] =	wrdreg s8  }
0xe: {  	s10 =	sor.u32 $0x6C00, s4;
	[dreg:$0xb] =	wrdreg s9  }
0xf: {  	s11 =	sor.u32 $0x9000, s4;
	[dreg:$0xc] =	wrdreg s10  }
0x10: {  	s17 =	sor.u32 $0xB400, s4;
	[dreg:$0xd] =	wrdreg s11  }
0x11: {  	s18 =	sor.u32 $0xD800, s4;
	[dreg:$0xe] =	wrdreg s17  }
0x12: {  	s19 =	sor.u32 $0xFC00, s4;
	[dreg:$0xf] =	wrdreg s18  }
0x13: {  	s20 =	sor.u32 $0x12000, s4;
	[dreg:$0x10] =	wrdreg s19  }
0x14: {  	s21 =	sor.u32 $0x14400, s4;
	[dreg:$0x11] =	wrdreg s20  }
0x15: {  	s22 =	sor.u32 $0x16800, s4;
	[dreg:$0x12] =	wrdreg s21  }
0x16: {  	s23 =	sor.u32 $0x18C00, s4;
	[dreg:$0x13] =	wrdreg s22  }
0x17: {  	s24 =	sor.u32 $0x1B000, s4;
	[dreg:$0x14] =	wrdreg s23  }
0x18: {  	s25 =	sor.u32 $0x1D400, s4;
	[dreg:$0x15] =	wrdreg s24  }
0x19: {  	s26 =	sor.u32 $0x1F800, s4;
	[dreg:$0x16] =	wrdreg s25  }
0x1a: {  	s0 =	sadd.s32 $0x21C00, s4;
	[dreg:$0x17] =	wrdreg s26  }
0x1b: {  	s1 =	sadd.s32 $0x24000, s4;
	[dreg:$0x18] =	wrdreg s0  }
0x1c: {  	s7 =	sadd.s32 $0x26400, s4;
	[dreg:$0x19] =	wrdreg s1  }
0x1d: {  	[dreg:$0x1a] =	wrdreg s7;
	s8 =	sadd.s32 $0x28800, s4  }
0x1e: {  	s9 =	sadd.s32 $0x2AC00, s4;
	[dreg:$0x1b] =	wrdreg s8  }
0x1f: {  	s10 =	sadd.s32 $0x2D000, s4;
	[dreg:$0x1c] =	wrdreg s9  }
0x20: {  	s11 =	sadd.s32 $0x2F400, s4;
	[dreg:$0x1d] =	wrdreg s10  }
0x21: {  	s17 =	sadd.s32 $0x31800, s4;
	[dreg:$0x1e] =	wrdreg s11  }
0x22: {  	s18 =	sadd.s32 $0x33C00, s4;
	[dreg:$0x1f] =	wrdreg s17  }
0x23: {  	s19 =	sadd.s32 $0x36000, s4;
	[smem:$0x6EB] =	sst s18  }
0x24: {  	s20 =	sadd.s32 $0x38400, s4;
	[smem:$0x6EC] =	sst s19  }
0x25: {  	s21 =	sadd.s32 $0x3A800, s4;
	[smem:$0x6ED] =	sst s20  }
0x26: {  	s22 =	sadd.s32 $0x3CC00, s4;
	[smem:$0x6EE] =	sst s21  }
0x27: {  	s23 =	sadd.s32 $0x3F000, s4;
	[smem:$0x6EF] =	sst s22  }
0x28: {  	s24 =	sadd.s32 $0x41400, s4;
	[smem:$0x6F0] =	sst s23  }
0x29: {  	s25 =	sadd.s32 $0x43800, s4;
	[smem:$0x6F1] =	sst s24  }
0x2a: {  	s26 =	sadd.s32 $0x45C00, s4;
	[smem:$0x6F2] =	sst s25  }
0x2b: {  	s0 =	sadd.s32 $0x48000, s4;
	[smem:$0x6F3] =	sst s26  }
0x2c: {  	s1 =	sadd.s32 $0x4A400, s4;
	[smem:$0x6F4] =	sst s0  }
0x2d: {  	s7 =	sadd.s32 $0x4C800, s4;
	[smem:$0x6F5] =	sst s1  }
0x2e: {  	[smem:$0x6F6] =	sst s7;
	s8 =	sadd.s32 $0x4EC00, s4  }
0x2f: {  	s9 =	sadd.s32 $0x51000, s4;
	[smem:$0x6F7] =	sst s8  }
0x30: {  	s10 =	sadd.s32 $0x53400, s4;
	[smem:$0x6F8] =	sst s9  }
0x31: {  	s11 =	sadd.s32 $0x55800, s4;
	[smem:$0x6F9] =	sst s10  }
0x32: {  	s17 =	sadd.s32 $0x57C00, s4;
	[smem:$0x6FA] =	sst s11  }
0x33: {  	s18 =	sadd.s32 $0x5A000, s4;
	[smem:$0x6FB] =	sst s17  }
0x34: {  	s19 =	sadd.s32 $0x5C400, s4;
	[smem:$0x6FC] =	sst s18  }
0x35: {  	s20 =	sadd.s32 $0x5E800, s4;
	[smem:$0x6FD] =	sst s19  }
0x36: {  	s21 =	sadd.s32 $0x60C00, s4;
	[smem:$0x6FE] =	sst s20  }
0x37: {  	s22 =	sadd.s32 $0x63000, s4;
	[smem:$0x6FF] =	sst s21  }
0x38: {  	s23 =	sadd.s32 $0x65400, s4;
	[smem:$0x700] =	sst s22  }
0x39: {  	s24 =	sadd.s32 $0x67800, s4;
	[smem:$0x701] =	sst s23  }
0x3a: {  	s25 =	sadd.s32 $0x69C00, s4;
	[smem:$0x702] =	sst s24  }
0x3b: {  	s26 =	sadd.s32 $0x6C000, s4;
	[smem:$0x703] =	sst s25  }
0x3c: {  	s0 =	sadd.s32 $0x6E400, s4;
	[smem:$0x704] =	sst s26  }
0x3d: {  	s1 =	sadd.s32 $0x70800, s4;
	[smem:$0x705] =	sst s0  }
0x3e: {  	s7 =	sadd.s32 $0x72C00, s4;
	[smem:$0x706] =	sst s1  }
0x3f: {  	[smem:$0x707] =	sst s7;
	s8 =	sadd.s32 $0x75000, s4  }
0x40: {  	s9 =	sadd.s32 $0x77400, s4;
	[smem:$0x708] =	sst s8  }
0x41: {  	s10 =	sadd.s32 $0x79800, s4;
	[smem:$0x709] =	sst s9  }
0x42: {  	s11 =	sadd.s32 $0x7BC00, s4;
	[smem:$0x70A] =	sst s10  }
0x43: {  	s17 =	sadd.s32 $0x7E000, s4;
	[smem:$0x70B] =	sst s11  }
0x44: {  	s18 =	sadd.s32 $0x80400, s4;
	[smem:$0x70C] =	sst s17  }
0x45: {  	s19 =	sadd.s32 $0x82800, s4;
	[smem:$0x70D] =	sst s18  }
0x46: {  	s20 =	sadd.s32 $0x84C00, s4;
	[smem:$0x70E] =	sst s19  }
0x47: {  	s21 =	sadd.s32 $0x87000, s4;
	[smem:$0x70F] =	sst s20  }
0x48: {  	s22 =	sadd.s32 $0x89400, s4;
	[smem:$0x710] =	sst s21  }
0x49: {  	s23 =	sadd.s32 $0x8B800, s4;
	[smem:$0x711] =	sst s22  }
0x4a: {  	s24 =	sadd.s32 $0x8DC00, s4;
	[smem:$0x712] =	sst s23  }
0x4b: {  	s25 =	sadd.s32 $0x90000, s4;
	[smem:$0x713] =	sst s24  }
0x4c: {  	s26 =	sadd.s32 $0x92400, s4;
	[smem:$0x714] =	sst s25  }
0x4d: {  	s0 =	sadd.s32 $0x94800, s4;
	[smem:$0x715] =	sst s26  }
0x4e: {  	s1 =	sadd.s32 $0x96C00, s4;
	[smem:$0x716] =	sst s0  }
0x4f: {  	s7 =	sadd.s32 $0x99000, s4;
	[smem:$0x717] =	sst s1  }
0x50: {  	[smem:$0x718] =	sst s7;
	s8 =	sadd.s32 $0x9B400, s4  }
0x51: {  	s9 =	sadd.s32 $0x9D800, s4;
	[smem:$0x719] =	sst s8  }
0x52: {  	s10 =	sadd.s32 $0x9FC00, s4;
	[smem:$0x71A] =	sst s9  }
0x53: {  	s11 =	sadd.s32 $0xA2000, s4;
	[smem:$0x71B] =	sst s10  }
0x54: {  	s17 =	sadd.s32 $0xA4400, s4;
	[smem:$0x71C] =	sst s11  }
0x55: {  	s18 =	sadd.s32 $0xA6800, s4;
	[smem:$0x71D] =	sst s17  }
0x56: {  	s19 =	sadd.s32 $0xA8C00, s4;
	[smem:$0x71E] =	sst s18  }
0x57: {  	s20 =	sadd.s32 $0xAB000, s4;
	[smem:$0x71F] =	sst s19  }
0x58: {  	s21 =	sadd.s32 $0xAD400, s4;
	[smem:$0x720] =	sst s20  }
0x59: {  	s22 =	sadd.s32 $0xAF800, s4;
	[smem:$0x721] =	sst s21  }
0x5a: {  	s23 =	sadd.s32 $0xB1C00, s4;
	[smem:$0x722] =	sst s22  }
0x5b: {  	s24 =	sadd.s32 $0xB4000, s4;
	[smem:$0x723] =	sst s23  }
0x5c: {  	s25 =	sadd.s32 $0xB6400, s4;
	[smem:$0x724] =	sst s24  }
0x5d: {  	s26 =	sadd.s32 $0xB8800, s4;
	[smem:$0x725] =	sst s25  }
0x5e: {  	s0 =	sadd.s32 $0xBAC00, s4;
	[smem:$0x726] =	sst s26  }
0x5f: {  	s1 =	sadd.s32 $0xBD000, s4;
	[smem:$0x727] =	sst s0  }
0x60: {  	s7 =	sadd.s32 $0xBF400, s4;
	[smem:$0x728] =	sst s1  }
0x61: {  	[smem:$0x729] =	sst s7;
	s8 =	sadd.s32 $0xC1800, s4  }
0x62: {  	s9 =	sadd.s32 $0xC3C00, s4;
	[smem:$0x72A] =	sst s8  }
0x63: {  	s10 =	sadd.s32 $0xC6000, s4;
	[smem:$0x72B] =	sst s9  }
0x64: {  	s11 =	sadd.s32 $0xC8400, s4;
	[smem:$0x72C] =	sst s10  }
0x65: {  	s17 =	sadd.s32 $0xCA800, s4;
	[smem:$0x72D] =	sst s11  }
0x66: {  	s18 =	sadd.s32 $0xCCC00, s4;
	[smem:$0x72E] =	sst s17  }
0x67: {  	s19 =	sadd.s32 $0xCF000, s4;
	[smem:$0x72F] =	sst s18  }
0x68: {  	s20 =	sadd.s32 $0xD1400, s4;
	[smem:$0x730] =	sst s19  }
0x69: {  	s21 =	sadd.s32 $0xD3800, s4;
	[smem:$0x731] =	sst s20  }
0x6a: {  	s22 =	sadd.s32 $0xD5C00, s4;
	[smem:$0x732] =	sst s21  }
0x6b: {  	s23 =	sadd.s32 $0xD8000, s4;
	[smem:$0x733] =	sst s22  }
0x6c: {  	s24 =	sadd.s32 $0xDA400, s4;
	[smem:$0x734] =	sst s23  }
0x6d: {  	s25 =	sadd.s32 $0xDC800, s4;
	[smem:$0x735] =	sst s24  }
0x6e: {  	s26 =	sadd.s32 $0xDEC00, s4;
	[smem:$0x736] =	sst s25  }
0x6f: {  	s0 =	sadd.s32 $0xE1000, s4;
	[smem:$0x737] =	sst s26  }
0x70: {  	s1 =	sadd.s32 $0xE3400, s4;
	[smem:$0x738] =	sst s0  }
0x71: {  	s7 =	sadd.s32 $0xE5800, s4;
	[smem:$0x739] =	sst s1  }
0x72: {  	[smem:$0x73A] =	sst s7;
	s8 =	sadd.s32 $0xE7C00, s4  }
0x73: {  	s9 =	sadd.s32 $0xEA000, s4;
	[smem:$0x73B] =	sst s8  }
0x74: {  	s10 =	sadd.s32 $0xEC400, s4;
	[smem:$0x73C] =	sst s9  }
0x75: {  	s11 =	sadd.s32 $0xEE800, s4;
	[smem:$0x73D] =	sst s10  }
0x76: {  	s17 =	sadd.s32 $0xF0C00, s4;
	[smem:$0x73E] =	sst s11  }
0x77: {  	s18 =	sadd.s32 $0xF3000, s4;
	[smem:$0x73F] =	sst s17  }
0x78: {  	s19 =	sadd.s32 $0xF5400, s4;
	[smem:$0x740] =	sst s18  }
0x79: {  	s20 =	sadd.s32 $0xF7800, s4;
	[smem:$0x741] =	sst s19  }
0x7a: {  	s21 =	sadd.s32 $0xF9C00, s4;
	[smem:$0x742] =	sst s20  }
0x7b: {  	s22 =	sadd.s32 $0xFC000, s4;
	[smem:$0x743] =	sst s21  }
0x7c: {  	s23 =	sadd.s32 $0xFE400, s4;
	[smem:$0x744] =	sst s22  }
0x7d: {  	s24 =	sadd.s32 $0x100800, s4;
	[smem:$0x745] =	sst s23  }
0x7e: {  	s25 =	sadd.s32 $0x102C00, s4;
	[smem:$0x746] =	sst s24  }
0x7f: {  	s26 =	sadd.s32 $0x105000, s4;
	[smem:$0x747] =	sst s25  }
0x80: {  	s0 =	sadd.s32 $0x107400, s4;
	[smem:$0x748] =	sst s26  }
0x81: {  	s1 =	sadd.s32 $0x109800, s4;
	[smem:$0x749] =	sst s0  }
0x82: {  	s7 =	sadd.s32 $0x10BC00, s4;
	[smem:$0x74A] =	sst s1  }
0x83: {  	[smem:$0x74B] =	sst s7;
	s8 =	sadd.s32 $0x10E000, s4  }
0x84: {  	s9 =	sadd.s32 $0x110400, s4;
	[smem:$0x74C] =	sst s8  }
0x85: {  	s10 =	sadd.s32 $0x112800, s4;
	[smem:$0x74D] =	sst s9  }
0x86: {  	s11 =	sadd.s32 $0x114C00, s4;
	[smem:$0x74E] =	sst s10  }
0x87: {  	s17 =	sadd.s32 $0x117000, s4;
	[smem:$0x74F] =	sst s11  }
0x88: {  	s18 =	sadd.s32 $0x119400, s4;
	[smem:$0x750] =	sst s17  }
0x89: {  	s19 =	sadd.s32 $0x11B800, s4;
	[smem:$0x751] =	sst s18  }
0x8a: {  	s20 =	sadd.s32 $0x11DC00, s4;
	[smem:$0x752] =	sst s19  }
0x8b: {  	s21 =	sshll.u32 s5, $0xD;
	[smem:$0x753] =	sst s20;
	s9 =	sshll.u32 s5, $0xA  }
0x8c: {  	s17 =	sshll.u32 s15, $0x11;
	[smem:$0x754] =	sst s21;
	s22 =	sadd.s32 s16, s9  }
0x8d: {  	s23 =	sor.u32 $0x1C04000, s17;
	[smem:$0x755] =	sst s22  }
0x8e: {  	s15 =	sshll.u32 s15, $0xB;
	s9 =	sadd.s32 s2, s9;
	[smem:$0x756] =	sst s23  }
0x8f: {  	s6 =	sor.u32 $0x1C08000, s17;
	s14 =	sadd.s32 s14, s15;
	[smem:$0x75A] =	sst s9  }
0x90: {  	s7 =	sor.u32 $0x1C0C000, s17;
	s15 =	simm.s32 $0x700;
	[smem:$0x76E] =	sst s14  }
0x91: {  	s10 =	sshrl.u32 s23, $0x3;
	s23 =	sor.u32 $0x1C02000, s17;
	[smem:$0x77B] =	sst s15  }
0x92: {  	s8 =	sor.u32 $0x1C10000, s17;
	s15 =	simm.s32 $0xE80;
	[smem:$0x766] =	sst s23  }
0x93: {  	s11 =	sshrl.u32 s6, $0x3;
	s24 =	sadd.s32 s16, s10;
	[smem:$0x78A] =	sst s15  }
0x94: {  	s18 =	sshrl.u32 s7, $0x3;
	s25 =	sadd.s32 s16, s11;
	[smem:$0x757] =	sst s24  }
0x95: {  	s26 =	sshrl.u32 s8, $0x3;
	s19 =	sadd.s32 s16, s18;
	[smem:$0x758] =	sst s25  }
0x96: {  	s20 =	sadd.s32 s16, s26;
	[smem:$0x759] =	sst s19  }
0x97: {  	s10 =	sadd.s32 s2, s10;
	[smem:$0x75B] =	sst s20  }
0x98: {  	s11 =	sadd.s32 s2, s11;
	[smem:$0x75C] =	sst s10  }
0x99: {  	s18 =	sadd.s32 s2, s18;
	[smem:$0x75E] =	sst s11  }
0x9a: {  	s9 =	sor.u32 $0x1C14000, s17;
	s23 =	simm.s32 $0x380;
	[smem:$0x760] =	sst s18  }
0x9b: {  	s0 =	sshrl.u32 s9, $0x3;
	s15 =	simm.s32 $0x1600;
	[smem:$0x774] =	sst s23  }
0x9c: {  	s21 =	sadd.s32 s16, s0;
	[smem:$0x799] =	sst s15  }
0x9d: {  	s19 =	sadd.s32 s2, s26;
	[smem:$0x75D] =	sst s21  }
0x9e: {  	s20 =	sadd.s32 s2, s0;
	[smem:$0x762] =	sst s19  }
0x9f: {  	s24 =	sor.u32 $0x1C06000, s17;
	[smem:$0x763] =	sst s20  }
0xa0: {  	s25 =	sor.u32 $0x1C0A000, s17;
	[smem:$0x767] =	sst s24  }
0xa1: {  	s26 =	sor.u32 $0x1C0E000, s17;
	[smem:$0x768] =	sst s25  }
0xa2: {  	s0 =	sor.u32 $0x1C12000, s17;
	[smem:$0x769] =	sst s26  }
0xa3: {  	s18 =	simm.s32 $0x80;
	[smem:$0x76A] =	sst s0  }
0xa4: {  	s23 =	simm.s32 $0xB00;
	[smem:$0x76F] =	sst s18  }
0xa5: {  	s15 =	simm.s32 $0x1D80;
	[smem:$0x783] =	sst s23  }
0xa6: {  	s19 =	simm.s32 $0x180;
	[smem:$0x7A8] =	sst s15  }
0xa7: {  	s20 =	simm.s32 $0x200;
	[smem:$0x770] =	sst s19  }
0xa8: {  	s24 =	simm.s32 $0x400;
	[smem:$0x771] =	sst s20  }
0xa9: {  	s25 =	simm.s32 $0x480;
	[smem:$0x775] =	sst s24  }
0xaa: {  	s26 =	simm.s32 $0x500;
	[smem:$0x776] =	sst s25  }
0xab: {  	s0 =	simm.s32 $0x580;
	[smem:$0x777] =	sst s26  }
0xac: {  	s10 =	sor.u32 $0x1C18000, s17;
	s18 =	simm.s32 $0x880;
	[smem:$0x778] =	sst s0  }
0xad: {  	s11 =	sor.u32 $0x1C1C000, s17;
	s23 =	simm.s32 $0x1280;
	[smem:$0x77E] =	sst s18  }
0xae: {  	s1 =	sshrl.u32 s10, $0x3;
	s15 =	simm.s32 $0x2500;
	[smem:$0x792] =	sst s23  }
0xaf: {  	s5 =	sshrl.u32 s11, $0x3;
	s22 =	sadd.s32 s16, s1;
	[smem:$0x7B7] =	sst s15  }
0xb0: {  	s16 =	sadd.s32 s16, s5;
	[smem:$0x75F] =	sst s22  }
0xb1: {  	s21 =	sadd.s32 s2, s1;
	[smem:$0x761] =	sst s16  }
0xb2: {  	s1 =	sor.u32 $0x1C16000, s17;
	[smem:$0x764] =	sst s21  }
0xb3: {  	s19 =	simm.s32 $0x900;
	[smem:$0x76B] =	sst s1  }
0xb4: {  	s20 =	simm.s32 $0x980;
	[smem:$0x77F] =	sst s19  }
0xb5: {  	s24 =	simm.s32 $0xB80;
	[smem:$0x780] =	sst s20  }
0xb6: {  	s25 =	simm.s32 $0xC00;
	[smem:$0x784] =	sst s24  }
0xb7: {  	s26 =	simm.s32 $0xC80;
	[smem:$0x785] =	sst s25  }
0xb8: {  	s0 =	simm.s32 $0xD00;
	[smem:$0x786] =	sst s26  }
0xb9: {  	s18 =	simm.s32 $0x1000;
	[smem:$0x787] =	sst s0  }
0xba: {  	s23 =	simm.s32 $0x1A00;
	[smem:$0x78D] =	sst s18  }
0xbb: {  	s15 =	simm.s32 $0x2C80;
	[smem:$0x7A1] =	sst s23  }
0xbc: {  	s22 =	sadd.s32 s2, s5;
	[smem:$0x7C6] =	sst s15  }
0xbd: {  	s5 =	sor.u32 $0x1C1A000, s17;
	[smem:$0x765] =	sst s22  }
0xbe: {  	s17 =	sor.u32 $0x1C1E000, s17;
	[smem:$0x76C] =	sst s5  }
0xbf: {  	s21 =	simm.s32 $0x280;
	[smem:$0x76D] =	sst s17  }
0xc0: {  	s1 =	simm.s32 $0x600;
	[smem:$0x772] =	sst s21  }
0xc1: {  	s16 =	simm.s32 $0x780;
	[smem:$0x779] =	sst s1  }
0xc2: {  	s19 =	simm.s32 $0x1080;
	[smem:$0x77C] =	sst s16  }
0xc3: {  	s20 =	simm.s32 $0x1100;
	[smem:$0x78E] =	sst s19  }
0xc4: {  	s24 =	simm.s32 $0x1300;
	[smem:$0x78F] =	sst s20  }
0xc5: {  	s25 =	simm.s32 $0x1380;
	[smem:$0x793] =	sst s24  }
0xc6: {  	s26 =	simm.s32 $0x1400;
	[smem:$0x794] =	sst s25  }
0xc7: {  	s0 =	simm.s32 $0x1480;
	[smem:$0x795] =	sst s26  }
0xc8: {  	s18 =	simm.s32 $0x1780;
	[smem:$0x796] =	sst s0  }
0xc9: {  	s23 =	simm.s32 $0x2180;
	[smem:$0x79C] =	sst s18  }
0xca: {  	s15 =	simm.s32 $0x3B00;
	[smem:$0x7B0] =	sst s23  }
0xcb: {  	s22 =	simm.s32 $0x300;
	[smem:$0x7E3] =	sst s15  }
0xcc: {  	s5 =	simm.s32 $0x680;
	[smem:$0x773] =	sst s22  }
0xcd: {  	s17 =	simm.s32 $0x800;
	[smem:$0x77A] =	sst s5  }
0xce: {  	s21 =	simm.s32 $0xA00;
	[smem:$0x77D] =	sst s17  }
0xcf: {  	s1 =	simm.s32 $0xD80;
	[smem:$0x781] =	sst s21  }
0xd0: {  	s16 =	simm.s32 $0xF00;
	[smem:$0x788] =	sst s1  }
0xd1: {  	s19 =	simm.s32 $0x1800;
	[smem:$0x78B] =	sst s16  }
0xd2: {  	s20 =	simm.s32 $0x1880;
	[smem:$0x79D] =	sst s19  }
0xd3: {  	s24 =	simm.s32 $0x1A80;
	[smem:$0x79E] =	sst s20  }
0xd4: {  	s25 =	simm.s32 $0x1B00;
	[smem:$0x7A2] =	sst s24  }
0xd5: {  	s26 =	simm.s32 $0x1B80;
	[smem:$0x7A3] =	sst s25  }
0xd6: {  	s0 =	simm.s32 $0x1C00;
	[smem:$0x7A4] =	sst s26  }
0xd7: {  	s18 =	simm.s32 $0x1F00;
	[smem:$0x7A5] =	sst s0  }
0xd8: {  	s23 =	simm.s32 $0x2900;
	[smem:$0x7AB] =	sst s18  }
0xd9: {  	s22 =	simm.s32 $0xA80;
	[smem:$0x7BF] =	sst s23  }
0xda: {  	s5 =	simm.s32 $0xE00;
	[smem:$0x782] =	sst s22  }
0xdb: {  	s17 =	simm.s32 $0xF80;
	[smem:$0x789] =	sst s5  }
0xdc: {  	s21 =	simm.s32 $0x1180;
	[smem:$0x78C] =	sst s17  }
0xdd: {  	s1 =	simm.s32 $0x1500;
	[smem:$0x790] =	sst s21  }
0xde: {  	s16 =	simm.s32 $0x1680;
	[smem:$0x797] =	sst s1  }
0xdf: {  	s19 =	simm.s32 $0x1F80;
	[smem:$0x79A] =	sst s16  }
0xe0: {  	s20 =	simm.s32 $0x2000;
	[smem:$0x7AC] =	sst s19  }
0xe1: {  	s24 =	simm.s32 $0x2200;
	[smem:$0x7AD] =	sst s20  }
0xe2: {  	s25 =	simm.s32 $0x2280;
	[smem:$0x7B1] =	sst s24  }
0xe3: {  	s26 =	simm.s32 $0x2300;
	[smem:$0x7B2] =	sst s25  }
0xe4: {  	s0 =	simm.s32 $0x2380;
	[smem:$0x7B3] =	sst s26  }
0xe5: {  	s18 =	simm.s32 $0x2680;
	[smem:$0x7B4] =	sst s0  }
0xe6: {  	s23 =	simm.s32 $0x3080;
	[smem:$0x7BA] =	sst s18  }
0xe7: {  	s22 =	simm.s32 $0x1200;
	[smem:$0x7CE] =	sst s23  }
0xe8: {  	s5 =	simm.s32 $0x1580;
	[smem:$0x791] =	sst s22  }
0xe9: {  	s17 =	simm.s32 $0x1700;
	[smem:$0x798] =	sst s5  }
0xea: {  	s21 =	simm.s32 $0x1900;
	[smem:$0x79B] =	sst s17  }
0xeb: {  	s1 =	simm.s32 $0x1C80;
	[smem:$0x79F] =	sst s21  }
0xec: {  	s16 =	simm.s32 $0x1E00;
	[smem:$0x7A6] =	sst s1  }
0xed: {  	s19 =	simm.s32 $0x2700;
	[smem:$0x7A9] =	sst s16  }
0xee: {  	s20 =	simm.s32 $0x2780;
	[smem:$0x7BB] =	sst s19  }
0xef: {  	s24 =	simm.s32 $0x2980;
	[smem:$0x7BC] =	sst s20  }
0xf0: {  	s25 =	simm.s32 $0x2A00;
	[smem:$0x7C0] =	sst s24  }
0xf1: {  	s26 =	simm.s32 $0x2A80;
	[smem:$0x7C1] =	sst s25  }
0xf2: {  	s0 =	simm.s32 $0x2B00;
	[smem:$0x7C2] =	sst s26  }
0xf3: {  	s18 =	simm.s32 $0x2E00;
	[smem:$0x7C3] =	sst s0  }
0xf4: {  	s23 =	simm.s32 $0x3780;
	[smem:$0x7C9] =	sst s18  }
0xf5: {  	s22 =	simm.s32 $0x1980;
	[smem:$0x7DC] =	sst s23  }
0xf6: {  	s5 =	simm.s32 $0x1D00;
	[smem:$0x7A0] =	sst s22  }
0xf7: {  	s17 =	simm.s32 $0x1E80;
	[smem:$0x7A7] =	sst s5  }
0xf8: {  	s21 =	simm.s32 $0x2080;
	[smem:$0x7AA] =	sst s17  }
0xf9: {  	s1 =	simm.s32 $0x2400;
	[smem:$0x7AE] =	sst s21  }
0xfa: {  	s16 =	simm.s32 $0x2580;
	[smem:$0x7B5] =	sst s1  }
0xfb: {  	s19 =	simm.s32 $0x2E80;
	[smem:$0x7B8] =	sst s16  }
0xfc: {  	s20 =	simm.s32 $0x2F00;
	[smem:$0x7CA] =	sst s19  }
0xfd: {  	s24 =	simm.s32 $0x3100;
	[smem:$0x7CB] =	sst s20  }
0xfe: {  	s25 =	simm.s32 $0x3180;
	[smem:$0x7CF] =	sst s24  }
0xff: {  	s26 =	simm.s32 $0x3200;
	[smem:$0x7D0] =	sst s25  }
0x100: {  	s0 =	simm.s32 $0x3280;
	[smem:$0x7D1] =	sst s26  }
0x101: {  	s18 =	simm.s32 $0x3500;
	[smem:$0x7D2] =	sst s0  }
0x102: {  	s23 =	simm.s32 $0x3F00;
	[smem:$0x7D7] =	sst s18  }
0x103: {  	s22 =	simm.s32 $0x2100;
	[smem:$0x7EB] =	sst s23  }
0x104: {  	s5 =	simm.s32 $0x2480;
	[smem:$0x7AF] =	sst s22  }
0x105: {  	s17 =	simm.s32 $0x2600;
	[smem:$0x7B6] =	sst s5  }
0x106: {  	s21 =	simm.s32 $0x2800;
	[smem:$0x7B9] =	sst s17  }
0x107: {  	s1 =	simm.s32 $0x2B80;
	[smem:$0x7BD] =	sst s21  }
0x108: {  	s16 =	simm.s32 $0x2D00;
	[smem:$0x7C4] =	sst s1  }
0x109: {  	s19 =	simm.s32 $0x3580;
	[smem:$0x7C7] =	sst s16  }
0x10a: {  	s20 =	simm.s32 $0x3600;
	[smem:$0x7D8] =	sst s19  }
0x10b: {  	s24 =	simm.s32 $0x3800;
	[smem:$0x7D9] =	sst s20  }
0x10c: {  	s25 =	simm.s32 $0x3880;
	[smem:$0x7DD] =	sst s24  }
0x10d: {  	s26 =	simm.s32 $0x3900;
	[smem:$0x7DE] =	sst s25  }
0x10e: {  	s0 =	simm.s32 $0x3980;
	[smem:$0x7DF] =	sst s26  }
0x10f: {  	s18 =	simm.s32 $0x3C80;
	[smem:$0x7E0] =	sst s0  }
0x110: {  	s23 =	simm.s32 $0x4600;
	[smem:$0x7E6] =	sst s18  }
0x111: {  	s22 =	simm.s32 $0x2880;
	[smem:$0x7F8] =	sst s23  }
0x112: {  	s5 =	simm.s32 $0x2C00;
	[smem:$0x7BE] =	sst s22  }
0x113: {  	s17 =	simm.s32 $0x2D80;
	[smem:$0x7C5] =	sst s5  }
0x114: {  	s21 =	simm.s32 $0x2F80;
	[smem:$0x7C8] =	sst s17  }
0x115: {  	s1 =	simm.s32 $0x3300;
	[smem:$0x7CC] =	sst s21  }
0x116: {  	s16 =	simm.s32 $0x3400;
	[smem:$0x7D3] =	sst s1  }
0x117: {  	s19 =	simm.s32 $0x3D00;
	[smem:$0x7D5] =	sst s16  }
0x118: {  	s20 =	simm.s32 $0x3D80;
	[smem:$0x7E7] =	sst s19  }
0x119: {  	s24 =	simm.s32 $0x3F80;
	[smem:$0x7E8] =	sst s20  }
0x11a: {  	s25 =	simm.s32 $0x4000;
	[smem:$0x7EC] =	sst s24  }
0x11b: {  	s26 =	simm.s32 $0x4080;
	[smem:$0x7ED] =	sst s25  }
0x11c: {  	s0 =	simm.s32 $0x4180;
	[smem:$0x7EE] =	sst s26  }
0x11d: {  	s18 =	simm.s32 $0x4380;
	[smem:$0x7EF] =	sst s0  }
0x11e: {  	s23 =	simm.s32 $0x4800;
	[smem:$0x7F3] =	sst s18  }
0x11f: {  	s22 =	simm.s32 $0x3000;
	[smem:$0x7FC] =	sst s23  }
0x120: {  	s5 =	simm.s32 $0x3380;
	[smem:$0x7CD] =	sst s22  }
0x121: {  	s28 =	simm.s32 $0x4;
	s17 =	simm.s32 $0x3480;
	[smem:$0x7D4] =	sst s5  }
0x122: {  	s29 =	simm.s32 $0x8;
	s21 =	simm.s32 $0x3680;
	[smem:$0x7D6] =	sst s17  }
0x123: {  	s30 =	simm.s32 $0x9;
	s1 =	simm.s32 $0x3A00;
	[smem:$0x7DA] =	sst s21  }
0x124: {  	s31 =	simm.s32 $0xA;
	s16 =	simm.s32 $0x3B80;
	[smem:$0x7E1] =	sst s1  }
0x125: {  	s12 =	sadd.s32 $0x400, s12;
	s19 =	simm.s32 $0x4400;
	[smem:$0x7E4] =	sst s16  }
0x126: {  	s13 =	ssub.s32 $0x2, s13;
	s20 =	simm.s32 $0x4480;
	[smem:$0x7F4] =	sst s19  }
0x127: {  	s14 =	simm.s32 $0xB;
	s24 =	simm.s32 $0x4680;
	[smem:$0x7F5] =	sst s20  }
0x128: {  	s15 =	simm.s32 $0x4100;
	s25 =	simm.s32 $0x4700;
	[smem:$0x7F9] =	sst s24  }
0x129: {  	s18 =	simm.s32 $0x8900;
	s26 =	simm.s32 $0x4780;
	[smem:$0x7FA] =	sst s25  }
0x12a: {  	s23 =	simm.s32 $0x2;
	s22 =	simm.s32 $0x3700;
	[smem:$0x7FB] =	sst s26  }
0x12b: {  	s5 =	simm.s32 $0x3A80;
	s17 =	simm.s32 $0x3C00;
	[smem:$0x7DB] =	sst s22  }
0x12c: {  	s21 =	simm.s32 $0x3E00;
	s1 =	simm.s32 $0x4200;
	[smem:$0x7E2] =	sst s5  }
0x12d: {  	s16 =	sshrl.u32 s13, $0x1;
	s19 =	simm.s32 $0xC900;
	[smem:$0x7E5] =	sst s17  }
0x12e: {  	s20 =	simm.s32 $0x10900;
	s25 =	simm.s32 $0x4880;
	[smem:$0x7E9] =	sst s21  }
0x12f: {  	s24 =	simm.s32 $0x6;
	s26 =	simm.s32 $0x7;
	[smem:$0x7F0] =	sst s1  }
0x130: {  	s22 =	simm.s32 $0x3E80;
	s5 =	simm.s32 $0x4280;
	[smem:$0x7FD] =	sst s25  }
0x131: {  	s17 =	simm.s32 $0x4300;
	s13 =	ssub.s32 s13, s16;
	[smem:$0x7EA] =	sst s22  }
0x132: {  	s21 =	simm.s32 $0x4500;
	s16 =	simm.s32 $0x100;
	[smem:$0x7F1] =	sst s5  }
0x133: {  	s25 =	simm.s32 $0x3;
	[smem:$0x7F2] =	sst s17;
	s13 =	smax.u32 s13, $0x1  }
0x134: {  	[smem:$0x7F6] =	sst s21;
	s22 =	simm.s32 $0x4580;
	s17 =	simm.s32 $0x4900  }
0x135: {  	s21 =	simm.s32 $0x1;
	[smem:$0x7F7] =	sst s22;
	s22 =	simm.s32 $0x5  }
.LBB2_1:
0x136: {  	s1 =	rddreg [dreg:$0x7]  }
0x137: {  	[tilespmem:s3], [sflag:$0xB] =	stream.linear.gather [hbm4b:s1+s3], $0x80, $0x38;
	[tilespmem:$0x14900] =	vst v63  }
0x138: {  	_ =	swait.ge [sflag:s14], $0x80  }
0x139: {  	s0 =	sld [smem:$0x76F]  }
0x13a: {  	[sflag:s14] =	ssyncset.done $0x0  }
0x13b: {  	s5 =	rddreg [dreg:$0x8];
	[sflag:s14] =	ssyncadd.s32 $0xFFFFFF80  }
0x13c: {  	[tilespmem:s0], [sflag:$0xB] =	stream.linear.gather [hbm4b:s5+s3], $0x10, $0x38;
	[tilespmem:$0x14900] =	vst v63  }
0x13d: {  	_ =	swait.ge [sflag:s14], $0x10  }
0x13e: {  	[sflag:s14] =	ssyncset.done $0x0  }
0x13f: {  	s1 =	rddreg [dreg:$0x9];
	[sflag:s14] =	ssyncadd.s32 $0xFFFFFFF0  }
0x140: {  	[tilespmem:s15], [sflag:$0xB] =	stream.linear.gather [hbm4b:s1+s3], $0x800, $0x38;
	[tilespmem:$0x14900] =	vst v63  }
0x141: {  	_ =	swait.ge [sflag:s14], $0x800  }
0x142: {  	[sflag:s14] =	ssyncset.done $0x0  }
0x143: {  	[sflag:s14] =	ssyncadd.s32 $0xFFFFF800  }
0x144: {  	v0 =	vld [tilespmem:$0x0];
	_ =	sdelay $0x4  }
0x145: {  	v0 =	vshll.u32 v0, $0x7  }
0x146: {  	v0 =	vadd.s32 $0x80, v0  }
0x147: {  	(v2sf) =	vpush v0, $0x0;
	_ =	sdelay $0x9  }
0x148: {  	(v2sf) =	vpush v0, $0x1;
	_ =	sdelay $0x4  }
0x149: {  	s0 =	spop (v2sf);
	(v2sf) =	vpush v0, $0x2;
	_ =	sdelay $0x4  }
0x14a: {  	(v2sf) =	vpush v0, $0x3  }
0x14b: {  	s5 =	sand.u32 $0xFFFFFC00, s0  }
0x14c: {  	s0 =	sand.u32 $0x380, s0;
	s1 =	sadd.s32 s4, s5  }
0x14d: {  	s0 =	sor.u32 s0, s1  }
0x14e: {  	s0 =	sshrl.u32 s0, $0x3  }
0x14f: {  	s1 =	spop (v2sf);
	s0 =	sadd.s32 s12, s0  }
0x150: {  	[tilespmem:s16], [sflag:$0x9] =	stream.linear.gather [hbm4b:s0+s3], $0x80, $0x38;
	[tilespmem:$0x14900] =	vst v63  }
0x151: {  	s5 =	sand.u32 $0xFFFFFC00, s1;
	s0 =	rddreg [dreg:$0xa]  }
0x152: {  	s1 =	sand.u32 $0x380, s1;
	s0 =	sadd.s32 s5, s0  }
0x153: {  	s5 =	sld [smem:$0x770];
	s0 =	sor.u32 s1, s0  }
0x154: {  	s0 =	sshrl.u32 s0, $0x3;
	s1 =	spop (v2sf);
	(v2sf) =	vpush v0, $0x4  }
0x155: {  	s0 =	sadd.s32 s12, s0  }
0x156: {  	[tilespmem:s5], [sflag:$0x9] =	stream.linear.gather [hbm4b:s0+s3], $0x80, $0x38;
	[tilespmem:$0x14900] =	vst v63  }
0x157: {  	s0 =	rddreg [dreg:$0xb];
	s5 =	sand.u32 $0xFFFFFC00, s1  }
0x158: {  	s1 =	sand.u32 $0x380, s1;
	s0 =	sadd.s32 s5, s0  }
0x159: {  	s0 =	sor.u32 s1, s0;
	s1 =	spop (v2sf);
	(v2sf) =	vpush v0, $0x5;
	_ =	sdelay $0x2  }
0x15a: {  	s5 =	sld [smem:$0x771]  }
0x15b: {  	s0 =	sshrl.u32 s0, $0x3  }
0x15c: {  	s0 =	sadd.s32 s12, s0  }
0x15d: {  	[tilespmem:s5], [sflag:$0x9] =	stream.linear.gather [hbm4b:s0+s3], $0x80, $0x38;
	[tilespmem:$0x14900] =	vst v63  }
0x15e: {  	s0 =	rddreg [dreg:$0xc];
	s5 =	sand.u32 $0xFFFFFC00, s1  }
0x15f: {  	s1 =	sand.u32 $0x380, s1;
	s0 =	sadd.s32 s5, s0  }
0x160: {  	s5 =	sld [smem:$0x772];
	s0 =	sor.u32 s1, s0  }
0x161: {  	s0 =	sshrl.u32 s0, $0x3;
	s1 =	spop (v2sf);
	(v2sf) =	vpush v0, $0x6  }
0x162: {  	s0 =	sadd.s32 s12, s0  }
0x163: {  	[tilespmem:s5], [sflag:$0x9] =	stream.linear.gather [hbm4b:s0+s3], $0x80, $0x38;
	[tilespmem:$0x14900] =	vst v63  }
0x164: {  	s0 =	rddreg [dreg:$0xd];
	s5 =	sand.u32 $0xFFFFFC00, s1  }
0x165: {  	s1 =	sand.u32 $0x380, s1;
	s0 =	sadd.s32 s5, s0  }
0x166: {  	s0 =	sor.u32 s1, s0;
	s1 =	spop (v2sf);
	(v2sf) =	vpush v0, $0x7;
	_ =	sdelay $0x2  }
0x167: {  	s5 =	sld [smem:$0x773]  }
0x168: {  	s0 =	sshrl.u32 s0, $0x3  }
0x169: {  	s0 =	sadd.s32 s12, s0  }
0x16a: {  	[tilespmem:s5], [sflag:$0x9] =	stream.linear.gather [hbm4b:s0+s3], $0x80, $0x38;
	[tilespmem:$0x14900] =	vst v63  }
0x16b: {  	s0 =	rddreg [dreg:$0xe];
	s5 =	sand.u32 $0xFFFFFC00, s1  }
0x16c: {  	s1 =	sand.u32 $0x380, s1;
	s0 =	sadd.s32 s5, s0  }
0x16d: {  	s5 =	sld [smem:$0x774];
	s0 =	sor.u32 s1, s0  }
0x16e: {  	s0 =	sshrl.u32 s0, $0x3;
	s1 =	spop (v2sf);
	(v2sf) =	vpush v0, $0x8  }
0x16f: {  	s0 =	sadd.s32 s12, s0  }
0x170: {  	[tilespmem:s5], [sflag:$0x9] =	stream.linear.gather [hbm4b:s0+s3], $0x80, $0x38;
	[tilespmem:$0x14900] =	vst v63  }
0x171: {  	s0 =	rddreg [dreg:$0xf];
	s5 =	sand.u32 $0xFFFFFC00, s1  }
0x172: {  	s1 =	sand.u32 $0x380, s1;
	s0 =	sadd.s32 s5, s0  }
0x173: {  	s0 =	sor.u32 s1, s0;
	s1 =	spop (v2sf);
	(v2sf) =	vpush v0, $0x9;
	_ =	sdelay $0x2  }
0x174: {  	s5 =	sld [smem:$0x775]  }
0x175: {  	s0 =	sshrl.u32 s0, $0x3  }
0x176: {  	s0 =	sadd.s32 s12, s0  }
0x177: {  	[tilespmem:s5], [sflag:$0x9] =	stream.linear.gather [hbm4b:s0+s3], $0x80, $0x38;
	[tilespmem:$0x14900] =	vst v63  }
0x178: {  	s0 =	rddreg [dreg:$0x10];
	s5 =	sand.u32 $0xFFFFFC00, s1  }
0x179: {  	s1 =	sand.u32 $0x380, s1;
	s0 =	sadd.s32 s5, s0  }
0x17a: {  	s5 =	sld [smem:$0x776];
	s0 =	sor.u32 s1, s0  }
0x17b: {  	s0 =	sshrl.u32 s0, $0x3;
	s1 =	spop (v2sf);
	(v2sf) =	vpush v0, $0xA  }
0x17c: {  	s0 =	sadd.s32 s12, s0  }
0x17d: {  	[tilespmem:s5], [sflag:$0x9] =	stream.linear.gather [hbm4b:s0+s3], $0x80, $0x38;
	[tilespmem:$0x14900] =	vst v63  }
0x17e: {  	s0 =	rddreg [dreg:$0x11];
	s5 =	sand.u32 $0xFFFFFC00, s1  }
0x17f: {  	s1 =	sand.u32 $0x380, s1;
	s0 =	sadd.s32 s5, s0  }
0x180: {  	s0 =	sor.u32 s1, s0;
	s1 =	spop (v2sf);
	(v2sf) =	vpush v0, $0xB;
	_ =	sdelay $0x2  }
0x181: {  	s5 =	sld [smem:$0x777]  }
0x182: {  	s0 =	sshrl.u32 s0, $0x3  }
0x183: {  	s0 =	sadd.s32 s12, s0  }
0x184: {  	[tilespmem:s5], [sflag:$0x9] =	stream.linear.gather [hbm4b:s0+s3], $0x80, $0x38;
	[tilespmem:$0x14900] =	vst v63  }
0x185: {  	s0 =	rddreg [dreg:$0x12];
	s5 =	sand.u32 $0xFFFFFC00, s1  }
0x186: {  	s1 =	sand.u32 $0x380, s1;
	s0 =	sadd.s32 s5, s0  }
0x187: {  	s5 =	sld [smem:$0x778];
	s0 =	sor.u32 s1, s0  }
0x188: {  	s0 =	sshrl.u32 s0, $0x3;
	s1 =	spop (v2sf);
	(v2sf) =	vpush v0, $0xC  }
0x189: {  	s0 =	sadd.s32 s12, s0  }
0x18a: {  	[tilespmem:s5], [sflag:$0x9] =	stream.linear.gather [hbm4b:s0+s3], $0x80, $0x38;
	[tilespmem:$0x14900] =	vst v63  }
0x18b: {  	s0 =	rddreg [dreg:$0x13];
	s5 =	sand.u32 $0xFFFFFC00, s1  }
0x18c: {  	s1 =	sand.u32 $0x380, s1;
	s0 =	sadd.s32 s5, s0  }
0x18d: {  	s0 =	sor.u32 s1, s0;
	s1 =	spop (v2sf);
	(v2sf) =	vpush v0, $0xD;
	_ =	sdelay $0x2  }
0x18e: {  	s5 =	sld [smem:$0x779]  }
0x18f: {  	s0 =	sshrl.u32 s0, $0x3  }
0x190: {  	s0 =	sadd.s32 s12, s0  }
0x191: {  	[tilespmem:s5], [sflag:$0x9] =	stream.linear.gather [hbm4b:s0+s3], $0x80, $0x38;
	[tilespmem:$0x14900] =	vst v63  }
0x192: {  	s0 =	rddreg [dreg:$0x14];
	s5 =	sand.u32 $0xFFFFFC00, s1  }
0x193: {  	s1 =	sand.u32 $0x380, s1;
	s0 =	sadd.s32 s5, s0  }
0x194: {  	s5 =	sld [smem:$0x77A];
	s0 =	sor.u32 s1, s0  }
0x195: {  	s0 =	sshrl.u32 s0, $0x3;
	s1 =	spop (v2sf);
	(v2sf) =	vpush v0, $0xE  }
0x196: {  	s0 =	sadd.s32 s12, s0  }
0x197: {  	[tilespmem:s5], [sflag:$0x9] =	stream.linear.gather [hbm4b:s0+s3], $0x80, $0x38;
	[tilespmem:$0x14900] =	vst v63  }
0x198: {  	s0 =	rddreg [dreg:$0x15];
	s5 =	sand.u32 $0xFFFFFC00, s1  }
0x199: {  	s1 =	sand.u32 $0x380, s1;
	s0 =	sadd.s32 s5, s0  }
0x19a: {  	s5 =	sld [smem:$0x77B];
	s0 =	sor.u32 s1, s0;
	s1 =	spop (v2sf);
	(v2sf) =	vpush v0, $0xF  }
0x19b: {  	s0 =	sshrl.u32 s0, $0x3  }
0x19c: {  	s0 =	sadd.s32 s12, s0  }
0x19d: {  	[tilespmem:s5], [sflag:$0x9] =	stream.linear.gather [hbm4b:s0+s3], $0x80, $0x38;
	[tilespmem:$0x14900] =	vst v63  }
0x19e: {  	s0 =	rddreg [dreg:$0x16];
	s5 =	sand.u32 $0xFFFFFC00, s1  }
0x19f: {  	s1 =	sand.u32 $0x380, s1;
	s0 =	sadd.s32 s5, s0  }
0x1a0: {  	s5 =	sld [smem:$0x77C];
	s0 =	sor.u32 s1, s0  }
0x1a1: {  	s0 =	sshrl.u32 s0, $0x3  }
0x1a2: {  	s0 =	sadd.s32 s12, s0  }
0x1a3: {  	[tilespmem:s5], [sflag:$0x9] =	stream.linear.gather [hbm4b:s0+s3], $0x80, $0x38;
	[tilespmem:$0x14900] =	vst v63  }
0x1a4: {  	s1 =	spop (v2sf)  }
0x1a5: {  	s0 =	rddreg [dreg:$0x17];
	s5 =	sand.u32 $0xFFFFFC00, s1  }
0x1a6: {  	s1 =	sand.u32 $0x380, s1;
	s0 =	sadd.s32 s5, s0  }
0x1a7: {  	s5 =	sld [smem:$0x77D];
	s0 =	sor.u32 s1, s0  }
0x1a8: {  	s0 =	sshrl.u32 s0, $0x3  }
0x1a9: {  	s1 =	spop (v2sf);
	s0 =	sadd.s32 s12, s0  }
0x1aa: {  	[tilespmem:s5], [sflag:$0x9] =	stream.linear.gather [hbm4b:s0+s3], $0x80, $0x38;
	[tilespmem:$0x14900] =	vst v63  }
0x1ab: {  	s0 =	rddreg [dreg:$0x18];
	s5 =	sand.u32 $0xFFFFFC00, s1  }
0x1ac: {  	s1 =	sand.u32 $0x380, s1;
	s0 =	sadd.s32 s5, s0  }
0x1ad: {  	s5 =	sld [smem:$0x77E];
	s0 =	sor.u32 s1, s0  }
0x1ae: {  	s0 =	sshrl.u32 s0, $0x3  }
0x1af: {  	s0 =	sadd.s32 s12, s0  }
0x1b0: {  	[tilespmem:s5], [sflag:$0x9] =	stream.linear.gather [hbm4b:s0+s3], $0x80, $0x38;
	[tilespmem:$0x14900] =	vst v63  }
0x1b1: {  	v56 =	vld [tilespmem:$0x10];
	_ =	sdelay $0x4  }
0x1b2: {  	v0 =	vshll.u32 v56, $0x7  }
0x1b3: {  	v0 =	vadd.s32 $0x80, v0  }
0x1b4: {  	(v2sf) =	vpush v0, $0x0;
	_ =	sdelay $0x2  }
0x1b5: {  	(v2sf) =	vpush v0, $0x1;
	_ =	sdelay $0x5  }
0x1b6: {  	(v2sf) =	vpush v0, $0x2;
	_ =	sdelay $0x5  }
0x1b7: {  	s1 =	spop (v2sf)  }
0x1b8: {  	s0 =	rddreg [dreg:$0x19];
	s5 =	sand.u32 $0xFFFFFC00, s1  }
0x1b9: {  	s1 =	sand.u32 $0x380, s1;
	s0 =	sadd.s32 s5, s0  }
0x1ba: {  	s5 =	sld [smem:$0x77F];
	s0 =	sor.u32 s1, s0;
	s1 =	spop (v2sf);
	(v2sf) =	vpush v0, $0x3  }
0x1bb: {  	s0 =	sshrl.u32 s0, $0x3  }
0x1bc: {  	s0 =	sadd.s32 s12, s0  }
0x1bd: {  	[tilespmem:s5], [sflag:$0x9] =	stream.linear.gather [hbm4b:s0+s3], $0x80, $0x38;
	[tilespmem:$0x14900] =	vst v63  }
0x1be: {  	s0 =	rddreg [dreg:$0x1a];
	s5 =	sand.u32 $0xFFFFFC00, s1  }
0x1bf: {  	s1 =	sand.u32 $0x380, s1;
	s0 =	sadd.s32 s5, s0  }
0x1c0: {  	s0 =	sor.u32 s1, s0;
	s1 =	spop (v2sf);
	(v2sf) =	vpush v0, $0x4;
	_ =	sdelay $0x2  }
0x1c1: {  	s5 =	sld [smem:$0x780]  }
0x1c2: {  	s0 =	sshrl.u32 s0, $0x3  }
0x1c3: {  	s0 =	sadd.s32 s12, s0  }
0x1c4: {  	[tilespmem:s5], [sflag:$0x9] =	stream.linear.gather [hbm4b:s0+s3], $0x80, $0x38;
	[tilespmem:$0x14900] =	vst v63  }
0x1c5: {  	s0 =	rddreg [dreg:$0x1b];
	s5 =	sand.u32 $0xFFFFFC00, s1  }
0x1c6: {  	s1 =	sand.u32 $0x380, s1;
	s0 =	sadd.s32 s5, s0  }
0x1c7: {  	s5 =	sld [smem:$0x781];
	s0 =	sor.u32 s1, s0;
	s1 =	spop (v2sf);
	(v2sf) =	vpush v0, $0x5  }
0x1c8: {  	s0 =	sshrl.u32 s0, $0x3  }
0x1c9: {  	s0 =	sadd.s32 s12, s0  }
0x1ca: {  	[tilespmem:s5], [sflag:$0x9] =	stream.linear.gather [hbm4b:s0+s3], $0x80, $0x38;
	[tilespmem:$0x14900] =	vst v63  }
0x1cb: {  	s0 =	rddreg [dreg:$0x1c];
	s5 =	sand.u32 $0xFFFFFC00, s1  }
0x1cc: {  	s1 =	sand.u32 $0x380, s1;
	s0 =	sadd.s32 s5, s0  }
0x1cd: {  	s0 =	sor.u32 s1, s0;
	s1 =	spop (v2sf);
	(v2sf) =	vpush v0, $0x6  }
0x1ce: {  	s5 =	sld [smem:$0x782]  }
0x1cf: {  	s0 =	sshrl.u32 s0, $0x3  }
0x1d0: {  	s0 =	sadd.s32 s12, s0  }
0x1d1: {  	[tilespmem:s5], [sflag:$0x9] =	stream.linear.gather [hbm4b:s0+s3], $0x80, $0x38;
	[tilespmem:$0x14900] =	vst v63  }
0x1d2: {  	s0 =	rddreg [dreg:$0x1d];
	s5 =	sand.u32 $0xFFFFFC00, s1  }
0x1d3: {  	s1 =	sand.u32 $0x380, s1;
	s0 =	sadd.s32 s5, s0  }
0x1d4: {  	s5 =	sld [smem:$0x783];
	s0 =	sor.u32 s1, s0  }
0x1d5: {  	s0 =	sshrl.u32 s0, $0x3  }
0x1d6: {  	s0 =	sadd.s32 s12, s0;
	s1 =	spop (v2sf);
	(v2sf) =	vpush v0, $0x7  }
0x1d7: {  	[tilespmem:s5], [sflag:$0x9] =	stream.linear.gather [hbm4b:s0+s3], $0x80, $0x38;
	[tilespmem:$0x14900] =	vst v63  }
0x1d8: {  	s0 =	rddreg [dreg:$0x1e];
	s5 =	sand.u32 $0xFFFFFC00, s1  }
0x1d9: {  	s1 =	sand.u32 $0x380, s1;
	s0 =	sadd.s32 s5, s0  }
0x1da: {  	s5 =	sld [smem:$0x784];
	s0 =	sor.u32 s1, s0  }
0x1db: {  	s0 =	sshrl.u32 s0, $0x3  }
0x1dc: {  	s0 =	sadd.s32 s12, s0;
	s1 =	spop (v2sf)  }
0x1dd: {  	[tilespmem:s5], [sflag:$0x9] =	stream.linear.gather [hbm4b:s0+s3], $0x80, $0x38;
	[tilespmem:$0x14900] =	vst v63  }
0x1de: {  	(v2sf) =	vpush v0, $0x8;
	s0 =	rddreg [dreg:$0x1f];
	s5 =	sand.u32 $0xFFFFFC00, s1  }
0x1df: {  	s1 =	sand.u32 $0x380, s1;
	s0 =	sadd.s32 s5, s0  }
0x1e0: {  	s5 =	sld [smem:$0x785];
	s0 =	sor.u32 s1, s0  }
0x1e1: {  	s0 =	sshrl.u32 s0, $0x3  }
0x1e2: {  	s0 =	sadd.s32 s12, s0  }
0x1e3: {  	[tilespmem:s5], [sflag:$0x9] =	stream.linear.gather [hbm4b:s0+s3], $0x80, $0x38;
	[tilespmem:$0x14900] =	vst v63  }
0x1e4: {  	s0 =	sld [smem:$0x6EB]  }
0x1e5: {  	s1 =	spop (v2sf)  }
0x1e6: {  	(v2sf) =	vpush v0, $0x9;
	s5 =	sand.u32 $0xFFFFFC00, s1  }
0x1e7: {  	s1 =	sand.u32 $0x380, s1;
	s0 =	sadd.s32 s5, s0  }
0x1e8: {  	s5 =	sld [smem:$0x786];
	s0 =	sor.u32 s1, s0  }
0x1e9: {  	s0 =	sshrl.u32 s0, $0x3  }
0x1ea: {  	s0 =	sadd.s32 s12, s0  }
0x1eb: {  	[tilespmem:s5], [sflag:$0x9] =	stream.linear.gather [hbm4b:s0+s3], $0x80, $0x38;
	[tilespmem:$0x14900] =	vst v63  }
0x1ec: {  	s0 =	sld [smem:$0x6EC]  }
0x1ed: {  	s1 =	spop (v2sf)  }
0x1ee: {  	(v2sf) =	vpush v0, $0xA;
	s5 =	sand.u32 $0xFFFFFC00, s1  }
0x1ef: {  	s1 =	sand.u32 $0x380, s1;
	s0 =	sadd.s32 s5, s0  }
0x1f0: {  	s5 =	sld [smem:$0x787];
	s0 =	sor.u32 s1, s0  }
0x1f1: {  	s0 =	sshrl.u32 s0, $0x3  }
0x1f2: {  	s0 =	sadd.s32 s12, s0  }
0x1f3: {  	[tilespmem:s5], [sflag:$0x9] =	stream.linear.gather [hbm4b:s0+s3], $0x80, $0x38;
	[tilespmem:$0x14900] =	vst v63  }
0x1f4: {  	s0 =	sld [smem:$0x6ED]  }
0x1f5: {  	s1 =	spop (v2sf)  }
0x1f6: {  	(v2sf) =	vpush v0, $0xB;
	s5 =	sand.u32 $0xFFFFFC00, s1  }
0x1f7: {  	s1 =	sand.u32 $0x380, s1;
	s0 =	sadd.s32 s5, s0  }
0x1f8: {  	s5 =	sld [smem:$0x788];
	s0 =	sor.u32 s1, s0  }
0x1f9: {  	s0 =	sshrl.u32 s0, $0x3  }
0x1fa: {  	s0 =	sadd.s32 s12, s0  }
0x1fb: {  	[tilespmem:s5], [sflag:$0x9] =	stream.linear.gather [hbm4b:s0+s3], $0x80, $0x38;
	[tilespmem:$0x14900] =	vst v63  }
0x1fc: {  	s0 =	sld [smem:$0x6EE]  }
0x1fd: {  	s1 =	spop (v2sf)  }
0x1fe: {  	(v2sf) =	vpush v0, $0xC;
	s5 =	sand.u32 $0xFFFFFC00, s1  }
0x1ff: {  	s1 =	sand.u32 $0x380, s1;
	s0 =	sadd.s32 s5, s0  }
0x200: {  	s5 =	sld [smem:$0x789];
	s0 =	sor.u32 s1, s0  }
0x201: {  	s0 =	sshrl.u32 s0, $0x3  }
0x202: {  	s0 =	sadd.s32 s12, s0  }
0x203: {  	[tilespmem:s5], [sflag:$0x9] =	stream.linear.gather [hbm4b:s0+s3], $0x80, $0x38;
	[tilespmem:$0x14900] =	vst v63  }
0x204: {  	s0 =	sld [smem:$0x6EF]  }
0x205: {  	s1 =	spop (v2sf)  }
0x206: {  	(v2sf) =	vpush v0, $0xD;
	s5 =	sand.u32 $0xFFFFFC00, s1  }
0x207: {  	s1 =	sand.u32 $0x380, s1;
	s0 =	sadd.s32 s5, s0  }
0x208: {  	s5 =	sld [smem:$0x78A];
	s0 =	sor.u32 s1, s0  }
0x209: {  	s0 =	sshrl.u32 s0, $0x3  }
0x20a: {  	s0 =	sadd.s32 s12, s0  }
0x20b: {  	[tilespmem:s5], [sflag:$0x9] =	stream.linear.gather [hbm4b:s0+s3], $0x80, $0x38;
	[tilespmem:$0x14900] =	vst v63  }
0x20c: {  	s0 =	sld [smem:$0x6F0]  }
0x20d: {  	s1 =	spop (v2sf)  }
0x20e: {  	(v2sf) =	vpush v0, $0xE;
	s5 =	sand.u32 $0xFFFFFC00, s1  }
0x20f: {  	s1 =	sand.u32 $0x380, s1;
	s0 =	sadd.s32 s5, s0  }
0x210: {  	s5 =	sld [smem:$0x78B];
	s0 =	sor.u32 s1, s0  }
0x211: {  	s0 =	sshrl.u32 s0, $0x3  }
0x212: {  	s0 =	sadd.s32 s12, s0  }
0x213: {  	[tilespmem:s5], [sflag:$0x9] =	stream.linear.gather [hbm4b:s0+s3], $0x80, $0x38;
	[tilespmem:$0x14900] =	vst v63  }
0x214: {  	s0 =	sld [smem:$0x6F1]  }
0x215: {  	s1 =	spop (v2sf)  }
0x216: {  	(v2sf) =	vpush v0, $0xF;
	s5 =	sand.u32 $0xFFFFFC00, s1  }
0x217: {  	s1 =	sand.u32 $0x380, s1;
	s0 =	sadd.s32 s5, s0  }
0x218: {  	s5 =	sld [smem:$0x78C];
	s0 =	sor.u32 s1, s0  }
0x219: {  	s0 =	sshrl.u32 s0, $0x3  }
0x21a: {  	s0 =	sadd.s32 s12, s0  }
0x21b: {  	[tilespmem:s5], [sflag:$0x9] =	stream.linear.gather [hbm4b:s0+s3], $0x80, $0x38;
	[tilespmem:$0x14900] =	vst v63  }
0x21c: {  	s0 =	sld [smem:$0x6F2]  }
0x21d: {  	s1 =	spop (v2sf)  }
0x21e: {  	s5 =	sand.u32 $0xFFFFFC00, s1  }
0x21f: {  	s1 =	sand.u32 $0x380, s1;
	s0 =	sadd.s32 s5, s0  }
0x220: {  	s5 =	sld [smem:$0x78D];
	s0 =	sor.u32 s1, s0  }
0x221: {  	s0 =	sshrl.u32 s0, $0x3  }
0x222: {  	s0 =	sadd.s32 s12, s0  }
0x223: {  	[tilespmem:s5], [sflag:$0x9] =	stream.linear.gather [hbm4b:s0+s3], $0x80, $0x38;
	[tilespmem:$0x14900] =	vst v63  }
0x224: {  	s0 =	sld [smem:$0x6F3]  }
0x225: {  	s1 =	spop (v2sf)  }
0x226: {  	s5 =	sand.u32 $0xFFFFFC00, s1  }
0x227: {  	s1 =	sand.u32 $0x380, s1;
	s0 =	sadd.s32 s5, s0  }
0x228: {  	s5 =	sld [smem:$0x78E];
	s0 =	sor.u32 s1, s0  }
0x229: {  	s0 =	sshrl.u32 s0, $0x3  }
0x22a: {  	s0 =	sadd.s32 s12, s0  }
0x22b: {  	[tilespmem:s5], [sflag:$0x9] =	stream.linear.gather [hbm4b:s0+s3], $0x80, $0x38;
	[tilespmem:$0x14900] =	vst v63  }
0x22c: {  	v57 =	vld [tilespmem:$0x20];
	_ =	sdelay $0x4  }
0x22d: {  	v0 =	vshll.u32 v57, $0x7  }
0x22e: {  	v0 =	vadd.s32 $0x80, v0  }
0x22f: {  	(v2sf) =	vpush v0, $0x0;
	_ =	sdelay $0x7  }
0x230: {  	(v2sf) =	vpush v0, $0x1;
	_ =	sdelay $0x5  }
0x231: {  	s0 =	sld [smem:$0x6F4]  }
0x232: {  	s1 =	spop (v2sf)  }
0x233: {  	(v2sf) =	vpush v0, $0x2;
	s5 =	sand.u32 $0xFFFFFC00, s1  }
0x234: {  	s1 =	sand.u32 $0x380, s1;
	s0 =	sadd.s32 s5, s0  }
0x235: {  	s5 =	sld [smem:$0x78F];
	s0 =	sor.u32 s1, s0  }
0x236: {  	s0 =	sshrl.u32 s0, $0x3  }
0x237: {  	s0 =	sadd.s32 s12, s0  }
0x238: {  	[tilespmem:s5], [sflag:$0x9] =	stream.linear.gather [hbm4b:s0+s3], $0x80, $0x38;
	[tilespmem:$0x14900] =	vst v63  }
0x239: {  	s0 =	sld [smem:$0x6F5]  }
0x23a: {  	s1 =	spop (v2sf)  }
0x23b: {  	(v2sf) =	vpush v0, $0x3;
	s5 =	sand.u32 $0xFFFFFC00, s1  }
0x23c: {  	s1 =	sand.u32 $0x380, s1;
	s0 =	sadd.s32 s5, s0  }
0x23d: {  	s5 =	sld [smem:$0x790];
	s0 =	sor.u32 s1, s0  }
0x23e: {  	s0 =	sshrl.u32 s0, $0x3  }
0x23f: {  	s0 =	sadd.s32 s12, s0  }
0x240: {  	[tilespmem:s5], [sflag:$0x9] =	stream.linear.gather [hbm4b:s0+s3], $0x80, $0x38;
	[tilespmem:$0x14900] =	vst v63  }
0x241: {  	s0 =	sld [smem:$0x6F6]  }
0x242: {  	s1 =	spop (v2sf)  }
0x243: {  	(v2sf) =	vpush v0, $0x4;
	s5 =	sand.u32 $0xFFFFFC00, s1  }
0x244: {  	s1 =	sand.u32 $0x380, s1;
	s0 =	sadd.s32 s5, s0  }
0x245: {  	s5 =	sld [smem:$0x791];
	s0 =	sor.u32 s1, s0  }
0x246: {  	s0 =	sshrl.u32 s0, $0x3  }
0x247: {  	s0 =	sadd.s32 s12, s0  }
0x248: {  	[tilespmem:s5], [sflag:$0x9] =	stream.linear.gather [hbm4b:s0+s3], $0x80, $0x38;
	[tilespmem:$0x14900] =	vst v63  }
0x249: {  	s0 =	sld [smem:$0x6F7]  }
0x24a: {  	s1 =	spop (v2sf)  }
0x24b: {  	(v2sf) =	vpush v0, $0x5;
	s5 =	sand.u32 $0xFFFFFC00, s1  }
0x24c: {  	s1 =	sand.u32 $0x380, s1;
	s0 =	sadd.s32 s5, s0  }
0x24d: {  	s5 =	sld [smem:$0x792];
	s0 =	sor.u32 s1, s0  }
0x24e: {  	s0 =	sshrl.u32 s0, $0x3  }
0x24f: {  	s0 =	sadd.s32 s12, s0  }
0x250: {  	[tilespmem:s5], [sflag:$0x9] =	stream.linear.gather [hbm4b:s0+s3], $0x80, $0x38;
	[tilespmem:$0x14900] =	vst v63  }
0x251: {  	s0 =	sld [smem:$0x6F8]  }
0x252: {  	s1 =	spop (v2sf)  }
0x253: {  	(v2sf) =	vpush v0, $0x6;
	s5 =	sand.u32 $0xFFFFFC00, s1  }
0x254: {  	s1 =	sand.u32 $0x380, s1;
	s0 =	sadd.s32 s5, s0  }
0x255: {  	s5 =	sld [smem:$0x793];
	s0 =	sor.u32 s1, s0  }
0x256: {  	s0 =	sshrl.u32 s0, $0x3  }
0x257: {  	s0 =	sadd.s32 s12, s0  }
0x258: {  	[tilespmem:s5], [sflag:$0x9] =	stream.linear.gather [hbm4b:s0+s3], $0x80, $0x38;
	[tilespmem:$0x14900] =	vst v63  }
0x259: {  	s0 =	sld [smem:$0x6F9]  }
0x25a: {  	s1 =	spop (v2sf)  }
0x25b: {  	(v2sf) =	vpush v0, $0x7;
	s5 =	sand.u32 $0xFFFFFC00, s1  }
0x25c: {  	s1 =	sand.u32 $0x380, s1;
	s0 =	sadd.s32 s5, s0  }
0x25d: {  	s5 =	sld [smem:$0x794];
	s0 =	sor.u32 s1, s0  }
0x25e: {  	s0 =	sshrl.u32 s0, $0x3  }
0x25f: {  	s0 =	sadd.s32 s12, s0  }
0x260: {  	[tilespmem:s5], [sflag:$0x9] =	stream.linear.gather [hbm4b:s0+s3], $0x80, $0x38;
	[tilespmem:$0x14900] =	vst v63  }
0x261: {  	s0 =	sld [smem:$0x6FA]  }
0x262: {  	s1 =	spop (v2sf)  }
0x263: {  	(v2sf) =	vpush v0, $0x8;
	s5 =	sand.u32 $0xFFFFFC00, s1  }
0x264: {  	s1 =	sand.u32 $0x380, s1;
	s0 =	sadd.s32 s5, s0  }
0x265: {  	s5 =	sld [smem:$0x795];
	s0 =	sor.u32 s1, s0  }
0x266: {  	s0 =	sshrl.u32 s0, $0x3  }
0x267: {  	s0 =	sadd.s32 s12, s0  }
0x268: {  	[tilespmem:s5], [sflag:$0x9] =	stream.linear.gather [hbm4b:s0+s3], $0x80, $0x38;
	[tilespmem:$0x14900] =	vst v63  }
0x269: {  	s0 =	sld [smem:$0x6FB]  }
0x26a: {  	s1 =	spop (v2sf)  }
0x26b: {  	(v2sf) =	vpush v0, $0x9;
	s5 =	sand.u32 $0xFFFFFC00, s1  }
0x26c: {  	s1 =	sand.u32 $0x380, s1;
	s0 =	sadd.s32 s5, s0  }
0x26d: {  	s5 =	sld [smem:$0x796];
	s0 =	sor.u32 s1, s0  }
0x26e: {  	s0 =	sshrl.u32 s0, $0x3  }
0x26f: {  	s0 =	sadd.s32 s12, s0  }
0x270: {  	[tilespmem:s5], [sflag:$0x9] =	stream.linear.gather [hbm4b:s0+s3], $0x80, $0x38;
	[tilespmem:$0x14900] =	vst v63  }
0x271: {  	s0 =	sld [smem:$0x6FC]  }
0x272: {  	s1 =	spop (v2sf)  }
0x273: {  	(v2sf) =	vpush v0, $0xA;
	s5 =	sand.u32 $0xFFFFFC00, s1  }
0x274: {  	s1 =	sand.u32 $0x380, s1;
	s0 =	sadd.s32 s5, s0  }
0x275: {  	s5 =	sld [smem:$0x797];
	s0 =	sor.u32 s1, s0  }
0x276: {  	s0 =	sshrl.u32 s0, $0x3  }
0x277: {  	s0 =	sadd.s32 s12, s0  }
0x278: {  	[tilespmem:s5], [sflag:$0x9] =	stream.linear.gather [hbm4b:s0+s3], $0x80, $0x38;
	[tilespmem:$0x14900] =	vst v63  }
0x279: {  	s0 =	sld [smem:$0x6FD]  }
0x27a: {  	s1 =	spop (v2sf)  }
0x27b: {  	(v2sf) =	vpush v0, $0xB;
	s5 =	sand.u32 $0xFFFFFC00, s1  }
0x27c: {  	s1 =	sand.u32 $0x380, s1;
	s0 =	sadd.s32 s5, s0  }
0x27d: {  	s5 =	sld [smem:$0x798];
	s0 =	sor.u32 s1, s0  }
0x27e: {  	s0 =	sshrl.u32 s0, $0x3  }
0x27f: {  	s0 =	sadd.s32 s12, s0  }
0x280: {  	[tilespmem:s5], [sflag:$0x9] =	stream.linear.gather [hbm4b:s0+s3], $0x80, $0x38;
	[tilespmem:$0x14900] =	vst v63  }
0x281: {  	s0 =	sld [smem:$0x6FE]  }
0x282: {  	s1 =	spop (v2sf)  }
0x283: {  	(v2sf) =	vpush v0, $0xC;
	s5 =	sand.u32 $0xFFFFFC00, s1  }
0x284: {  	s1 =	sand.u32 $0x380, s1;
	s0 =	sadd.s32 s5, s0  }
0x285: {  	s5 =	sld [smem:$0x799];
	s0 =	sor.u32 s1, s0  }
0x286: {  	s0 =	sshrl.u32 s0, $0x3  }
0x287: {  	s0 =	sadd.s32 s12, s0  }
0x288: {  	[tilespmem:s5], [sflag:$0x9] =	stream.linear.gather [hbm4b:s0+s3], $0x80, $0x38;
	[tilespmem:$0x14900] =	vst v63  }
0x289: {  	s0 =	sld [smem:$0x6FF]  }
0x28a: {  	s1 =	spop (v2sf)  }
0x28b: {  	(v2sf) =	vpush v0, $0xD;
	s5 =	sand.u32 $0xFFFFFC00, s1  }
0x28c: {  	s1 =	sand.u32 $0x380, s1;
	s0 =	sadd.s32 s5, s0  }
0x28d: {  	s5 =	sld [smem:$0x79A];
	s0 =	sor.u32 s1, s0  }
0x28e: {  	s0 =	sshrl.u32 s0, $0x3  }
0x28f: {  	s0 =	sadd.s32 s12, s0  }
0x290: {  	[tilespmem:s5], [sflag:$0x9] =	stream.linear.gather [hbm4b:s0+s3], $0x80, $0x38;
	[tilespmem:$0x14900] =	vst v63  }
0x291: {  	s0 =	sld [smem:$0x700]  }
0x292: {  	s1 =	spop (v2sf)  }
0x293: {  	(v2sf) =	vpush v0, $0xE;
	s5 =	sand.u32 $0xFFFFFC00, s1  }
0x294: {  	s1 =	sand.u32 $0x380, s1;
	s0 =	sadd.s32 s5, s0  }
0x295: {  	s5 =	sld [smem:$0x79B];
	s0 =	sor.u32 s1, s0  }
0x296: {  	s0 =	sshrl.u32 s0, $0x3  }
0x297: {  	s0 =	sadd.s32 s12, s0  }
0x298: {  	[tilespmem:s5], [sflag:$0x9] =	stream.linear.gather [hbm4b:s0+s3], $0x80, $0x38;
	[tilespmem:$0x14900] =	vst v63  }
0x299: {  	s0 =	sld [smem:$0x701]  }
0x29a: {  	s1 =	spop (v2sf)  }
0x29b: {  	(v2sf) =	vpush v0, $0xF;
	s5 =	sand.u32 $0xFFFFFC00, s1  }
0x29c: {  	s1 =	sand.u32 $0x380, s1;
	s0 =	sadd.s32 s5, s0  }
0x29d: {  	s5 =	sld [smem:$0x79C];
	s0 =	sor.u32 s1, s0  }
0x29e: {  	s0 =	sshrl.u32 s0, $0x3  }
0x29f: {  	s0 =	sadd.s32 s12, s0  }
0x2a0: {  	[tilespmem:s5], [sflag:$0x9] =	stream.linear.gather [hbm4b:s0+s3], $0x80, $0x38;
	[tilespmem:$0x14900] =	vst v63  }
0x2a1: {  	s0 =	sld [smem:$0x702]  }
0x2a2: {  	s1 =	spop (v2sf)  }
0x2a3: {  	s5 =	sand.u32 $0xFFFFFC00, s1  }
0x2a4: {  	s1 =	sand.u32 $0x380, s1;
	s0 =	sadd.s32 s5, s0  }
0x2a5: {  	s5 =	sld [smem:$0x79D];
	s0 =	sor.u32 s1, s0  }
0x2a6: {  	s0 =	sshrl.u32 s0, $0x3  }
0x2a7: {  	s0 =	sadd.s32 s12, s0  }
0x2a8: {  	[tilespmem:s5], [sflag:$0x9] =	stream.linear.gather [hbm4b:s0+s3], $0x80, $0x38;
	[tilespmem:$0x14900] =	vst v63  }
0x2a9: {  	s0 =	sld [smem:$0x703]  }
0x2aa: {  	s1 =	spop (v2sf)  }
0x2ab: {  	s5 =	sand.u32 $0xFFFFFC00, s1  }
0x2ac: {  	s1 =	sand.u32 $0x380, s1;
	s0 =	sadd.s32 s5, s0  }
0x2ad: {  	s5 =	sld [smem:$0x79E];
	s0 =	sor.u32 s1, s0  }
0x2ae: {  	s0 =	sshrl.u32 s0, $0x3  }
0x2af: {  	s0 =	sadd.s32 s12, s0  }
0x2b0: {  	[tilespmem:s5], [sflag:$0x9] =	stream.linear.gather [hbm4b:s0+s3], $0x80, $0x38;
	[tilespmem:$0x14900] =	vst v63  }
0x2b1: {  	v58 =	vld [tilespmem:$0x30];
	_ =	sdelay $0x4  }
0x2b2: {  	v0 =	vshll.u32 v58, $0x7  }
0x2b3: {  	v0 =	vadd.s32 $0x80, v0  }
0x2b4: {  	(v2sf) =	vpush v0, $0x0;
	_ =	sdelay $0x7  }
0x2b5: {  	(v2sf) =	vpush v0, $0x1;
	_ =	sdelay $0x5  }
0x2b6: {  	s0 =	sld [smem:$0x704]  }
0x2b7: {  	s1 =	spop (v2sf)  }
0x2b8: {  	(v2sf) =	vpush v0, $0x2;
	s5 =	sand.u32 $0xFFFFFC00, s1  }
0x2b9: {  	s1 =	sand.u32 $0x380, s1;
	s0 =	sadd.s32 s5, s0  }
0x2ba: {  	s5 =	sld [smem:$0x79F];
	s0 =	sor.u32 s1, s0  }
0x2bb: {  	s0 =	sshrl.u32 s0, $0x3  }
0x2bc: {  	s0 =	sadd.s32 s12, s0  }
0x2bd: {  	[tilespmem:s5], [sflag:$0x9] =	stream.linear.gather [hbm4b:s0+s3], $0x80, $0x38;
	[tilespmem:$0x14900] =	vst v63  }
0x2be: {  	s0 =	sld [smem:$0x705]  }
0x2bf: {  	s1 =	spop (v2sf)  }
0x2c0: {  	(v2sf) =	vpush v0, $0x3;
	s5 =	sand.u32 $0xFFFFFC00, s1  }
0x2c1: {  	s1 =	sand.u32 $0x380, s1;
	s0 =	sadd.s32 s5, s0  }
0x2c2: {  	s5 =	sld [smem:$0x7A0];
	s0 =	sor.u32 s1, s0  }
0x2c3: {  	s0 =	sshrl.u32 s0, $0x3  }
0x2c4: {  	s0 =	sadd.s32 s12, s0  }
0x2c5: {  	[tilespmem:s5], [sflag:$0x9] =	stream.linear.gather [hbm4b:s0+s3], $0x80, $0x38;
	[tilespmem:$0x14900] =	vst v63  }
0x2c6: {  	s0 =	sld [smem:$0x706]  }
0x2c7: {  	s1 =	spop (v2sf)  }
0x2c8: {  	(v2sf) =	vpush v0, $0x4;
	s5 =	sand.u32 $0xFFFFFC00, s1  }
0x2c9: {  	s1 =	sand.u32 $0x380, s1;
	s0 =	sadd.s32 s5, s0  }
0x2ca: {  	s5 =	sld [smem:$0x7A1];
	s0 =	sor.u32 s1, s0  }
0x2cb: {  	s0 =	sshrl.u32 s0, $0x3  }
0x2cc: {  	s0 =	sadd.s32 s12, s0  }
0x2cd: {  	[tilespmem:s5], [sflag:$0x9] =	stream.linear.gather [hbm4b:s0+s3], $0x80, $0x38;
	[tilespmem:$0x14900] =	vst v63  }
0x2ce: {  	s0 =	sld [smem:$0x707]  }
0x2cf: {  	s1 =	spop (v2sf)  }
0x2d0: {  	(v2sf) =	vpush v0, $0x5;
	s5 =	sand.u32 $0xFFFFFC00, s1  }
0x2d1: {  	s1 =	sand.u32 $0x380, s1;
	s0 =	sadd.s32 s5, s0  }
0x2d2: {  	s5 =	sld [smem:$0x7A2];
	s0 =	sor.u32 s1, s0  }
0x2d3: {  	s0 =	sshrl.u32 s0, $0x3  }
0x2d4: {  	s0 =	sadd.s32 s12, s0  }
0x2d5: {  	[tilespmem:s5], [sflag:$0x9] =	stream.linear.gather [hbm4b:s0+s3], $0x80, $0x38;
	[tilespmem:$0x14900] =	vst v63  }
0x2d6: {  	s0 =	sld [smem:$0x708]  }
0x2d7: {  	s1 =	spop (v2sf)  }
0x2d8: {  	(v2sf) =	vpush v0, $0x6;
	s5 =	sand.u32 $0xFFFFFC00, s1  }
0x2d9: {  	s1 =	sand.u32 $0x380, s1;
	s0 =	sadd.s32 s5, s0  }
0x2da: {  	s5 =	sld [smem:$0x7A3];
	s0 =	sor.u32 s1, s0  }
0x2db: {  	s0 =	sshrl.u32 s0, $0x3  }
0x2dc: {  	s0 =	sadd.s32 s12, s0  }
0x2dd: {  	[tilespmem:s5], [sflag:$0x9] =	stream.linear.gather [hbm4b:s0+s3], $0x80, $0x38;
	[tilespmem:$0x14900] =	vst v63  }
0x2de: {  	s0 =	sld [smem:$0x709]  }
0x2df: {  	s1 =	spop (v2sf)  }
0x2e0: {  	(v2sf) =	vpush v0, $0x7;
	s5 =	sand.u32 $0xFFFFFC00, s1  }
0x2e1: {  	s1 =	sand.u32 $0x380, s1;
	s0 =	sadd.s32 s5, s0  }
0x2e2: {  	s5 =	sld [smem:$0x7A4];
	s0 =	sor.u32 s1, s0  }
0x2e3: {  	s0 =	sshrl.u32 s0, $0x3  }
0x2e4: {  	s0 =	sadd.s32 s12, s0  }
0x2e5: {  	[tilespmem:s5], [sflag:$0x9] =	stream.linear.gather [hbm4b:s0+s3], $0x80, $0x38;
	[tilespmem:$0x14900] =	vst v63  }
0x2e6: {  	s0 =	sld [smem:$0x70A]  }
0x2e7: {  	s1 =	spop (v2sf)  }
0x2e8: {  	(v2sf) =	vpush v0, $0x8;
	s5 =	sand.u32 $0xFFFFFC00, s1  }
0x2e9: {  	s1 =	sand.u32 $0x380, s1;
	s0 =	sadd.s32 s5, s0  }
0x2ea: {  	s5 =	sld [smem:$0x7A5];
	s0 =	sor.u32 s1, s0  }
0x2eb: {  	s0 =	sshrl.u32 s0, $0x3  }
0x2ec: {  	s0 =	sadd.s32 s12, s0  }
0x2ed: {  	[tilespmem:s5], [sflag:$0x9] =	stream.linear.gather [hbm4b:s0+s3], $0x80, $0x38;
	[tilespmem:$0x14900] =	vst v63  }
0x2ee: {  	s0 =	sld [smem:$0x70B]  }
0x2ef: {  	s1 =	spop (v2sf)  }
0x2f0: {  	(v2sf) =	vpush v0, $0x9;
	s5 =	sand.u32 $0xFFFFFC00, s1  }
0x2f1: {  	s1 =	sand.u32 $0x380, s1;
	s0 =	sadd.s32 s5, s0  }
0x2f2: {  	s5 =	sld [smem:$0x7A6];
	s0 =	sor.u32 s1, s0  }
0x2f3: {  	s0 =	sshrl.u32 s0, $0x3  }
0x2f4: {  	s0 =	sadd.s32 s12, s0  }
0x2f5: {  	[tilespmem:s5], [sflag:$0x9] =	stream.linear.gather [hbm4b:s0+s3], $0x80, $0x38;
	[tilespmem:$0x14900] =	vst v63  }
0x2f6: {  	s0 =	sld [smem:$0x70C]  }
0x2f7: {  	s1 =	spop (v2sf)  }
0x2f8: {  	s5 =	sand.u32 $0xFFFFFC00, s1  }
0x2f9: {  	s1 =	sand.u32 $0x380, s1;
	s0 =	sadd.s32 s5, s0  }
0x2fa: {  	s5 =	sld [smem:$0x7A7];
	s0 =	sor.u32 s1, s0  }
0x2fb: {  	s0 =	sshrl.u32 s0, $0x3  }
0x2fc: {  	s0 =	sadd.s32 s12, s0  }
0x2fd: {  	[tilespmem:s5], [sflag:$0x9] =	stream.linear.gather [hbm4b:s0+s3], $0x80, $0x38;
	[tilespmem:$0x14900] =	vst v63  }
0x2fe: {  	s0 =	sld [smem:$0x70D]  }
0x2ff: {  	s1 =	spop (v2sf)  }
0x300: {  	s5 =	sand.u32 $0xFFFFFC00, s1  }
0x301: {  	s1 =	sand.u32 $0x380, s1;
	s0 =	sadd.s32 s5, s0  }
0x302: {  	s5 =	sld [smem:$0x7A8];
	s0 =	sor.u32 s1, s0  }
0x303: {  	s0 =	sshrl.u32 s0, $0x3  }
0x304: {  	s0 =	sadd.s32 s12, s0  }
0x305: {  	[tilespmem:s5], [sflag:$0x9] =	stream.linear.gather [hbm4b:s0+s3], $0x80, $0x38;
	[tilespmem:$0x14900] =	vst v63  }
0x306: {  	(v2sf) =	vpush v0, $0xA;
	_ =	sdelay $0x7  }
0x307: {  	(v2sf) =	vpush v0, $0xB;
	_ =	sdelay $0x5  }
0x308: {  	s0 =	sld [smem:$0x70E]  }
0x309: {  	s1 =	spop (v2sf)  }
0x30a: {  	(v2sf) =	vpush v0, $0xC;
	s5 =	sand.u32 $0xFFFFFC00, s1  }
0x30b: {  	s1 =	sand.u32 $0x380, s1;
	s0 =	sadd.s32 s5, s0  }
0x30c: {  	s5 =	sld [smem:$0x7A9];
	s0 =	sor.u32 s1, s0  }
0x30d: {  	s0 =	sshrl.u32 s0, $0x3  }
0x30e: {  	s0 =	sadd.s32 s12, s0  }
0x30f: {  	[tilespmem:s5], [sflag:$0x9] =	stream.linear.gather [hbm4b:s0+s3], $0x80, $0x38;
	[tilespmem:$0x14900] =	vst v63  }
0x310: {  	s0 =	sld [smem:$0x70F]  }
0x311: {  	s1 =	spop (v2sf)  }
0x312: {  	(v2sf) =	vpush v0, $0xD;
	s5 =	sand.u32 $0xFFFFFC00, s1  }
0x313: {  	s1 =	sand.u32 $0x380, s1;
	s0 =	sadd.s32 s5, s0  }
0x314: {  	s5 =	sld [smem:$0x7AA];
	s0 =	sor.u32 s1, s0  }
0x315: {  	s0 =	sshrl.u32 s0, $0x3  }
0x316: {  	s0 =	sadd.s32 s12, s0  }
0x317: {  	[tilespmem:s5], [sflag:$0x9] =	stream.linear.gather [hbm4b:s0+s3], $0x80, $0x38;
	[tilespmem:$0x14900] =	vst v63  }
0x318: {  	s0 =	sld [smem:$0x710]  }
0x319: {  	s1 =	spop (v2sf)  }
0x31a: {  	(v2sf) =	vpush v0, $0xE;
	s5 =	sand.u32 $0xFFFFFC00, s1  }
0x31b: {  	s1 =	sand.u32 $0x380, s1;
	s0 =	sadd.s32 s5, s0  }
0x31c: {  	s5 =	sld [smem:$0x7AB];
	s0 =	sor.u32 s1, s0  }
0x31d: {  	s0 =	sshrl.u32 s0, $0x3  }
0x31e: {  	s0 =	sadd.s32 s12, s0  }
0x31f: {  	[tilespmem:s5], [sflag:$0x9] =	stream.linear.gather [hbm4b:s0+s3], $0x80, $0x38;
	[tilespmem:$0x14900] =	vst v63  }
0x320: {  	s0 =	sld [smem:$0x711]  }
0x321: {  	s1 =	spop (v2sf)  }
0x322: {  	(v2sf) =	vpush v0, $0xF;
	s5 =	sand.u32 $0xFFFFFC00, s1  }
0x323: {  	s1 =	sand.u32 $0x380, s1;
	s0 =	sadd.s32 s5, s0  }
0x324: {  	s5 =	sld [smem:$0x7AC];
	s0 =	sor.u32 s1, s0  }
0x325: {  	s0 =	sshrl.u32 s0, $0x3  }
0x326: {  	s0 =	sadd.s32 s12, s0  }
0x327: {  	[tilespmem:s5], [sflag:$0x9] =	stream.linear.gather [hbm4b:s0+s3], $0x80, $0x38;
	[tilespmem:$0x14900] =	vst v63  }
0x328: {  	s0 =	sld [smem:$0x712]  }
0x329: {  	s1 =	spop (v2sf)  }
0x32a: {  	s5 =	sand.u32 $0xFFFFFC00, s1  }
0x32b: {  	s1 =	sand.u32 $0x380, s1;
	s0 =	sadd.s32 s5, s0  }
0x32c: {  	s5 =	sld [smem:$0x7AD];
	s0 =	sor.u32 s1, s0  }
0x32d: {  	s0 =	sshrl.u32 s0, $0x3  }
0x32e: {  	s0 =	sadd.s32 s12, s0  }
0x32f: {  	[tilespmem:s5], [sflag:$0x9] =	stream.linear.gather [hbm4b:s0+s3], $0x80, $0x38;
	[tilespmem:$0x14900] =	vst v63  }
0x330: {  	s0 =	sld [smem:$0x713]  }
0x331: {  	s1 =	spop (v2sf)  }
0x332: {  	s5 =	sand.u32 $0xFFFFFC00, s1  }
0x333: {  	s1 =	sand.u32 $0x380, s1;
	s0 =	sadd.s32 s5, s0  }
0x334: {  	s5 =	sld [smem:$0x7AE];
	s0 =	sor.u32 s1, s0  }
0x335: {  	s0 =	sshrl.u32 s0, $0x3  }
0x336: {  	s0 =	sadd.s32 s12, s0  }
0x337: {  	[tilespmem:s5], [sflag:$0x9] =	stream.linear.gather [hbm4b:s0+s3], $0x80, $0x38;
	[tilespmem:$0x14900] =	vst v63  }
0x338: {  	v59 =	vld [tilespmem:$0x40];
	_ =	sdelay $0x4  }
0x339: {  	v0 =	vshll.u32 v59, $0x7  }
0x33a: {  	v0 =	vadd.s32 $0x80, v0  }
0x33b: {  	(v2sf) =	vpush v0, $0x0;
	_ =	sdelay $0x7  }
0x33c: {  	(v2sf) =	vpush v0, $0x1;
	_ =	sdelay $0x5  }
0x33d: {  	s0 =	sld [smem:$0x714]  }
0x33e: {  	s1 =	spop (v2sf)  }
0x33f: {  	(v2sf) =	vpush v0, $0x2;
	s5 =	sand.u32 $0xFFFFFC00, s1  }
0x340: {  	s1 =	sand.u32 $0x380, s1;
	s0 =	sadd.s32 s5, s0  }
0x341: {  	s5 =	sld [smem:$0x7AF];
	s0 =	sor.u32 s1, s0  }
0x342: {  	s0 =	sshrl.u32 s0, $0x3  }
0x343: {  	s0 =	sadd.s32 s12, s0  }
0x344: {  	[tilespmem:s5], [sflag:$0x9] =	stream.linear.gather [hbm4b:s0+s3], $0x80, $0x38;
	[tilespmem:$0x14900] =	vst v63  }
0x345: {  	s0 =	sld [smem:$0x715]  }
0x346: {  	s1 =	spop (v2sf)  }
0x347: {  	(v2sf) =	vpush v0, $0x3;
	s5 =	sand.u32 $0xFFFFFC00, s1  }
0x348: {  	s1 =	sand.u32 $0x380, s1;
	s0 =	sadd.s32 s5, s0  }
0x349: {  	s5 =	sld [smem:$0x7B0];
	s0 =	sor.u32 s1, s0  }
0x34a: {  	s0 =	sshrl.u32 s0, $0x3  }
0x34b: {  	s0 =	sadd.s32 s12, s0  }
0x34c: {  	[tilespmem:s5], [sflag:$0x9] =	stream.linear.gather [hbm4b:s0+s3], $0x80, $0x38;
	[tilespmem:$0x14900] =	vst v63  }
0x34d: {  	s0 =	sld [smem:$0x716]  }
0x34e: {  	s1 =	spop (v2sf)  }
0x34f: {  	(v2sf) =	vpush v0, $0x4;
	s5 =	sand.u32 $0xFFFFFC00, s1  }
0x350: {  	s1 =	sand.u32 $0x380, s1;
	s0 =	sadd.s32 s5, s0  }
0x351: {  	s5 =	sld [smem:$0x7B1];
	s0 =	sor.u32 s1, s0  }
0x352: {  	s0 =	sshrl.u32 s0, $0x3  }
0x353: {  	s0 =	sadd.s32 s12, s0  }
0x354: {  	[tilespmem:s5], [sflag:$0x9] =	stream.linear.gather [hbm4b:s0+s3], $0x80, $0x38;
	[tilespmem:$0x14900] =	vst v63  }
0x355: {  	s0 =	sld [smem:$0x717]  }
0x356: {  	s1 =	spop (v2sf)  }
0x357: {  	(v2sf) =	vpush v0, $0x5;
	s5 =	sand.u32 $0xFFFFFC00, s1  }
0x358: {  	s1 =	sand.u32 $0x380, s1;
	s0 =	sadd.s32 s5, s0  }
0x359: {  	s5 =	sld [smem:$0x7B2];
	s0 =	sor.u32 s1, s0  }
0x35a: {  	s0 =	sshrl.u32 s0, $0x3  }
0x35b: {  	s0 =	sadd.s32 s12, s0  }
0x35c: {  	[tilespmem:s5], [sflag:$0x9] =	stream.linear.gather [hbm4b:s0+s3], $0x80, $0x38;
	[tilespmem:$0x14900] =	vst v63  }
0x35d: {  	s0 =	sld [smem:$0x718]  }
0x35e: {  	s1 =	spop (v2sf)  }
0x35f: {  	(v2sf) =	vpush v0, $0x6;
	s5 =	sand.u32 $0xFFFFFC00, s1  }
0x360: {  	s1 =	sand.u32 $0x380, s1;
	s0 =	sadd.s32 s5, s0  }
0x361: {  	s5 =	sld [smem:$0x7B3];
	s0 =	sor.u32 s1, s0  }
0x362: {  	s0 =	sshrl.u32 s0, $0x3  }
0x363: {  	s0 =	sadd.s32 s12, s0  }
0x364: {  	[tilespmem:s5], [sflag:$0x9] =	stream.linear.gather [hbm4b:s0+s3], $0x80, $0x38;
	[tilespmem:$0x14900] =	vst v63  }
0x365: {  	s0 =	sld [smem:$0x719]  }
0x366: {  	s1 =	spop (v2sf)  }
0x367: {  	(v2sf) =	vpush v0, $0x7;
	s5 =	sand.u32 $0xFFFFFC00, s1  }
0x368: {  	s1 =	sand.u32 $0x380, s1;
	s0 =	sadd.s32 s5, s0  }
0x369: {  	s5 =	sld [smem:$0x7B4];
	s0 =	sor.u32 s1, s0  }
0x36a: {  	s0 =	sshrl.u32 s0, $0x3  }
0x36b: {  	s0 =	sadd.s32 s12, s0  }
0x36c: {  	[tilespmem:s5], [sflag:$0x9] =	stream.linear.gather [hbm4b:s0+s3], $0x80, $0x38;
	[tilespmem:$0x14900] =	vst v63  }
0x36d: {  	s0 =	sld [smem:$0x71A]  }
0x36e: {  	s1 =	spop (v2sf)  }
0x36f: {  	(v2sf) =	vpush v0, $0x8;
	s5 =	sand.u32 $0xFFFFFC00, s1  }
0x370: {  	s1 =	sand.u32 $0x380, s1;
	s0 =	sadd.s32 s5, s0  }
0x371: {  	s5 =	sld [smem:$0x7B5];
	s0 =	sor.u32 s1, s0  }
0x372: {  	s0 =	sshrl.u32 s0, $0x3  }
0x373: {  	s0 =	sadd.s32 s12, s0  }
0x374: {  	[tilespmem:s5], [sflag:$0x9] =	stream.linear.gather [hbm4b:s0+s3], $0x80, $0x38;
	[tilespmem:$0x14900] =	vst v63  }
0x375: {  	s0 =	sld [smem:$0x71B]  }
0x376: {  	s1 =	spop (v2sf)  }
0x377: {  	(v2sf) =	vpush v0, $0x9;
	s5 =	sand.u32 $0xFFFFFC00, s1  }
0x378: {  	s1 =	sand.u32 $0x380, s1;
	s0 =	sadd.s32 s5, s0  }
0x379: {  	s5 =	sld [smem:$0x7B6];
	s0 =	sor.u32 s1, s0  }
0x37a: {  	s0 =	sshrl.u32 s0, $0x3  }
0x37b: {  	s0 =	sadd.s32 s12, s0  }
0x37c: {  	[tilespmem:s5], [sflag:$0x9] =	stream.linear.gather [hbm4b:s0+s3], $0x80, $0x38;
	[tilespmem:$0x14900] =	vst v63  }
0x37d: {  	s0 =	sld [smem:$0x71C]  }
0x37e: {  	s1 =	spop (v2sf)  }
0x37f: {  	(v2sf) =	vpush v0, $0xA;
	s5 =	sand.u32 $0xFFFFFC00, s1  }
0x380: {  	s1 =	sand.u32 $0x380, s1;
	s0 =	sadd.s32 s5, s0  }
0x381: {  	s5 =	sld [smem:$0x7B7];
	s0 =	sor.u32 s1, s0  }
0x382: {  	s0 =	sshrl.u32 s0, $0x3  }
0x383: {  	s0 =	sadd.s32 s12, s0  }
0x384: {  	[tilespmem:s5], [sflag:$0x9] =	stream.linear.gather [hbm4b:s0+s3], $0x80, $0x38;
	[tilespmem:$0x14900] =	vst v63  }
0x385: {  	s0 =	sld [smem:$0x71D]  }
0x386: {  	s1 =	spop (v2sf)  }
0x387: {  	(v2sf) =	vpush v0, $0xB;
	s5 =	sand.u32 $0xFFFFFC00, s1  }
0x388: {  	s1 =	sand.u32 $0x380, s1;
	s0 =	sadd.s32 s5, s0  }
0x389: {  	s5 =	sld [smem:$0x7B8];
	s0 =	sor.u32 s1, s0  }
0x38a: {  	s0 =	sshrl.u32 s0, $0x3  }
0x38b: {  	s0 =	sadd.s32 s12, s0  }
0x38c: {  	[tilespmem:s5], [sflag:$0x9] =	stream.linear.gather [hbm4b:s0+s3], $0x80, $0x38;
	[tilespmem:$0x14900] =	vst v63  }
0x38d: {  	s0 =	sld [smem:$0x71E]  }
0x38e: {  	s1 =	spop (v2sf)  }
0x38f: {  	(v2sf) =	vpush v0, $0xC;
	s5 =	sand.u32 $0xFFFFFC00, s1  }
0x390: {  	s1 =	sand.u32 $0x380, s1;
	s0 =	sadd.s32 s5, s0  }
0x391: {  	s5 =	sld [smem:$0x7B9];
	s0 =	sor.u32 s1, s0  }
0x392: {  	s0 =	sshrl.u32 s0, $0x3  }
0x393: {  	s0 =	sadd.s32 s12, s0  }
0x394: {  	[tilespmem:s5], [sflag:$0x9] =	stream.linear.gather [hbm4b:s0+s3], $0x80, $0x38;
	[tilespmem:$0x14900] =	vst v63  }
0x395: {  	s0 =	sld [smem:$0x71F]  }
0x396: {  	s1 =	spop (v2sf)  }
0x397: {  	(v2sf) =	vpush v0, $0xD;
	s5 =	sand.u32 $0xFFFFFC00, s1  }
0x398: {  	s1 =	sand.u32 $0x380, s1;
	s0 =	sadd.s32 s5, s0  }
0x399: {  	s5 =	sld [smem:$0x7BA];
	s0 =	sor.u32 s1, s0  }
0x39a: {  	s0 =	sshrl.u32 s0, $0x3  }
0x39b: {  	s0 =	sadd.s32 s12, s0  }
0x39c: {  	[tilespmem:s5], [sflag:$0x9] =	stream.linear.gather [hbm4b:s0+s3], $0x80, $0x38;
	[tilespmem:$0x14900] =	vst v63  }
0x39d: {  	s0 =	sld [smem:$0x720]  }
0x39e: {  	s1 =	spop (v2sf)  }
0x39f: {  	(v2sf) =	vpush v0, $0xE;
	s5 =	sand.u32 $0xFFFFFC00, s1  }
0x3a0: {  	s1 =	sand.u32 $0x380, s1;
	s0 =	sadd.s32 s5, s0  }
0x3a1: {  	s5 =	sld [smem:$0x7BB];
	s0 =	sor.u32 s1, s0  }
0x3a2: {  	s0 =	sshrl.u32 s0, $0x3  }
0x3a3: {  	s0 =	sadd.s32 s12, s0  }
0x3a4: {  	[tilespmem:s5], [sflag:$0x9] =	stream.linear.gather [hbm4b:s0+s3], $0x80, $0x38;
	[tilespmem:$0x14900] =	vst v63  }
0x3a5: {  	s0 =	sld [smem:$0x721]  }
0x3a6: {  	s1 =	spop (v2sf)  }
0x3a7: {  	(v2sf) =	vpush v0, $0xF;
	s5 =	sand.u32 $0xFFFFFC00, s1  }
0x3a8: {  	s1 =	sand.u32 $0x380, s1;
	s0 =	sadd.s32 s5, s0  }
0x3a9: {  	s5 =	sld [smem:$0x7BC];
	s0 =	sor.u32 s1, s0  }
0x3aa: {  	s0 =	sshrl.u32 s0, $0x3  }
0x3ab: {  	s0 =	sadd.s32 s12, s0  }
0x3ac: {  	[tilespmem:s5], [sflag:$0x9] =	stream.linear.gather [hbm4b:s0+s3], $0x80, $0x38;
	[tilespmem:$0x14900] =	vst v63  }
0x3ad: {  	s0 =	sld [smem:$0x722]  }
0x3ae: {  	s1 =	spop (v2sf)  }
0x3af: {  	s5 =	sand.u32 $0xFFFFFC00, s1  }
0x3b0: {  	s1 =	sand.u32 $0x380, s1;
	s0 =	sadd.s32 s5, s0  }
0x3b1: {  	s5 =	sld [smem:$0x7BD];
	s0 =	sor.u32 s1, s0  }
0x3b2: {  	s0 =	sshrl.u32 s0, $0x3  }
0x3b3: {  	s0 =	sadd.s32 s12, s0  }
0x3b4: {  	[tilespmem:s5], [sflag:$0x9] =	stream.linear.gather [hbm4b:s0+s3], $0x80, $0x38;
	[tilespmem:$0x14900] =	vst v63  }
0x3b5: {  	s0 =	sld [smem:$0x723]  }
0x3b6: {  	s1 =	spop (v2sf)  }
0x3b7: {  	s5 =	sand.u32 $0xFFFFFC00, s1  }
0x3b8: {  	s1 =	sand.u32 $0x380, s1;
	s0 =	sadd.s32 s5, s0  }
0x3b9: {  	s5 =	sld [smem:$0x7BE];
	s0 =	sor.u32 s1, s0  }
0x3ba: {  	s0 =	sshrl.u32 s0, $0x3  }
0x3bb: {  	s0 =	sadd.s32 s12, s0  }
0x3bc: {  	[tilespmem:s5], [sflag:$0x9] =	stream.linear.gather [hbm4b:s0+s3], $0x80, $0x38;
	[tilespmem:$0x14900] =	vst v63  }
0x3bd: {  	v60 =	vld [tilespmem:$0x50];
	_ =	sdelay $0x4  }
0x3be: {  	v0 =	vshll.u32 v60, $0x7  }
0x3bf: {  	v0 =	vadd.s32 $0x80, v0  }
0x3c0: {  	(v2sf) =	vpush v0, $0x0;
	_ =	sdelay $0x7  }
0x3c1: {  	(v2sf) =	vpush v0, $0x1;
	_ =	sdelay $0x5  }
0x3c2: {  	s0 =	sld [smem:$0x724]  }
0x3c3: {  	s1 =	spop (v2sf)  }
0x3c4: {  	(v2sf) =	vpush v0, $0x2;
	s5 =	sand.u32 $0xFFFFFC00, s1  }
0x3c5: {  	s1 =	sand.u32 $0x380, s1;
	s0 =	sadd.s32 s5, s0  }
0x3c6: {  	s5 =	sld [smem:$0x7BF];
	s0 =	sor.u32 s1, s0  }
0x3c7: {  	s0 =	sshrl.u32 s0, $0x3  }
0x3c8: {  	s0 =	sadd.s32 s12, s0  }
0x3c9: {  	[tilespmem:s5], [sflag:$0x9] =	stream.linear.gather [hbm4b:s0+s3], $0x80, $0x38;
	[tilespmem:$0x14900] =	vst v63  }
0x3ca: {  	s0 =	sld [smem:$0x725]  }
0x3cb: {  	s1 =	spop (v2sf)  }
0x3cc: {  	(v2sf) =	vpush v0, $0x3;
	s5 =	sand.u32 $0xFFFFFC00, s1  }
0x3cd: {  	s1 =	sand.u32 $0x380, s1;
	s0 =	sadd.s32 s5, s0  }
0x3ce: {  	s5 =	sld [smem:$0x7C0];
	s0 =	sor.u32 s1, s0  }
0x3cf: {  	s0 =	sshrl.u32 s0, $0x3  }
0x3d0: {  	s0 =	sadd.s32 s12, s0  }
0x3d1: {  	[tilespmem:s5], [sflag:$0x9] =	stream.linear.gather [hbm4b:s0+s3], $0x80, $0x38;
	[tilespmem:$0x14900] =	vst v63  }
0x3d2: {  	s0 =	sld [smem:$0x726]  }
0x3d3: {  	s1 =	spop (v2sf)  }
0x3d4: {  	(v2sf) =	vpush v0, $0x4;
	s5 =	sand.u32 $0xFFFFFC00, s1  }
0x3d5: {  	s1 =	sand.u32 $0x380, s1;
	s0 =	sadd.s32 s5, s0  }
0x3d6: {  	s5 =	sld [smem:$0x7C1];
	s0 =	sor.u32 s1, s0  }
0x3d7: {  	s0 =	sshrl.u32 s0, $0x3  }
0x3d8: {  	s0 =	sadd.s32 s12, s0  }
0x3d9: {  	[tilespmem:s5], [sflag:$0x9] =	stream.linear.gather [hbm4b:s0+s3], $0x80, $0x38;
	[tilespmem:$0x14900] =	vst v63  }
0x3da: {  	s0 =	sld [smem:$0x727]  }
0x3db: {  	s1 =	spop (v2sf)  }
0x3dc: {  	(v2sf) =	vpush v0, $0x5;
	s5 =	sand.u32 $0xFFFFFC00, s1  }
0x3dd: {  	s1 =	sand.u32 $0x380, s1;
	s0 =	sadd.s32 s5, s0  }
0x3de: {  	s5 =	sld [smem:$0x7C2];
	s0 =	sor.u32 s1, s0  }
0x3df: {  	s0 =	sshrl.u32 s0, $0x3  }
0x3e0: {  	s0 =	sadd.s32 s12, s0  }
0x3e1: {  	[tilespmem:s5], [sflag:$0x9] =	stream.linear.gather [hbm4b:s0+s3], $0x80, $0x38;
	[tilespmem:$0x14900] =	vst v63  }
0x3e2: {  	s0 =	sld [smem:$0x728]  }
0x3e3: {  	s1 =	spop (v2sf)  }
0x3e4: {  	(v2sf) =	vpush v0, $0x6;
	s5 =	sand.u32 $0xFFFFFC00, s1  }
0x3e5: {  	s1 =	sand.u32 $0x380, s1;
	s0 =	sadd.s32 s5, s0  }
0x3e6: {  	s5 =	sld [smem:$0x7C3];
	s0 =	sor.u32 s1, s0  }
0x3e7: {  	s0 =	sshrl.u32 s0, $0x3  }
0x3e8: {  	s0 =	sadd.s32 s12, s0  }
0x3e9: {  	[tilespmem:s5], [sflag:$0x9] =	stream.linear.gather [hbm4b:s0+s3], $0x80, $0x38;
	[tilespmem:$0x14900] =	vst v63  }
0x3ea: {  	s0 =	sld [smem:$0x729]  }
0x3eb: {  	s1 =	spop (v2sf)  }
0x3ec: {  	(v2sf) =	vpush v0, $0x7;
	s5 =	sand.u32 $0xFFFFFC00, s1  }
0x3ed: {  	s1 =	sand.u32 $0x380, s1;
	s0 =	sadd.s32 s5, s0  }
0x3ee: {  	s5 =	sld [smem:$0x7C4];
	s0 =	sor.u32 s1, s0  }
0x3ef: {  	s0 =	sshrl.u32 s0, $0x3  }
0x3f0: {  	s0 =	sadd.s32 s12, s0  }
0x3f1: {  	[tilespmem:s5], [sflag:$0x9] =	stream.linear.gather [hbm4b:s0+s3], $0x80, $0x38;
	[tilespmem:$0x14900] =	vst v63  }
0x3f2: {  	s0 =	sld [smem:$0x72A]  }
0x3f3: {  	s1 =	spop (v2sf)  }
0x3f4: {  	(v2sf) =	vpush v0, $0x8;
	s5 =	sand.u32 $0xFFFFFC00, s1  }
0x3f5: {  	s1 =	sand.u32 $0x380, s1;
	s0 =	sadd.s32 s5, s0  }
0x3f6: {  	s5 =	sld [smem:$0x7C5];
	s0 =	sor.u32 s1, s0  }
0x3f7: {  	s0 =	sshrl.u32 s0, $0x3  }
0x3f8: {  	s0 =	sadd.s32 s12, s0  }
0x3f9: {  	[tilespmem:s5], [sflag:$0x9] =	stream.linear.gather [hbm4b:s0+s3], $0x80, $0x38;
	[tilespmem:$0x14900] =	vst v63  }
0x3fa: {  	s0 =	sld [smem:$0x72B]  }
0x3fb: {  	s1 =	spop (v2sf)  }
0x3fc: {  	(v2sf) =	vpush v0, $0x9;
	s5 =	sand.u32 $0xFFFFFC00, s1  }
0x3fd: {  	s1 =	sand.u32 $0x380, s1;
	s0 =	sadd.s32 s5, s0  }
0x3fe: {  	s5 =	sld [smem:$0x7C6];
	s0 =	sor.u32 s1, s0  }
0x3ff: {  	s0 =	sshrl.u32 s0, $0x3  }
0x400: {  	s0 =	sadd.s32 s12, s0  }
0x401: {  	[tilespmem:s5], [sflag:$0x9] =	stream.linear.gather [hbm4b:s0+s3], $0x80, $0x38;
	[tilespmem:$0x14900] =	vst v63  }
0x402: {  	s0 =	sld [smem:$0x72C]  }
0x403: {  	s1 =	spop (v2sf)  }
0x404: {  	(v2sf) =	vpush v0, $0xA;
	s5 =	sand.u32 $0xFFFFFC00, s1  }
0x405: {  	s1 =	sand.u32 $0x380, s1;
	s0 =	sadd.s32 s5, s0  }
0x406: {  	s5 =	sld [smem:$0x7C7];
	s0 =	sor.u32 s1, s0  }
0x407: {  	s0 =	sshrl.u32 s0, $0x3  }
0x408: {  	s0 =	sadd.s32 s12, s0  }
0x409: {  	[tilespmem:s5], [sflag:$0x9] =	stream.linear.gather [hbm4b:s0+s3], $0x80, $0x38;
	[tilespmem:$0x14900] =	vst v63  }
0x40a: {  	s0 =	sld [smem:$0x72D]  }
0x40b: {  	s1 =	spop (v2sf)  }
0x40c: {  	(v2sf) =	vpush v0, $0xB;
	s5 =	sand.u32 $0xFFFFFC00, s1  }
0x40d: {  	s1 =	sand.u32 $0x380, s1;
	s0 =	sadd.s32 s5, s0  }
0x40e: {  	s5 =	sld [smem:$0x7C8];
	s0 =	sor.u32 s1, s0  }
0x40f: {  	s0 =	sshrl.u32 s0, $0x3  }
0x410: {  	s0 =	sadd.s32 s12, s0  }
0x411: {  	[tilespmem:s5], [sflag:$0x9] =	stream.linear.gather [hbm4b:s0+s3], $0x80, $0x38;
	[tilespmem:$0x14900] =	vst v63  }
0x412: {  	s0 =	sld [smem:$0x72E]  }
0x413: {  	s1 =	spop (v2sf)  }
0x414: {  	(v2sf) =	vpush v0, $0xC;
	s5 =	sand.u32 $0xFFFFFC00, s1  }
0x415: {  	s1 =	sand.u32 $0x380, s1;
	s0 =	sadd.s32 s5, s0  }
0x416: {  	s5 =	sld [smem:$0x7C9];
	s0 =	sor.u32 s1, s0  }
0x417: {  	s0 =	sshrl.u32 s0, $0x3  }
0x418: {  	s0 =	sadd.s32 s12, s0  }
0x419: {  	[tilespmem:s5], [sflag:$0x9] =	stream.linear.gather [hbm4b:s0+s3], $0x80, $0x38;
	[tilespmem:$0x14900] =	vst v63  }
0x41a: {  	s0 =	sld [smem:$0x72F]  }
0x41b: {  	s1 =	spop (v2sf)  }
0x41c: {  	(v2sf) =	vpush v0, $0xD;
	s5 =	sand.u32 $0xFFFFFC00, s1  }
0x41d: {  	s1 =	sand.u32 $0x380, s1;
	s0 =	sadd.s32 s5, s0  }
0x41e: {  	s5 =	sld [smem:$0x7CA];
	s0 =	sor.u32 s1, s0  }
0x41f: {  	s0 =	sshrl.u32 s0, $0x3  }
0x420: {  	s0 =	sadd.s32 s12, s0  }
0x421: {  	[tilespmem:s5], [sflag:$0x9] =	stream.linear.gather [hbm4b:s0+s3], $0x80, $0x38;
	[tilespmem:$0x14900] =	vst v63  }
0x422: {  	s0 =	sld [smem:$0x730]  }
0x423: {  	s1 =	spop (v2sf)  }
0x424: {  	(v2sf) =	vpush v0, $0xE;
	s5 =	sand.u32 $0xFFFFFC00, s1  }
0x425: {  	s1 =	sand.u32 $0x380, s1;
	s0 =	sadd.s32 s5, s0  }
0x426: {  	s5 =	sld [smem:$0x7CB];
	s0 =	sor.u32 s1, s0  }
0x427: {  	s0 =	sshrl.u32 s0, $0x3  }
0x428: {  	s0 =	sadd.s32 s12, s0  }
0x429: {  	[tilespmem:s5], [sflag:$0x9] =	stream.linear.gather [hbm4b:s0+s3], $0x80, $0x38;
	[tilespmem:$0x14900] =	vst v63  }
0x42a: {  	s0 =	sld [smem:$0x731]  }
0x42b: {  	s1 =	spop (v2sf)  }
0x42c: {  	(v2sf) =	vpush v0, $0xF;
	s5 =	sand.u32 $0xFFFFFC00, s1  }
0x42d: {  	s1 =	sand.u32 $0x380, s1;
	s0 =	sadd.s32 s5, s0  }
0x42e: {  	s5 =	sld [smem:$0x7CC];
	s0 =	sor.u32 s1, s0  }
0x42f: {  	s0 =	sshrl.u32 s0, $0x3  }
0x430: {  	s0 =	sadd.s32 s12, s0  }
0x431: {  	[tilespmem:s5], [sflag:$0x9] =	stream.linear.gather [hbm4b:s0+s3], $0x80, $0x38;
	[tilespmem:$0x14900] =	vst v63  }
0x432: {  	s0 =	sld [smem:$0x732]  }
0x433: {  	s1 =	spop (v2sf)  }
0x434: {  	s5 =	sand.u32 $0xFFFFFC00, s1  }
0x435: {  	s1 =	sand.u32 $0x380, s1;
	s0 =	sadd.s32 s5, s0  }
0x436: {  	s5 =	sld [smem:$0x7CD];
	s0 =	sor.u32 s1, s0  }
0x437: {  	s0 =	sshrl.u32 s0, $0x3  }
0x438: {  	s0 =	sadd.s32 s12, s0  }
0x439: {  	[tilespmem:s5], [sflag:$0x9] =	stream.linear.gather [hbm4b:s0+s3], $0x80, $0x38;
	[tilespmem:$0x14900] =	vst v63  }
0x43a: {  	s0 =	sld [smem:$0x733]  }
0x43b: {  	s1 =	spop (v2sf)  }
0x43c: {  	s5 =	sand.u32 $0xFFFFFC00, s1  }
0x43d: {  	s1 =	sand.u32 $0x380, s1;
	s0 =	sadd.s32 s5, s0  }
0x43e: {  	s5 =	sld [smem:$0x7CE];
	s0 =	sor.u32 s1, s0  }
0x43f: {  	s0 =	sshrl.u32 s0, $0x3  }
0x440: {  	s0 =	sadd.s32 s12, s0  }
0x441: {  	[tilespmem:s5], [sflag:$0x9] =	stream.linear.gather [hbm4b:s0+s3], $0x80, $0x38;
	[tilespmem:$0x14900] =	vst v63  }
0x442: {  	v61 =	vld [tilespmem:$0x60];
	_ =	sdelay $0x4  }
0x443: {  	v0 =	vshll.u32 v61, $0x7  }
0x444: {  	v0 =	vadd.s32 $0x80, v0  }
0x445: {  	(v2sf) =	vpush v0, $0x0;
	_ =	sdelay $0x7  }
0x446: {  	(v2sf) =	vpush v0, $0x1;
	_ =	sdelay $0x5  }
0x447: {  	s0 =	sld [smem:$0x734]  }
0x448: {  	s1 =	spop (v2sf)  }
0x449: {  	(v2sf) =	vpush v0, $0x2;
	s5 =	sand.u32 $0xFFFFFC00, s1  }
0x44a: {  	s1 =	sand.u32 $0x380, s1;
	s0 =	sadd.s32 s5, s0  }
0x44b: {  	s5 =	sld [smem:$0x7CF];
	s0 =	sor.u32 s1, s0  }
0x44c: {  	s0 =	sshrl.u32 s0, $0x3  }
0x44d: {  	s0 =	sadd.s32 s12, s0  }
0x44e: {  	[tilespmem:s5], [sflag:$0x9] =	stream.linear.gather [hbm4b:s0+s3], $0x80, $0x38;
	[tilespmem:$0x14900] =	vst v63  }
0x44f: {  	s0 =	sld [smem:$0x735]  }
0x450: {  	s1 =	spop (v2sf)  }
0x451: {  	(v2sf) =	vpush v0, $0x3;
	s5 =	sand.u32 $0xFFFFFC00, s1  }
0x452: {  	s1 =	sand.u32 $0x380, s1;
	s0 =	sadd.s32 s5, s0  }
0x453: {  	s5 =	sld [smem:$0x7D0];
	s0 =	sor.u32 s1, s0  }
0x454: {  	s0 =	sshrl.u32 s0, $0x3  }
0x455: {  	s0 =	sadd.s32 s12, s0  }
0x456: {  	[tilespmem:s5], [sflag:$0x9] =	stream.linear.gather [hbm4b:s0+s3], $0x80, $0x38;
	[tilespmem:$0x14900] =	vst v63  }
0x457: {  	s0 =	sld [smem:$0x736]  }
0x458: {  	s1 =	spop (v2sf)  }
0x459: {  	(v2sf) =	vpush v0, $0x4;
	s5 =	sand.u32 $0xFFFFFC00, s1  }
0x45a: {  	s1 =	sand.u32 $0x380, s1;
	s0 =	sadd.s32 s5, s0  }
0x45b: {  	s5 =	sld [smem:$0x7D1];
	s0 =	sor.u32 s1, s0  }
0x45c: {  	s0 =	sshrl.u32 s0, $0x3  }
0x45d: {  	s0 =	sadd.s32 s12, s0  }
0x45e: {  	[tilespmem:s5], [sflag:$0x9] =	stream.linear.gather [hbm4b:s0+s3], $0x80, $0x38;
	[tilespmem:$0x14900] =	vst v63  }
0x45f: {  	s0 =	sld [smem:$0x737]  }
0x460: {  	s1 =	spop (v2sf)  }
0x461: {  	(v2sf) =	vpush v0, $0x5;
	s5 =	sand.u32 $0xFFFFFC00, s1  }
0x462: {  	s1 =	sand.u32 $0x380, s1;
	s0 =	sadd.s32 s5, s0  }
0x463: {  	s5 =	sld [smem:$0x7D2];
	s0 =	sor.u32 s1, s0  }
0x464: {  	s0 =	sshrl.u32 s0, $0x3  }
0x465: {  	s0 =	sadd.s32 s12, s0  }
0x466: {  	[tilespmem:s5], [sflag:$0x9] =	stream.linear.gather [hbm4b:s0+s3], $0x80, $0x38;
	[tilespmem:$0x14900] =	vst v63  }
0x467: {  	s0 =	sld [smem:$0x738]  }
0x468: {  	s1 =	spop (v2sf)  }
0x469: {  	(v2sf) =	vpush v0, $0x6;
	s5 =	sand.u32 $0xFFFFFC00, s1  }
0x46a: {  	s1 =	sand.u32 $0x380, s1;
	s0 =	sadd.s32 s5, s0  }
0x46b: {  	s5 =	sld [smem:$0x7D3];
	s0 =	sor.u32 s1, s0  }
0x46c: {  	s0 =	sshrl.u32 s0, $0x3  }
0x46d: {  	s0 =	sadd.s32 s12, s0  }
0x46e: {  	[tilespmem:s5], [sflag:$0x9] =	stream.linear.gather [hbm4b:s0+s3], $0x80, $0x38;
	[tilespmem:$0x14900] =	vst v63  }
0x46f: {  	s0 =	sld [smem:$0x739]  }
0x470: {  	s1 =	spop (v2sf)  }
0x471: {  	(v2sf) =	vpush v0, $0x7;
	s5 =	sand.u32 $0xFFFFFC00, s1  }
0x472: {  	s1 =	sand.u32 $0x380, s1;
	s0 =	sadd.s32 s5, s0  }
0x473: {  	s5 =	sld [smem:$0x7D4];
	s0 =	sor.u32 s1, s0  }
0x474: {  	s0 =	sshrl.u32 s0, $0x3  }
0x475: {  	s0 =	sadd.s32 s12, s0  }
0x476: {  	[tilespmem:s5], [sflag:$0x9] =	stream.linear.gather [hbm4b:s0+s3], $0x80, $0x38;
	[tilespmem:$0x14900] =	vst v63  }
0x477: {  	s0 =	sld [smem:$0x73A]  }
0x478: {  	s1 =	spop (v2sf)  }
0x479: {  	(v2sf) =	vpush v0, $0x8;
	s5 =	sand.u32 $0xFFFFFC00, s1  }
0x47a: {  	s1 =	sand.u32 $0x380, s1;
	s0 =	sadd.s32 s5, s0  }
0x47b: {  	s5 =	sld [smem:$0x7D5];
	s0 =	sor.u32 s1, s0  }
0x47c: {  	s0 =	sshrl.u32 s0, $0x3  }
0x47d: {  	s0 =	sadd.s32 s12, s0  }
0x47e: {  	[tilespmem:s5], [sflag:$0x9] =	stream.linear.gather [hbm4b:s0+s3], $0x80, $0x38;
	[tilespmem:$0x14900] =	vst v63  }
0x47f: {  	s0 =	sld [smem:$0x73B]  }
0x480: {  	s1 =	spop (v2sf)  }
0x481: {  	(v2sf) =	vpush v0, $0x9;
	s5 =	sand.u32 $0xFFFFFC00, s1  }
0x482: {  	s1 =	sand.u32 $0x380, s1;
	s0 =	sadd.s32 s5, s0  }
0x483: {  	s5 =	sld [smem:$0x7D6];
	s0 =	sor.u32 s1, s0  }
0x484: {  	s0 =	sshrl.u32 s0, $0x3  }
0x485: {  	s0 =	sadd.s32 s12, s0  }
0x486: {  	[tilespmem:s5], [sflag:$0x9] =	stream.linear.gather [hbm4b:s0+s3], $0x80, $0x38;
	[tilespmem:$0x14900] =	vst v63  }
0x487: {  	s0 =	sld [smem:$0x73C]  }
0x488: {  	s1 =	spop (v2sf)  }
0x489: {  	(v2sf) =	vpush v0, $0xA;
	s5 =	sand.u32 $0xFFFFFC00, s1  }
0x48a: {  	s1 =	sand.u32 $0x380, s1;
	s0 =	sadd.s32 s5, s0  }
0x48b: {  	s5 =	sld [smem:$0x7D7];
	s0 =	sor.u32 s1, s0  }
0x48c: {  	s0 =	sshrl.u32 s0, $0x3  }
0x48d: {  	s0 =	sadd.s32 s12, s0  }
0x48e: {  	[tilespmem:s5], [sflag:$0x9] =	stream.linear.gather [hbm4b:s0+s3], $0x80, $0x38;
	[tilespmem:$0x14900] =	vst v63  }
0x48f: {  	s0 =	sld [smem:$0x73D]  }
0x490: {  	s1 =	spop (v2sf)  }
0x491: {  	(v2sf) =	vpush v0, $0xB;
	s5 =	sand.u32 $0xFFFFFC00, s1  }
0x492: {  	s1 =	sand.u32 $0x380, s1;
	s0 =	sadd.s32 s5, s0  }
0x493: {  	s5 =	sld [smem:$0x7D8];
	s0 =	sor.u32 s1, s0  }
0x494: {  	s0 =	sshrl.u32 s0, $0x3  }
0x495: {  	s0 =	sadd.s32 s12, s0  }
0x496: {  	[tilespmem:s5], [sflag:$0x9] =	stream.linear.gather [hbm4b:s0+s3], $0x80, $0x38;
	[tilespmem:$0x14900] =	vst v63  }
0x497: {  	s0 =	sld [smem:$0x73E]  }
0x498: {  	s1 =	spop (v2sf)  }
0x499: {  	(v2sf) =	vpush v0, $0xC;
	s5 =	sand.u32 $0xFFFFFC00, s1  }
0x49a: {  	s1 =	sand.u32 $0x380, s1;
	s0 =	sadd.s32 s5, s0  }
0x49b: {  	s5 =	sld [smem:$0x7D9];
	s0 =	sor.u32 s1, s0  }
0x49c: {  	s0 =	sshrl.u32 s0, $0x3  }
0x49d: {  	s0 =	sadd.s32 s12, s0  }
0x49e: {  	[tilespmem:s5], [sflag:$0x9] =	stream.linear.gather [hbm4b:s0+s3], $0x80, $0x38;
	[tilespmem:$0x14900] =	vst v63  }
0x49f: {  	s0 =	sld [smem:$0x73F]  }
0x4a0: {  	s1 =	spop (v2sf)  }
0x4a1: {  	(v2sf) =	vpush v0, $0xD;
	s5 =	sand.u32 $0xFFFFFC00, s1  }
0x4a2: {  	s1 =	sand.u32 $0x380, s1;
	s0 =	sadd.s32 s5, s0  }
0x4a3: {  	s5 =	sld [smem:$0x7DA];
	s0 =	sor.u32 s1, s0  }
0x4a4: {  	s0 =	sshrl.u32 s0, $0x3  }
0x4a5: {  	s0 =	sadd.s32 s12, s0  }
0x4a6: {  	[tilespmem:s5], [sflag:$0x9] =	stream.linear.gather [hbm4b:s0+s3], $0x80, $0x38;
	[tilespmem:$0x14900] =	vst v63  }
0x4a7: {  	s0 =	sld [smem:$0x740]  }
0x4a8: {  	s1 =	spop (v2sf)  }
0x4a9: {  	(v2sf) =	vpush v0, $0xE;
	s5 =	sand.u32 $0xFFFFFC00, s1  }
0x4aa: {  	s1 =	sand.u32 $0x380, s1;
	s0 =	sadd.s32 s5, s0  }
0x4ab: {  	s5 =	sld [smem:$0x7DB];
	s0 =	sor.u32 s1, s0  }
0x4ac: {  	s0 =	sshrl.u32 s0, $0x3  }
0x4ad: {  	s0 =	sadd.s32 s12, s0  }
0x4ae: {  	[tilespmem:s5], [sflag:$0x9] =	stream.linear.gather [hbm4b:s0+s3], $0x80, $0x38;
	[tilespmem:$0x14900] =	vst v63  }
0x4af: {  	s0 =	sld [smem:$0x741]  }
0x4b0: {  	s1 =	spop (v2sf)  }
0x4b1: {  	(v2sf) =	vpush v0, $0xF;
	s5 =	sand.u32 $0xFFFFFC00, s1  }
0x4b2: {  	s1 =	sand.u32 $0x380, s1;
	s0 =	sadd.s32 s5, s0  }
0x4b3: {  	s5 =	sld [smem:$0x7DC];
	s0 =	sor.u32 s1, s0  }
0x4b4: {  	s0 =	sshrl.u32 s0, $0x3  }
0x4b5: {  	s0 =	sadd.s32 s12, s0  }
0x4b6: {  	[tilespmem:s5], [sflag:$0x9] =	stream.linear.gather [hbm4b:s0+s3], $0x80, $0x38;
	[tilespmem:$0x14900] =	vst v63  }
0x4b7: {  	s0 =	sld [smem:$0x742]  }
0x4b8: {  	s1 =	spop (v2sf)  }
0x4b9: {  	s5 =	sand.u32 $0xFFFFFC00, s1  }
0x4ba: {  	s1 =	sand.u32 $0x380, s1;
	s0 =	sadd.s32 s5, s0  }
0x4bb: {  	s5 =	sld [smem:$0x7DD];
	s0 =	sor.u32 s1, s0  }
0x4bc: {  	s0 =	sshrl.u32 s0, $0x3  }
0x4bd: {  	s0 =	sadd.s32 s12, s0  }
0x4be: {  	[tilespmem:s5], [sflag:$0x9] =	stream.linear.gather [hbm4b:s0+s3], $0x80, $0x38;
	[tilespmem:$0x14900] =	vst v63  }
0x4bf: {  	s0 =	sld [smem:$0x743]  }
0x4c0: {  	s1 =	spop (v2sf)  }
0x4c1: {  	s5 =	sand.u32 $0xFFFFFC00, s1  }
0x4c2: {  	s1 =	sand.u32 $0x380, s1;
	s0 =	sadd.s32 s5, s0  }
0x4c3: {  	s5 =	sld [smem:$0x7DE];
	s0 =	sor.u32 s1, s0  }
0x4c4: {  	s0 =	sshrl.u32 s0, $0x3  }
0x4c5: {  	s0 =	sadd.s32 s12, s0  }
0x4c6: {  	[tilespmem:s5], [sflag:$0x9] =	stream.linear.gather [hbm4b:s0+s3], $0x80, $0x38;
	[tilespmem:$0x14900] =	vst v63  }
0x4c7: {  	v62 =	vld [tilespmem:$0x70];
	_ =	sdelay $0x4  }
0x4c8: {  	v0 =	vshll.u32 v62, $0x7  }
0x4c9: {  	v0 =	vadd.s32 $0x80, v0  }
0x4ca: {  	(v2sf) =	vpush v0, $0x0;
	_ =	sdelay $0x7  }
0x4cb: {  	(v2sf) =	vpush v0, $0x1;
	_ =	sdelay $0x5  }
0x4cc: {  	s0 =	sld [smem:$0x744]  }
0x4cd: {  	s1 =	spop (v2sf)  }
0x4ce: {  	(v2sf) =	vpush v0, $0x2;
	s5 =	sand.u32 $0xFFFFFC00, s1  }
0x4cf: {  	s1 =	sand.u32 $0x380, s1;
	s0 =	sadd.s32 s5, s0  }
0x4d0: {  	s5 =	sld [smem:$0x7DF];
	s0 =	sor.u32 s1, s0  }
0x4d1: {  	s0 =	sshrl.u32 s0, $0x3  }
0x4d2: {  	s0 =	sadd.s32 s12, s0  }
0x4d3: {  	[tilespmem:s5], [sflag:$0x9] =	stream.linear.gather [hbm4b:s0+s3], $0x80, $0x38;
	[tilespmem:$0x14900] =	vst v63  }
0x4d4: {  	s0 =	sld [smem:$0x745]  }
0x4d5: {  	s1 =	spop (v2sf)  }
0x4d6: {  	(v2sf) =	vpush v0, $0x3;
	s5 =	sand.u32 $0xFFFFFC00, s1  }
0x4d7: {  	s1 =	sand.u32 $0x380, s1;
	s0 =	sadd.s32 s5, s0  }
0x4d8: {  	s5 =	sld [smem:$0x7E0];
	s0 =	sor.u32 s1, s0  }
0x4d9: {  	s0 =	sshrl.u32 s0, $0x3  }
0x4da: {  	s0 =	sadd.s32 s12, s0  }
0x4db: {  	[tilespmem:s5], [sflag:$0x9] =	stream.linear.gather [hbm4b:s0+s3], $0x80, $0x38;
	[tilespmem:$0x14900] =	vst v63  }
0x4dc: {  	s0 =	sld [smem:$0x746]  }
0x4dd: {  	s1 =	spop (v2sf)  }
0x4de: {  	(v2sf) =	vpush v0, $0x4;
	s5 =	sand.u32 $0xFFFFFC00, s1  }
0x4df: {  	s1 =	sand.u32 $0x380, s1;
	s0 =	sadd.s32 s5, s0  }
0x4e0: {  	s5 =	sld [smem:$0x7E1];
	s0 =	sor.u32 s1, s0  }
0x4e1: {  	s0 =	sshrl.u32 s0, $0x3  }
0x4e2: {  	s0 =	sadd.s32 s12, s0  }
0x4e3: {  	[tilespmem:s5], [sflag:$0x9] =	stream.linear.gather [hbm4b:s0+s3], $0x80, $0x38;
	[tilespmem:$0x14900] =	vst v63  }
0x4e4: {  	s0 =	sld [smem:$0x747]  }
0x4e5: {  	s1 =	spop (v2sf)  }
0x4e6: {  	(v2sf) =	vpush v0, $0x5;
	s5 =	sand.u32 $0xFFFFFC00, s1  }
0x4e7: {  	s1 =	sand.u32 $0x380, s1;
	s0 =	sadd.s32 s5, s0  }
0x4e8: {  	s5 =	sld [smem:$0x7E2];
	s0 =	sor.u32 s1, s0  }
0x4e9: {  	s0 =	sshrl.u32 s0, $0x3  }
0x4ea: {  	s0 =	sadd.s32 s12, s0  }
0x4eb: {  	[tilespmem:s5], [sflag:$0x9] =	stream.linear.gather [hbm4b:s0+s3], $0x80, $0x38;
	[tilespmem:$0x14900] =	vst v63  }
0x4ec: {  	s0 =	sld [smem:$0x748]  }
0x4ed: {  	s1 =	spop (v2sf)  }
0x4ee: {  	(v2sf) =	vpush v0, $0x6;
	s5 =	sand.u32 $0xFFFFFC00, s1  }
0x4ef: {  	s1 =	sand.u32 $0x380, s1;
	s0 =	sadd.s32 s5, s0  }
0x4f0: {  	s5 =	sld [smem:$0x7E3];
	s0 =	sor.u32 s1, s0  }
0x4f1: {  	s0 =	sshrl.u32 s0, $0x3  }
0x4f2: {  	s0 =	sadd.s32 s12, s0  }
0x4f3: {  	[tilespmem:s5], [sflag:$0x9] =	stream.linear.gather [hbm4b:s0+s3], $0x80, $0x38;
	[tilespmem:$0x14900] =	vst v63  }
0x4f4: {  	s0 =	sld [smem:$0x749]  }
0x4f5: {  	s1 =	spop (v2sf)  }
0x4f6: {  	(v2sf) =	vpush v0, $0x7;
	s5 =	sand.u32 $0xFFFFFC00, s1  }
0x4f7: {  	s1 =	sand.u32 $0x380, s1;
	s0 =	sadd.s32 s5, s0  }
0x4f8: {  	s5 =	sld [smem:$0x7E4];
	s0 =	sor.u32 s1, s0  }
0x4f9: {  	s0 =	sshrl.u32 s0, $0x3  }
0x4fa: {  	s0 =	sadd.s32 s12, s0  }
0x4fb: {  	[tilespmem:s5], [sflag:$0x9] =	stream.linear.gather [hbm4b:s0+s3], $0x80, $0x38;
	[tilespmem:$0x14900] =	vst v63  }
0x4fc: {  	s0 =	sld [smem:$0x74A]  }
0x4fd: {  	s1 =	spop (v2sf)  }
0x4fe: {  	(v2sf) =	vpush v0, $0x8;
	s5 =	sand.u32 $0xFFFFFC00, s1  }
0x4ff: {  	s1 =	sand.u32 $0x380, s1;
	s0 =	sadd.s32 s5, s0  }
0x500: {  	s5 =	sld [smem:$0x7E5];
	s0 =	sor.u32 s1, s0  }
0x501: {  	s0 =	sshrl.u32 s0, $0x3  }
0x502: {  	s0 =	sadd.s32 s12, s0  }
0x503: {  	[tilespmem:s5], [sflag:$0x9] =	stream.linear.gather [hbm4b:s0+s3], $0x80, $0x38;
	[tilespmem:$0x14900] =	vst v63  }
0x504: {  	s0 =	sld [smem:$0x74B]  }
0x505: {  	s1 =	spop (v2sf)  }
0x506: {  	(v2sf) =	vpush v0, $0x9;
	s5 =	sand.u32 $0xFFFFFC00, s1  }
0x507: {  	s1 =	sand.u32 $0x380, s1;
	s0 =	sadd.s32 s5, s0  }
0x508: {  	s5 =	sld [smem:$0x7E6];
	s0 =	sor.u32 s1, s0  }
0x509: {  	s0 =	sshrl.u32 s0, $0x3  }
0x50a: {  	s0 =	sadd.s32 s12, s0  }
0x50b: {  	[tilespmem:s5], [sflag:$0x9] =	stream.linear.gather [hbm4b:s0+s3], $0x80, $0x38;
	[tilespmem:$0x14900] =	vst v63  }
0x50c: {  	s0 =	sld [smem:$0x74C]  }
0x50d: {  	s1 =	spop (v2sf)  }
0x50e: {  	(v2sf) =	vpush v0, $0xA;
	s5 =	sand.u32 $0xFFFFFC00, s1  }
0x50f: {  	s1 =	sand.u32 $0x380, s1;
	s0 =	sadd.s32 s5, s0  }
0x510: {  	s5 =	sld [smem:$0x7E7];
	s0 =	sor.u32 s1, s0  }
0x511: {  	s0 =	sshrl.u32 s0, $0x3  }
0x512: {  	s0 =	sadd.s32 s12, s0  }
0x513: {  	[tilespmem:s5], [sflag:$0x9] =	stream.linear.gather [hbm4b:s0+s3], $0x80, $0x38;
	[tilespmem:$0x14900] =	vst v63  }
0x514: {  	s0 =	sld [smem:$0x74D]  }
0x515: {  	s1 =	spop (v2sf)  }
0x516: {  	(v2sf) =	vpush v0, $0xB;
	s5 =	sand.u32 $0xFFFFFC00, s1  }
0x517: {  	s1 =	sand.u32 $0x380, s1;
	s0 =	sadd.s32 s5, s0  }
0x518: {  	s5 =	sld [smem:$0x7E8];
	s0 =	sor.u32 s1, s0  }
0x519: {  	s0 =	sshrl.u32 s0, $0x3  }
0x51a: {  	s0 =	sadd.s32 s12, s0  }
0x51b: {  	[tilespmem:s5], [sflag:$0x9] =	stream.linear.gather [hbm4b:s0+s3], $0x80, $0x38;
	[tilespmem:$0x14900] =	vst v63  }
0x51c: {  	s0 =	sld [smem:$0x74E]  }
0x51d: {  	s1 =	spop (v2sf)  }
0x51e: {  	(v2sf) =	vpush v0, $0xC;
	s5 =	sand.u32 $0xFFFFFC00, s1  }
0x51f: {  	s1 =	sand.u32 $0x380, s1;
	s0 =	sadd.s32 s5, s0  }
0x520: {  	s5 =	sld [smem:$0x7E9];
	s0 =	sor.u32 s1, s0  }
0x521: {  	s0 =	sshrl.u32 s0, $0x3  }
0x522: {  	s0 =	sadd.s32 s12, s0  }
0x523: {  	[tilespmem:s5], [sflag:$0x9] =	stream.linear.gather [hbm4b:s0+s3], $0x80, $0x38;
	[tilespmem:$0x14900] =	vst v63  }
0x524: {  	s0 =	sld [smem:$0x74F]  }
0x525: {  	s1 =	spop (v2sf)  }
0x526: {  	(v2sf) =	vpush v0, $0xD;
	s5 =	sand.u32 $0xFFFFFC00, s1  }
0x527: {  	s1 =	sand.u32 $0x380, s1;
	s0 =	sadd.s32 s5, s0  }
0x528: {  	s5 =	sld [smem:$0x7EA];
	s0 =	sor.u32 s1, s0  }
0x529: {  	s0 =	sshrl.u32 s0, $0x3  }
0x52a: {  	s0 =	sadd.s32 s12, s0  }
0x52b: {  	[tilespmem:s5], [sflag:$0x9] =	stream.linear.gather [hbm4b:s0+s3], $0x80, $0x38;
	[tilespmem:$0x14900] =	vst v63  }
0x52c: {  	s0 =	sld [smem:$0x750]  }
0x52d: {  	s1 =	spop (v2sf)  }
0x52e: {  	(v2sf) =	vpush v0, $0xE;
	s5 =	sand.u32 $0xFFFFFC00, s1  }
0x52f: {  	s1 =	sand.u32 $0x380, s1;
	s0 =	sadd.s32 s5, s0  }
0x530: {  	s5 =	sld [smem:$0x7EB];
	s0 =	sor.u32 s1, s0  }
0x531: {  	s0 =	sshrl.u32 s0, $0x3  }
0x532: {  	s0 =	sadd.s32 s12, s0  }
0x533: {  	[tilespmem:s5], [sflag:$0x9] =	stream.linear.gather [hbm4b:s0+s3], $0x80, $0x38;
	[tilespmem:$0x14900] =	vst v63  }
0x534: {  	s0 =	sld [smem:$0x751]  }
0x535: {  	s1 =	spop (v2sf)  }
0x536: {  	(v2sf) =	vpush v0, $0xF;
	s5 =	sand.u32 $0xFFFFFC00, s1  }
0x537: {  	s1 =	sand.u32 $0x380, s1;
	s0 =	sadd.s32 s5, s0  }
0x538: {  	s5 =	sld [smem:$0x7EC];
	s0 =	sor.u32 s1, s0  }
0x539: {  	s0 =	sshrl.u32 s0, $0x3  }
0x53a: {  	s0 =	sadd.s32 s12, s0  }
0x53b: {  	[tilespmem:s5], [sflag:$0x9] =	stream.linear.gather [hbm4b:s0+s3], $0x80, $0x38;
	[tilespmem:$0x14900] =	vst v63  }
0x53c: {  	s0 =	sld [smem:$0x752]  }
0x53d: {  	s1 =	spop (v2sf)  }
0x53e: {  	s5 =	sand.u32 $0xFFFFFC00, s1  }
0x53f: {  	s1 =	sand.u32 $0x380, s1;
	s0 =	sadd.s32 s5, s0  }
0x540: {  	s5 =	sld [smem:$0x7ED];
	s0 =	sor.u32 s1, s0  }
0x541: {  	s0 =	sshrl.u32 s0, $0x3  }
0x542: {  	s0 =	sadd.s32 s12, s0  }
0x543: {  	[tilespmem:s5], [sflag:$0x9] =	stream.linear.gather [hbm4b:s0+s3], $0x80, $0x38;
	[tilespmem:$0x14900] =	vst v63  }
0x544: {  	s0 =	sld [smem:$0x753]  }
0x545: {  	s1 =	spop (v2sf)  }
0x546: {  	s5 =	sand.u32 $0xFFFFFC00, s1  }
0x547: {  	s1 =	sand.u32 $0x380, s1;
	s0 =	sadd.s32 s5, s0  }
0x548: {  	s0 =	sor.u32 s1, s0;
	s1 =	sld [smem:$0x7EE]  }
0x549: {  	s0 =	sshrl.u32 s0, $0x3  }
0x54a: {  	s5 =	sld [smem:$0x755];
	s0 =	sadd.s32 s12, s0  }
0x54b: {  	[tilespmem:s1], [sflag:$0x9] =	stream.linear.gather [hbm4b:s0+s3], $0x80, $0x38;
	[tilespmem:$0x14900] =	vst v63  }
0x54c: {  	s0 =	sld [smem:$0x757]  }
0x54d: {  	[tilespmem:s17], [sflag:$0x1] =	stream.linear.gather [hbm4b:s5+s3], $0x4000, $0x38;
	[tilespmem:$0x14900] =	vst v63  }
0x54e: {  	s1 =	sld [smem:$0x758]  }
0x54f: {  	[tilespmem:s18], [sflag:$0x2] =	stream.linear.gather [hbm4b:s0+s3], $0x4000, $0x38;
	[tilespmem:$0x14900] =	vst v63  }
0x550: {  	s5 =	sld [smem:$0x759]  }
0x551: {  	[tilespmem:s19], [sflag:$0x3] =	stream.linear.gather [hbm4b:s1+s3], $0x4000, $0x38;
	[tilespmem:$0x14900] =	vst v63  }
0x552: {  	_ = 	snop  }
0x553: {  	[tilespmem:s20], [sflag:$0x4] =	stream.linear.gather [hbm4b:s5+s3], $0x4000, $0x38;
	[tilespmem:$0x14900] =	vst v63  }
0x554: {  	_ =	swait.ge [sflag:s21], $0x4000  }
0x555: {  	s5 =	sld [smem:$0x75A]  }
0x556: {  	[sflag:s21] =	ssyncset.done $0x0  }
0x557: {  	[sflag:s21] =	ssyncadd.s32 $0xFFFFC000  }
0x558: {  	[hbm4b:s5+s3] =	stream.linear.scatter [tilespmem:s17], [sflag:$0x5], $0x4000, $0x38;
	[tilespmem:$0x14900] =	vst v63  }
0x559: {  	_ =	swait.ge [sflag:s22], $0x4000  }
0x55a: {  	s1 =	sld [smem:$0x75B]  }
0x55b: {  	[sflag:s22] =	ssyncset.done $0x0  }
0x55c: {  	[sflag:s22] =	ssyncadd.s32 $0xFFFFC000  }
0x55d: {  	[tilespmem:s17], [sflag:$0x1] =	stream.linear.gather [hbm4b:s1+s3], $0x4000, $0x38;
	[tilespmem:$0x14900] =	vst v63  }
0x55e: {  	_ =	swait.ge [sflag:s23], $0x4000  }
0x55f: {  	s5 =	sld [smem:$0x75C]  }
0x560: {  	[sflag:s23] =	ssyncset.done $0x0  }
0x561: {  	[sflag:s23] =	ssyncadd.s32 $0xFFFFC000  }
0x562: {  	[hbm4b:s5+s3] =	stream.linear.scatter [tilespmem:s18], [sflag:$0x6], $0x4000, $0x38;
	[tilespmem:$0x14900] =	vst v63  }
0x563: {  	_ =	swait.ge [sflag:s24], $0x4000  }
0x564: {  	s1 =	sld [smem:$0x75D]  }
0x565: {  	[sflag:s24] =	ssyncset.done $0x0  }
0x566: {  	[sflag:s24] =	ssyncadd.s32 $0xFFFFC000  }
0x567: {  	[tilespmem:s18], [sflag:$0x2] =	stream.linear.gather [hbm4b:s1+s3], $0x4000, $0x38;
	[tilespmem:$0x14900] =	vst v63  }
0x568: {  	_ =	swait.ge [sflag:s25], $0x4000  }
0x569: {  	s5 =	sld [smem:$0x75E]  }
0x56a: {  	[sflag:s25] =	ssyncset.done $0x0  }
0x56b: {  	[sflag:s25] =	ssyncadd.s32 $0xFFFFC000  }
0x56c: {  	[hbm4b:s5+s3] =	stream.linear.scatter [tilespmem:s19], [sflag:$0x7], $0x4000, $0x38;
	[tilespmem:$0x14900] =	vst v63  }
0x56d: {  	_ =	swait.ge [sflag:s26], $0x4000  }
0x56e: {  	s1 =	sld [smem:$0x75F]  }
0x56f: {  	[sflag:s26] =	ssyncset.done $0x0  }
0x570: {  	[sflag:s26] =	ssyncadd.s32 $0xFFFFC000  }
0x571: {  	[tilespmem:s19], [sflag:$0x3] =	stream.linear.gather [hbm4b:s1+s3], $0x4000, $0x38;
	[tilespmem:$0x14900] =	vst v63  }
0x572: {  	_ =	swait.ge [sflag:s28], $0x4000  }
0x573: {  	s5 =	sld [smem:$0x760]  }
0x574: {  	[sflag:s28] =	ssyncset.done $0x0  }
0x575: {  	[sflag:s28] =	ssyncadd.s32 $0xFFFFC000  }
0x576: {  	[hbm4b:s5+s3] =	stream.linear.scatter [tilespmem:s20], [sflag:$0x8], $0x4000, $0x38;
	[tilespmem:$0x14900] =	vst v63  }
0x577: {  	_ =	swait.ge [sflag:s29], $0x4000  }
0x578: {  	s1 =	sld [smem:$0x761]  }
0x579: {  	[sflag:s29] =	ssyncset.done $0x0  }
0x57a: {  	[sflag:s29] =	ssyncadd.s32 $0xFFFFC000  }
0x57b: {  	[tilespmem:s20], [sflag:$0x4] =	stream.linear.gather [hbm4b:s1+s3], $0x4000, $0x38;
	[tilespmem:$0x14900] =	vst v63  }
0x57c: {  	_ =	swait.ge [sflag:s21], $0x4000  }
0x57d: {  	s5 =	sld [smem:$0x762]  }
0x57e: {  	[sflag:s21] =	ssyncset.done $0x0  }
0x57f: {  	[sflag:s21] =	ssyncadd.s32 $0xFFFFC000  }
0x580: {  	[hbm4b:s5+s3] =	stream.linear.scatter [tilespmem:s17], [sflag:$0x5], $0x4000, $0x38;
	[tilespmem:$0x14900] =	vst v63  }
0x581: {  	_ =	swait.ge [sflag:s23], $0x4000  }
0x582: {  	s1 =	sld [smem:$0x763]  }
0x583: {  	[sflag:s23] =	ssyncset.done $0x0  }
0x584: {  	[sflag:s23] =	ssyncadd.s32 $0xFFFFC000  }
0x585: {  	[hbm4b:s1+s3] =	stream.linear.scatter [tilespmem:s18], [sflag:$0x6], $0x4000, $0x38;
	[tilespmem:$0x14900] =	vst v63  }
0x586: {  	_ =	swait.ge [sflag:s25], $0x4000  }
0x587: {  	s5 =	sld [smem:$0x764]  }
0x588: {  	[sflag:s25] =	ssyncset.done $0x0  }
0x589: {  	[sflag:s25] =	ssyncadd.s32 $0xFFFFC000  }
0x58a: {  	[hbm4b:s5+s3] =	stream.linear.scatter [tilespmem:s19], [sflag:$0x7], $0x4000, $0x38;
	[tilespmem:$0x14900] =	vst v63  }
0x58b: {  	_ =	swait.ge [sflag:s28], $0x4000  }
0x58c: {  	s1 =	sld [smem:$0x765]  }
0x58d: {  	[sflag:s28] =	ssyncset.done $0x0  }
0x58e: {  	[sflag:s28] =	ssyncadd.s32 $0xFFFFC000  }
0x58f: {  	[hbm4b:s1+s3] =	stream.linear.scatter [tilespmem:s20], [sflag:$0x8], $0x4000, $0x38;
	[tilespmem:$0x14900] =	vst v63  }
0x590: {  	_ =	swait.ge [sflag:s22], $0x4000  }
0x591: {  	[sflag:s22] =	ssyncset.done $0x0  }
0x592: {  	[sflag:s22] =	ssyncadd.s32 $0xFFFFC000  }
0x593: {  	_ =	swait.ge [sflag:s24], $0x4000  }
0x594: {  	[sflag:s24] =	ssyncset.done $0x0  }
0x595: {  	[sflag:s24] =	ssyncadd.s32 $0xFFFFC000  }
0x596: {  	_ =	swait.ge [sflag:s26], $0x4000  }
0x597: {  	[sflag:s26] =	ssyncset.done $0x0  }
0x598: {  	[sflag:s26] =	ssyncadd.s32 $0xFFFFC000  }
0x599: {  	_ =	swait.ge [sflag:s29], $0x4000  }
0x59a: {  	[sflag:s29] =	ssyncset.done $0x0  }
0x59b: {  	[sflag:s29] =	ssyncadd.s32 $0xFFFFC000  }
0x59c: {  	v63 =	vld [tilespmem:$0x80];
	_ =	sdelay $0x4  }
0x59d: {  	v0 =	vshll.u32 v63, $0x7  }
0x59e: {  	(v2sf) =	vpush v0, $0x0;
	_ =	sdelay $0x7  }
0x59f: {  	(v2sf) =	vpush v0, $0x1;
	_ =	sdelay $0x5  }
0x5a0: {  	s0 =	sld [smem:$0x754]  }
0x5a1: {  	s1 =	spop (v2sf)  }
0x5a2: {  	(v2sf) =	vpush v0, $0x2;
	s5 =	sand.u32 $0xFFFFFC00, s1  }
0x5a3: {  	s1 =	sand.u32 $0x380, s1;
	s0 =	sadd.s32 s0, s5  }
0x5a4: {  	s0 =	sor.u32 s1, s0  }
0x5a5: {  	s0 =	sshrl.u32 s0, $0x3  }
0x5a6: {  	s0 =	sadd.s32 s2, s0  }
0x5a7: {  	[hbm4b:s0+s3] =	stream.linear.scatter [tilespmem:s15], [sflag:$0xA], $0x80, $0x38;
	[tilespmem:$0x14900] =	vst v63  }
0x5a8: {  	s0 =	sld [smem:$0x766]  }
0x5a9: {  	s1 =	spop (v2sf)  }
0x5aa: {  	(v2sf) =	vpush v0, $0x3;
	s5 =	sand.u32 $0xFFFFFC00, s1  }
0x5ab: {  	s1 =	sand.u32 $0x380, s1;
	s0 =	sadd.s32 s5, s0  }
0x5ac: {  	s5 =	sld [smem:$0x7EF];
	s0 =	sor.u32 s1, s0  }
0x5ad: {  	s0 =	sshrl.u32 s0, $0x3  }
0x5ae: {  	s0 =	sadd.s32 s2, s0  }
0x5af: {  	[hbm4b:s0+s3] =	stream.linear.scatter [tilespmem:s5], [sflag:$0xA], $0x80, $0x38;
	[tilespmem:$0x14900] =	vst v63  }
0x5b0: {  	s5 =	sld [smem:$0x756]  }
0x5b1: {  	s0 =	spop (v2sf);
	(v2sf) =	vpush v0, $0x4  }
0x5b2: {  	s1 =	sand.u32 $0xFFFFFC00, s0  }
0x5b3: {  	s0 =	sand.u32 $0x380, s0;
	s1 =	sadd.s32 s5, s1  }
0x5b4: {  	s5 =	sld [smem:$0x7F0];
	s0 =	sor.u32 s0, s1  }
0x5b5: {  	s0 =	sshrl.u32 s0, $0x3  }
0x5b6: {  	s0 =	sadd.s32 s2, s0  }
0x5b7: {  	[hbm4b:s0+s3] =	stream.linear.scatter [tilespmem:s5], [sflag:$0xA], $0x80, $0x38;
	[tilespmem:$0x14900] =	vst v63  }
0x5b8: {  	s0 =	sld [smem:$0x767]  }
0x5b9: {  	s1 =	spop (v2sf);
	(v2sf) =	vpush v0, $0x5  }
0x5ba: {  	s5 =	sand.u32 $0xFFFFFC00, s1  }
0x5bb: {  	s1 =	sand.u32 $0x380, s1;
	s0 =	sadd.s32 s5, s0  }
0x5bc: {  	s5 =	sld [smem:$0x7F1];
	s0 =	sor.u32 s1, s0  }
0x5bd: {  	s0 =	sshrl.u32 s0, $0x3  }
0x5be: {  	s0 =	sadd.s32 s2, s0  }
0x5bf: {  	[hbm4b:s0+s3] =	stream.linear.scatter [tilespmem:s5], [sflag:$0xA], $0x80, $0x38;
	[tilespmem:$0x14900] =	vst v63  }
0x5c0: {  	s0 =	spop (v2sf);
	(v2sf) =	vpush v0, $0x6  }
0x5c1: {  	s5 =	sand.u32 $0xFFFFFC00, s0  }
0x5c2: {  	s0 =	sand.u32 $0x380, s0;
	s1 =	sadd.s32 s6, s5  }
0x5c3: {  	s5 =	sld [smem:$0x7F2];
	s0 =	sor.u32 s0, s1  }
0x5c4: {  	s0 =	sshrl.u32 s0, $0x3  }
0x5c5: {  	s0 =	sadd.s32 s2, s0  }
0x5c6: {  	[hbm4b:s0+s3] =	stream.linear.scatter [tilespmem:s5], [sflag:$0xA], $0x80, $0x38;
	[tilespmem:$0x14900] =	vst v63  }
0x5c7: {  	s0 =	sld [smem:$0x768]  }
0x5c8: {  	s1 =	spop (v2sf);
	(v2sf) =	vpush v0, $0x7  }
0x5c9: {  	s5 =	sand.u32 $0xFFFFFC00, s1  }
0x5ca: {  	s1 =	sand.u32 $0x380, s1;
	s0 =	sadd.s32 s5, s0  }
0x5cb: {  	s5 =	sld [smem:$0x7F3];
	s0 =	sor.u32 s1, s0  }
0x5cc: {  	s0 =	sshrl.u32 s0, $0x3  }
0x5cd: {  	s0 =	sadd.s32 s2, s0  }
0x5ce: {  	[hbm4b:s0+s3] =	stream.linear.scatter [tilespmem:s5], [sflag:$0xA], $0x80, $0x38;
	[tilespmem:$0x14900] =	vst v63  }
0x5cf: {  	s0 =	spop (v2sf);
	(v2sf) =	vpush v0, $0x8  }
0x5d0: {  	s5 =	sand.u32 $0xFFFFFC00, s0  }
0x5d1: {  	s0 =	sand.u32 $0x380, s0;
	s1 =	sadd.s32 s7, s5  }
0x5d2: {  	s5 =	sld [smem:$0x7F4];
	s0 =	sor.u32 s0, s1  }
0x5d3: {  	s0 =	sshrl.u32 s0, $0x3  }
0x5d4: {  	s0 =	sadd.s32 s2, s0  }
0x5d5: {  	[hbm4b:s0+s3] =	stream.linear.scatter [tilespmem:s5], [sflag:$0xA], $0x80, $0x38;
	[tilespmem:$0x14900] =	vst v63  }
0x5d6: {  	s0 =	sld [smem:$0x769]  }
0x5d7: {  	s1 =	spop (v2sf);
	(v2sf) =	vpush v0, $0x9  }
0x5d8: {  	s5 =	sand.u32 $0xFFFFFC00, s1  }
0x5d9: {  	s1 =	sand.u32 $0x380, s1;
	s0 =	sadd.s32 s5, s0  }
0x5da: {  	s5 =	sld [smem:$0x7F5];
	s0 =	sor.u32 s1, s0  }
0x5db: {  	s0 =	sshrl.u32 s0, $0x3  }
0x5dc: {  	s0 =	sadd.s32 s2, s0  }
0x5dd: {  	[hbm4b:s0+s3] =	stream.linear.scatter [tilespmem:s5], [sflag:$0xA], $0x80, $0x38;
	[tilespmem:$0x14900] =	vst v63  }
0x5de: {  	s0 =	spop (v2sf);
	(v2sf) =	vpush v0, $0xA  }
0x5df: {  	s5 =	sand.u32 $0xFFFFFC00, s0  }
0x5e0: {  	s0 =	sand.u32 $0x380, s0;
	s1 =	sadd.s32 s8, s5  }
0x5e1: {  	s5 =	sld [smem:$0x7F6];
	s0 =	sor.u32 s0, s1  }
0x5e2: {  	s0 =	sshrl.u32 s0, $0x3  }
0x5e3: {  	s0 =	sadd.s32 s2, s0  }
0x5e4: {  	[hbm4b:s0+s3] =	stream.linear.scatter [tilespmem:s5], [sflag:$0xA], $0x80, $0x38;
	[tilespmem:$0x14900] =	vst v63  }
0x5e5: {  	s0 =	sld [smem:$0x76A]  }
0x5e6: {  	s1 =	spop (v2sf);
	(v2sf) =	vpush v0, $0xB  }
0x5e7: {  	s5 =	sand.u32 $0xFFFFFC00, s1  }
0x5e8: {  	s1 =	sand.u32 $0x380, s1;
	s0 =	sadd.s32 s5, s0  }
0x5e9: {  	s5 =	sld [smem:$0x7F7];
	s0 =	sor.u32 s1, s0  }
0x5ea: {  	s0 =	sshrl.u32 s0, $0x3  }
0x5eb: {  	s0 =	sadd.s32 s2, s0  }
0x5ec: {  	[hbm4b:s0+s3] =	stream.linear.scatter [tilespmem:s5], [sflag:$0xA], $0x80, $0x38;
	[tilespmem:$0x14900] =	vst v63  }
0x5ed: {  	s0 =	spop (v2sf);
	(v2sf) =	vpush v0, $0xC  }
0x5ee: {  	s5 =	sand.u32 $0xFFFFFC00, s0  }
0x5ef: {  	s0 =	sand.u32 $0x380, s0;
	s1 =	sadd.s32 s9, s5  }
0x5f0: {  	s5 =	sld [smem:$0x7F8];
	s0 =	sor.u32 s0, s1  }
0x5f1: {  	s0 =	sshrl.u32 s0, $0x3  }
0x5f2: {  	s0 =	sadd.s32 s2, s0  }
0x5f3: {  	[hbm4b:s0+s3] =	stream.linear.scatter [tilespmem:s5], [sflag:$0xA], $0x80, $0x38;
	[tilespmem:$0x14900] =	vst v63  }
0x5f4: {  	s0 =	sld [smem:$0x76B]  }
0x5f5: {  	(v2sf) =	vpush v0, $0xD;
	s1 =	spop (v2sf)  }
0x5f6: {  	s5 =	sand.u32 $0xFFFFFC00, s1  }
0x5f7: {  	s1 =	sand.u32 $0x380, s1;
	s0 =	sadd.s32 s5, s0  }
0x5f8: {  	s5 =	sld [smem:$0x7F9];
	s0 =	sor.u32 s1, s0  }
0x5f9: {  	s0 =	sshrl.u32 s0, $0x3  }
0x5fa: {  	(v2sf) =	vpush v0, $0xE;
	s0 =	sadd.s32 s2, s0  }
0x5fb: {  	[hbm4b:s0+s3] =	stream.linear.scatter [tilespmem:s5], [sflag:$0xA], $0x80, $0x38;
	[tilespmem:$0x14900] =	vst v63  }
0x5fc: {  	s0 =	spop (v2sf)  }
0x5fd: {  	s5 =	sand.u32 $0xFFFFFC00, s0  }
0x5fe: {  	s0 =	sand.u32 $0x380, s0;
	s1 =	sadd.s32 s10, s5  }
0x5ff: {  	s5 =	sld [smem:$0x7FA];
	s0 =	sor.u32 s0, s1  }
0x600: {  	s0 =	sshrl.u32 s0, $0x3  }
0x601: {  	s0 =	sadd.s32 s2, s0  }
0x602: {  	[hbm4b:s0+s3] =	stream.linear.scatter [tilespmem:s5], [sflag:$0xA], $0x80, $0x38;
	[tilespmem:$0x14900] =	vst v63  }
0x603: {  	(v2sf) =	vpush v0, $0xF;
	s0 =	sld [smem:$0x76C]  }
0x604: {  	s1 =	spop (v2sf)  }
0x605: {  	s5 =	sand.u32 $0xFFFFFC00, s1  }
0x606: {  	s1 =	sand.u32 $0x380, s1;
	s0 =	sadd.s32 s5, s0  }
0x607: {  	s0 =	sor.u32 s1, s0;
	s1 =	sld [smem:$0x7FB]  }
0x608: {  	s0 =	sshrl.u32 s0, $0x3  }
0x609: {  	s5 =	spop (v2sf);
	s0 =	sadd.s32 s2, s0  }
0x60a: {  	[hbm4b:s0+s3] =	stream.linear.scatter [tilespmem:s1], [sflag:$0xA], $0x80, $0x38;
	[tilespmem:$0x14900] =	vst v63  }
0x60b: {  	s1 =	sand.u32 $0xFFFFFC00, s5  }
0x60c: {  	s5 =	sand.u32 $0x380, s5;
	s0 =	sadd.s32 s11, s1  }
0x60d: {  	s0 =	sor.u32 s5, s0;
	s5 =	sld [smem:$0x7FC]  }
0x60e: {  	s0 =	sshrl.u32 s0, $0x3  }
0x60f: {  	s0 =	sadd.s32 s2, s0  }
0x610: {  	[hbm4b:s0+s3] =	stream.linear.scatter [tilespmem:s5], [sflag:$0xA], $0x80, $0x38;
	[tilespmem:$0x14900] =	vst v63  }
0x611: {  	s0 =	sld [smem:$0x76D]  }
0x612: {  	s1 =	spop (v2sf)  }
0x613: {  	s5 =	sand.u32 $0xFFFFFC00, s1  }
0x614: {  	s1 =	sand.u32 $0x380, s1;
	s0 =	sadd.s32 s5, s0  }
0x615: {  	s5 =	sld [smem:$0x7FD];
	s0 =	sor.u32 s1, s0  }
0x616: {  	s0 =	sshrl.u32 s0, $0x3  }
0x617: {  	s0 =	sadd.s32 s2, s0  }
0x618: {  	[hbm4b:s0+s3] =	stream.linear.scatter [tilespmem:s5], [sflag:$0xA], $0x80, $0x38;
	[tilespmem:$0x14900] =	vst v63  }
0x619: {  	_ =	swait.ge [sflag:s30], $0x4000  }
0x61a: {  	s5 =	sld [smem:$0x76E]  }
0x61b: {  	[sflag:s30] =	ssyncset.done $0x0  }
0x61c: {  	[sflag:s30] =	ssyncadd.s32 $0xFFFFC000  }
0x61d: {  	[hbm4b:s5+s3] =	stream.linear.scatter [tilespmem:s16], [sflag:$0xB], $0x4000, $0x38;
	[tilespmem:$0x14900] =	vst v63  }
0x61e: {  	p0 =	sne.s32 s13, $0x1;
	_ =	swait.ge [sflag:s14], $0x4000  }
.Ltmp0:
0x61f: {  	[sflag:s14] =	ssyncset.done $0x0;
	(pc) =	sbr.rel @p0 .LBB2_1-.Ltmp0, $4  }
0x620: {  	[sflag:s14] =	ssyncadd.s32 $0xFFFFC000  }
0x621: {  	_ =	swait.ge [sflag:s31], $0x800  }
0x622: {  	[sflag:s31] =	ssyncset.done $0x0  }
0x623: {  	s13 =	sadd.s32 $0xFFFFFFFF, s13;
	[sflag:s31] =	ssyncadd.s32 $0xFFFFF800  }
0x624: {  	_ =	sfence.sel $0x180000  }
0x625: {  	[bflag:$0x0] =	sbarrier.arrive $0xFFFF  }
0x626: {  	_ =	strace $0x90000047  }
0x627: {  	s0 =	stileid.u32;
	[bflag:$0x2] =	sbarrier.arrive $0xFFFF  }
0x628: {  	p0 =	sne.s32 s0, $0x0;
	s0 =	rddreg [dreg:$0x6]  }
0x629: {  	s0 =	sadd.s32 @!p0 $0x100000, s0  }
0x62a: {  	[sflag:s0] =	ssyncadd.tile.s32 @!p0 $0x1;
	_ =	shalt  }
.Lfunc_end2:
_tile_overlayer_lowered:
.L_overlay_start_2:
0x62b: {  	(tag) =	ssettag $0x2  }
0x62c: {  	s0 =	rddreg [dreg:$0x0];
	s2 =	stileid.u32  }
0x62d: {  	s1 =	rddreg [dreg:$0x1];
	p0 =	sne.s32 s2, $0x0  }
0x62e: {  	s3 =	rddreg [dreg:$0x2];
	[bflag:$0x3] =	sbarrier.arrive $0xFFFF;
	s2 =	simm.s32 @!p0 $0x1C0B  }
0x62f: {  	[timem:s3], [sflag:s2] =	dma.local @!p0 [hbm:s0], s1  }
0x630: {  	s0 =	simm.s32 @!p0 $0xB  }
0x631: {  	_ =	swait.ge @!p0 [sflag:s0], s1  }
0x632: {  	s1 =	ssub.s32 @!p0 $0x0, s1;
	[sflag:s0] =	ssyncset.done @!p0 $0x0  }
0x633: {  	[sflag:s0] =	ssyncadd.s32 @!p0 s1  }
0x634: {  	[bflag:$0x3] =	sbarrier.arrive $0xFFFF  }
0x635: {  	_ =	shalt  }

</sc_bundles>
